<compile_context>
chip_gen: v7x
topology: tpu7x:2x2x1
jax: 0.10.2.dev20260603
libtpu: 0.0.44.dev20260713+nightly
codegen_flags: <defaults>
</compile_context>

<pallas_src>
import functools

import jax
import jax.numpy as jnp
from jax import lax
from jax.experimental import pallas as pl
from jax.experimental.pallas import tpu as pltpu
from jax.experimental.pallas import tpu_sc as plsc

_NC = 2
_NS = 16
_C = 128
_G = 8


def _sc_gather_scatter_add(x, src_p, dst_p, zero, n_pad, ng1):
    ns, NGT, G, C = src_p.shape
    N, D = x.shape
    ng0 = NGT - ng1
    assert ng0 % 2 == 0 and ng1 % 2 == 0 and G >= 4
    rows_init = (N // (_NS * 8)) * 8
    init_tail = N - _NS * rows_init
    rows_out = n_pad // _NS
    mesh = plsc.VectorSubcoreMesh(core_axis_name="c", subcore_axis_name="s")

    @functools.partial(
        pl.kernel,
        mesh=mesh,
        out_type=jax.ShapeDtypeStruct((_NC, n_pad, D), jnp.float32),
        scratch_types=[
            pltpu.VMEM((G, C), jnp.int32),
            pltpu.VMEM((G, C), jnp.int32),
            pltpu.VMEM((G, C), jnp.int32),
            pltpu.VMEM((G, C), jnp.int32),
            pltpu.VMEM((C, D), jnp.float32),
            pltpu.VMEM((C, D), jnp.float32),
            pltpu.VMEM_SHARED((n_pad, D), jnp.float32),
            pltpu.SemaphoreType.DMA,
            pltpu.SemaphoreType.DMA,
            pltpu.SemaphoreType.DMA,
            pltpu.SemaphoreType.DMA,
        ],
    )
    def k(x_hbm, src_hbm, dst_hbm, zero_hbm, out_hbm, sgA, sgB, dgA, dgB,
          rows0, rows1, acc, gsem0, gsem1, isemA, isemB):
        c = lax.axis_index("c")
        s = lax.axis_index("s")
        ng_c = jnp.where(c == 0, ng0, ng1)
        ngp = ng_c // 2
        gofs = jnp.where(c == 0, ng1, 0)
        pltpu.sync_copy(src_hbm.at[s, gofs], sgA)
        pltpu.sync_copy(dst_hbm.at[s, gofs], dgA)
        pltpu.async_copy(src_hbm.at[s, gofs + 1], sgB, isemB)
        pltpu.async_copy(dst_hbm.at[s, gofs + 1], dgB, isemB)
        pltpu.async_copy(x_hbm.at[sgA.at[0]], rows0, gsem0)
        pltpu.async_copy(x_hbm.at[sgA.at[1]], rows1, gsem1)
        @pl.when(c == 0)
        def _():
            pltpu.sync_copy(x_hbm.at[pl.ds(s * rows_init, rows_init)],
                            acc.at[pl.ds(s * rows_init, rows_init)])
            if init_tail:
                @pl.when(s == 0)
                def _():
                    pltpu.sync_copy(
                        x_hbm.at[pl.ds(_NS * rows_init, init_tail)],
                        acc.at[pl.ds(_NS * rows_init, init_tail)])

        @pl.when(c == 1)
        def _():
            pltpu.sync_copy(zero_hbm.at[pl.ds(s * rows_init, rows_init)],
                            acc.at[pl.ds(s * rows_init, rows_init)])
            if init_tail:
                @pl.when(s == 0)
                def _():
                    pltpu.sync_copy(
                        zero_hbm.at[pl.ds(_NS * rows_init, init_tail)],
                        acc.at[pl.ds(_NS * rows_init, init_tail)])

        plsc.subcore_barrier()

        @pl.loop(0, ngp)
        def pair(p):
            gA = gofs + 2 * p
            gB = gA + 1
            more = 2 * p + 2 < ng_c

            @pl.loop(0, G - 2, step=2)
            def _(j):
                pltpu.make_async_copy(x_hbm.at[sgA.at[j]], rows0, gsem0).wait()
                pltpu.sync_copy(rows0, acc.at[dgA.at[j]], add=True)
                pltpu.async_copy(x_hbm.at[sgA.at[j + 2]], rows0, gsem0)
                pltpu.make_async_copy(x_hbm.at[sgA.at[j + 1]], rows1,
                                      gsem1).wait()
                pltpu.sync_copy(rows1, acc.at[dgA.at[j + 1]], add=True)
                pltpu.async_copy(x_hbm.at[sgA.at[j + 3]], rows1, gsem1)

            pltpu.make_async_copy(src_hbm.at[s, gB], sgB, isemB).wait()
            pltpu.make_async_copy(dst_hbm.at[s, gB], dgB, isemB).wait()
            pltpu.make_async_copy(x_hbm.at[sgA.at[G - 2]], rows0, gsem0).wait()
            pltpu.sync_copy(rows0, acc.at[dgA.at[G - 2]], add=True)
            pltpu.async_copy(x_hbm.at[sgB.at[0]], rows0, gsem0)
            pltpu.make_async_copy(x_hbm.at[sgA.at[G - 1]], rows1, gsem1).wait()
            pltpu.sync_copy(rows1, acc.at[dgA.at[G - 1]], add=True)
            pltpu.async_copy(x_hbm.at[sgB.at[1]], rows1, gsem1)

            @pl.when(more)
            def _():
                pltpu.async_copy(src_hbm.at[s, gA + 2], sgA, isemA)
                pltpu.async_copy(dst_hbm.at[s, gA + 2], dgA, isemA)

            @pl.loop(0, G - 2, step=2)
            def _(j):
                pltpu.make_async_copy(x_hbm.at[sgB.at[j]], rows0, gsem0).wait()
                pltpu.sync_copy(rows0, acc.at[dgB.at[j]], add=True)
                pltpu.async_copy(x_hbm.at[sgB.at[j + 2]], rows0, gsem0)
                pltpu.make_async_copy(x_hbm.at[sgB.at[j + 1]], rows1,
                                      gsem1).wait()
                pltpu.sync_copy(rows1, acc.at[dgB.at[j + 1]], add=True)
                pltpu.async_copy(x_hbm.at[sgB.at[j + 3]], rows1, gsem1)

            @pl.when(more)
            def _():
                pltpu.make_async_copy(src_hbm.at[s, gA + 2], sgA, isemA).wait()
                pltpu.make_async_copy(dst_hbm.at[s, gA + 2], dgA, isemA).wait()

            pltpu.make_async_copy(x_hbm.at[sgB.at[G - 2]], rows0, gsem0).wait()
            pltpu.sync_copy(rows0, acc.at[dgB.at[G - 2]], add=True)

            @pl.when(more)
            def _():
                pltpu.async_copy(x_hbm.at[sgA.at[0]], rows0, gsem0)

            pltpu.make_async_copy(x_hbm.at[sgB.at[G - 1]], rows1, gsem1).wait()
            pltpu.sync_copy(rows1, acc.at[dgB.at[G - 1]], add=True)

            @pl.when(more)
            def _():
                pltpu.async_copy(x_hbm.at[sgA.at[1]], rows1, gsem1)

            @pl.when(2 * p + 3 < ng_c)
            def _():
                pltpu.async_copy(src_hbm.at[s, gB + 2], sgB, isemB)
                pltpu.async_copy(dst_hbm.at[s, gB + 2], dgB, isemB)

        plsc.subcore_barrier()
        pltpu.sync_copy(acc.at[pl.ds(s * rows_out, rows_out)],
                        out_hbm.at[c, pl.ds(s * rows_out, rows_out)])

    return k(x, src_p, dst_p, zero)


def _mlp(agg, n_rows, Wa, ba, Wb, bb, block_rows):
    D = agg.shape[2]
    grid = n_rows // block_rows

    def body(agg_ref, wa, ba_r, wb, bb_r, o_ref):
        g = agg_ref[0] + agg_ref[1]
        h1 = jnp.maximum(
            jnp.dot(g, wa[...], preferred_element_type=jnp.float32)
            + ba_r[...], 0.0)
        o_ref[...] = (jnp.dot(h1, wb[...], preferred_element_type=jnp.float32)
                      + bb_r[...])

    return pl.pallas_call(
        body,
        grid=(grid,),
        in_specs=[
            pl.BlockSpec((_NC, block_rows, D), lambda i: (0, i, 0)),
            pl.BlockSpec((D, D), lambda i: (0, 0)),
            pl.BlockSpec((1, D), lambda i: (0, 0)),
            pl.BlockSpec((D, D), lambda i: (0, 0)),
            pl.BlockSpec((1, D), lambda i: (0, 0)),
        ],
        out_specs=pl.BlockSpec((block_rows, D), lambda i: (i, 0)),
        out_shape=jax.ShapeDtypeStruct((n_rows, D), jnp.float32),
    )(agg, Wa, ba.reshape(1, D), Wb, bb.reshape(1, D))


def _mlp_pool_classify(agg, n_rows, Wa, ba, Wb, bb, batch3, Wc1, bc1, Wc2,
                       bc2, num_graphs, block_rows):
    N = n_rows
    D = agg.shape[2]
    n_classes = Wc2.shape[1]
    grid = N // block_rows

    def body(agg_ref, b_ref, wa, ba_r, wb, bb_r, wc1, bc1_r, wc2,
             bc2_r, o_ref, acc_ref):
        i = pl.program_id(0)

        @pl.when(i == 0)
        def _():
            acc_ref[...] = jnp.zeros_like(acc_ref)

        g = agg_ref[0] + agg_ref[1]
        h1 = jnp.maximum(
            jnp.dot(g, wa[...], preferred_element_type=jnp.float32)
            + ba_r[...], 0.0)
        h3 = (jnp.dot(h1, wb[...], preferred_element_type=jnp.float32)
              + bb_r[...])
        b = b_ref[0, 0, :]
        onehot = (b[:, None] == lax.broadcasted_iota(
            jnp.int32, (block_rows, num_graphs), 1)).astype(jnp.float32)
        acc_ref[...] += lax.dot_general(
            onehot, h3, (((0,), (0,)), ((), ())),
            preferred_element_type=jnp.float32)

        @pl.when(i == grid - 1)
        def _():
            t = jnp.maximum(
                jnp.dot(acc_ref[...], wc1[...],
                        preferred_element_type=jnp.float32) + bc1_r[...], 0.0)
            o_ref[...] = (jnp.dot(t, wc2[...],
                                  preferred_element_type=jnp.float32)
                          + bc2_r[...])

    return pl.pallas_call(
        body,
        grid=(grid,),
        in_specs=[
            pl.BlockSpec((_NC, block_rows, D), lambda i: (0, i, 0)),
            pl.BlockSpec((1, 1, block_rows), lambda i: (i, 0, 0)),
            pl.BlockSpec((D, D), lambda i: (0, 0)),
            pl.BlockSpec((1, D), lambda i: (0, 0)),
            pl.BlockSpec((D, D), lambda i: (0, 0)),
            pl.BlockSpec((1, D), lambda i: (0, 0)),
            pl.BlockSpec((D, D), lambda i: (0, 0)),
            pl.BlockSpec((1, D), lambda i: (0, 0)),
            pl.BlockSpec((D, n_classes), lambda i: (0, 0)),
            pl.BlockSpec((1, n_classes), lambda i: (0, 0)),
        ],
        out_specs=pl.BlockSpec((num_graphs, n_classes), lambda i: (0, 0)),
        out_shape=jax.ShapeDtypeStruct((num_graphs, n_classes), jnp.float32),
        scratch_shapes=[pltpu.VMEM((num_graphs, D), jnp.float32)],
    )(agg, batch3, Wa, ba.reshape(1, D), Wb, bb.reshape(1, D),
      Wc1, bc1.reshape(1, D), Wc2, bc2.reshape(1, n_classes))


def kernel(x, edge_index, batch, W1a, b1a, W1b, b1b, W2a, b2a, W2b, b2b,
           W3a, b3a, W3b, b3b, Wc1, bc1, Wc2, bc2):
    N, D = x.shape
    E = edge_index.shape[1]
    num_graphs = 64
    per_slab = -(-E // _NS)
    chunks_per_slab = -(-per_slab // _C)
    NGT = -(-chunks_per_slab // _G)
    ng1 = NGT // 2
    ng1 = ng1 - (ng1 % 2)
    slab_cap = NGT * _G * _C
    n_pad = -(-(N + 1) // (_NS * 8)) * _NS * 8

    src = edge_index[0]
    dst = edge_index[1]
    if E % _NS == 0:
        pad = slab_cap - E // _NS
        fill = (jnp.arange(_NS * pad, dtype=jnp.int32) % N).reshape(_NS, pad)
        src_p = jnp.concatenate([src.reshape(_NS, E // _NS), fill], axis=1)
        dst_p = jnp.pad(dst.reshape(_NS, E // _NS), ((0, 0), (0, pad)),
                        constant_values=N)
    else:
        pad = _NS * slab_cap - E
        fill = jnp.arange(pad, dtype=jnp.int32) % N
        src_p = jnp.concatenate([src, fill])
        dst_p = jnp.concatenate([dst, jnp.full((pad,), N, jnp.int32)])
    src_p = src_p.reshape(_NS, NGT, _G, _C)
    dst_p = dst_p.reshape(_NS, NGT, _G, _C)

    block_rows = 2000
    batch3 = batch.reshape(N // block_rows, 1, block_rows)

    zero = jnp.zeros((N, D), jnp.float32)
    h = x
    for (Wa, ba, Wb, bb) in ((W1a, b1a, W1b, b1b), (W2a, b2a, W2b, b2b)):
        agg = _sc_gather_scatter_add(h, src_p, dst_p, zero, n_pad, ng1)
        h = _mlp(agg, N, Wa, ba, Wb, bb, block_rows)

    agg = _sc_gather_scatter_add(h, src_p, dst_p, zero, n_pad, ng1)
    return _mlp_pool_classify(agg, N, W3a, b3a, W3b, b3b, batch3,
                              Wc1, bc1, Wc2, bc2, num_graphs, block_rows)

# --- scband reference (transcript-rebuilt; emitter-appended) ---
"""Pipeline reference for scband-gin-85031762526245 (READ-ONLY COPY).

The authoritative reference and input builder live on the scoring server;
editing this copy changes nothing except your own understanding.
"""

import jax, jax.numpy as jnp
import numpy as np

N = 10000
E = 320000
D = 128
NUM_GRAPHS = 64
NUM_CLASSES = 10


def setup_inputs(seed: int = 0) -> dict:
    key = jax.random.key(seed)
    ks = jax.random.split(key, 24)
    inp = {}
    inp["x"] = jax.random.normal(ks[0], (N, D), dtype=jnp.float32)
    inp["edge_index"] = jax.random.randint(ks[1], (2, E), 0, N, dtype=jnp.int32)
    inp["batch"] = jnp.sort(jax.random.randint(ks[2], (N,), 0, NUM_GRAPHS, dtype=jnp.int32))

    def w(k, shape):
        return jax.random.normal(k, shape, dtype=jnp.float32) * 0.02

    # 3 GINConv layers, each with MLP([in, hidden, hidden]) = Linear-ReLU-Linear
    inp["W1a"] = w(ks[3], (D, D)); inp["b1a"] = jnp.zeros((D,), jnp.float32)
    inp["W1b"] = w(ks[4], (D, D)); inp["b1b"] = jnp.zeros((D,), jnp.float32)
    inp["W2a"] = w(ks[5], (D, D)); inp["b2a"] = jnp.zeros((D,), jnp.float32)
    inp["W2b"] = w(ks[6], (D, D)); inp["b2b"] = jnp.zeros((D,), jnp.float32)
    inp["W3a"] = w(ks[7], (D, D)); inp["b3a"] = jnp.zeros((D,), jnp.float32)
    inp["W3b"] = w(ks[8], (D, D)); inp["b3b"] = jnp.zeros((D,), jnp.float32)
    # classifier MLP([hidden] + [128] + [num_classes]) = Linear-ReLU-Linear
    inp["Wc1"] = w(ks[9], (D, D)); inp["bc1"] = jnp.zeros((D,), jnp.float32)
    inp["Wc2"] = w(ks[10], (D, NUM_CLASSES)); inp["bc2"] = jnp.zeros((NUM_CLASSES,), jnp.float32)
    return inp


def _gin_conv(x, src, dst, Wa, ba, Wb, bb):
    # GINConv with eps=0: out_mlp((1+eps)*x + sum_{j in N(i)} x_j)
    msgs = x[src]                               # gather
    agg = jax.ops.segment_sum(msgs, dst, num_segments=x.shape[0])  # scatter-add
    h = x + agg
    h = jnp.maximum(h @ Wa + ba, 0.0)
    return h @ Wb + bb


def reference(x, edge_index, batch, W1a, b1a, W1b, b1b, W2a, b2a, W2b, b2b, W3a, b3a, W3b, b3b, Wc1, bc1, Wc2, bc2):
    src = edge_index[0]
    dst = edge_index[1]
    h = _gin_conv(x, src, dst, W1a, b1a, W1b, b1b)
    h = _gin_conv(h, src, dst, W2a, b2a, W2b, b2b)
    h = _gin_conv(h, src, dst, W3a, b3a, W3b, b3b)
    pooled = jax.ops.segment_sum(h, batch, num_segments=NUM_GRAPHS)  # global_add_pool
    out = jnp.maximum(pooled @ Wc1 + bc1, 0.0)
    out = out @ Wc2 + bc2
    return out


if False:  # reference __main__ guard neutralized (emitter)
    o = reference(**setup_inputs())
    print(o.shape)

if __name__ == "__main__":
    import jax
    _d = setup_inputs()
    print(jax.jit(kernel)(*tuple(_d.values())))

</pallas_src>

<mosaic_0001>
#map = affine_map<(d0, d1) -> (0, 0)>
#map1 = affine_map<(d0, d1) -> (0, 0, 0, 0)>
#map2 = affine_map<(d0, d1) -> (0, 0, 0)>
module attributes {stable_mosaic.version = 14 : i64} {
  func.func @k(%arg0: i32, %arg1: i32, %arg2: memref<10000x128xf32, #tpu.memory_space<hbm>>, %arg3: memref<16x20x8x128xi32, #tpu.memory_space<hbm>>, %arg4: memref<16x20x8x128xi32, #tpu.memory_space<hbm>>, %arg5: memref<10000x128xf32, #tpu.memory_space<hbm>>, %arg6: memref<2x10112x128xf32, #tpu.memory_space<hbm>>, %arg7: memref<8x128xi32, #tpu.memory_space<vmem>>, %arg8: memref<8x128xi32, #tpu.memory_space<vmem>>, %arg9: memref<8x128xi32, #tpu.memory_space<vmem>>, %arg10: memref<8x128xi32, #tpu.memory_space<vmem>>, %arg11: memref<128x128xf32, #tpu.memory_space<vmem>>, %arg12: memref<128x128xf32, #tpu.memory_space<vmem>>, %arg13: memref<10112x128xf32, #tpu.memory_space<vmem_shared>>, %arg14: memref<!tpu.dma_semaphore, #tpu.memory_space<semaphore_mem>>, %arg15: memref<!tpu.dma_semaphore, #tpu.memory_space<semaphore_mem>>, %arg16: memref<!tpu.dma_semaphore, #tpu.memory_space<semaphore_mem>>, %arg17: memref<!tpu.dma_semaphore, #tpu.memory_space<semaphore_mem>>) attributes {dimension_semantics = [#tpu.dimension_semantics<core_parallel>, #tpu.dimension_semantics<subcore_parallel>], iteration_bounds = array<i64: 2, 16>, scalar_prefetch = 0 : i64, scratch_operands = 11 : i64, tpu.core_type = #tpu.core_type<sc_vector_subcore>, window_params = [{transform_indices = #map}, {transform_indices = #map1}, {transform_indices = #map1}, {transform_indices = #map}, {transform_indices = #map2}]} {
    %eq3A = arith.constant 0 : i32
    %eq3A_0 = arith.cmpi eq, %arg0, %eq3A : i32
    %jit3A = arith.constant 10 : i32
    %jit3A_1 = arith.constant 10 : i32
    %select_n3A = arith.select %eq3A_0, %jit3A, %jit3A_1 : i32
    %jit3A_2 = arith.constant 2 : i32
    %div3A = arith.divsi %select_n3A, %jit3A_2 : i32
    %sign3A = arith.constant 0 : i32
    %sign3A_3 = arith.cmpi sgt, %select_n3A, %sign3A : i32
    %sign3A_4 = arith.extui %sign3A_3 : i1 to i32
    %sign3A_5 = arith.constant 0 : i32
    %sign3A_6 = arith.cmpi slt, %select_n3A, %sign3A_5 : i32
    %sign3A_7 = arith.extui %sign3A_6 : i1 to i32
    %sign3A_8 = arith.subi %sign3A_4, %sign3A_7 : i32
    %sign3A_9 = arith.constant 0 : i32
    %sign3A_10 = arith.cmpi sgt, %jit3A_2, %sign3A_9 : i32
    %sign3A_11 = arith.extui %sign3A_10 : i1 to i32
    %sign3A_12 = arith.constant 0 : i32
    %sign3A_13 = arith.cmpi slt, %jit3A_2, %sign3A_12 : i32
    %sign3A_14 = arith.extui %sign3A_13 : i1 to i32
    %sign3A_15 = arith.subi %sign3A_11, %sign3A_14 : i32
    %ne3A = arith.cmpi ne, %sign3A_8, %sign3A_15 : i32
    %rem3A = arith.remsi %select_n3A, %jit3A_2 : i32
    %ne3A_16 = arith.constant 0 : i32
    %ne3A_17 = arith.cmpi ne, %rem3A, %ne3A_16 : i32
    %and3A = arith.andi %ne3A, %ne3A_17 : i1
    %sub3A = arith.constant 1 : i32
    %sub3A_18 = arith.subi %div3A, %sub3A : i32
    %select_n3A_19 = arith.select %and3A, %sub3A_18, %div3A : i32
    %eq3A_20 = arith.constant 0 : i32
    %eq3A_21 = arith.cmpi eq, %arg0, %eq3A_20 : i32
    %jit3A_22 = arith.constant 10 : i32
    %jit3A_23 = arith.constant 0 : i32
    %select_n3A_24 = arith.select %eq3A_21, %jit3A_22, %jit3A_23 : i32
    "tpu.region"() ({
      %run_scoped3A = tpu.sem_alloc : memref<!tpu.dma_semaphore, #tpu.memory_space<semaphore_mem>>
      %dma_start3A_87 = arith.constant 0 : i32
      %dma_start3A_88 = arith.constant 0 : i32
      %dma_start3A_89 = tpu.memref_slice %arg3[%arg1, %select_n3A_24, %dma_start3A_87, %dma_start3A_88] : memref<16x20x8x128xi32, #tpu.memory_space<hbm>> -> memref<1x1x8x128xi32, #tpu.memory_space<hbm>>
      %dma_start3A_90 = tpu.memref_squeeze %dma_start3A_89 : memref<1x1x8x128xi32, #tpu.memory_space<hbm>> -> memref<8x128xi32, #tpu.memory_space<hbm>>
      %dma_start3A_91 = arith.constant 0 : i32
      %dma_start3A_92 = arith.constant 0 : i32
      %dma_start3A_93 = tpu.memref_slice %arg3[%arg1, %select_n3A_24, %dma_start3A_91, %dma_start3A_92] : memref<16x20x8x128xi32, #tpu.memory_space<hbm>> -> memref<1x1x8x128xi32, #tpu.memory_space<hbm>>
      %dma_start3A_94 = tpu.memref_squeeze %dma_start3A_93 : memref<1x1x8x128xi32, #tpu.memory_space<hbm>> -> memref<8x128xi32, #tpu.memory_space<hbm>>
      tpu.enqueue_dma source(%dma_start3A_94 : memref<8x128xi32, #tpu.memory_space<hbm>>) target(%arg7 : memref<8x128xi32, #tpu.memory_space<vmem>>) target_semaphore(%run_scoped3A : memref<!tpu.dma_semaphore, #tpu.memory_space<semaphore_mem>>)
      %dma_wait3A = arith.constant 0 : i32
      %dma_wait3A_95 = arith.constant 0 : i32
      %dma_wait3A_96 = tpu.memref_slice %arg3[%arg1, %select_n3A_24, %dma_wait3A, %dma_wait3A_95] : memref<16x20x8x128xi32, #tpu.memory_space<hbm>> -> memref<1x1x8x128xi32, #tpu.memory_space<hbm>>
      %dma_wait3A_97 = tpu.memref_squeeze %dma_wait3A_96 : memref<1x1x8x128xi32, #tpu.memory_space<hbm>> -> memref<8x128xi32, #tpu.memory_space<hbm>>
      %dma_wait3A_98 = arith.constant 0 : i32
      %dma_wait3A_99 = arith.constant 0 : i32
      %dma_wait3A_100 = tpu.memref_slice %arg3[%arg1, %select_n3A_24, %dma_wait3A_98, %dma_wait3A_99] : memref<16x20x8x128xi32, #tpu.memory_space<hbm>> -> memref<1x1x8x128xi32, #tpu.memory_space<hbm>>
      %dma_wait3A_101 = tpu.memref_squeeze %dma_wait3A_100 : memref<1x1x8x128xi32, #tpu.memory_space<hbm>> -> memref<8x128xi32, #tpu.memory_space<hbm>>
      tpu.wait_dma2 semaphore(%run_scoped3A : memref<!tpu.dma_semaphore, #tpu.memory_space<semaphore_mem>>) src(%dma_wait3A_101 : memref<8x128xi32, #tpu.memory_space<hbm>>) dst(%arg7 : memref<8x128xi32, #tpu.memory_space<vmem>>)
      tpu.yield
    }) : () -> ()
    "tpu.region"() ({
      %run_scoped3A = tpu.sem_alloc : memref<!tpu.dma_semaphore, #tpu.memory_space<semaphore_mem>>
      %dma_start3A_87 = arith.constant 0 : i32
      %dma_start3A_88 = arith.constant 0 : i32
      %dma_start3A_89 = tpu.memref_slice %arg4[%arg1, %select_n3A_24, %dma_start3A_87, %dma_start3A_88] : memref<16x20x8x128xi32, #tpu.memory_space<hbm>> -> memref<1x1x8x128xi32, #tpu.memory_space<hbm>>
      %dma_start3A_90 = tpu.memref_squeeze %dma_start3A_89 : memref<1x1x8x128xi32, #tpu.memory_space<hbm>> -> memref<8x128xi32, #tpu.memory_space<hbm>>
      %dma_start3A_91 = arith.constant 0 : i32
      %dma_start3A_92 = arith.constant 0 : i32
      %dma_start3A_93 = tpu.memref_slice %arg4[%arg1, %select_n3A_24, %dma_start3A_91, %dma_start3A_92] : memref<16x20x8x128xi32, #tpu.memory_space<hbm>> -> memref<1x1x8x128xi32, #tpu.memory_space<hbm>>
      %dma_start3A_94 = tpu.memref_squeeze %dma_start3A_93 : memref<1x1x8x128xi32, #tpu.memory_space<hbm>> -> memref<8x128xi32, #tpu.memory_space<hbm>>
      tpu.enqueue_dma source(%dma_start3A_94 : memref<8x128xi32, #tpu.memory_space<hbm>>) target(%arg9 : memref<8x128xi32, #tpu.memory_space<vmem>>) target_semaphore(%run_scoped3A : memref<!tpu.dma_semaphore, #tpu.memory_space<semaphore_mem>>)
      %dma_wait3A = arith.constant 0 : i32
      %dma_wait3A_95 = arith.constant 0 : i32
      %dma_wait3A_96 = tpu.memref_slice %arg4[%arg1, %select_n3A_24, %dma_wait3A, %dma_wait3A_95] : memref<16x20x8x128xi32, #tpu.memory_space<hbm>> -> memref<1x1x8x128xi32, #tpu.memory_space<hbm>>
      %dma_wait3A_97 = tpu.memref_squeeze %dma_wait3A_96 : memref<1x1x8x128xi32, #tpu.memory_space<hbm>> -> memref<8x128xi32, #tpu.memory_space<hbm>>
      %dma_wait3A_98 = arith.constant 0 : i32
      %dma_wait3A_99 = arith.constant 0 : i32
      %dma_wait3A_100 = tpu.memref_slice %arg4[%arg1, %select_n3A_24, %dma_wait3A_98, %dma_wait3A_99] : memref<16x20x8x128xi32, #tpu.memory_space<hbm>> -> memref<1x1x8x128xi32, #tpu.memory_space<hbm>>
      %dma_wait3A_101 = tpu.memref_squeeze %dma_wait3A_100 : memref<1x1x8x128xi32, #tpu.memory_space<hbm>> -> memref<8x128xi32, #tpu.memory_space<hbm>>
      tpu.wait_dma2 semaphore(%run_scoped3A : memref<!tpu.dma_semaphore, #tpu.memory_space<semaphore_mem>>) src(%dma_wait3A_101 : memref<8x128xi32, #tpu.memory_space<hbm>>) dst(%arg9 : memref<8x128xi32, #tpu.memory_space<vmem>>)
      tpu.yield
    }) : () -> ()
    %add3A = arith.constant 1 : i32
    %add3A_25 = arith.addi %select_n3A_24, %add3A : i32
    %dma_start3A = arith.constant 0 : i32
    %dma_start3A_26 = arith.constant 0 : i32
    %dma_start3A_27 = tpu.memref_slice %arg3[%arg1, %add3A_25, %dma_start3A, %dma_start3A_26] : memref<16x20x8x128xi32, #tpu.memory_space<hbm>> -> memref<1x1x8x128xi32, #tpu.memory_space<hbm>>
    %dma_start3A_28 = tpu.memref_squeeze %dma_start3A_27 : memref<1x1x8x128xi32, #tpu.memory_space<hbm>> -> memref<8x128xi32, #tpu.memory_space<hbm>>
    %dma_start3A_29 = arith.constant 0 : i32
    %dma_start3A_30 = arith.constant 0 : i32
    %dma_start3A_31 = tpu.memref_slice %arg3[%arg1, %add3A_25, %dma_start3A_29, %dma_start3A_30] : memref<16x20x8x128xi32, #tpu.memory_space<hbm>> -> memref<1x1x8x128xi32, #tpu.memory_space<hbm>>
    %dma_start3A_32 = tpu.memref_squeeze %dma_start3A_31 : memref<1x1x8x128xi32, #tpu.memory_space<hbm>> -> memref<8x128xi32, #tpu.memory_space<hbm>>
    tpu.enqueue_dma source(%dma_start3A_32 : memref<8x128xi32, #tpu.memory_space<hbm>>) target(%arg8 : memref<8x128xi32, #tpu.memory_space<vmem>>) target_semaphore(%arg17 : memref<!tpu.dma_semaphore, #tpu.memory_space<semaphore_mem>>)
    %add3A_33 = arith.constant 1 : i32
    %add3A_34 = arith.addi %select_n3A_24, %add3A_33 : i32
    %dma_start3A_35 = arith.constant 0 : i32
    %dma_start3A_36 = arith.constant 0 : i32
    %dma_start3A_37 = tpu.memref_slice %arg4[%arg1, %add3A_34, %dma_start3A_35, %dma_start3A_36] : memref<16x20x8x128xi32, #tpu.memory_space<hbm>> -> memref<1x1x8x128xi32, #tpu.memory_space<hbm>>
    %dma_start3A_38 = tpu.memref_squeeze %dma_start3A_37 : memref<1x1x8x128xi32, #tpu.memory_space<hbm>> -> memref<8x128xi32, #tpu.memory_space<hbm>>
    %dma_start3A_39 = arith.constant 0 : i32
    %dma_start3A_40 = arith.constant 0 : i32
    %dma_start3A_41 = tpu.memref_slice %arg4[%arg1, %add3A_34, %dma_start3A_39, %dma_start3A_40] : memref<16x20x8x128xi32, #tpu.memory_space<hbm>> -> memref<1x1x8x128xi32, #tpu.memory_space<hbm>>
    %dma_start3A_42 = tpu.memref_squeeze %dma_start3A_41 : memref<1x1x8x128xi32, #tpu.memory_space<hbm>> -> memref<8x128xi32, #tpu.memory_space<hbm>>
    tpu.enqueue_dma source(%dma_start3A_42 : memref<8x128xi32, #tpu.memory_space<hbm>>) target(%arg10 : memref<8x128xi32, #tpu.memory_space<vmem>>) target_semaphore(%arg17 : memref<!tpu.dma_semaphore, #tpu.memory_space<semaphore_mem>>)
    %dma_start3A_43 = arith.constant 0 : i32
    %dma_start3A_44 = arith.constant 0 : i32
    %dma_start3A_45 = tpu.memref_slice %arg7[%dma_start3A_43, %dma_start3A_44] : memref<8x128xi32, #tpu.memory_space<vmem>> -> memref<1x128xi32, #tpu.memory_space<vmem>>
    %dma_start3A_46 = tpu.memref_squeeze %dma_start3A_45 : memref<1x128xi32, #tpu.memory_space<vmem>> -> memref<128xi32, #tpu.memory_space<vmem>>
    %dma_start3A_47 = arith.constant 0 : i32
    %dma_start3A_48 = arith.constant 0 : i32
    %dma_start3A_49 = tpu.memref_slice %arg2[%dma_start3A_47, %dma_start3A_48] : memref<10000x128xf32, #tpu.memory_space<hbm>> -> memref<10000x128xf32, #tpu.memory_space<hbm>>
    tpu.enqueue_indirect_dma source(%dma_start3A_49 : memref<10000x128xf32, #tpu.memory_space<hbm>>) target(%arg11 : memref<128x128xf32, #tpu.memory_space<vmem>>) offsets(%dma_start3A_46 : memref<128xi32, #tpu.memory_space<vmem>>) semaphore(%arg14 : memref<!tpu.dma_semaphore, #tpu.memory_space<semaphore_mem>>)
    %dma_start3A_50 = arith.constant 1 : i32
    %dma_start3A_51 = arith.constant 0 : i32
    %dma_start3A_52 = tpu.memref_slice %arg7[%dma_start3A_50, %dma_start3A_51] : memref<8x128xi32, #tpu.memory_space<vmem>> -> memref<1x128xi32, #tpu.memory_space<vmem>>
    %dma_start3A_53 = tpu.memref_squeeze %dma_start3A_52 : memref<1x128xi32, #tpu.memory_space<vmem>> -> memref<128xi32, #tpu.memory_space<vmem>>
    %dma_start3A_54 = arith.constant 0 : i32
    %dma_start3A_55 = arith.constant 0 : i32
    %dma_start3A_56 = tpu.memref_slice %arg2[%dma_start3A_54, %dma_start3A_55] : memref<10000x128xf32, #tpu.memory_space<hbm>> -> memref<10000x128xf32, #tpu.memory_space<hbm>>
    tpu.enqueue_indirect_dma source(%dma_start3A_56 : memref<10000x128xf32, #tpu.memory_space<hbm>>) target(%arg12 : memref<128x128xf32, #tpu.memory_space<vmem>>) offsets(%dma_start3A_53 : memref<128xi32, #tpu.memory_space<vmem>>) semaphore(%arg15 : memref<!tpu.dma_semaphore, #tpu.memory_space<semaphore_mem>>)
    %eq3A_57 = arith.constant 0 : i32
    %eq3A_58 = arith.cmpi eq, %arg0, %eq3A_57 : i32
    %convert_element_type3A = arith.extui %eq3A_58 : i1 to i32
    %cond3A = arith.constant 0 : i32
    %cond3A_59 = arith.cmpi ne, %convert_element_type3A, %cond3A : i32
    scf.if %cond3A_59 {
      %mul3A_87 = arith.constant 624 : i32
      %mul3A_88 = arith.muli %arg1, %mul3A_87 : i32
      %mul3A_89 = arith.constant 624 : i32
      %mul3A_90 = arith.muli %arg1, %mul3A_89 : i32
      "tpu.region"() ({
        %run_scoped3A = tpu.sem_alloc : memref<!tpu.dma_semaphore, #tpu.memory_space<semaphore_mem>>
        %dma_start3A_96 = arith.constant 0 : i32
        %dma_start3A_97 = tpu.memref_slice %arg13[%mul3A_90, %dma_start3A_96] : memref<10112x128xf32, #tpu.memory_space<vmem_shared>> -> memref<624x128xf32, #tpu.memory_space<vmem_shared>>
        %dma_start3A_98 = arith.constant 0 : i32
        %dma_start3A_99 = tpu.memref_slice %arg2[%mul3A_88, %dma_start3A_98] : memref<10000x128xf32, #tpu.memory_space<hbm>> -> memref<624x128xf32, #tpu.memory_space<hbm>>
        tpu.enqueue_dma source(%dma_start3A_99 : memref<624x128xf32, #tpu.memory_space<hbm>>) target(%dma_start3A_97 : memref<624x128xf32, #tpu.memory_space<vmem_shared>>) target_semaphore(%run_scoped3A : memref<!tpu.dma_semaphore, #tpu.memory_space<semaphore_mem>>)
        %dma_wait3A = arith.constant 0 : i32
        %dma_wait3A_100 = tpu.memref_slice %arg13[%mul3A_90, %dma_wait3A] : memref<10112x128xf32, #tpu.memory_space<vmem_shared>> -> memref<624x128xf32, #tpu.memory_space<vmem_shared>>
        %dma_wait3A_101 = arith.constant 0 : i32
        %dma_wait3A_102 = tpu.memref_slice %arg2[%mul3A_88, %dma_wait3A_101] : memref<10000x128xf32, #tpu.memory_space<hbm>> -> memref<624x128xf32, #tpu.memory_space<hbm>>
        tpu.wait_dma2 semaphore(%run_scoped3A : memref<!tpu.dma_semaphore, #tpu.memory_space<semaphore_mem>>) src(%dma_wait3A_102 : memref<624x128xf32, #tpu.memory_space<hbm>>) dst(%dma_wait3A_100 : memref<624x128xf32, #tpu.memory_space<vmem_shared>>)
        tpu.yield
      }) : () -> ()
      %eq3A_91 = arith.constant 0 : i32
      %eq3A_92 = arith.cmpi eq, %arg1, %eq3A_91 : i32
      %convert_element_type3A_93 = arith.extui %eq3A_92 : i1 to i32
      %cond3A_94 = arith.constant 0 : i32
      %cond3A_95 = arith.cmpi ne, %convert_element_type3A_93, %cond3A_94 : i32
      scf.if %cond3A_95 {
        "tpu.region"() ({
          %run_scoped3A = tpu.sem_alloc : memref<!tpu.dma_semaphore, #tpu.memory_space<semaphore_mem>>
          %dma_start3A_96 = arith.constant 9984 : i32
          %dma_start3A_97 = arith.constant 0 : i32
          %dma_start3A_98 = tpu.memref_slice %arg13[%dma_start3A_96, %dma_start3A_97] : memref<10112x128xf32, #tpu.memory_space<vmem_shared>> -> memref<16x128xf32, #tpu.memory_space<vmem_shared>>
          %dma_start3A_99 = arith.constant 9984 : i32
          %dma_start3A_100 = arith.constant 0 : i32
          %dma_start3A_101 = tpu.memref_slice %arg2[%dma_start3A_99, %dma_start3A_100] : memref<10000x128xf32, #tpu.memory_space<hbm>> -> memref<16x128xf32, #tpu.memory_space<hbm>>
          tpu.enqueue_dma source(%dma_start3A_101 : memref<16x128xf32, #tpu.memory_space<hbm>>) target(%dma_start3A_98 : memref<16x128xf32, #tpu.memory_space<vmem_shared>>) target_semaphore(%run_scoped3A : memref<!tpu.dma_semaphore, #tpu.memory_space<semaphore_mem>>)
          %dma_wait3A = arith.constant 9984 : i32
          %dma_wait3A_102 = arith.constant 0 : i32
          %dma_wait3A_103 = tpu.memref_slice %arg13[%dma_wait3A, %dma_wait3A_102] : memref<10112x128xf32, #tpu.memory_space<vmem_shared>> -> memref<16x128xf32, #tpu.memory_space<vmem_shared>>
          %dma_wait3A_104 = arith.constant 9984 : i32
          %dma_wait3A_105 = arith.constant 0 : i32
          %dma_wait3A_106 = tpu.memref_slice %arg2[%dma_wait3A_104, %dma_wait3A_105] : memref<10000x128xf32, #tpu.memory_space<hbm>> -> memref<16x128xf32, #tpu.memory_space<hbm>>
          tpu.wait_dma2 semaphore(%run_scoped3A : memref<!tpu.dma_semaphore, #tpu.memory_space<semaphore_mem>>) src(%dma_wait3A_106 : memref<16x128xf32, #tpu.memory_space<hbm>>) dst(%dma_wait3A_103 : memref<16x128xf32, #tpu.memory_space<vmem_shared>>)
          tpu.yield
        }) : () -> ()
      } else {
      }
    } else {
    }
    %eq3A_60 = arith.constant 1 : i32
    %eq3A_61 = arith.cmpi eq, %arg0, %eq3A_60 : i32
    %convert_element_type3A_62 = arith.extui %eq3A_61 : i1 to i32
    %cond3A_63 = arith.constant 0 : i32
    %cond3A_64 = arith.cmpi ne, %convert_element_type3A_62, %cond3A_63 : i32
    scf.if %cond3A_64 {
      %mul3A_87 = arith.constant 624 : i32
      %mul3A_88 = arith.muli %arg1, %mul3A_87 : i32
      %mul3A_89 = arith.constant 624 : i32
      %mul3A_90 = arith.muli %arg1, %mul3A_89 : i32
      "tpu.region"() ({
        %run_scoped3A = tpu.sem_alloc : memref<!tpu.dma_semaphore, #tpu.memory_space<semaphore_mem>>
        %dma_start3A_96 = arith.constant 0 : i32
        %dma_start3A_97 = tpu.memref_slice %arg13[%mul3A_90, %dma_start3A_96] : memref<10112x128xf32, #tpu.memory_space<vmem_shared>> -> memref<624x128xf32, #tpu.memory_space<vmem_shared>>
        %dma_start3A_98 = arith.constant 0 : i32
        %dma_start3A_99 = tpu.memref_slice %arg5[%mul3A_88, %dma_start3A_98] : memref<10000x128xf32, #tpu.memory_space<hbm>> -> memref<624x128xf32, #tpu.memory_space<hbm>>
        tpu.enqueue_dma source(%dma_start3A_99 : memref<624x128xf32, #tpu.memory_space<hbm>>) target(%dma_start3A_97 : memref<624x128xf32, #tpu.memory_space<vmem_shared>>) target_semaphore(%run_scoped3A : memref<!tpu.dma_semaphore, #tpu.memory_space<semaphore_mem>>)
        %dma_wait3A = arith.constant 0 : i32
        %dma_wait3A_100 = tpu.memref_slice %arg13[%mul3A_90, %dma_wait3A] : memref<10112x128xf32, #tpu.memory_space<vmem_shared>> -> memref<624x128xf32, #tpu.memory_space<vmem_shared>>
        %dma_wait3A_101 = arith.constant 0 : i32
        %dma_wait3A_102 = tpu.memref_slice %arg5[%mul3A_88, %dma_wait3A_101] : memref<10000x128xf32, #tpu.memory_space<hbm>> -> memref<624x128xf32, #tpu.memory_space<hbm>>
        tpu.wait_dma2 semaphore(%run_scoped3A : memref<!tpu.dma_semaphore, #tpu.memory_space<semaphore_mem>>) src(%dma_wait3A_102 : memref<624x128xf32, #tpu.memory_space<hbm>>) dst(%dma_wait3A_100 : memref<624x128xf32, #tpu.memory_space<vmem_shared>>)
        tpu.yield
      }) : () -> ()
      %eq3A_91 = arith.constant 0 : i32
      %eq3A_92 = arith.cmpi eq, %arg1, %eq3A_91 : i32
      %convert_element_type3A_93 = arith.extui %eq3A_92 : i1 to i32
      %cond3A_94 = arith.constant 0 : i32
      %cond3A_95 = arith.cmpi ne, %convert_element_type3A_93, %cond3A_94 : i32
      scf.if %cond3A_95 {
        "tpu.region"() ({
          %run_scoped3A = tpu.sem_alloc : memref<!tpu.dma_semaphore, #tpu.memory_space<semaphore_mem>>
          %dma_start3A_96 = arith.constant 9984 : i32
          %dma_start3A_97 = arith.constant 0 : i32
          %dma_start3A_98 = tpu.memref_slice %arg13[%dma_start3A_96, %dma_start3A_97] : memref<10112x128xf32, #tpu.memory_space<vmem_shared>> -> memref<16x128xf32, #tpu.memory_space<vmem_shared>>
          %dma_start3A_99 = arith.constant 9984 : i32
          %dma_start3A_100 = arith.constant 0 : i32
          %dma_start3A_101 = tpu.memref_slice %arg5[%dma_start3A_99, %dma_start3A_100] : memref<10000x128xf32, #tpu.memory_space<hbm>> -> memref<16x128xf32, #tpu.memory_space<hbm>>
          tpu.enqueue_dma source(%dma_start3A_101 : memref<16x128xf32, #tpu.memory_space<hbm>>) target(%dma_start3A_98 : memref<16x128xf32, #tpu.memory_space<vmem_shared>>) target_semaphore(%run_scoped3A : memref<!tpu.dma_semaphore, #tpu.memory_space<semaphore_mem>>)
          %dma_wait3A = arith.constant 9984 : i32
          %dma_wait3A_102 = arith.constant 0 : i32
          %dma_wait3A_103 = tpu.memref_slice %arg13[%dma_wait3A, %dma_wait3A_102] : memref<10112x128xf32, #tpu.memory_space<vmem_shared>> -> memref<16x128xf32, #tpu.memory_space<vmem_shared>>
          %dma_wait3A_104 = arith.constant 9984 : i32
          %dma_wait3A_105 = arith.constant 0 : i32
          %dma_wait3A_106 = tpu.memref_slice %arg5[%dma_wait3A_104, %dma_wait3A_105] : memref<10000x128xf32, #tpu.memory_space<hbm>> -> memref<16x128xf32, #tpu.memory_space<hbm>>
          tpu.wait_dma2 semaphore(%run_scoped3A : memref<!tpu.dma_semaphore, #tpu.memory_space<semaphore_mem>>) src(%dma_wait3A_106 : memref<16x128xf32, #tpu.memory_space<hbm>>) dst(%dma_wait3A_103 : memref<16x128xf32, #tpu.memory_space<vmem_shared>>)
          tpu.yield
        }) : () -> ()
      } else {
      }
    } else {
    }
    %barrier3A = arith.constant 0 : index
    tpu.barrier barrier_id(%barrier3A)
    %sub3A_65 = arith.constant 0 : i32
    %sub3A_66 = arith.subi %select_n3A_19, %sub3A_65 : i32
    %sub3A_67 = arith.constant 1 : i32
    %sub3A_68 = arith.constant 1 : i32
    %sub3A_69 = arith.subi %sub3A_67, %sub3A_68 : i32
    %add3A_70 = arith.addi %sub3A_66, %sub3A_69 : i32
    %div3A_71 = arith.constant 1 : i32
    %div3A_72 = arith.divsi %add3A_70, %div3A_71 : i32
    %while3A = arith.constant 1 : i32
    %while3A_73 = arith.constant 0 : i32
    %while3A_74 = arith.constant 0 : i32
    %while3A_75 = arith.subi %div3A_72, %while3A_74 : i32
    %while3A_76 = arith.addi %while3A_74, %while3A_75 : i32
    %while3A_77 = arith.constant 1 : i32
    %while3A_78 = arith.divsi %while3A_75, %while3A_77 : i32
    %while3A_79 = arith.muli %while3A_78, %while3A_77 : i32
    %while3A_80 = arith.addi %while3A_74, %while3A_79 : i32
    %while3A_81 = arith.constant 1 : i32
    scf.for %while3A_87 = %while3A_74 to %while3A_80 step %while3A_81  : i32 {
      %mul3A_88 = arith.muli %while3A_87, %while3A : i32
      %add3A_89 = arith.addi %while3A_73, %mul3A_88 : i32
      %mul3A_90 = arith.constant 2 : i32
      %mul3A_91 = arith.muli %mul3A_90, %add3A_89 : i32
      %add3A_92 = arith.addi %select_n3A_24, %mul3A_91 : i32
      %add3A_93 = arith.constant 1 : i32
      %add3A_94 = arith.addi %add3A_92, %add3A_93 : i32
      %mul3A_95 = arith.constant 2 : i32
      %mul3A_96 = arith.muli %mul3A_95, %add3A_89 : i32
      %add3A_97 = arith.constant 2 : i32
      %add3A_98 = arith.addi %mul3A_96, %add3A_97 : i32
      %lt3A = arith.cmpi slt, %add3A_98, %select_n3A : i32
      %scan3A = arith.constant 0 : i32
      %scan3A_99 = arith.constant 3 : i32
      %scan3A_100 = arith.addi %scan3A, %scan3A_99 : i32
      %scan3A_101 = arith.constant 1 : i32
      scf.for %scan3A_188 = %scan3A to %scan3A_100 step %scan3A_101  : i32 {
        %mul3A_189 = arith.constant 2 : i32
        %mul3A_190 = arith.muli %scan3A_188, %mul3A_189 : i32
        %add3A_191 = arith.constant 0 : i32
        %add3A_192 = arith.addi %add3A_191, %mul3A_190 : i32
        %dma_wait3A_193 = arith.constant 0 : i32
        %dma_wait3A_194 = tpu.memref_slice %arg7[%add3A_192, %dma_wait3A_193] : memref<8x128xi32, #tpu.memory_space<vmem>> -> memref<1x128xi32, #tpu.memory_space<vmem>>
        %dma_wait3A_195 = tpu.memref_squeeze %dma_wait3A_194 : memref<1x128xi32, #tpu.memory_space<vmem>> -> memref<128xi32, #tpu.memory_space<vmem>>
        %dma_wait3A_196 = arith.constant 0 : i32
        %dma_wait3A_197 = arith.constant 0 : i32
        %dma_wait3A_198 = tpu.memref_slice %arg2[%dma_wait3A_196, %dma_wait3A_197] : memref<10000x128xf32, #tpu.memory_space<hbm>> -> memref<10000x128xf32, #tpu.memory_space<hbm>>
        tpu.wait_indirect_dma semaphore(%arg14 : memref<!tpu.dma_semaphore, #tpu.memory_space<semaphore_mem>>) src(%dma_wait3A_198 : memref<10000x128xf32, #tpu.memory_space<hbm>>) dst(%arg11 : memref<128x128xf32, #tpu.memory_space<vmem>>)
        "tpu.region"() ({
          %run_scoped3A_225 = tpu.sem_alloc : memref<!tpu.dma_semaphore, #tpu.memory_space<semaphore_mem>>
          %dma_start3A_226 = arith.constant 0 : i32
          %dma_start3A_227 = tpu.memref_slice %arg9[%add3A_192, %dma_start3A_226] : memref<8x128xi32, #tpu.memory_space<vmem>> -> memref<1x128xi32, #tpu.memory_space<vmem>>
          %dma_start3A_228 = tpu.memref_squeeze %dma_start3A_227 : memref<1x128xi32, #tpu.memory_space<vmem>> -> memref<128xi32, #tpu.memory_space<vmem>>
          %dma_start3A_229 = arith.constant 0 : i32
          %dma_start3A_230 = arith.constant 0 : i32
          %dma_start3A_231 = tpu.memref_slice %arg13[%dma_start3A_229, %dma_start3A_230] : memref<10112x128xf32, #tpu.memory_space<vmem_shared>> -> memref<10112x128xf32, #tpu.memory_space<vmem_shared>>
          tpu.enqueue_indirect_dma source(%arg11 : memref<128x128xf32, #tpu.memory_space<vmem>>) target(%dma_start3A_231 : memref<10112x128xf32, #tpu.memory_space<vmem_shared>>) offsets(%dma_start3A_228 : memref<128xi32, #tpu.memory_space<vmem>>) semaphore(%run_scoped3A_225 : memref<!tpu.dma_semaphore, #tpu.memory_space<semaphore_mem>>) {add = true}
          %dma_wait3A_232 = arith.constant 0 : i32
          %dma_wait3A_233 = tpu.memref_slice %arg9[%add3A_192, %dma_wait3A_232] : memref<8x128xi32, #tpu.memory_space<vmem>> -> memref<1x128xi32, #tpu.memory_space<vmem>>
          %dma_wait3A_234 = tpu.memref_squeeze %dma_wait3A_233 : memref<1x128xi32, #tpu.memory_space<vmem>> -> memref<128xi32, #tpu.memory_space<vmem>>
          %dma_wait3A_235 = arith.constant 0 : i32
          %dma_wait3A_236 = arith.constant 0 : i32
          %dma_wait3A_237 = tpu.memref_slice %arg13[%dma_wait3A_235, %dma_wait3A_236] : memref<10112x128xf32, #tpu.memory_space<vmem_shared>> -> memref<10112x128xf32, #tpu.memory_space<vmem_shared>>
          tpu.wait_indirect_dma semaphore(%run_scoped3A_225 : memref<!tpu.dma_semaphore, #tpu.memory_space<semaphore_mem>>) src(%arg11 : memref<128x128xf32, #tpu.memory_space<vmem>>) dst(%dma_wait3A_237 : memref<10112x128xf32, #tpu.memory_space<vmem_shared>>)
          tpu.yield
        }) : () -> ()
        %add3A_199 = arith.constant 2 : i32
        %add3A_200 = arith.addi %add3A_192, %add3A_199 : i32
        %dma_start3A_201 = arith.constant 0 : i32
        %dma_start3A_202 = tpu.memref_slice %arg7[%add3A_200, %dma_start3A_201] : memref<8x128xi32, #tpu.memory_space<vmem>> -> memref<1x128xi32, #tpu.memory_space<vmem>>
        %dma_start3A_203 = tpu.memref_squeeze %dma_start3A_202 : memref<1x128xi32, #tpu.memory_space<vmem>> -> memref<128xi32, #tpu.memory_space<vmem>>
        %dma_start3A_204 = arith.constant 0 : i32
        %dma_start3A_205 = arith.constant 0 : i32
        %dma_start3A_206 = tpu.memref_slice %arg2[%dma_start3A_204, %dma_start3A_205] : memref<10000x128xf32, #tpu.memory_space<hbm>> -> memref<10000x128xf32, #tpu.memory_space<hbm>>
        tpu.enqueue_indirect_dma source(%dma_start3A_206 : memref<10000x128xf32, #tpu.memory_space<hbm>>) target(%arg11 : memref<128x128xf32, #tpu.memory_space<vmem>>) offsets(%dma_start3A_203 : memref<128xi32, #tpu.memory_space<vmem>>) semaphore(%arg14 : memref<!tpu.dma_semaphore, #tpu.memory_space<semaphore_mem>>)
        %add3A_207 = arith.constant 1 : i32
        %add3A_208 = arith.addi %add3A_192, %add3A_207 : i32
        %dma_wait3A_209 = arith.constant 0 : i32
        %dma_wait3A_210 = tpu.memref_slice %arg7[%add3A_208, %dma_wait3A_209] : memref<8x128xi32, #tpu.memory_space<vmem>> -> memref<1x128xi32, #tpu.memory_space<vmem>>
        %dma_wait3A_211 = tpu.memref_squeeze %dma_wait3A_210 : memref<1x128xi32, #tpu.memory_space<vmem>> -> memref<128xi32, #tpu.memory_space<vmem>>
        %dma_wait3A_212 = arith.constant 0 : i32
        %dma_wait3A_213 = arith.constant 0 : i32
        %dma_wait3A_214 = tpu.memref_slice %arg2[%dma_wait3A_212, %dma_wait3A_213] : memref<10000x128xf32, #tpu.memory_space<hbm>> -> memref<10000x128xf32, #tpu.memory_space<hbm>>
        tpu.wait_indirect_dma semaphore(%arg15 : memref<!tpu.dma_semaphore, #tpu.memory_space<semaphore_mem>>) src(%dma_wait3A_214 : memref<10000x128xf32, #tpu.memory_space<hbm>>) dst(%arg12 : memref<128x128xf32, #tpu.memory_space<vmem>>)
        %add3A_215 = arith.constant 1 : i32
        %add3A_216 = arith.addi %add3A_192, %add3A_215 : i32
        "tpu.region"() ({
          %run_scoped3A_225 = tpu.sem_alloc : memref<!tpu.dma_semaphore, #tpu.memory_space<semaphore_mem>>
          %dma_start3A_226 = arith.constant 0 : i32
          %dma_start3A_227 = tpu.memref_slice %arg9[%add3A_216, %dma_start3A_226] : memref<8x128xi32, #tpu.memory_space<vmem>> -> memref<1x128xi32, #tpu.memory_space<vmem>>
          %dma_start3A_228 = tpu.memref_squeeze %dma_start3A_227 : memref<1x128xi32, #tpu.memory_space<vmem>> -> memref<128xi32, #tpu.memory_space<vmem>>
          %dma_start3A_229 = arith.constant 0 : i32
          %dma_start3A_230 = arith.constant 0 : i32
          %dma_start3A_231 = tpu.memref_slice %arg13[%dma_start3A_229, %dma_start3A_230] : memref<10112x128xf32, #tpu.memory_space<vmem_shared>> -> memref<10112x128xf32, #tpu.memory_space<vmem_shared>>
          tpu.enqueue_indirect_dma source(%arg12 : memref<128x128xf32, #tpu.memory_space<vmem>>) target(%dma_start3A_231 : memref<10112x128xf32, #tpu.memory_space<vmem_shared>>) offsets(%dma_start3A_228 : memref<128xi32, #tpu.memory_space<vmem>>) semaphore(%run_scoped3A_225 : memref<!tpu.dma_semaphore, #tpu.memory_space<semaphore_mem>>) {add = true}
          %dma_wait3A_232 = arith.constant 0 : i32
          %dma_wait3A_233 = tpu.memref_slice %arg9[%add3A_216, %dma_wait3A_232] : memref<8x128xi32, #tpu.memory_space<vmem>> -> memref<1x128xi32, #tpu.memory_space<vmem>>
          %dma_wait3A_234 = tpu.memref_squeeze %dma_wait3A_233 : memref<1x128xi32, #tpu.memory_space<vmem>> -> memref<128xi32, #tpu.memory_space<vmem>>
          %dma_wait3A_235 = arith.constant 0 : i32
          %dma_wait3A_236 = arith.constant 0 : i32
          %dma_wait3A_237 = tpu.memref_slice %arg13[%dma_wait3A_235, %dma_wait3A_236] : memref<10112x128xf32, #tpu.memory_space<vmem_shared>> -> memref<10112x128xf32, #tpu.memory_space<vmem_shared>>
          tpu.wait_indirect_dma semaphore(%run_scoped3A_225 : memref<!tpu.dma_semaphore, #tpu.memory_space<semaphore_mem>>) src(%arg12 : memref<128x128xf32, #tpu.memory_space<vmem>>) dst(%dma_wait3A_237 : memref<10112x128xf32, #tpu.memory_space<vmem_shared>>)
          tpu.yield
        }) : () -> ()
        %add3A_217 = arith.constant 3 : i32
        %add3A_218 = arith.addi %add3A_192, %add3A_217 : i32
        %dma_start3A_219 = arith.constant 0 : i32
        %dma_start3A_220 = tpu.memref_slice %arg7[%add3A_218, %dma_start3A_219] : memref<8x128xi32, #tpu.memory_space<vmem>> -> memref<1x128xi32, #tpu.memory_space<vmem>>
        %dma_start3A_221 = tpu.memref_squeeze %dma_start3A_220 : memref<1x128xi32, #tpu.memory_space<vmem>> -> memref<128xi32, #tpu.memory_space<vmem>>
        %dma_start3A_222 = arith.constant 0 : i32
        %dma_start3A_223 = arith.constant 0 : i32
        %dma_start3A_224 = tpu.memref_slice %arg2[%dma_start3A_222, %dma_start3A_223] : memref<10000x128xf32, #tpu.memory_space<hbm>> -> memref<10000x128xf32, #tpu.memory_space<hbm>>
        tpu.enqueue_indirect_dma source(%dma_start3A_224 : memref<10000x128xf32, #tpu.memory_space<hbm>>) target(%arg12 : memref<128x128xf32, #tpu.memory_space<vmem>>) offsets(%dma_start3A_221 : memref<128xi32, #tpu.memory_space<vmem>>) semaphore(%arg15 : memref<!tpu.dma_semaphore, #tpu.memory_space<semaphore_mem>>)
      }
      %scan3A_102 = arith.constant 3 : i32
      %dma_wait3A = arith.constant 0 : i32
      %dma_wait3A_103 = arith.constant 0 : i32
      %dma_wait3A_104 = tpu.memref_slice %arg3[%arg1, %add3A_94, %dma_wait3A, %dma_wait3A_103] : memref<16x20x8x128xi32, #tpu.memory_space<hbm>> -> memref<1x1x8x128xi32, #tpu.memory_space<hbm>>
      %dma_wait3A_105 = tpu.memref_squeeze %dma_wait3A_104 : memref<1x1x8x128xi32, #tpu.memory_space<hbm>> -> memref<8x128xi32, #tpu.memory_space<hbm>>
      %dma_wait3A_106 = arith.constant 0 : i32
      %dma_wait3A_107 = arith.constant 0 : i32
      %dma_wait3A_108 = tpu.memref_slice %arg3[%arg1, %add3A_94, %dma_wait3A_106, %dma_wait3A_107] : memref<16x20x8x128xi32, #tpu.memory_space<hbm>> -> memref<1x1x8x128xi32, #tpu.memory_space<hbm>>
      %dma_wait3A_109 = tpu.memref_squeeze %dma_wait3A_108 : memref<1x1x8x128xi32, #tpu.memory_space<hbm>> -> memref<8x128xi32, #tpu.memory_space<hbm>>
      tpu.wait_dma2 semaphore(%arg17 : memref<!tpu.dma_semaphore, #tpu.memory_space<semaphore_mem>>) src(%dma_wait3A_109 : memref<8x128xi32, #tpu.memory_space<hbm>>) dst(%arg8 : memref<8x128xi32, #tpu.memory_space<vmem>>)
      %dma_wait3A_110 = arith.constant 0 : i32
      %dma_wait3A_111 = arith.constant 0 : i32
      %dma_wait3A_112 = tpu.memref_slice %arg4[%arg1, %add3A_94, %dma_wait3A_110, %dma_wait3A_111] : memref<16x20x8x128xi32, #tpu.memory_space<hbm>> -> memref<1x1x8x128xi32, #tpu.memory_space<hbm>>
      %dma_wait3A_113 = tpu.memref_squeeze %dma_wait3A_112 : memref<1x1x8x128xi32, #tpu.memory_space<hbm>> -> memref<8x128xi32, #tpu.memory_space<hbm>>
      %dma_wait3A_114 = arith.constant 0 : i32
      %dma_wait3A_115 = arith.constant 0 : i32
      %dma_wait3A_116 = tpu.memref_slice %arg4[%arg1, %add3A_94, %dma_wait3A_114, %dma_wait3A_115] : memref<16x20x8x128xi32, #tpu.memory_space<hbm>> -> memref<1x1x8x128xi32, #tpu.memory_space<hbm>>
      %dma_wait3A_117 = tpu.memref_squeeze %dma_wait3A_116 : memref<1x1x8x128xi32, #tpu.memory_space<hbm>> -> memref<8x128xi32, #tpu.memory_space<hbm>>
      tpu.wait_dma2 semaphore(%arg17 : memref<!tpu.dma_semaphore, #tpu.memory_space<semaphore_mem>>) src(%dma_wait3A_117 : memref<8x128xi32, #tpu.memory_space<hbm>>) dst(%arg10 : memref<8x128xi32, #tpu.memory_space<vmem>>)
      %dma_wait3A_118 = arith.constant 6 : i32
      %dma_wait3A_119 = arith.constant 0 : i32
      %dma_wait3A_120 = tpu.memref_slice %arg7[%dma_wait3A_118, %dma_wait3A_119] : memref<8x128xi32, #tpu.memory_space<vmem>> -> memref<1x128xi32, #tpu.memory_space<vmem>>
      %dma_wait3A_121 = tpu.memref_squeeze %dma_wait3A_120 : memref<1x128xi32, #tpu.memory_space<vmem>> -> memref<128xi32, #tpu.memory_space<vmem>>
      %dma_wait3A_122 = arith.constant 0 : i32
      %dma_wait3A_123 = arith.constant 0 : i32
      %dma_wait3A_124 = tpu.memref_slice %arg2[%dma_wait3A_122, %dma_wait3A_123] : memref<10000x128xf32, #tpu.memory_space<hbm>> -> memref<10000x128xf32, #tpu.memory_space<hbm>>
      tpu.wait_indirect_dma semaphore(%arg14 : memref<!tpu.dma_semaphore, #tpu.memory_space<semaphore_mem>>) src(%dma_wait3A_124 : memref<10000x128xf32, #tpu.memory_space<hbm>>) dst(%arg11 : memref<128x128xf32, #tpu.memory_space<vmem>>)
      %run_scoped3A = arith.constant 6 : i32
      "tpu.region"() ({
        %run_scoped3A_188 = tpu.sem_alloc : memref<!tpu.dma_semaphore, #tpu.memory_space<semaphore_mem>>
        %dma_start3A_189 = arith.constant 0 : i32
        %dma_start3A_190 = tpu.memref_slice %arg9[%run_scoped3A, %dma_start3A_189] : memref<8x128xi32, #tpu.memory_space<vmem>> -> memref<1x128xi32, #tpu.memory_space<vmem>>
        %dma_start3A_191 = tpu.memref_squeeze %dma_start3A_190 : memref<1x128xi32, #tpu.memory_space<vmem>> -> memref<128xi32, #tpu.memory_space<vmem>>
        %dma_start3A_192 = arith.constant 0 : i32
        %dma_start3A_193 = arith.constant 0 : i32
        %dma_start3A_194 = tpu.memref_slice %arg13[%dma_start3A_192, %dma_start3A_193] : memref<10112x128xf32, #tpu.memory_space<vmem_shared>> -> memref<10112x128xf32, #tpu.memory_space<vmem_shared>>
        tpu.enqueue_indirect_dma source(%arg11 : memref<128x128xf32, #tpu.memory_space<vmem>>) target(%dma_start3A_194 : memref<10112x128xf32, #tpu.memory_space<vmem_shared>>) offsets(%dma_start3A_191 : memref<128xi32, #tpu.memory_space<vmem>>) semaphore(%run_scoped3A_188 : memref<!tpu.dma_semaphore, #tpu.memory_space<semaphore_mem>>) {add = true}
        %dma_wait3A_195 = arith.constant 0 : i32
        %dma_wait3A_196 = tpu.memref_slice %arg9[%run_scoped3A, %dma_wait3A_195] : memref<8x128xi32, #tpu.memory_space<vmem>> -> memref<1x128xi32, #tpu.memory_space<vmem>>
        %dma_wait3A_197 = tpu.memref_squeeze %dma_wait3A_196 : memref<1x128xi32, #tpu.memory_space<vmem>> -> memref<128xi32, #tpu.memory_space<vmem>>
        %dma_wait3A_198 = arith.constant 0 : i32
        %dma_wait3A_199 = arith.constant 0 : i32
        %dma_wait3A_200 = tpu.memref_slice %arg13[%dma_wait3A_198, %dma_wait3A_199] : memref<10112x128xf32, #tpu.memory_space<vmem_shared>> -> memref<10112x128xf32, #tpu.memory_space<vmem_shared>>
        tpu.wait_indirect_dma semaphore(%run_scoped3A_188 : memref<!tpu.dma_semaphore, #tpu.memory_space<semaphore_mem>>) src(%arg11 : memref<128x128xf32, #tpu.memory_space<vmem>>) dst(%dma_wait3A_200 : memref<10112x128xf32, #tpu.memory_space<vmem_shared>>)
        tpu.yield
      }) : () -> ()
      %dma_start3A_125 = arith.constant 0 : i32
      %dma_start3A_126 = arith.constant 0 : i32
      %dma_start3A_127 = tpu.memref_slice %arg8[%dma_start3A_125, %dma_start3A_126] : memref<8x128xi32, #tpu.memory_space<vmem>> -> memref<1x128xi32, #tpu.memory_space<vmem>>
      %dma_start3A_128 = tpu.memref_squeeze %dma_start3A_127 : memref<1x128xi32, #tpu.memory_space<vmem>> -> memref<128xi32, #tpu.memory_space<vmem>>
      %dma_start3A_129 = arith.constant 0 : i32
      %dma_start3A_130 = arith.constant 0 : i32
      %dma_start3A_131 = tpu.memref_slice %arg2[%dma_start3A_129, %dma_start3A_130] : memref<10000x128xf32, #tpu.memory_space<hbm>> -> memref<10000x128xf32, #tpu.memory_space<hbm>>
      tpu.enqueue_indirect_dma source(%dma_start3A_131 : memref<10000x128xf32, #tpu.memory_space<hbm>>) target(%arg11 : memref<128x128xf32, #tpu.memory_space<vmem>>) offsets(%dma_start3A_128 : memref<128xi32, #tpu.memory_space<vmem>>) semaphore(%arg14 : memref<!tpu.dma_semaphore, #tpu.memory_space<semaphore_mem>>)
      %dma_wait3A_132 = arith.constant 7 : i32
      %dma_wait3A_133 = arith.constant 0 : i32
      %dma_wait3A_134 = tpu.memref_slice %arg7[%dma_wait3A_132, %dma_wait3A_133] : memref<8x128xi32, #tpu.memory_space<vmem>> -> memref<1x128xi32, #tpu.memory_space<vmem>>
      %dma_wait3A_135 = tpu.memref_squeeze %dma_wait3A_134 : memref<1x128xi32, #tpu.memory_space<vmem>> -> memref<128xi32, #tpu.memory_space<vmem>>
      %dma_wait3A_136 = arith.constant 0 : i32
      %dma_wait3A_137 = arith.constant 0 : i32
      %dma_wait3A_138 = tpu.memref_slice %arg2[%dma_wait3A_136, %dma_wait3A_137] : memref<10000x128xf32, #tpu.memory_space<hbm>> -> memref<10000x128xf32, #tpu.memory_space<hbm>>
      tpu.wait_indirect_dma semaphore(%arg15 : memref<!tpu.dma_semaphore, #tpu.memory_space<semaphore_mem>>) src(%dma_wait3A_138 : memref<10000x128xf32, #tpu.memory_space<hbm>>) dst(%arg12 : memref<128x128xf32, #tpu.memory_space<vmem>>)
      %run_scoped3A_139 = arith.constant 7 : i32
      "tpu.region"() ({
        %run_scoped3A_188 = tpu.sem_alloc : memref<!tpu.dma_semaphore, #tpu.memory_space<semaphore_mem>>
        %dma_start3A_189 = arith.constant 0 : i32
        %dma_start3A_190 = tpu.memref_slice %arg9[%run_scoped3A_139, %dma_start3A_189] : memref<8x128xi32, #tpu.memory_space<vmem>> -> memref<1x128xi32, #tpu.memory_space<vmem>>
        %dma_start3A_191 = tpu.memref_squeeze %dma_start3A_190 : memref<1x128xi32, #tpu.memory_space<vmem>> -> memref<128xi32, #tpu.memory_space<vmem>>
        %dma_start3A_192 = arith.constant 0 : i32
        %dma_start3A_193 = arith.constant 0 : i32
        %dma_start3A_194 = tpu.memref_slice %arg13[%dma_start3A_192, %dma_start3A_193] : memref<10112x128xf32, #tpu.memory_space<vmem_shared>> -> memref<10112x128xf32, #tpu.memory_space<vmem_shared>>
        tpu.enqueue_indirect_dma source(%arg12 : memref<128x128xf32, #tpu.memory_space<vmem>>) target(%dma_start3A_194 : memref<10112x128xf32, #tpu.memory_space<vmem_shared>>) offsets(%dma_start3A_191 : memref<128xi32, #tpu.memory_space<vmem>>) semaphore(%run_scoped3A_188 : memref<!tpu.dma_semaphore, #tpu.memory_space<semaphore_mem>>) {add = true}
        %dma_wait3A_195 = arith.constant 0 : i32
        %dma_wait3A_196 = tpu.memref_slice %arg9[%run_scoped3A_139, %dma_wait3A_195] : memref<8x128xi32, #tpu.memory_space<vmem>> -> memref<1x128xi32, #tpu.memory_space<vmem>>
        %dma_wait3A_197 = tpu.memref_squeeze %dma_wait3A_196 : memref<1x128xi32, #tpu.memory_space<vmem>> -> memref<128xi32, #tpu.memory_space<vmem>>
        %dma_wait3A_198 = arith.constant 0 : i32
        %dma_wait3A_199 = arith.constant 0 : i32
        %dma_wait3A_200 = tpu.memref_slice %arg13[%dma_wait3A_198, %dma_wait3A_199] : memref<10112x128xf32, #tpu.memory_space<vmem_shared>> -> memref<10112x128xf32, #tpu.memory_space<vmem_shared>>
        tpu.wait_indirect_dma semaphore(%run_scoped3A_188 : memref<!tpu.dma_semaphore, #tpu.memory_space<semaphore_mem>>) src(%arg12 : memref<128x128xf32, #tpu.memory_space<vmem>>) dst(%dma_wait3A_200 : memref<10112x128xf32, #tpu.memory_space<vmem_shared>>)
        tpu.yield
      }) : () -> ()
      %dma_start3A_140 = arith.constant 1 : i32
      %dma_start3A_141 = arith.constant 0 : i32
      %dma_start3A_142 = tpu.memref_slice %arg8[%dma_start3A_140, %dma_start3A_141] : memref<8x128xi32, #tpu.memory_space<vmem>> -> memref<1x128xi32, #tpu.memory_space<vmem>>
      %dma_start3A_143 = tpu.memref_squeeze %dma_start3A_142 : memref<1x128xi32, #tpu.memory_space<vmem>> -> memref<128xi32, #tpu.memory_space<vmem>>
      %dma_start3A_144 = arith.constant 0 : i32
      %dma_start3A_145 = arith.constant 0 : i32
      %dma_start3A_146 = tpu.memref_slice %arg2[%dma_start3A_144, %dma_start3A_145] : memref<10000x128xf32, #tpu.memory_space<hbm>> -> memref<10000x128xf32, #tpu.memory_space<hbm>>
      tpu.enqueue_indirect_dma source(%dma_start3A_146 : memref<10000x128xf32, #tpu.memory_space<hbm>>) target(%arg12 : memref<128x128xf32, #tpu.memory_space<vmem>>) offsets(%dma_start3A_143 : memref<128xi32, #tpu.memory_space<vmem>>) semaphore(%arg15 : memref<!tpu.dma_semaphore, #tpu.memory_space<semaphore_mem>>)
      %convert_element_type3A_147 = arith.extui %lt3A : i1 to i32
      %cond3A_148 = arith.constant 0 : i32
      %cond3A_149 = arith.cmpi ne, %convert_element_type3A_147, %cond3A_148 : i32
      scf.if %cond3A_149 {
        %add3A_188 = arith.constant 2 : i32
        %add3A_189 = arith.addi %add3A_92, %add3A_188 : i32
        %dma_start3A_190 = arith.constant 0 : i32
        %dma_start3A_191 = arith.constant 0 : i32
        %dma_start3A_192 = tpu.memref_slice %arg3[%arg1, %add3A_189, %dma_start3A_190, %dma_start3A_191] : memref<16x20x8x128xi32, #tpu.memory_space<hbm>> -> memref<1x1x8x128xi32, #tpu.memory_space<hbm>>
        %dma_start3A_193 = tpu.memref_squeeze %dma_start3A_192 : memref<1x1x8x128xi32, #tpu.memory_space<hbm>> -> memref<8x128xi32, #tpu.memory_space<hbm>>
        %dma_start3A_194 = arith.constant 0 : i32
        %dma_start3A_195 = arith.constant 0 : i32
        %dma_start3A_196 = tpu.memref_slice %arg3[%arg1, %add3A_189, %dma_start3A_194, %dma_start3A_195] : memref<16x20x8x128xi32, #tpu.memory_space<hbm>> -> memref<1x1x8x128xi32, #tpu.memory_space<hbm>>
        %dma_start3A_197 = tpu.memref_squeeze %dma_start3A_196 : memref<1x1x8x128xi32, #tpu.memory_space<hbm>> -> memref<8x128xi32, #tpu.memory_space<hbm>>
        tpu.enqueue_dma source(%dma_start3A_197 : memref<8x128xi32, #tpu.memory_space<hbm>>) target(%arg7 : memref<8x128xi32, #tpu.memory_space<vmem>>) target_semaphore(%arg16 : memref<!tpu.dma_semaphore, #tpu.memory_space<semaphore_mem>>)
        %add3A_198 = arith.constant 2 : i32
        %add3A_199 = arith.addi %add3A_92, %add3A_198 : i32
        %dma_start3A_200 = arith.constant 0 : i32
        %dma_start3A_201 = arith.constant 0 : i32
        %dma_start3A_202 = tpu.memref_slice %arg4[%arg1, %add3A_199, %dma_start3A_200, %dma_start3A_201] : memref<16x20x8x128xi32, #tpu.memory_space<hbm>> -> memref<1x1x8x128xi32, #tpu.memory_space<hbm>>
        %dma_start3A_203 = tpu.memref_squeeze %dma_start3A_202 : memref<1x1x8x128xi32, #tpu.memory_space<hbm>> -> memref<8x128xi32, #tpu.memory_space<hbm>>
        %dma_start3A_204 = arith.constant 0 : i32
        %dma_start3A_205 = arith.constant 0 : i32
        %dma_start3A_206 = tpu.memref_slice %arg4[%arg1, %add3A_199, %dma_start3A_204, %dma_start3A_205] : memref<16x20x8x128xi32, #tpu.memory_space<hbm>> -> memref<1x1x8x128xi32, #tpu.memory_space<hbm>>
        %dma_start3A_207 = tpu.memref_squeeze %dma_start3A_206 : memref<1x1x8x128xi32, #tpu.memory_space<hbm>> -> memref<8x128xi32, #tpu.memory_space<hbm>>
        tpu.enqueue_dma source(%dma_start3A_207 : memref<8x128xi32, #tpu.memory_space<hbm>>) target(%arg9 : memref<8x128xi32, #tpu.memory_space<vmem>>) target_semaphore(%arg16 : memref<!tpu.dma_semaphore, #tpu.memory_space<semaphore_mem>>)
      } else {
      }
      %scan3A_150 = arith.constant 0 : i32
      %scan3A_151 = arith.constant 3 : i32
      %scan3A_152 = arith.addi %scan3A_150, %scan3A_151 : i32
      %scan3A_153 = arith.constant 1 : i32
      scf.for %scan3A_188 = %scan3A_150 to %scan3A_152 step %scan3A_153  : i32 {
        %mul3A_189 = arith.constant 2 : i32
        %mul3A_190 = arith.muli %scan3A_188, %mul3A_189 : i32
        %add3A_191 = arith.constant 0 : i32
        %add3A_192 = arith.addi %add3A_191, %mul3A_190 : i32
        %dma_wait3A_193 = arith.constant 0 : i32
        %dma_wait3A_194 = tpu.memref_slice %arg8[%add3A_192, %dma_wait3A_193] : memref<8x128xi32, #tpu.memory_space<vmem>> -> memref<1x128xi32, #tpu.memory_space<vmem>>
        %dma_wait3A_195 = tpu.memref_squeeze %dma_wait3A_194 : memref<1x128xi32, #tpu.memory_space<vmem>> -> memref<128xi32, #tpu.memory_space<vmem>>
        %dma_wait3A_196 = arith.constant 0 : i32
        %dma_wait3A_197 = arith.constant 0 : i32
        %dma_wait3A_198 = tpu.memref_slice %arg2[%dma_wait3A_196, %dma_wait3A_197] : memref<10000x128xf32, #tpu.memory_space<hbm>> -> memref<10000x128xf32, #tpu.memory_space<hbm>>
        tpu.wait_indirect_dma semaphore(%arg14 : memref<!tpu.dma_semaphore, #tpu.memory_space<semaphore_mem>>) src(%dma_wait3A_198 : memref<10000x128xf32, #tpu.memory_space<hbm>>) dst(%arg11 : memref<128x128xf32, #tpu.memory_space<vmem>>)
        "tpu.region"() ({
          %run_scoped3A_225 = tpu.sem_alloc : memref<!tpu.dma_semaphore, #tpu.memory_space<semaphore_mem>>
          %dma_start3A_226 = arith.constant 0 : i32
          %dma_start3A_227 = tpu.memref_slice %arg10[%add3A_192, %dma_start3A_226] : memref<8x128xi32, #tpu.memory_space<vmem>> -> memref<1x128xi32, #tpu.memory_space<vmem>>
          %dma_start3A_228 = tpu.memref_squeeze %dma_start3A_227 : memref<1x128xi32, #tpu.memory_space<vmem>> -> memref<128xi32, #tpu.memory_space<vmem>>
          %dma_start3A_229 = arith.constant 0 : i32
          %dma_start3A_230 = arith.constant 0 : i32
          %dma_start3A_231 = tpu.memref_slice %arg13[%dma_start3A_229, %dma_start3A_230] : memref<10112x128xf32, #tpu.memory_space<vmem_shared>> -> memref<10112x128xf32, #tpu.memory_space<vmem_shared>>
          tpu.enqueue_indirect_dma source(%arg11 : memref<128x128xf32, #tpu.memory_space<vmem>>) target(%dma_start3A_231 : memref<10112x128xf32, #tpu.memory_space<vmem_shared>>) offsets(%dma_start3A_228 : memref<128xi32, #tpu.memory_space<vmem>>) semaphore(%run_scoped3A_225 : memref<!tpu.dma_semaphore, #tpu.memory_space<semaphore_mem>>) {add = true}
          %dma_wait3A_232 = arith.constant 0 : i32
          %dma_wait3A_233 = tpu.memref_slice %arg10[%add3A_192, %dma_wait3A_232] : memref<8x128xi32, #tpu.memory_space<vmem>> -> memref<1x128xi32, #tpu.memory_space<vmem>>
          %dma_wait3A_234 = tpu.memref_squeeze %dma_wait3A_233 : memref<1x128xi32, #tpu.memory_space<vmem>> -> memref<128xi32, #tpu.memory_space<vmem>>
          %dma_wait3A_235 = arith.constant 0 : i32
          %dma_wait3A_236 = arith.constant 0 : i32
          %dma_wait3A_237 = tpu.memref_slice %arg13[%dma_wait3A_235, %dma_wait3A_236] : memref<10112x128xf32, #tpu.memory_space<vmem_shared>> -> memref<10112x128xf32, #tpu.memory_space<vmem_shared>>
          tpu.wait_indirect_dma semaphore(%run_scoped3A_225 : memref<!tpu.dma_semaphore, #tpu.memory_space<semaphore_mem>>) src(%arg11 : memref<128x128xf32, #tpu.memory_space<vmem>>) dst(%dma_wait3A_237 : memref<10112x128xf32, #tpu.memory_space<vmem_shared>>)
          tpu.yield
        }) : () -> ()
        %add3A_199 = arith.constant 2 : i32
        %add3A_200 = arith.addi %add3A_192, %add3A_199 : i32
        %dma_start3A_201 = arith.constant 0 : i32
        %dma_start3A_202 = tpu.memref_slice %arg8[%add3A_200, %dma_start3A_201] : memref<8x128xi32, #tpu.memory_space<vmem>> -> memref<1x128xi32, #tpu.memory_space<vmem>>
        %dma_start3A_203 = tpu.memref_squeeze %dma_start3A_202 : memref<1x128xi32, #tpu.memory_space<vmem>> -> memref<128xi32, #tpu.memory_space<vmem>>
        %dma_start3A_204 = arith.constant 0 : i32
        %dma_start3A_205 = arith.constant 0 : i32
        %dma_start3A_206 = tpu.memref_slice %arg2[%dma_start3A_204, %dma_start3A_205] : memref<10000x128xf32, #tpu.memory_space<hbm>> -> memref<10000x128xf32, #tpu.memory_space<hbm>>
        tpu.enqueue_indirect_dma source(%dma_start3A_206 : memref<10000x128xf32, #tpu.memory_space<hbm>>) target(%arg11 : memref<128x128xf32, #tpu.memory_space<vmem>>) offsets(%dma_start3A_203 : memref<128xi32, #tpu.memory_space<vmem>>) semaphore(%arg14 : memref<!tpu.dma_semaphore, #tpu.memory_space<semaphore_mem>>)
        %add3A_207 = arith.constant 1 : i32
        %add3A_208 = arith.addi %add3A_192, %add3A_207 : i32
        %dma_wait3A_209 = arith.constant 0 : i32
        %dma_wait3A_210 = tpu.memref_slice %arg8[%add3A_208, %dma_wait3A_209] : memref<8x128xi32, #tpu.memory_space<vmem>> -> memref<1x128xi32, #tpu.memory_space<vmem>>
        %dma_wait3A_211 = tpu.memref_squeeze %dma_wait3A_210 : memref<1x128xi32, #tpu.memory_space<vmem>> -> memref<128xi32, #tpu.memory_space<vmem>>
        %dma_wait3A_212 = arith.constant 0 : i32
        %dma_wait3A_213 = arith.constant 0 : i32
        %dma_wait3A_214 = tpu.memref_slice %arg2[%dma_wait3A_212, %dma_wait3A_213] : memref<10000x128xf32, #tpu.memory_space<hbm>> -> memref<10000x128xf32, #tpu.memory_space<hbm>>
        tpu.wait_indirect_dma semaphore(%arg15 : memref<!tpu.dma_semaphore, #tpu.memory_space<semaphore_mem>>) src(%dma_wait3A_214 : memref<10000x128xf32, #tpu.memory_space<hbm>>) dst(%arg12 : memref<128x128xf32, #tpu.memory_space<vmem>>)
        %add3A_215 = arith.constant 1 : i32
        %add3A_216 = arith.addi %add3A_192, %add3A_215 : i32
        "tpu.region"() ({
          %run_scoped3A_225 = tpu.sem_alloc : memref<!tpu.dma_semaphore, #tpu.memory_space<semaphore_mem>>
          %dma_start3A_226 = arith.constant 0 : i32
          %dma_start3A_227 = tpu.memref_slice %arg10[%add3A_216, %dma_start3A_226] : memref<8x128xi32, #tpu.memory_space<vmem>> -> memref<1x128xi32, #tpu.memory_space<vmem>>
          %dma_start3A_228 = tpu.memref_squeeze %dma_start3A_227 : memref<1x128xi32, #tpu.memory_space<vmem>> -> memref<128xi32, #tpu.memory_space<vmem>>
          %dma_start3A_229 = arith.constant 0 : i32
          %dma_start3A_230 = arith.constant 0 : i32
          %dma_start3A_231 = tpu.memref_slice %arg13[%dma_start3A_229, %dma_start3A_230] : memref<10112x128xf32, #tpu.memory_space<vmem_shared>> -> memref<10112x128xf32, #tpu.memory_space<vmem_shared>>
          tpu.enqueue_indirect_dma source(%arg12 : memref<128x128xf32, #tpu.memory_space<vmem>>) target(%dma_start3A_231 : memref<10112x128xf32, #tpu.memory_space<vmem_shared>>) offsets(%dma_start3A_228 : memref<128xi32, #tpu.memory_space<vmem>>) semaphore(%run_scoped3A_225 : memref<!tpu.dma_semaphore, #tpu.memory_space<semaphore_mem>>) {add = true}
          %dma_wait3A_232 = arith.constant 0 : i32
          %dma_wait3A_233 = tpu.memref_slice %arg10[%add3A_216, %dma_wait3A_232] : memref<8x128xi32, #tpu.memory_space<vmem>> -> memref<1x128xi32, #tpu.memory_space<vmem>>
          %dma_wait3A_234 = tpu.memref_squeeze %dma_wait3A_233 : memref<1x128xi32, #tpu.memory_space<vmem>> -> memref<128xi32, #tpu.memory_space<vmem>>
          %dma_wait3A_235 = arith.constant 0 : i32
          %dma_wait3A_236 = arith.constant 0 : i32
          %dma_wait3A_237 = tpu.memref_slice %arg13[%dma_wait3A_235, %dma_wait3A_236] : memref<10112x128xf32, #tpu.memory_space<vmem_shared>> -> memref<10112x128xf32, #tpu.memory_space<vmem_shared>>
          tpu.wait_indirect_dma semaphore(%run_scoped3A_225 : memref<!tpu.dma_semaphore, #tpu.memory_space<semaphore_mem>>) src(%arg12 : memref<128x128xf32, #tpu.memory_space<vmem>>) dst(%dma_wait3A_237 : memref<10112x128xf32, #tpu.memory_space<vmem_shared>>)
          tpu.yield
        }) : () -> ()
        %add3A_217 = arith.constant 3 : i32
        %add3A_218 = arith.addi %add3A_192, %add3A_217 : i32
        %dma_start3A_219 = arith.constant 0 : i32
        %dma_start3A_220 = tpu.memref_slice %arg8[%add3A_218, %dma_start3A_219] : memref<8x128xi32, #tpu.memory_space<vmem>> -> memref<1x128xi32, #tpu.memory_space<vmem>>
        %dma_start3A_221 = tpu.memref_squeeze %dma_start3A_220 : memref<1x128xi32, #tpu.memory_space<vmem>> -> memref<128xi32, #tpu.memory_space<vmem>>
        %dma_start3A_222 = arith.constant 0 : i32
        %dma_start3A_223 = arith.constant 0 : i32
        %dma_start3A_224 = tpu.memref_slice %arg2[%dma_start3A_222, %dma_start3A_223] : memref<10000x128xf32, #tpu.memory_space<hbm>> -> memref<10000x128xf32, #tpu.memory_space<hbm>>
        tpu.enqueue_indirect_dma source(%dma_start3A_224 : memref<10000x128xf32, #tpu.memory_space<hbm>>) target(%arg12 : memref<128x128xf32, #tpu.memory_space<vmem>>) offsets(%dma_start3A_221 : memref<128xi32, #tpu.memory_space<vmem>>) semaphore(%arg15 : memref<!tpu.dma_semaphore, #tpu.memory_space<semaphore_mem>>)
      }
      %scan3A_154 = arith.constant 3 : i32
      %convert_element_type3A_155 = arith.extui %lt3A : i1 to i32
      %cond3A_156 = arith.constant 0 : i32
      %cond3A_157 = arith.cmpi ne, %convert_element_type3A_155, %cond3A_156 : i32
      scf.if %cond3A_157 {
        %add3A_188 = arith.constant 2 : i32
        %add3A_189 = arith.addi %add3A_92, %add3A_188 : i32
        %dma_wait3A_190 = arith.constant 0 : i32
        %dma_wait3A_191 = arith.constant 0 : i32
        %dma_wait3A_192 = tpu.memref_slice %arg3[%arg1, %add3A_189, %dma_wait3A_190, %dma_wait3A_191] : memref<16x20x8x128xi32, #tpu.memory_space<hbm>> -> memref<1x1x8x128xi32, #tpu.memory_space<hbm>>
        %dma_wait3A_193 = tpu.memref_squeeze %dma_wait3A_192 : memref<1x1x8x128xi32, #tpu.memory_space<hbm>> -> memref<8x128xi32, #tpu.memory_space<hbm>>
        %dma_wait3A_194 = arith.constant 0 : i32
        %dma_wait3A_195 = arith.constant 0 : i32
        %dma_wait3A_196 = tpu.memref_slice %arg3[%arg1, %add3A_189, %dma_wait3A_194, %dma_wait3A_195] : memref<16x20x8x128xi32, #tpu.memory_space<hbm>> -> memref<1x1x8x128xi32, #tpu.memory_space<hbm>>
        %dma_wait3A_197 = tpu.memref_squeeze %dma_wait3A_196 : memref<1x1x8x128xi32, #tpu.memory_space<hbm>> -> memref<8x128xi32, #tpu.memory_space<hbm>>
        tpu.wait_dma2 semaphore(%arg16 : memref<!tpu.dma_semaphore, #tpu.memory_space<semaphore_mem>>) src(%dma_wait3A_197 : memref<8x128xi32, #tpu.memory_space<hbm>>) dst(%arg7 : memref<8x128xi32, #tpu.memory_space<vmem>>)
        %add3A_198 = arith.constant 2 : i32
        %add3A_199 = arith.addi %add3A_92, %add3A_198 : i32
        %dma_wait3A_200 = arith.constant 0 : i32
        %dma_wait3A_201 = arith.constant 0 : i32
        %dma_wait3A_202 = tpu.memref_slice %arg4[%arg1, %add3A_199, %dma_wait3A_200, %dma_wait3A_201] : memref<16x20x8x128xi32, #tpu.memory_space<hbm>> -> memref<1x1x8x128xi32, #tpu.memory_space<hbm>>
        %dma_wait3A_203 = tpu.memref_squeeze %dma_wait3A_202 : memref<1x1x8x128xi32, #tpu.memory_space<hbm>> -> memref<8x128xi32, #tpu.memory_space<hbm>>
        %dma_wait3A_204 = arith.constant 0 : i32
        %dma_wait3A_205 = arith.constant 0 : i32
        %dma_wait3A_206 = tpu.memref_slice %arg4[%arg1, %add3A_199, %dma_wait3A_204, %dma_wait3A_205] : memref<16x20x8x128xi32, #tpu.memory_space<hbm>> -> memref<1x1x8x128xi32, #tpu.memory_space<hbm>>
        %dma_wait3A_207 = tpu.memref_squeeze %dma_wait3A_206 : memref<1x1x8x128xi32, #tpu.memory_space<hbm>> -> memref<8x128xi32, #tpu.memory_space<hbm>>
        tpu.wait_dma2 semaphore(%arg16 : memref<!tpu.dma_semaphore, #tpu.memory_space<semaphore_mem>>) src(%dma_wait3A_207 : memref<8x128xi32, #tpu.memory_space<hbm>>) dst(%arg9 : memref<8x128xi32, #tpu.memory_space<vmem>>)
      } else {
      }
      %dma_wait3A_158 = arith.constant 6 : i32
      %dma_wait3A_159 = arith.constant 0 : i32
      %dma_wait3A_160 = tpu.memref_slice %arg8[%dma_wait3A_158, %dma_wait3A_159] : memref<8x128xi32, #tpu.memory_space<vmem>> -> memref<1x128xi32, #tpu.memory_space<vmem>>
      %dma_wait3A_161 = tpu.memref_squeeze %dma_wait3A_160 : memref<1x128xi32, #tpu.memory_space<vmem>> -> memref<128xi32, #tpu.memory_space<vmem>>
      %dma_wait3A_162 = arith.constant 0 : i32
      %dma_wait3A_163 = arith.constant 0 : i32
      %dma_wait3A_164 = tpu.memref_slice %arg2[%dma_wait3A_162, %dma_wait3A_163] : memref<10000x128xf32, #tpu.memory_space<hbm>> -> memref<10000x128xf32, #tpu.memory_space<hbm>>
      tpu.wait_indirect_dma semaphore(%arg14 : memref<!tpu.dma_semaphore, #tpu.memory_space<semaphore_mem>>) src(%dma_wait3A_164 : memref<10000x128xf32, #tpu.memory_space<hbm>>) dst(%arg11 : memref<128x128xf32, #tpu.memory_space<vmem>>)
      %run_scoped3A_165 = arith.constant 6 : i32
      "tpu.region"() ({
        %run_scoped3A_188 = tpu.sem_alloc : memref<!tpu.dma_semaphore, #tpu.memory_space<semaphore_mem>>
        %dma_start3A_189 = arith.constant 0 : i32
        %dma_start3A_190 = tpu.memref_slice %arg10[%run_scoped3A_165, %dma_start3A_189] : memref<8x128xi32, #tpu.memory_space<vmem>> -> memref<1x128xi32, #tpu.memory_space<vmem>>
        %dma_start3A_191 = tpu.memref_squeeze %dma_start3A_190 : memref<1x128xi32, #tpu.memory_space<vmem>> -> memref<128xi32, #tpu.memory_space<vmem>>
        %dma_start3A_192 = arith.constant 0 : i32
        %dma_start3A_193 = arith.constant 0 : i32
        %dma_start3A_194 = tpu.memref_slice %arg13[%dma_start3A_192, %dma_start3A_193] : memref<10112x128xf32, #tpu.memory_space<vmem_shared>> -> memref<10112x128xf32, #tpu.memory_space<vmem_shared>>
        tpu.enqueue_indirect_dma source(%arg11 : memref<128x128xf32, #tpu.memory_space<vmem>>) target(%dma_start3A_194 : memref<10112x128xf32, #tpu.memory_space<vmem_shared>>) offsets(%dma_start3A_191 : memref<128xi32, #tpu.memory_space<vmem>>) semaphore(%run_scoped3A_188 : memref<!tpu.dma_semaphore, #tpu.memory_space<semaphore_mem>>) {add = true}
        %dma_wait3A_195 = arith.constant 0 : i32
        %dma_wait3A_196 = tpu.memref_slice %arg10[%run_scoped3A_165, %dma_wait3A_195] : memref<8x128xi32, #tpu.memory_space<vmem>> -> memref<1x128xi32, #tpu.memory_space<vmem>>
        %dma_wait3A_197 = tpu.memref_squeeze %dma_wait3A_196 : memref<1x128xi32, #tpu.memory_space<vmem>> -> memref<128xi32, #tpu.memory_space<vmem>>
        %dma_wait3A_198 = arith.constant 0 : i32
        %dma_wait3A_199 = arith.constant 0 : i32
        %dma_wait3A_200 = tpu.memref_slice %arg13[%dma_wait3A_198, %dma_wait3A_199] : memref<10112x128xf32, #tpu.memory_space<vmem_shared>> -> memref<10112x128xf32, #tpu.memory_space<vmem_shared>>
        tpu.wait_indirect_dma semaphore(%run_scoped3A_188 : memref<!tpu.dma_semaphore, #tpu.memory_space<semaphore_mem>>) src(%arg11 : memref<128x128xf32, #tpu.memory_space<vmem>>) dst(%dma_wait3A_200 : memref<10112x128xf32, #tpu.memory_space<vmem_shared>>)
        tpu.yield
      }) : () -> ()
      %convert_element_type3A_166 = arith.extui %lt3A : i1 to i32
      %cond3A_167 = arith.constant 0 : i32
      %cond3A_168 = arith.cmpi ne, %convert_element_type3A_166, %cond3A_167 : i32
      scf.if %cond3A_168 {
        %dma_start3A_188 = arith.constant 0 : i32
        %dma_start3A_189 = arith.constant 0 : i32
        %dma_start3A_190 = tpu.memref_slice %arg7[%dma_start3A_188, %dma_start3A_189] : memref<8x128xi32, #tpu.memory_space<vmem>> -> memref<1x128xi32, #tpu.memory_space<vmem>>
        %dma_start3A_191 = tpu.memref_squeeze %dma_start3A_190 : memref<1x128xi32, #tpu.memory_space<vmem>> -> memref<128xi32, #tpu.memory_space<vmem>>
        %dma_start3A_192 = arith.constant 0 : i32
        %dma_start3A_193 = arith.constant 0 : i32
        %dma_start3A_194 = tpu.memref_slice %arg2[%dma_start3A_192, %dma_start3A_193] : memref<10000x128xf32, #tpu.memory_space<hbm>> -> memref<10000x128xf32, #tpu.memory_space<hbm>>
        tpu.enqueue_indirect_dma source(%dma_start3A_194 : memref<10000x128xf32, #tpu.memory_space<hbm>>) target(%arg11 : memref<128x128xf32, #tpu.memory_space<vmem>>) offsets(%dma_start3A_191 : memref<128xi32, #tpu.memory_space<vmem>>) semaphore(%arg14 : memref<!tpu.dma_semaphore, #tpu.memory_space<semaphore_mem>>)
      } else {
      }
      %dma_wait3A_169 = arith.constant 7 : i32
      %dma_wait3A_170 = arith.constant 0 : i32
      %dma_wait3A_171 = tpu.memref_slice %arg8[%dma_wait3A_169, %dma_wait3A_170] : memref<8x128xi32, #tpu.memory_space<vmem>> -> memref<1x128xi32, #tpu.memory_space<vmem>>
      %dma_wait3A_172 = tpu.memref_squeeze %dma_wait3A_171 : memref<1x128xi32, #tpu.memory_space<vmem>> -> memref<128xi32, #tpu.memory_space<vmem>>
      %dma_wait3A_173 = arith.constant 0 : i32
      %dma_wait3A_174 = arith.constant 0 : i32
      %dma_wait3A_175 = tpu.memref_slice %arg2[%dma_wait3A_173, %dma_wait3A_174] : memref<10000x128xf32, #tpu.memory_space<hbm>> -> memref<10000x128xf32, #tpu.memory_space<hbm>>
      tpu.wait_indirect_dma semaphore(%arg15 : memref<!tpu.dma_semaphore, #tpu.memory_space<semaphore_mem>>) src(%dma_wait3A_175 : memref<10000x128xf32, #tpu.memory_space<hbm>>) dst(%arg12 : memref<128x128xf32, #tpu.memory_space<vmem>>)
      %run_scoped3A_176 = arith.constant 7 : i32
      "tpu.region"() ({
        %run_scoped3A_188 = tpu.sem_alloc : memref<!tpu.dma_semaphore, #tpu.memory_space<semaphore_mem>>
        %dma_start3A_189 = arith.constant 0 : i32
        %dma_start3A_190 = tpu.memref_slice %arg10[%run_scoped3A_176, %dma_start3A_189] : memref<8x128xi32, #tpu.memory_space<vmem>> -> memref<1x128xi32, #tpu.memory_space<vmem>>
        %dma_start3A_191 = tpu.memref_squeeze %dma_start3A_190 : memref<1x128xi32, #tpu.memory_space<vmem>> -> memref<128xi32, #tpu.memory_space<vmem>>
        %dma_start3A_192 = arith.constant 0 : i32
        %dma_start3A_193 = arith.constant 0 : i32
        %dma_start3A_194 = tpu.memref_slice %arg13[%dma_start3A_192, %dma_start3A_193] : memref<10112x128xf32, #tpu.memory_space<vmem_shared>> -> memref<10112x128xf32, #tpu.memory_space<vmem_shared>>
        tpu.enqueue_indirect_dma source(%arg12 : memref<128x128xf32, #tpu.memory_space<vmem>>) target(%dma_start3A_194 : memref<10112x128xf32, #tpu.memory_space<vmem_shared>>) offsets(%dma_start3A_191 : memref<128xi32, #tpu.memory_space<vmem>>) semaphore(%run_scoped3A_188 : memref<!tpu.dma_semaphore, #tpu.memory_space<semaphore_mem>>) {add = true}
        %dma_wait3A_195 = arith.constant 0 : i32
        %dma_wait3A_196 = tpu.memref_slice %arg10[%run_scoped3A_176, %dma_wait3A_195] : memref<8x128xi32, #tpu.memory_space<vmem>> -> memref<1x128xi32, #tpu.memory_space<vmem>>
        %dma_wait3A_197 = tpu.memref_squeeze %dma_wait3A_196 : memref<1x128xi32, #tpu.memory_space<vmem>> -> memref<128xi32, #tpu.memory_space<vmem>>
        %dma_wait3A_198 = arith.constant 0 : i32
        %dma_wait3A_199 = arith.constant 0 : i32
        %dma_wait3A_200 = tpu.memref_slice %arg13[%dma_wait3A_198, %dma_wait3A_199] : memref<10112x128xf32, #tpu.memory_space<vmem_shared>> -> memref<10112x128xf32, #tpu.memory_space<vmem_shared>>
        tpu.wait_indirect_dma semaphore(%run_scoped3A_188 : memref<!tpu.dma_semaphore, #tpu.memory_space<semaphore_mem>>) src(%arg12 : memref<128x128xf32, #tpu.memory_space<vmem>>) dst(%dma_wait3A_200 : memref<10112x128xf32, #tpu.memory_space<vmem_shared>>)
        tpu.yield
      }) : () -> ()
      %convert_element_type3A_177 = arith.extui %lt3A : i1 to i32
      %cond3A_178 = arith.constant 0 : i32
      %cond3A_179 = arith.cmpi ne, %convert_element_type3A_177, %cond3A_178 : i32
      scf.if %cond3A_179 {
        %dma_start3A_188 = arith.constant 1 : i32
        %dma_start3A_189 = arith.constant 0 : i32
        %dma_start3A_190 = tpu.memref_slice %arg7[%dma_start3A_188, %dma_start3A_189] : memref<8x128xi32, #tpu.memory_space<vmem>> -> memref<1x128xi32, #tpu.memory_space<vmem>>
        %dma_start3A_191 = tpu.memref_squeeze %dma_start3A_190 : memref<1x128xi32, #tpu.memory_space<vmem>> -> memref<128xi32, #tpu.memory_space<vmem>>
        %dma_start3A_192 = arith.constant 0 : i32
        %dma_start3A_193 = arith.constant 0 : i32
        %dma_start3A_194 = tpu.memref_slice %arg2[%dma_start3A_192, %dma_start3A_193] : memref<10000x128xf32, #tpu.memory_space<hbm>> -> memref<10000x128xf32, #tpu.memory_space<hbm>>
        tpu.enqueue_indirect_dma source(%dma_start3A_194 : memref<10000x128xf32, #tpu.memory_space<hbm>>) target(%arg12 : memref<128x128xf32, #tpu.memory_space<vmem>>) offsets(%dma_start3A_191 : memref<128xi32, #tpu.memory_space<vmem>>) semaphore(%arg15 : memref<!tpu.dma_semaphore, #tpu.memory_space<semaphore_mem>>)
      } else {
      }
      %mul3A_180 = arith.constant 2 : i32
      %mul3A_181 = arith.muli %mul3A_180, %add3A_89 : i32
      %add3A_182 = arith.constant 3 : i32
      %add3A_183 = arith.addi %mul3A_181, %add3A_182 : i32
      %lt3A_184 = arith.cmpi slt, %add3A_183, %select_n3A : i32
      %convert_element_type3A_185 = arith.extui %lt3A_184 : i1 to i32
      %cond3A_186 = arith.constant 0 : i32
      %cond3A_187 = arith.cmpi ne, %convert_element_type3A_185, %cond3A_186 : i32
      scf.if %cond3A_187 {
        %add3A_188 = arith.constant 2 : i32
        %add3A_189 = arith.addi %add3A_94, %add3A_188 : i32
        %dma_start3A_190 = arith.constant 0 : i32
        %dma_start3A_191 = arith.constant 0 : i32
        %dma_start3A_192 = tpu.memref_slice %arg3[%arg1, %add3A_189, %dma_start3A_190, %dma_start3A_191] : memref<16x20x8x128xi32, #tpu.memory_space<hbm>> -> memref<1x1x8x128xi32, #tpu.memory_space<hbm>>
        %dma_start3A_193 = tpu.memref_squeeze %dma_start3A_192 : memref<1x1x8x128xi32, #tpu.memory_space<hbm>> -> memref<8x128xi32, #tpu.memory_space<hbm>>
        %dma_start3A_194 = arith.constant 0 : i32
        %dma_start3A_195 = arith.constant 0 : i32
        %dma_start3A_196 = tpu.memref_slice %arg3[%arg1, %add3A_189, %dma_start3A_194, %dma_start3A_195] : memref<16x20x8x128xi32, #tpu.memory_space<hbm>> -> memref<1x1x8x128xi32, #tpu.memory_space<hbm>>
        %dma_start3A_197 = tpu.memref_squeeze %dma_start3A_196 : memref<1x1x8x128xi32, #tpu.memory_space<hbm>> -> memref<8x128xi32, #tpu.memory_space<hbm>>
        tpu.enqueue_dma source(%dma_start3A_197 : memref<8x128xi32, #tpu.memory_space<hbm>>) target(%arg8 : memref<8x128xi32, #tpu.memory_space<vmem>>) target_semaphore(%arg17 : memref<!tpu.dma_semaphore, #tpu.memory_space<semaphore_mem>>)
        %add3A_198 = arith.constant 2 : i32
        %add3A_199 = arith.addi %add3A_94, %add3A_198 : i32
        %dma_start3A_200 = arith.constant 0 : i32
        %dma_start3A_201 = arith.constant 0 : i32
        %dma_start3A_202 = tpu.memref_slice %arg4[%arg1, %add3A_199, %dma_start3A_200, %dma_start3A_201] : memref<16x20x8x128xi32, #tpu.memory_space<hbm>> -> memref<1x1x8x128xi32, #tpu.memory_space<hbm>>
        %dma_start3A_203 = tpu.memref_squeeze %dma_start3A_202 : memref<1x1x8x128xi32, #tpu.memory_space<hbm>> -> memref<8x128xi32, #tpu.memory_space<hbm>>
        %dma_start3A_204 = arith.constant 0 : i32
        %dma_start3A_205 = arith.constant 0 : i32
        %dma_start3A_206 = tpu.memref_slice %arg4[%arg1, %add3A_199, %dma_start3A_204, %dma_start3A_205] : memref<16x20x8x128xi32, #tpu.memory_space<hbm>> -> memref<1x1x8x128xi32, #tpu.memory_space<hbm>>
        %dma_start3A_207 = tpu.memref_squeeze %dma_start3A_206 : memref<1x1x8x128xi32, #tpu.memory_space<hbm>> -> memref<8x128xi32, #tpu.memory_space<hbm>>
        tpu.enqueue_dma source(%dma_start3A_207 : memref<8x128xi32, #tpu.memory_space<hbm>>) target(%arg10 : memref<8x128xi32, #tpu.memory_space<vmem>>) target_semaphore(%arg17 : memref<!tpu.dma_semaphore, #tpu.memory_space<semaphore_mem>>)
      } else {
      }
    }
    %while3A_82 = arith.constant 1 : i32
    scf.for %while3A_87 = %while3A_80 to %while3A_76 step %while3A_82  : i32 {
      %mul3A_88 = arith.muli %while3A_87, %while3A : i32
      %add3A_89 = arith.addi %while3A_73, %mul3A_88 : i32
      %mul3A_90 = arith.constant 2 : i32
      %mul3A_91 = arith.muli %mul3A_90, %add3A_89 : i32
      %add3A_92 = arith.addi %select_n3A_24, %mul3A_91 : i32
      %add3A_93 = arith.constant 1 : i32
      %add3A_94 = arith.addi %add3A_92, %add3A_93 : i32
      %mul3A_95 = arith.constant 2 : i32
      %mul3A_96 = arith.muli %mul3A_95, %add3A_89 : i32
      %add3A_97 = arith.constant 2 : i32
      %add3A_98 = arith.addi %mul3A_96, %add3A_97 : i32
      %lt3A = arith.cmpi slt, %add3A_98, %select_n3A : i32
      %scan3A = arith.constant 0 : i32
      %scan3A_99 = arith.constant 3 : i32
      %scan3A_100 = arith.addi %scan3A, %scan3A_99 : i32
      %scan3A_101 = arith.constant 1 : i32
      scf.for %scan3A_188 = %scan3A to %scan3A_100 step %scan3A_101  : i32 {
        %mul3A_189 = arith.constant 2 : i32
        %mul3A_190 = arith.muli %scan3A_188, %mul3A_189 : i32
        %add3A_191 = arith.constant 0 : i32
        %add3A_192 = arith.addi %add3A_191, %mul3A_190 : i32
        %dma_wait3A_193 = arith.constant 0 : i32
        %dma_wait3A_194 = tpu.memref_slice %arg7[%add3A_192, %dma_wait3A_193] : memref<8x128xi32, #tpu.memory_space<vmem>> -> memref<1x128xi32, #tpu.memory_space<vmem>>
        %dma_wait3A_195 = tpu.memref_squeeze %dma_wait3A_194 : memref<1x128xi32, #tpu.memory_space<vmem>> -> memref<128xi32, #tpu.memory_space<vmem>>
        %dma_wait3A_196 = arith.constant 0 : i32
        %dma_wait3A_197 = arith.constant 0 : i32
        %dma_wait3A_198 = tpu.memref_slice %arg2[%dma_wait3A_196, %dma_wait3A_197] : memref<10000x128xf32, #tpu.memory_space<hbm>> -> memref<10000x128xf32, #tpu.memory_space<hbm>>
        tpu.wait_indirect_dma semaphore(%arg14 : memref<!tpu.dma_semaphore, #tpu.memory_space<semaphore_mem>>) src(%dma_wait3A_198 : memref<10000x128xf32, #tpu.memory_space<hbm>>) dst(%arg11 : memref<128x128xf32, #tpu.memory_space<vmem>>)
        "tpu.region"() ({
          %run_scoped3A_225 = tpu.sem_alloc : memref<!tpu.dma_semaphore, #tpu.memory_space<semaphore_mem>>
          %dma_start3A_226 = arith.constant 0 : i32
          %dma_start3A_227 = tpu.memref_slice %arg9[%add3A_192, %dma_start3A_226] : memref<8x128xi32, #tpu.memory_space<vmem>> -> memref<1x128xi32, #tpu.memory_space<vmem>>
          %dma_start3A_228 = tpu.memref_squeeze %dma_start3A_227 : memref<1x128xi32, #tpu.memory_space<vmem>> -> memref<128xi32, #tpu.memory_space<vmem>>
          %dma_start3A_229 = arith.constant 0 : i32
          %dma_start3A_230 = arith.constant 0 : i32
          %dma_start3A_231 = tpu.memref_slice %arg13[%dma_start3A_229, %dma_start3A_230] : memref<10112x128xf32, #tpu.memory_space<vmem_shared>> -> memref<10112x128xf32, #tpu.memory_space<vmem_shared>>
          tpu.enqueue_indirect_dma source(%arg11 : memref<128x128xf32, #tpu.memory_space<vmem>>) target(%dma_start3A_231 : memref<10112x128xf32, #tpu.memory_space<vmem_shared>>) offsets(%dma_start3A_228 : memref<128xi32, #tpu.memory_space<vmem>>) semaphore(%run_scoped3A_225 : memref<!tpu.dma_semaphore, #tpu.memory_space<semaphore_mem>>) {add = true}
          %dma_wait3A_232 = arith.constant 0 : i32
          %dma_wait3A_233 = tpu.memref_slice %arg9[%add3A_192, %dma_wait3A_232] : memref<8x128xi32, #tpu.memory_space<vmem>> -> memref<1x128xi32, #tpu.memory_space<vmem>>
          %dma_wait3A_234 = tpu.memref_squeeze %dma_wait3A_233 : memref<1x128xi32, #tpu.memory_space<vmem>> -> memref<128xi32, #tpu.memory_space<vmem>>
          %dma_wait3A_235 = arith.constant 0 : i32
          %dma_wait3A_236 = arith.constant 0 : i32
          %dma_wait3A_237 = tpu.memref_slice %arg13[%dma_wait3A_235, %dma_wait3A_236] : memref<10112x128xf32, #tpu.memory_space<vmem_shared>> -> memref<10112x128xf32, #tpu.memory_space<vmem_shared>>
          tpu.wait_indirect_dma semaphore(%run_scoped3A_225 : memref<!tpu.dma_semaphore, #tpu.memory_space<semaphore_mem>>) src(%arg11 : memref<128x128xf32, #tpu.memory_space<vmem>>) dst(%dma_wait3A_237 : memref<10112x128xf32, #tpu.memory_space<vmem_shared>>)
          tpu.yield
        }) : () -> ()
        %add3A_199 = arith.constant 2 : i32
        %add3A_200 = arith.addi %add3A_192, %add3A_199 : i32
        %dma_start3A_201 = arith.constant 0 : i32
        %dma_start3A_202 = tpu.memref_slice %arg7[%add3A_200, %dma_start3A_201] : memref<8x128xi32, #tpu.memory_space<vmem>> -> memref<1x128xi32, #tpu.memory_space<vmem>>
        %dma_start3A_203 = tpu.memref_squeeze %dma_start3A_202 : memref<1x128xi32, #tpu.memory_space<vmem>> -> memref<128xi32, #tpu.memory_space<vmem>>
        %dma_start3A_204 = arith.constant 0 : i32
        %dma_start3A_205 = arith.constant 0 : i32
        %dma_start3A_206 = tpu.memref_slice %arg2[%dma_start3A_204, %dma_start3A_205] : memref<10000x128xf32, #tpu.memory_space<hbm>> -> memref<10000x128xf32, #tpu.memory_space<hbm>>
        tpu.enqueue_indirect_dma source(%dma_start3A_206 : memref<10000x128xf32, #tpu.memory_space<hbm>>) target(%arg11 : memref<128x128xf32, #tpu.memory_space<vmem>>) offsets(%dma_start3A_203 : memref<128xi32, #tpu.memory_space<vmem>>) semaphore(%arg14 : memref<!tpu.dma_semaphore, #tpu.memory_space<semaphore_mem>>)
        %add3A_207 = arith.constant 1 : i32
        %add3A_208 = arith.addi %add3A_192, %add3A_207 : i32
        %dma_wait3A_209 = arith.constant 0 : i32
        %dma_wait3A_210 = tpu.memref_slice %arg7[%add3A_208, %dma_wait3A_209] : memref<8x128xi32, #tpu.memory_space<vmem>> -> memref<1x128xi32, #tpu.memory_space<vmem>>
        %dma_wait3A_211 = tpu.memref_squeeze %dma_wait3A_210 : memref<1x128xi32, #tpu.memory_space<vmem>> -> memref<128xi32, #tpu.memory_space<vmem>>
        %dma_wait3A_212 = arith.constant 0 : i32
        %dma_wait3A_213 = arith.constant 0 : i32
        %dma_wait3A_214 = tpu.memref_slice %arg2[%dma_wait3A_212, %dma_wait3A_213] : memref<10000x128xf32, #tpu.memory_space<hbm>> -> memref<10000x128xf32, #tpu.memory_space<hbm>>
        tpu.wait_indirect_dma semaphore(%arg15 : memref<!tpu.dma_semaphore, #tpu.memory_space<semaphore_mem>>) src(%dma_wait3A_214 : memref<10000x128xf32, #tpu.memory_space<hbm>>) dst(%arg12 : memref<128x128xf32, #tpu.memory_space<vmem>>)
        %add3A_215 = arith.constant 1 : i32
        %add3A_216 = arith.addi %add3A_192, %add3A_215 : i32
        "tpu.region"() ({
          %run_scoped3A_225 = tpu.sem_alloc : memref<!tpu.dma_semaphore, #tpu.memory_space<semaphore_mem>>
          %dma_start3A_226 = arith.constant 0 : i32
          %dma_start3A_227 = tpu.memref_slice %arg9[%add3A_216, %dma_start3A_226] : memref<8x128xi32, #tpu.memory_space<vmem>> -> memref<1x128xi32, #tpu.memory_space<vmem>>
          %dma_start3A_228 = tpu.memref_squeeze %dma_start3A_227 : memref<1x128xi32, #tpu.memory_space<vmem>> -> memref<128xi32, #tpu.memory_space<vmem>>
          %dma_start3A_229 = arith.constant 0 : i32
          %dma_start3A_230 = arith.constant 0 : i32
          %dma_start3A_231 = tpu.memref_slice %arg13[%dma_start3A_229, %dma_start3A_230] : memref<10112x128xf32, #tpu.memory_space<vmem_shared>> -> memref<10112x128xf32, #tpu.memory_space<vmem_shared>>
          tpu.enqueue_indirect_dma source(%arg12 : memref<128x128xf32, #tpu.memory_space<vmem>>) target(%dma_start3A_231 : memref<10112x128xf32, #tpu.memory_space<vmem_shared>>) offsets(%dma_start3A_228 : memref<128xi32, #tpu.memory_space<vmem>>) semaphore(%run_scoped3A_225 : memref<!tpu.dma_semaphore, #tpu.memory_space<semaphore_mem>>) {add = true}
          %dma_wait3A_232 = arith.constant 0 : i32
          %dma_wait3A_233 = tpu.memref_slice %arg9[%add3A_216, %dma_wait3A_232] : memref<8x128xi32, #tpu.memory_space<vmem>> -> memref<1x128xi32, #tpu.memory_space<vmem>>
          %dma_wait3A_234 = tpu.memref_squeeze %dma_wait3A_233 : memref<1x128xi32, #tpu.memory_space<vmem>> -> memref<128xi32, #tpu.memory_space<vmem>>
          %dma_wait3A_235 = arith.constant 0 : i32
          %dma_wait3A_236 = arith.constant 0 : i32
          %dma_wait3A_237 = tpu.memref_slice %arg13[%dma_wait3A_235, %dma_wait3A_236] : memref<10112x128xf32, #tpu.memory_space<vmem_shared>> -> memref<10112x128xf32, #tpu.memory_space<vmem_shared>>
          tpu.wait_indirect_dma semaphore(%run_scoped3A_225 : memref<!tpu.dma_semaphore, #tpu.memory_space<semaphore_mem>>) src(%arg12 : memref<128x128xf32, #tpu.memory_space<vmem>>) dst(%dma_wait3A_237 : memref<10112x128xf32, #tpu.memory_space<vmem_shared>>)
          tpu.yield
        }) : () -> ()
        %add3A_217 = arith.constant 3 : i32
        %add3A_218 = arith.addi %add3A_192, %add3A_217 : i32
        %dma_start3A_219 = arith.constant 0 : i32
        %dma_start3A_220 = tpu.memref_slice %arg7[%add3A_218, %dma_start3A_219] : memref<8x128xi32, #tpu.memory_space<vmem>> -> memref<1x128xi32, #tpu.memory_space<vmem>>
        %dma_start3A_221 = tpu.memref_squeeze %dma_start3A_220 : memref<1x128xi32, #tpu.memory_space<vmem>> -> memref<128xi32, #tpu.memory_space<vmem>>
        %dma_start3A_222 = arith.constant 0 : i32
        %dma_start3A_223 = arith.constant 0 : i32
        %dma_start3A_224 = tpu.memref_slice %arg2[%dma_start3A_222, %dma_start3A_223] : memref<10000x128xf32, #tpu.memory_space<hbm>> -> memref<10000x128xf32, #tpu.memory_space<hbm>>
        tpu.enqueue_indirect_dma source(%dma_start3A_224 : memref<10000x128xf32, #tpu.memory_space<hbm>>) target(%arg12 : memref<128x128xf32, #tpu.memory_space<vmem>>) offsets(%dma_start3A_221 : memref<128xi32, #tpu.memory_space<vmem>>) semaphore(%arg15 : memref<!tpu.dma_semaphore, #tpu.memory_space<semaphore_mem>>)
      }
      %scan3A_102 = arith.constant 3 : i32
      %dma_wait3A = arith.constant 0 : i32
      %dma_wait3A_103 = arith.constant 0 : i32
      %dma_wait3A_104 = tpu.memref_slice %arg3[%arg1, %add3A_94, %dma_wait3A, %dma_wait3A_103] : memref<16x20x8x128xi32, #tpu.memory_space<hbm>> -> memref<1x1x8x128xi32, #tpu.memory_space<hbm>>
      %dma_wait3A_105 = tpu.memref_squeeze %dma_wait3A_104 : memref<1x1x8x128xi32, #tpu.memory_space<hbm>> -> memref<8x128xi32, #tpu.memory_space<hbm>>
      %dma_wait3A_106 = arith.constant 0 : i32
      %dma_wait3A_107 = arith.constant 0 : i32
      %dma_wait3A_108 = tpu.memref_slice %arg3[%arg1, %add3A_94, %dma_wait3A_106, %dma_wait3A_107] : memref<16x20x8x128xi32, #tpu.memory_space<hbm>> -> memref<1x1x8x128xi32, #tpu.memory_space<hbm>>
      %dma_wait3A_109 = tpu.memref_squeeze %dma_wait3A_108 : memref<1x1x8x128xi32, #tpu.memory_space<hbm>> -> memref<8x128xi32, #tpu.memory_space<hbm>>
      tpu.wait_dma2 semaphore(%arg17 : memref<!tpu.dma_semaphore, #tpu.memory_space<semaphore_mem>>) src(%dma_wait3A_109 : memref<8x128xi32, #tpu.memory_space<hbm>>) dst(%arg8 : memref<8x128xi32, #tpu.memory_space<vmem>>)
      %dma_wait3A_110 = arith.constant 0 : i32
      %dma_wait3A_111 = arith.constant 0 : i32
      %dma_wait3A_112 = tpu.memref_slice %arg4[%arg1, %add3A_94, %dma_wait3A_110, %dma_wait3A_111] : memref<16x20x8x128xi32, #tpu.memory_space<hbm>> -> memref<1x1x8x128xi32, #tpu.memory_space<hbm>>
      %dma_wait3A_113 = tpu.memref_squeeze %dma_wait3A_112 : memref<1x1x8x128xi32, #tpu.memory_space<hbm>> -> memref<8x128xi32, #tpu.memory_space<hbm>>
      %dma_wait3A_114 = arith.constant 0 : i32
      %dma_wait3A_115 = arith.constant 0 : i32
      %dma_wait3A_116 = tpu.memref_slice %arg4[%arg1, %add3A_94, %dma_wait3A_114, %dma_wait3A_115] : memref<16x20x8x128xi32, #tpu.memory_space<hbm>> -> memref<1x1x8x128xi32, #tpu.memory_space<hbm>>
      %dma_wait3A_117 = tpu.memref_squeeze %dma_wait3A_116 : memref<1x1x8x128xi32, #tpu.memory_space<hbm>> -> memref<8x128xi32, #tpu.memory_space<hbm>>
      tpu.wait_dma2 semaphore(%arg17 : memref<!tpu.dma_semaphore, #tpu.memory_space<semaphore_mem>>) src(%dma_wait3A_117 : memref<8x128xi32, #tpu.memory_space<hbm>>) dst(%arg10 : memref<8x128xi32, #tpu.memory_space<vmem>>)
      %dma_wait3A_118 = arith.constant 6 : i32
      %dma_wait3A_119 = arith.constant 0 : i32
      %dma_wait3A_120 = tpu.memref_slice %arg7[%dma_wait3A_118, %dma_wait3A_119] : memref<8x128xi32, #tpu.memory_space<vmem>> -> memref<1x128xi32, #tpu.memory_space<vmem>>
      %dma_wait3A_121 = tpu.memref_squeeze %dma_wait3A_120 : memref<1x128xi32, #tpu.memory_space<vmem>> -> memref<128xi32, #tpu.memory_space<vmem>>
      %dma_wait3A_122 = arith.constant 0 : i32
      %dma_wait3A_123 = arith.constant 0 : i32
      %dma_wait3A_124 = tpu.memref_slice %arg2[%dma_wait3A_122, %dma_wait3A_123] : memref<10000x128xf32, #tpu.memory_space<hbm>> -> memref<10000x128xf32, #tpu.memory_space<hbm>>
      tpu.wait_indirect_dma semaphore(%arg14 : memref<!tpu.dma_semaphore, #tpu.memory_space<semaphore_mem>>) src(%dma_wait3A_124 : memref<10000x128xf32, #tpu.memory_space<hbm>>) dst(%arg11 : memref<128x128xf32, #tpu.memory_space<vmem>>)
      %run_scoped3A = arith.constant 6 : i32
      "tpu.region"() ({
        %run_scoped3A_188 = tpu.sem_alloc : memref<!tpu.dma_semaphore, #tpu.memory_space<semaphore_mem>>
        %dma_start3A_189 = arith.constant 0 : i32
        %dma_start3A_190 = tpu.memref_slice %arg9[%run_scoped3A, %dma_start3A_189] : memref<8x128xi32, #tpu.memory_space<vmem>> -> memref<1x128xi32, #tpu.memory_space<vmem>>
        %dma_start3A_191 = tpu.memref_squeeze %dma_start3A_190 : memref<1x128xi32, #tpu.memory_space<vmem>> -> memref<128xi32, #tpu.memory_space<vmem>>
        %dma_start3A_192 = arith.constant 0 : i32
        %dma_start3A_193 = arith.constant 0 : i32
        %dma_start3A_194 = tpu.memref_slice %arg13[%dma_start3A_192, %dma_start3A_193] : memref<10112x128xf32, #tpu.memory_space<vmem_shared>> -> memref<10112x128xf32, #tpu.memory_space<vmem_shared>>
        tpu.enqueue_indirect_dma source(%arg11 : memref<128x128xf32, #tpu.memory_space<vmem>>) target(%dma_start3A_194 : memref<10112x128xf32, #tpu.memory_space<vmem_shared>>) offsets(%dma_start3A_191 : memref<128xi32, #tpu.memory_space<vmem>>) semaphore(%run_scoped3A_188 : memref<!tpu.dma_semaphore, #tpu.memory_space<semaphore_mem>>) {add = true}
        %dma_wait3A_195 = arith.constant 0 : i32
        %dma_wait3A_196 = tpu.memref_slice %arg9[%run_scoped3A, %dma_wait3A_195] : memref<8x128xi32, #tpu.memory_space<vmem>> -> memref<1x128xi32, #tpu.memory_space<vmem>>
        %dma_wait3A_197 = tpu.memref_squeeze %dma_wait3A_196 : memref<1x128xi32, #tpu.memory_space<vmem>> -> memref<128xi32, #tpu.memory_space<vmem>>
        %dma_wait3A_198 = arith.constant 0 : i32
        %dma_wait3A_199 = arith.constant 0 : i32
        %dma_wait3A_200 = tpu.memref_slice %arg13[%dma_wait3A_198, %dma_wait3A_199] : memref<10112x128xf32, #tpu.memory_space<vmem_shared>> -> memref<10112x128xf32, #tpu.memory_space<vmem_shared>>
        tpu.wait_indirect_dma semaphore(%run_scoped3A_188 : memref<!tpu.dma_semaphore, #tpu.memory_space<semaphore_mem>>) src(%arg11 : memref<128x128xf32, #tpu.memory_space<vmem>>) dst(%dma_wait3A_200 : memref<10112x128xf32, #tpu.memory_space<vmem_shared>>)
        tpu.yield
      }) : () -> ()
      %dma_start3A_125 = arith.constant 0 : i32
      %dma_start3A_126 = arith.constant 0 : i32
      %dma_start3A_127 = tpu.memref_slice %arg8[%dma_start3A_125, %dma_start3A_126] : memref<8x128xi32, #tpu.memory_space<vmem>> -> memref<1x128xi32, #tpu.memory_space<vmem>>
      %dma_start3A_128 = tpu.memref_squeeze %dma_start3A_127 : memref<1x128xi32, #tpu.memory_space<vmem>> -> memref<128xi32, #tpu.memory_space<vmem>>
      %dma_start3A_129 = arith.constant 0 : i32
      %dma_start3A_130 = arith.constant 0 : i32
      %dma_start3A_131 = tpu.memref_slice %arg2[%dma_start3A_129, %dma_start3A_130] : memref<10000x128xf32, #tpu.memory_space<hbm>> -> memref<10000x128xf32, #tpu.memory_space<hbm>>
      tpu.enqueue_indirect_dma source(%dma_start3A_131 : memref<10000x128xf32, #tpu.memory_space<hbm>>) target(%arg11 : memref<128x128xf32, #tpu.memory_space<vmem>>) offsets(%dma_start3A_128 : memref<128xi32, #tpu.memory_space<vmem>>) semaphore(%arg14 : memref<!tpu.dma_semaphore, #tpu.memory_space<semaphore_mem>>)
      %dma_wait3A_132 = arith.constant 7 : i32
      %dma_wait3A_133 = arith.constant 0 : i32
      %dma_wait3A_134 = tpu.memref_slice %arg7[%dma_wait3A_132, %dma_wait3A_133] : memref<8x128xi32, #tpu.memory_space<vmem>> -> memref<1x128xi32, #tpu.memory_space<vmem>>
      %dma_wait3A_135 = tpu.memref_squeeze %dma_wait3A_134 : memref<1x128xi32, #tpu.memory_space<vmem>> -> memref<128xi32, #tpu.memory_space<vmem>>
      %dma_wait3A_136 = arith.constant 0 : i32
      %dma_wait3A_137 = arith.constant 0 : i32
      %dma_wait3A_138 = tpu.memref_slice %arg2[%dma_wait3A_136, %dma_wait3A_137] : memref<10000x128xf32, #tpu.memory_space<hbm>> -> memref<10000x128xf32, #tpu.memory_space<hbm>>
      tpu.wait_indirect_dma semaphore(%arg15 : memref<!tpu.dma_semaphore, #tpu.memory_space<semaphore_mem>>) src(%dma_wait3A_138 : memref<10000x128xf32, #tpu.memory_space<hbm>>) dst(%arg12 : memref<128x128xf32, #tpu.memory_space<vmem>>)
      %run_scoped3A_139 = arith.constant 7 : i32
      "tpu.region"() ({
        %run_scoped3A_188 = tpu.sem_alloc : memref<!tpu.dma_semaphore, #tpu.memory_space<semaphore_mem>>
        %dma_start3A_189 = arith.constant 0 : i32
        %dma_start3A_190 = tpu.memref_slice %arg9[%run_scoped3A_139, %dma_start3A_189] : memref<8x128xi32, #tpu.memory_space<vmem>> -> memref<1x128xi32, #tpu.memory_space<vmem>>
        %dma_start3A_191 = tpu.memref_squeeze %dma_start3A_190 : memref<1x128xi32, #tpu.memory_space<vmem>> -> memref<128xi32, #tpu.memory_space<vmem>>
        %dma_start3A_192 = arith.constant 0 : i32
        %dma_start3A_193 = arith.constant 0 : i32
        %dma_start3A_194 = tpu.memref_slice %arg13[%dma_start3A_192, %dma_start3A_193] : memref<10112x128xf32, #tpu.memory_space<vmem_shared>> -> memref<10112x128xf32, #tpu.memory_space<vmem_shared>>
        tpu.enqueue_indirect_dma source(%arg12 : memref<128x128xf32, #tpu.memory_space<vmem>>) target(%dma_start3A_194 : memref<10112x128xf32, #tpu.memory_space<vmem_shared>>) offsets(%dma_start3A_191 : memref<128xi32, #tpu.memory_space<vmem>>) semaphore(%run_scoped3A_188 : memref<!tpu.dma_semaphore, #tpu.memory_space<semaphore_mem>>) {add = true}
        %dma_wait3A_195 = arith.constant 0 : i32
        %dma_wait3A_196 = tpu.memref_slice %arg9[%run_scoped3A_139, %dma_wait3A_195] : memref<8x128xi32, #tpu.memory_space<vmem>> -> memref<1x128xi32, #tpu.memory_space<vmem>>
        %dma_wait3A_197 = tpu.memref_squeeze %dma_wait3A_196 : memref<1x128xi32, #tpu.memory_space<vmem>> -> memref<128xi32, #tpu.memory_space<vmem>>
        %dma_wait3A_198 = arith.constant 0 : i32
        %dma_wait3A_199 = arith.constant 0 : i32
        %dma_wait3A_200 = tpu.memref_slice %arg13[%dma_wait3A_198, %dma_wait3A_199] : memref<10112x128xf32, #tpu.memory_space<vmem_shared>> -> memref<10112x128xf32, #tpu.memory_space<vmem_shared>>
        tpu.wait_indirect_dma semaphore(%run_scoped3A_188 : memref<!tpu.dma_semaphore, #tpu.memory_space<semaphore_mem>>) src(%arg12 : memref<128x128xf32, #tpu.memory_space<vmem>>) dst(%dma_wait3A_200 : memref<10112x128xf32, #tpu.memory_space<vmem_shared>>)
        tpu.yield
      }) : () -> ()
      %dma_start3A_140 = arith.constant 1 : i32
      %dma_start3A_141 = arith.constant 0 : i32
      %dma_start3A_142 = tpu.memref_slice %arg8[%dma_start3A_140, %dma_start3A_141] : memref<8x128xi32, #tpu.memory_space<vmem>> -> memref<1x128xi32, #tpu.memory_space<vmem>>
      %dma_start3A_143 = tpu.memref_squeeze %dma_start3A_142 : memref<1x128xi32, #tpu.memory_space<vmem>> -> memref<128xi32, #tpu.memory_space<vmem>>
      %dma_start3A_144 = arith.constant 0 : i32
      %dma_start3A_145 = arith.constant 0 : i32
      %dma_start3A_146 = tpu.memref_slice %arg2[%dma_start3A_144, %dma_start3A_145] : memref<10000x128xf32, #tpu.memory_space<hbm>> -> memref<10000x128xf32, #tpu.memory_space<hbm>>
      tpu.enqueue_indirect_dma source(%dma_start3A_146 : memref<10000x128xf32, #tpu.memory_space<hbm>>) target(%arg12 : memref<128x128xf32, #tpu.memory_space<vmem>>) offsets(%dma_start3A_143 : memref<128xi32, #tpu.memory_space<vmem>>) semaphore(%arg15 : memref<!tpu.dma_semaphore, #tpu.memory_space<semaphore_mem>>)
      %convert_element_type3A_147 = arith.extui %lt3A : i1 to i32
      %cond3A_148 = arith.constant 0 : i32
      %cond3A_149 = arith.cmpi ne, %convert_element_type3A_147, %cond3A_148 : i32
      scf.if %cond3A_149 {
        %add3A_188 = arith.constant 2 : i32
        %add3A_189 = arith.addi %add3A_92, %add3A_188 : i32
        %dma_start3A_190 = arith.constant 0 : i32
        %dma_start3A_191 = arith.constant 0 : i32
        %dma_start3A_192 = tpu.memref_slice %arg3[%arg1, %add3A_189, %dma_start3A_190, %dma_start3A_191] : memref<16x20x8x128xi32, #tpu.memory_space<hbm>> -> memref<1x1x8x128xi32, #tpu.memory_space<hbm>>
        %dma_start3A_193 = tpu.memref_squeeze %dma_start3A_192 : memref<1x1x8x128xi32, #tpu.memory_space<hbm>> -> memref<8x128xi32, #tpu.memory_space<hbm>>
        %dma_start3A_194 = arith.constant 0 : i32
        %dma_start3A_195 = arith.constant 0 : i32
        %dma_start3A_196 = tpu.memref_slice %arg3[%arg1, %add3A_189, %dma_start3A_194, %dma_start3A_195] : memref<16x20x8x128xi32, #tpu.memory_space<hbm>> -> memref<1x1x8x128xi32, #tpu.memory_space<hbm>>
        %dma_start3A_197 = tpu.memref_squeeze %dma_start3A_196 : memref<1x1x8x128xi32, #tpu.memory_space<hbm>> -> memref<8x128xi32, #tpu.memory_space<hbm>>
        tpu.enqueue_dma source(%dma_start3A_197 : memref<8x128xi32, #tpu.memory_space<hbm>>) target(%arg7 : memref<8x128xi32, #tpu.memory_space<vmem>>) target_semaphore(%arg16 : memref<!tpu.dma_semaphore, #tpu.memory_space<semaphore_mem>>)
        %add3A_198 = arith.constant 2 : i32
        %add3A_199 = arith.addi %add3A_92, %add3A_198 : i32
        %dma_start3A_200 = arith.constant 0 : i32
        %dma_start3A_201 = arith.constant 0 : i32
        %dma_start3A_202 = tpu.memref_slice %arg4[%arg1, %add3A_199, %dma_start3A_200, %dma_start3A_201] : memref<16x20x8x128xi32, #tpu.memory_space<hbm>> -> memref<1x1x8x128xi32, #tpu.memory_space<hbm>>
        %dma_start3A_203 = tpu.memref_squeeze %dma_start3A_202 : memref<1x1x8x128xi32, #tpu.memory_space<hbm>> -> memref<8x128xi32, #tpu.memory_space<hbm>>
        %dma_start3A_204 = arith.constant 0 : i32
        %dma_start3A_205 = arith.constant 0 : i32
        %dma_start3A_206 = tpu.memref_slice %arg4[%arg1, %add3A_199, %dma_start3A_204, %dma_start3A_205] : memref<16x20x8x128xi32, #tpu.memory_space<hbm>> -> memref<1x1x8x128xi32, #tpu.memory_space<hbm>>
        %dma_start3A_207 = tpu.memref_squeeze %dma_start3A_206 : memref<1x1x8x128xi32, #tpu.memory_space<hbm>> -> memref<8x128xi32, #tpu.memory_space<hbm>>
        tpu.enqueue_dma source(%dma_start3A_207 : memref<8x128xi32, #tpu.memory_space<hbm>>) target(%arg9 : memref<8x128xi32, #tpu.memory_space<vmem>>) target_semaphore(%arg16 : memref<!tpu.dma_semaphore, #tpu.memory_space<semaphore_mem>>)
      } else {
      }
      %scan3A_150 = arith.constant 0 : i32
      %scan3A_151 = arith.constant 3 : i32
      %scan3A_152 = arith.addi %scan3A_150, %scan3A_151 : i32
      %scan3A_153 = arith.constant 1 : i32
      scf.for %scan3A_188 = %scan3A_150 to %scan3A_152 step %scan3A_153  : i32 {
        %mul3A_189 = arith.constant 2 : i32
        %mul3A_190 = arith.muli %scan3A_188, %mul3A_189 : i32
        %add3A_191 = arith.constant 0 : i32
        %add3A_192 = arith.addi %add3A_191, %mul3A_190 : i32
        %dma_wait3A_193 = arith.constant 0 : i32
        %dma_wait3A_194 = tpu.memref_slice %arg8[%add3A_192, %dma_wait3A_193] : memref<8x128xi32, #tpu.memory_space<vmem>> -> memref<1x128xi32, #tpu.memory_space<vmem>>
        %dma_wait3A_195 = tpu.memref_squeeze %dma_wait3A_194 : memref<1x128xi32, #tpu.memory_space<vmem>> -> memref<128xi32, #tpu.memory_space<vmem>>
        %dma_wait3A_196 = arith.constant 0 : i32
        %dma_wait3A_197 = arith.constant 0 : i32
        %dma_wait3A_198 = tpu.memref_slice %arg2[%dma_wait3A_196, %dma_wait3A_197] : memref<10000x128xf32, #tpu.memory_space<hbm>> -> memref<10000x128xf32, #tpu.memory_space<hbm>>
        tpu.wait_indirect_dma semaphore(%arg14 : memref<!tpu.dma_semaphore, #tpu.memory_space<semaphore_mem>>) src(%dma_wait3A_198 : memref<10000x128xf32, #tpu.memory_space<hbm>>) dst(%arg11 : memref<128x128xf32, #tpu.memory_space<vmem>>)
        "tpu.region"() ({
          %run_scoped3A_225 = tpu.sem_alloc : memref<!tpu.dma_semaphore, #tpu.memory_space<semaphore_mem>>
          %dma_start3A_226 = arith.constant 0 : i32
          %dma_start3A_227 = tpu.memref_slice %arg10[%add3A_192, %dma_start3A_226] : memref<8x128xi32, #tpu.memory_space<vmem>> -> memref<1x128xi32, #tpu.memory_space<vmem>>
          %dma_start3A_228 = tpu.memref_squeeze %dma_start3A_227 : memref<1x128xi32, #tpu.memory_space<vmem>> -> memref<128xi32, #tpu.memory_space<vmem>>
          %dma_start3A_229 = arith.constant 0 : i32
          %dma_start3A_230 = arith.constant 0 : i32
          %dma_start3A_231 = tpu.memref_slice %arg13[%dma_start3A_229, %dma_start3A_230] : memref<10112x128xf32, #tpu.memory_space<vmem_shared>> -> memref<10112x128xf32, #tpu.memory_space<vmem_shared>>
          tpu.enqueue_indirect_dma source(%arg11 : memref<128x128xf32, #tpu.memory_space<vmem>>) target(%dma_start3A_231 : memref<10112x128xf32, #tpu.memory_space<vmem_shared>>) offsets(%dma_start3A_228 : memref<128xi32, #tpu.memory_space<vmem>>) semaphore(%run_scoped3A_225 : memref<!tpu.dma_semaphore, #tpu.memory_space<semaphore_mem>>) {add = true}
          %dma_wait3A_232 = arith.constant 0 : i32
          %dma_wait3A_233 = tpu.memref_slice %arg10[%add3A_192, %dma_wait3A_232] : memref<8x128xi32, #tpu.memory_space<vmem>> -> memref<1x128xi32, #tpu.memory_space<vmem>>
          %dma_wait3A_234 = tpu.memref_squeeze %dma_wait3A_233 : memref<1x128xi32, #tpu.memory_space<vmem>> -> memref<128xi32, #tpu.memory_space<vmem>>
          %dma_wait3A_235 = arith.constant 0 : i32
          %dma_wait3A_236 = arith.constant 0 : i32
          %dma_wait3A_237 = tpu.memref_slice %arg13[%dma_wait3A_235, %dma_wait3A_236] : memref<10112x128xf32, #tpu.memory_space<vmem_shared>> -> memref<10112x128xf32, #tpu.memory_space<vmem_shared>>
          tpu.wait_indirect_dma semaphore(%run_scoped3A_225 : memref<!tpu.dma_semaphore, #tpu.memory_space<semaphore_mem>>) src(%arg11 : memref<128x128xf32, #tpu.memory_space<vmem>>) dst(%dma_wait3A_237 : memref<10112x128xf32, #tpu.memory_space<vmem_shared>>)
          tpu.yield
        }) : () -> ()
        %add3A_199 = arith.constant 2 : i32
        %add3A_200 = arith.addi %add3A_192, %add3A_199 : i32
        %dma_start3A_201 = arith.constant 0 : i32
        %dma_start3A_202 = tpu.memref_slice %arg8[%add3A_200, %dma_start3A_201] : memref<8x128xi32, #tpu.memory_space<vmem>> -> memref<1x128xi32, #tpu.memory_space<vmem>>
        %dma_start3A_203 = tpu.memref_squeeze %dma_start3A_202 : memref<1x128xi32, #tpu.memory_space<vmem>> -> memref<128xi32, #tpu.memory_space<vmem>>
        %dma_start3A_204 = arith.constant 0 : i32
        %dma_start3A_205 = arith.constant 0 : i32
        %dma_start3A_206 = tpu.memref_slice %arg2[%dma_start3A_204, %dma_start3A_205] : memref<10000x128xf32, #tpu.memory_space<hbm>> -> memref<10000x128xf32, #tpu.memory_space<hbm>>
        tpu.enqueue_indirect_dma source(%dma_start3A_206 : memref<10000x128xf32, #tpu.memory_space<hbm>>) target(%arg11 : memref<128x128xf32, #tpu.memory_space<vmem>>) offsets(%dma_start3A_203 : memref<128xi32, #tpu.memory_space<vmem>>) semaphore(%arg14 : memref<!tpu.dma_semaphore, #tpu.memory_space<semaphore_mem>>)
        %add3A_207 = arith.constant 1 : i32
        %add3A_208 = arith.addi %add3A_192, %add3A_207 : i32
        %dma_wait3A_209 = arith.constant 0 : i32
        %dma_wait3A_210 = tpu.memref_slice %arg8[%add3A_208, %dma_wait3A_209] : memref<8x128xi32, #tpu.memory_space<vmem>> -> memref<1x128xi32, #tpu.memory_space<vmem>>
        %dma_wait3A_211 = tpu.memref_squeeze %dma_wait3A_210 : memref<1x128xi32, #tpu.memory_space<vmem>> -> memref<128xi32, #tpu.memory_space<vmem>>
        %dma_wait3A_212 = arith.constant 0 : i32
        %dma_wait3A_213 = arith.constant 0 : i32
        %dma_wait3A_214 = tpu.memref_slice %arg2[%dma_wait3A_212, %dma_wait3A_213] : memref<10000x128xf32, #tpu.memory_space<hbm>> -> memref<10000x128xf32, #tpu.memory_space<hbm>>
        tpu.wait_indirect_dma semaphore(%arg15 : memref<!tpu.dma_semaphore, #tpu.memory_space<semaphore_mem>>) src(%dma_wait3A_214 : memref<10000x128xf32, #tpu.memory_space<hbm>>) dst(%arg12 : memref<128x128xf32, #tpu.memory_space<vmem>>)
        %add3A_215 = arith.constant 1 : i32
        %add3A_216 = arith.addi %add3A_192, %add3A_215 : i32
        "tpu.region"() ({
          %run_scoped3A_225 = tpu.sem_alloc : memref<!tpu.dma_semaphore, #tpu.memory_space<semaphore_mem>>
          %dma_start3A_226 = arith.constant 0 : i32
          %dma_start3A_227 = tpu.memref_slice %arg10[%add3A_216, %dma_start3A_226] : memref<8x128xi32, #tpu.memory_space<vmem>> -> memref<1x128xi32, #tpu.memory_space<vmem>>
          %dma_start3A_228 = tpu.memref_squeeze %dma_start3A_227 : memref<1x128xi32, #tpu.memory_space<vmem>> -> memref<128xi32, #tpu.memory_space<vmem>>
          %dma_start3A_229 = arith.constant 0 : i32
          %dma_start3A_230 = arith.constant 0 : i32
          %dma_start3A_231 = tpu.memref_slice %arg13[%dma_start3A_229, %dma_start3A_230] : memref<10112x128xf32, #tpu.memory_space<vmem_shared>> -> memref<10112x128xf32, #tpu.memory_space<vmem_shared>>
          tpu.enqueue_indirect_dma source(%arg12 : memref<128x128xf32, #tpu.memory_space<vmem>>) target(%dma_start3A_231 : memref<10112x128xf32, #tpu.memory_space<vmem_shared>>) offsets(%dma_start3A_228 : memref<128xi32, #tpu.memory_space<vmem>>) semaphore(%run_scoped3A_225 : memref<!tpu.dma_semaphore, #tpu.memory_space<semaphore_mem>>) {add = true}
          %dma_wait3A_232 = arith.constant 0 : i32
          %dma_wait3A_233 = tpu.memref_slice %arg10[%add3A_216, %dma_wait3A_232] : memref<8x128xi32, #tpu.memory_space<vmem>> -> memref<1x128xi32, #tpu.memory_space<vmem>>
          %dma_wait3A_234 = tpu.memref_squeeze %dma_wait3A_233 : memref<1x128xi32, #tpu.memory_space<vmem>> -> memref<128xi32, #tpu.memory_space<vmem>>
          %dma_wait3A_235 = arith.constant 0 : i32
          %dma_wait3A_236 = arith.constant 0 : i32
          %dma_wait3A_237 = tpu.memref_slice %arg13[%dma_wait3A_235, %dma_wait3A_236] : memref<10112x128xf32, #tpu.memory_space<vmem_shared>> -> memref<10112x128xf32, #tpu.memory_space<vmem_shared>>
          tpu.wait_indirect_dma semaphore(%run_scoped3A_225 : memref<!tpu.dma_semaphore, #tpu.memory_space<semaphore_mem>>) src(%arg12 : memref<128x128xf32, #tpu.memory_space<vmem>>) dst(%dma_wait3A_237 : memref<10112x128xf32, #tpu.memory_space<vmem_shared>>)
          tpu.yield
        }) : () -> ()
        %add3A_217 = arith.constant 3 : i32
        %add3A_218 = arith.addi %add3A_192, %add3A_217 : i32
        %dma_start3A_219 = arith.constant 0 : i32
        %dma_start3A_220 = tpu.memref_slice %arg8[%add3A_218, %dma_start3A_219] : memref<8x128xi32, #tpu.memory_space<vmem>> -> memref<1x128xi32, #tpu.memory_space<vmem>>
        %dma_start3A_221 = tpu.memref_squeeze %dma_start3A_220 : memref<1x128xi32, #tpu.memory_space<vmem>> -> memref<128xi32, #tpu.memory_space<vmem>>
        %dma_start3A_222 = arith.constant 0 : i32
        %dma_start3A_223 = arith.constant 0 : i32
        %dma_start3A_224 = tpu.memref_slice %arg2[%dma_start3A_222, %dma_start3A_223] : memref<10000x128xf32, #tpu.memory_space<hbm>> -> memref<10000x128xf32, #tpu.memory_space<hbm>>
        tpu.enqueue_indirect_dma source(%dma_start3A_224 : memref<10000x128xf32, #tpu.memory_space<hbm>>) target(%arg12 : memref<128x128xf32, #tpu.memory_space<vmem>>) offsets(%dma_start3A_221 : memref<128xi32, #tpu.memory_space<vmem>>) semaphore(%arg15 : memref<!tpu.dma_semaphore, #tpu.memory_space<semaphore_mem>>)
      }
      %scan3A_154 = arith.constant 3 : i32
      %convert_element_type3A_155 = arith.extui %lt3A : i1 to i32
      %cond3A_156 = arith.constant 0 : i32
      %cond3A_157 = arith.cmpi ne, %convert_element_type3A_155, %cond3A_156 : i32
      scf.if %cond3A_157 {
        %add3A_188 = arith.constant 2 : i32
        %add3A_189 = arith.addi %add3A_92, %add3A_188 : i32
        %dma_wait3A_190 = arith.constant 0 : i32
        %dma_wait3A_191 = arith.constant 0 : i32
        %dma_wait3A_192 = tpu.memref_slice %arg3[%arg1, %add3A_189, %dma_wait3A_190, %dma_wait3A_191] : memref<16x20x8x128xi32, #tpu.memory_space<hbm>> -> memref<1x1x8x128xi32, #tpu.memory_space<hbm>>
        %dma_wait3A_193 = tpu.memref_squeeze %dma_wait3A_192 : memref<1x1x8x128xi32, #tpu.memory_space<hbm>> -> memref<8x128xi32, #tpu.memory_space<hbm>>
        %dma_wait3A_194 = arith.constant 0 : i32
        %dma_wait3A_195 = arith.constant 0 : i32
        %dma_wait3A_196 = tpu.memref_slice %arg3[%arg1, %add3A_189, %dma_wait3A_194, %dma_wait3A_195] : memref<16x20x8x128xi32, #tpu.memory_space<hbm>> -> memref<1x1x8x128xi32, #tpu.memory_space<hbm>>
        %dma_wait3A_197 = tpu.memref_squeeze %dma_wait3A_196 : memref<1x1x8x128xi32, #tpu.memory_space<hbm>> -> memref<8x128xi32, #tpu.memory_space<hbm>>
        tpu.wait_dma2 semaphore(%arg16 : memref<!tpu.dma_semaphore, #tpu.memory_space<semaphore_mem>>) src(%dma_wait3A_197 : memref<8x128xi32, #tpu.memory_space<hbm>>) dst(%arg7 : memref<8x128xi32, #tpu.memory_space<vmem>>)
        %add3A_198 = arith.constant 2 : i32
        %add3A_199 = arith.addi %add3A_92, %add3A_198 : i32
        %dma_wait3A_200 = arith.constant 0 : i32
        %dma_wait3A_201 = arith.constant 0 : i32
        %dma_wait3A_202 = tpu.memref_slice %arg4[%arg1, %add3A_199, %dma_wait3A_200, %dma_wait3A_201] : memref<16x20x8x128xi32, #tpu.memory_space<hbm>> -> memref<1x1x8x128xi32, #tpu.memory_space<hbm>>
        %dma_wait3A_203 = tpu.memref_squeeze %dma_wait3A_202 : memref<1x1x8x128xi32, #tpu.memory_space<hbm>> -> memref<8x128xi32, #tpu.memory_space<hbm>>
        %dma_wait3A_204 = arith.constant 0 : i32
        %dma_wait3A_205 = arith.constant 0 : i32
        %dma_wait3A_206 = tpu.memref_slice %arg4[%arg1, %add3A_199, %dma_wait3A_204, %dma_wait3A_205] : memref<16x20x8x128xi32, #tpu.memory_space<hbm>> -> memref<1x1x8x128xi32, #tpu.memory_space<hbm>>
        %dma_wait3A_207 = tpu.memref_squeeze %dma_wait3A_206 : memref<1x1x8x128xi32, #tpu.memory_space<hbm>> -> memref<8x128xi32, #tpu.memory_space<hbm>>
        tpu.wait_dma2 semaphore(%arg16 : memref<!tpu.dma_semaphore, #tpu.memory_space<semaphore_mem>>) src(%dma_wait3A_207 : memref<8x128xi32, #tpu.memory_space<hbm>>) dst(%arg9 : memref<8x128xi32, #tpu.memory_space<vmem>>)
      } else {
      }
      %dma_wait3A_158 = arith.constant 6 : i32
      %dma_wait3A_159 = arith.constant 0 : i32
      %dma_wait3A_160 = tpu.memref_slice %arg8[%dma_wait3A_158, %dma_wait3A_159] : memref<8x128xi32, #tpu.memory_space<vmem>> -> memref<1x128xi32, #tpu.memory_space<vmem>>
      %dma_wait3A_161 = tpu.memref_squeeze %dma_wait3A_160 : memref<1x128xi32, #tpu.memory_space<vmem>> -> memref<128xi32, #tpu.memory_space<vmem>>
      %dma_wait3A_162 = arith.constant 0 : i32
      %dma_wait3A_163 = arith.constant 0 : i32
      %dma_wait3A_164 = tpu.memref_slice %arg2[%dma_wait3A_162, %dma_wait3A_163] : memref<10000x128xf32, #tpu.memory_space<hbm>> -> memref<10000x128xf32, #tpu.memory_space<hbm>>
      tpu.wait_indirect_dma semaphore(%arg14 : memref<!tpu.dma_semaphore, #tpu.memory_space<semaphore_mem>>) src(%dma_wait3A_164 : memref<10000x128xf32, #tpu.memory_space<hbm>>) dst(%arg11 : memref<128x128xf32, #tpu.memory_space<vmem>>)
      %run_scoped3A_165 = arith.constant 6 : i32
      "tpu.region"() ({
        %run_scoped3A_188 = tpu.sem_alloc : memref<!tpu.dma_semaphore, #tpu.memory_space<semaphore_mem>>
        %dma_start3A_189 = arith.constant 0 : i32
        %dma_start3A_190 = tpu.memref_slice %arg10[%run_scoped3A_165, %dma_start3A_189] : memref<8x128xi32, #tpu.memory_space<vmem>> -> memref<1x128xi32, #tpu.memory_space<vmem>>
        %dma_start3A_191 = tpu.memref_squeeze %dma_start3A_190 : memref<1x128xi32, #tpu.memory_space<vmem>> -> memref<128xi32, #tpu.memory_space<vmem>>
        %dma_start3A_192 = arith.constant 0 : i32
        %dma_start3A_193 = arith.constant 0 : i32
        %dma_start3A_194 = tpu.memref_slice %arg13[%dma_start3A_192, %dma_start3A_193] : memref<10112x128xf32, #tpu.memory_space<vmem_shared>> -> memref<10112x128xf32, #tpu.memory_space<vmem_shared>>
        tpu.enqueue_indirect_dma source(%arg11 : memref<128x128xf32, #tpu.memory_space<vmem>>) target(%dma_start3A_194 : memref<10112x128xf32, #tpu.memory_space<vmem_shared>>) offsets(%dma_start3A_191 : memref<128xi32, #tpu.memory_space<vmem>>) semaphore(%run_scoped3A_188 : memref<!tpu.dma_semaphore, #tpu.memory_space<semaphore_mem>>) {add = true}
        %dma_wait3A_195 = arith.constant 0 : i32
        %dma_wait3A_196 = tpu.memref_slice %arg10[%run_scoped3A_165, %dma_wait3A_195] : memref<8x128xi32, #tpu.memory_space<vmem>> -> memref<1x128xi32, #tpu.memory_space<vmem>>
        %dma_wait3A_197 = tpu.memref_squeeze %dma_wait3A_196 : memref<1x128xi32, #tpu.memory_space<vmem>> -> memref<128xi32, #tpu.memory_space<vmem>>
        %dma_wait3A_198 = arith.constant 0 : i32
        %dma_wait3A_199 = arith.constant 0 : i32
        %dma_wait3A_200 = tpu.memref_slice %arg13[%dma_wait3A_198, %dma_wait3A_199] : memref<10112x128xf32, #tpu.memory_space<vmem_shared>> -> memref<10112x128xf32, #tpu.memory_space<vmem_shared>>
        tpu.wait_indirect_dma semaphore(%run_scoped3A_188 : memref<!tpu.dma_semaphore, #tpu.memory_space<semaphore_mem>>) src(%arg11 : memref<128x128xf32, #tpu.memory_space<vmem>>) dst(%dma_wait3A_200 : memref<10112x128xf32, #tpu.memory_space<vmem_shared>>)
        tpu.yield
      }) : () -> ()
      %convert_element_type3A_166 = arith.extui %lt3A : i1 to i32
      %cond3A_167 = arith.constant 0 : i32
      %cond3A_168 = arith.cmpi ne, %convert_element_type3A_166, %cond3A_167 : i32
      scf.if %cond3A_168 {
        %dma_start3A_188 = arith.constant 0 : i32
        %dma_start3A_189 = arith.constant 0 : i32
        %dma_start3A_190 = tpu.memref_slice %arg7[%dma_start3A_188, %dma_start3A_189] : memref<8x128xi32, #tpu.memory_space<vmem>> -> memref<1x128xi32, #tpu.memory_space<vmem>>
        %dma_start3A_191 = tpu.memref_squeeze %dma_start3A_190 : memref<1x128xi32, #tpu.memory_space<vmem>> -> memref<128xi32, #tpu.memory_space<vmem>>
        %dma_start3A_192 = arith.constant 0 : i32
        %dma_start3A_193 = arith.constant 0 : i32
        %dma_start3A_194 = tpu.memref_slice %arg2[%dma_start3A_192, %dma_start3A_193] : memref<10000x128xf32, #tpu.memory_space<hbm>> -> memref<10000x128xf32, #tpu.memory_space<hbm>>
        tpu.enqueue_indirect_dma source(%dma_start3A_194 : memref<10000x128xf32, #tpu.memory_space<hbm>>) target(%arg11 : memref<128x128xf32, #tpu.memory_space<vmem>>) offsets(%dma_start3A_191 : memref<128xi32, #tpu.memory_space<vmem>>) semaphore(%arg14 : memref<!tpu.dma_semaphore, #tpu.memory_space<semaphore_mem>>)
      } else {
      }
      %dma_wait3A_169 = arith.constant 7 : i32
      %dma_wait3A_170 = arith.constant 0 : i32
      %dma_wait3A_171 = tpu.memref_slice %arg8[%dma_wait3A_169, %dma_wait3A_170] : memref<8x128xi32, #tpu.memory_space<vmem>> -> memref<1x128xi32, #tpu.memory_space<vmem>>
      %dma_wait3A_172 = tpu.memref_squeeze %dma_wait3A_171 : memref<1x128xi32, #tpu.memory_space<vmem>> -> memref<128xi32, #tpu.memory_space<vmem>>
      %dma_wait3A_173 = arith.constant 0 : i32
      %dma_wait3A_174 = arith.constant 0 : i32
      %dma_wait3A_175 = tpu.memref_slice %arg2[%dma_wait3A_173, %dma_wait3A_174] : memref<10000x128xf32, #tpu.memory_space<hbm>> -> memref<10000x128xf32, #tpu.memory_space<hbm>>
      tpu.wait_indirect_dma semaphore(%arg15 : memref<!tpu.dma_semaphore, #tpu.memory_space<semaphore_mem>>) src(%dma_wait3A_175 : memref<10000x128xf32, #tpu.memory_space<hbm>>) dst(%arg12 : memref<128x128xf32, #tpu.memory_space<vmem>>)
      %run_scoped3A_176 = arith.constant 7 : i32
      "tpu.region"() ({
        %run_scoped3A_188 = tpu.sem_alloc : memref<!tpu.dma_semaphore, #tpu.memory_space<semaphore_mem>>
        %dma_start3A_189 = arith.constant 0 : i32
        %dma_start3A_190 = tpu.memref_slice %arg10[%run_scoped3A_176, %dma_start3A_189] : memref<8x128xi32, #tpu.memory_space<vmem>> -> memref<1x128xi32, #tpu.memory_space<vmem>>
        %dma_start3A_191 = tpu.memref_squeeze %dma_start3A_190 : memref<1x128xi32, #tpu.memory_space<vmem>> -> memref<128xi32, #tpu.memory_space<vmem>>
        %dma_start3A_192 = arith.constant 0 : i32
        %dma_start3A_193 = arith.constant 0 : i32
        %dma_start3A_194 = tpu.memref_slice %arg13[%dma_start3A_192, %dma_start3A_193] : memref<10112x128xf32, #tpu.memory_space<vmem_shared>> -> memref<10112x128xf32, #tpu.memory_space<vmem_shared>>
        tpu.enqueue_indirect_dma source(%arg12 : memref<128x128xf32, #tpu.memory_space<vmem>>) target(%dma_start3A_194 : memref<10112x128xf32, #tpu.memory_space<vmem_shared>>) offsets(%dma_start3A_191 : memref<128xi32, #tpu.memory_space<vmem>>) semaphore(%run_scoped3A_188 : memref<!tpu.dma_semaphore, #tpu.memory_space<semaphore_mem>>) {add = true}
        %dma_wait3A_195 = arith.constant 0 : i32
        %dma_wait3A_196 = tpu.memref_slice %arg10[%run_scoped3A_176, %dma_wait3A_195] : memref<8x128xi32, #tpu.memory_space<vmem>> -> memref<1x128xi32, #tpu.memory_space<vmem>>
        %dma_wait3A_197 = tpu.memref_squeeze %dma_wait3A_196 : memref<1x128xi32, #tpu.memory_space<vmem>> -> memref<128xi32, #tpu.memory_space<vmem>>
        %dma_wait3A_198 = arith.constant 0 : i32
        %dma_wait3A_199 = arith.constant 0 : i32
        %dma_wait3A_200 = tpu.memref_slice %arg13[%dma_wait3A_198, %dma_wait3A_199] : memref<10112x128xf32, #tpu.memory_space<vmem_shared>> -> memref<10112x128xf32, #tpu.memory_space<vmem_shared>>
        tpu.wait_indirect_dma semaphore(%run_scoped3A_188 : memref<!tpu.dma_semaphore, #tpu.memory_space<semaphore_mem>>) src(%arg12 : memref<128x128xf32, #tpu.memory_space<vmem>>) dst(%dma_wait3A_200 : memref<10112x128xf32, #tpu.memory_space<vmem_shared>>)
        tpu.yield
      }) : () -> ()
      %convert_element_type3A_177 = arith.extui %lt3A : i1 to i32
      %cond3A_178 = arith.constant 0 : i32
      %cond3A_179 = arith.cmpi ne, %convert_element_type3A_177, %cond3A_178 : i32
      scf.if %cond3A_179 {
        %dma_start3A_188 = arith.constant 1 : i32
        %dma_start3A_189 = arith.constant 0 : i32
        %dma_start3A_190 = tpu.memref_slice %arg7[%dma_start3A_188, %dma_start3A_189] : memref<8x128xi32, #tpu.memory_space<vmem>> -> memref<1x128xi32, #tpu.memory_space<vmem>>
        %dma_start3A_191 = tpu.memref_squeeze %dma_start3A_190 : memref<1x128xi32, #tpu.memory_space<vmem>> -> memref<128xi32, #tpu.memory_space<vmem>>
        %dma_start3A_192 = arith.constant 0 : i32
        %dma_start3A_193 = arith.constant 0 : i32
        %dma_start3A_194 = tpu.memref_slice %arg2[%dma_start3A_192, %dma_start3A_193] : memref<10000x128xf32, #tpu.memory_space<hbm>> -> memref<10000x128xf32, #tpu.memory_space<hbm>>
        tpu.enqueue_indirect_dma source(%dma_start3A_194 : memref<10000x128xf32, #tpu.memory_space<hbm>>) target(%arg12 : memref<128x128xf32, #tpu.memory_space<vmem>>) offsets(%dma_start3A_191 : memref<128xi32, #tpu.memory_space<vmem>>) semaphore(%arg15 : memref<!tpu.dma_semaphore, #tpu.memory_space<semaphore_mem>>)
      } else {
      }
      %mul3A_180 = arith.constant 2 : i32
      %mul3A_181 = arith.muli %mul3A_180, %add3A_89 : i32
      %add3A_182 = arith.constant 3 : i32
      %add3A_183 = arith.addi %mul3A_181, %add3A_182 : i32
      %lt3A_184 = arith.cmpi slt, %add3A_183, %select_n3A : i32
      %convert_element_type3A_185 = arith.extui %lt3A_184 : i1 to i32
      %cond3A_186 = arith.constant 0 : i32
      %cond3A_187 = arith.cmpi ne, %convert_element_type3A_185, %cond3A_186 : i32
      scf.if %cond3A_187 {
        %add3A_188 = arith.constant 2 : i32
        %add3A_189 = arith.addi %add3A_94, %add3A_188 : i32
        %dma_start3A_190 = arith.constant 0 : i32
        %dma_start3A_191 = arith.constant 0 : i32
        %dma_start3A_192 = tpu.memref_slice %arg3[%arg1, %add3A_189, %dma_start3A_190, %dma_start3A_191] : memref<16x20x8x128xi32, #tpu.memory_space<hbm>> -> memref<1x1x8x128xi32, #tpu.memory_space<hbm>>
        %dma_start3A_193 = tpu.memref_squeeze %dma_start3A_192 : memref<1x1x8x128xi32, #tpu.memory_space<hbm>> -> memref<8x128xi32, #tpu.memory_space<hbm>>
        %dma_start3A_194 = arith.constant 0 : i32
        %dma_start3A_195 = arith.constant 0 : i32
        %dma_start3A_196 = tpu.memref_slice %arg3[%arg1, %add3A_189, %dma_start3A_194, %dma_start3A_195] : memref<16x20x8x128xi32, #tpu.memory_space<hbm>> -> memref<1x1x8x128xi32, #tpu.memory_space<hbm>>
        %dma_start3A_197 = tpu.memref_squeeze %dma_start3A_196 : memref<1x1x8x128xi32, #tpu.memory_space<hbm>> -> memref<8x128xi32, #tpu.memory_space<hbm>>
        tpu.enqueue_dma source(%dma_start3A_197 : memref<8x128xi32, #tpu.memory_space<hbm>>) target(%arg8 : memref<8x128xi32, #tpu.memory_space<vmem>>) target_semaphore(%arg17 : memref<!tpu.dma_semaphore, #tpu.memory_space<semaphore_mem>>)
        %add3A_198 = arith.constant 2 : i32
        %add3A_199 = arith.addi %add3A_94, %add3A_198 : i32
        %dma_start3A_200 = arith.constant 0 : i32
        %dma_start3A_201 = arith.constant 0 : i32
        %dma_start3A_202 = tpu.memref_slice %arg4[%arg1, %add3A_199, %dma_start3A_200, %dma_start3A_201] : memref<16x20x8x128xi32, #tpu.memory_space<hbm>> -> memref<1x1x8x128xi32, #tpu.memory_space<hbm>>
        %dma_start3A_203 = tpu.memref_squeeze %dma_start3A_202 : memref<1x1x8x128xi32, #tpu.memory_space<hbm>> -> memref<8x128xi32, #tpu.memory_space<hbm>>
        %dma_start3A_204 = arith.constant 0 : i32
        %dma_start3A_205 = arith.constant 0 : i32
        %dma_start3A_206 = tpu.memref_slice %arg4[%arg1, %add3A_199, %dma_start3A_204, %dma_start3A_205] : memref<16x20x8x128xi32, #tpu.memory_space<hbm>> -> memref<1x1x8x128xi32, #tpu.memory_space<hbm>>
        %dma_start3A_207 = tpu.memref_squeeze %dma_start3A_206 : memref<1x1x8x128xi32, #tpu.memory_space<hbm>> -> memref<8x128xi32, #tpu.memory_space<hbm>>
        tpu.enqueue_dma source(%dma_start3A_207 : memref<8x128xi32, #tpu.memory_space<hbm>>) target(%arg10 : memref<8x128xi32, #tpu.memory_space<vmem>>) target_semaphore(%arg17 : memref<!tpu.dma_semaphore, #tpu.memory_space<semaphore_mem>>)
      } else {
      }
    }
    %barrier3A_83 = arith.constant 0 : index
    tpu.barrier barrier_id(%barrier3A_83)
    %mul3A = arith.constant 632 : i32
    %mul3A_84 = arith.muli %arg1, %mul3A : i32
    %mul3A_85 = arith.constant 632 : i32
    %mul3A_86 = arith.muli %arg1, %mul3A_85 : i32
    "tpu.region"() ({
      %run_scoped3A = tpu.sem_alloc : memref<!tpu.dma_semaphore, #tpu.memory_space<semaphore_mem>>
      %dma_start3A_87 = arith.constant 0 : i32
      %dma_start3A_88 = tpu.memref_slice %arg6[%arg0, %mul3A_86, %dma_start3A_87] : memref<2x10112x128xf32, #tpu.memory_space<hbm>> -> memref<1x632x128xf32, #tpu.memory_space<hbm>>
      %dma_start3A_89 = tpu.memref_squeeze %dma_start3A_88 : memref<1x632x128xf32, #tpu.memory_space<hbm>> -> memref<632x128xf32, #tpu.memory_space<hbm>>
      %dma_start3A_90 = arith.constant 0 : i32
      %dma_start3A_91 = tpu.memref_slice %arg13[%mul3A_84, %dma_start3A_90] : memref<10112x128xf32, #tpu.memory_space<vmem_shared>> -> memref<632x128xf32, #tpu.memory_space<vmem_shared>>
      tpu.enqueue_dma source(%dma_start3A_91 : memref<632x128xf32, #tpu.memory_space<vmem_shared>>) target(%dma_start3A_89 : memref<632x128xf32, #tpu.memory_space<hbm>>) target_semaphore(%run_scoped3A : memref<!tpu.dma_semaphore, #tpu.memory_space<semaphore_mem>>)
      %dma_wait3A = arith.constant 0 : i32
      %dma_wait3A_92 = tpu.memref_slice %arg6[%arg0, %mul3A_86, %dma_wait3A] : memref<2x10112x128xf32, #tpu.memory_space<hbm>> -> memref<1x632x128xf32, #tpu.memory_space<hbm>>
      %dma_wait3A_93 = tpu.memref_squeeze %dma_wait3A_92 : memref<1x632x128xf32, #tpu.memory_space<hbm>> -> memref<632x128xf32, #tpu.memory_space<hbm>>
      %dma_wait3A_94 = arith.constant 0 : i32
      %dma_wait3A_95 = tpu.memref_slice %arg13[%mul3A_84, %dma_wait3A_94] : memref<10112x128xf32, #tpu.memory_space<vmem_shared>> -> memref<632x128xf32, #tpu.memory_space<vmem_shared>>
      tpu.wait_dma2 semaphore(%run_scoped3A : memref<!tpu.dma_semaphore, #tpu.memory_space<semaphore_mem>>) src(%dma_wait3A_95 : memref<632x128xf32, #tpu.memory_space<vmem_shared>>) dst(%dma_wait3A_93 : memref<632x128xf32, #tpu.memory_space<hbm>>)
      tpu.yield
    }) : () -> ()
    return
  }
}

#map = affine_map<(d0, d1) -> (0, 0)>
#map1 = affine_map<(d0, d1) -> (0, 0, 0, 0)>
#map2 = affine_map<(d0, d1) -> (0, 0, 0)>
module attributes {stable_mosaic.version = 14 : i64} {
  func.func @k(%arg0: i32, %arg1: i32, %arg2: memref<10000x128xf32, #tpu.memory_space<hbm>>, %arg3: memref<16x20x8x128xi32, #tpu.memory_space<hbm>>, %arg4: memref<16x20x8x128xi32, #tpu.memory_space<hbm>>, %arg5: memref<10000x128xf32, #tpu.memory_space<hbm>>, %arg6: memref<2x10112x128xf32, #tpu.memory_space<hbm>>, %arg7: memref<8x128xi32, #tpu.memory_space<vmem>>, %arg8: memref<8x128xi32, #tpu.memory_space<vmem>>, %arg9: memref<8x128xi32, #tpu.memory_space<vmem>>, %arg10: memref<8x128xi32, #tpu.memory_space<vmem>>, %arg11: memref<128x128xf32, #tpu.memory_space<vmem>>, %arg12: memref<128x128xf32, #tpu.memory_space<vmem>>, %arg13: memref<10112x128xf32, #tpu.memory_space<vmem_shared>>, %arg14: memref<!tpu.dma_semaphore, #tpu.memory_space<semaphore_mem>>, %arg15: memref<!tpu.dma_semaphore, #tpu.memory_space<semaphore_mem>>, %arg16: memref<!tpu.dma_semaphore, #tpu.memory_space<semaphore_mem>>, %arg17: memref<!tpu.dma_semaphore, #tpu.memory_space<semaphore_mem>>) attributes {dimension_semantics = [#tpu.dimension_semantics<core_parallel>, #tpu.dimension_semantics<subcore_parallel>], iteration_bounds = array<i64: 2, 16>, scalar_prefetch = 0 : i64, scratch_operands = 11 : i64, tpu.core_type = #tpu.core_type<sc_vector_subcore>, window_params = [{transform_indices = #map}, {transform_indices = #map1}, {transform_indices = #map1}, {transform_indices = #map}, {transform_indices = #map2}]} {
    %eq3A = arith.constant 0 : i32
    %eq3A_0 = arith.cmpi eq, %arg0, %eq3A : i32
    %jit3A = arith.constant 10 : i32
    %jit3A_1 = arith.constant 10 : i32
    %select_n3A = arith.select %eq3A_0, %jit3A, %jit3A_1 : i32
    %jit3A_2 = arith.constant 2 : i32
    %div3A = arith.divsi %select_n3A, %jit3A_2 : i32
    %sign3A = arith.constant 0 : i32
    %sign3A_3 = arith.cmpi sgt, %select_n3A, %sign3A : i32
    %sign3A_4 = arith.extui %sign3A_3 : i1 to i32
    %sign3A_5 = arith.constant 0 : i32
    %sign3A_6 = arith.cmpi slt, %select_n3A, %sign3A_5 : i32
    %sign3A_7 = arith.extui %sign3A_6 : i1 to i32
    %sign3A_8 = arith.subi %sign3A_4, %sign3A_7 : i32
    %sign3A_9 = arith.constant 0 : i32
    %sign3A_10 = arith.cmpi sgt, %jit3A_2, %sign3A_9 : i32
    %sign3A_11 = arith.extui %sign3A_10 : i1 to i32
    %sign3A_12 = arith.constant 0 : i32
    %sign3A_13 = arith.cmpi slt, %jit3A_2, %sign3A_12 : i32
    %sign3A_14 = arith.extui %sign3A_13 : i1 to i32
    %sign3A_15 = arith.subi %sign3A_11, %sign3A_14 : i32
    %ne3A = arith.cmpi ne, %sign3A_8, %sign3A_15 : i32
    %rem3A = arith.remsi %select_n3A, %jit3A_2 : i32
    %ne3A_16 = arith.constant 0 : i32
    %ne3A_17 = arith.cmpi ne, %rem3A, %ne3A_16 : i32
    %and3A = arith.andi %ne3A, %ne3A_17 : i1
    %sub3A = arith.constant 1 : i32
    %sub3A_18 = arith.subi %div3A, %sub3A : i32
    %select_n3A_19 = arith.select %and3A, %sub3A_18, %div3A : i32
    %eq3A_20 = arith.constant 0 : i32
    %eq3A_21 = arith.cmpi eq, %arg0, %eq3A_20 : i32
    %jit3A_22 = arith.constant 10 : i32
    %jit3A_23 = arith.constant 0 : i32
    %select_n3A_24 = arith.select %eq3A_21, %jit3A_22, %jit3A_23 : i32
    "tpu.region"() ({
      %run_scoped3A = tpu.sem_alloc : memref<!tpu.dma_semaphore, #tpu.memory_space<semaphore_mem>>
      %dma_start3A_87 = arith.constant 0 : i32
      %dma_start3A_88 = arith.constant 0 : i32
      %dma_start3A_89 = tpu.memref_slice %arg3[%arg1, %select_n3A_24, %dma_start3A_87, %dma_start3A_88] : memref<16x20x8x128xi32, #tpu.memory_space<hbm>> -> memref<1x1x8x128xi32, #tpu.memory_space<hbm>>
      %dma_start3A_90 = tpu.memref_squeeze %dma_start3A_89 : memref<1x1x8x128xi32, #tpu.memory_space<hbm>> -> memref<8x128xi32, #tpu.memory_space<hbm>>
      %dma_start3A_91 = arith.constant 0 : i32
      %dma_start3A_92 = arith.constant 0 : i32
      %dma_start3A_93 = tpu.memref_slice %arg3[%arg1, %select_n3A_24, %dma_start3A_91, %dma_start3A_92] : memref<16x20x8x128xi32, #tpu.memory_space<hbm>> -> memref<1x1x8x128xi32, #tpu.memory_space<hbm>>
      %dma_start3A_94 = tpu.memref_squeeze %dma_start3A_93 : memref<1x1x8x128xi32, #tpu.memory_space<hbm>> -> memref<8x128xi32, #tpu.memory_space<hbm>>
      tpu.enqueue_dma source(%dma_start3A_94 : memref<8x128xi32, #tpu.memory_space<hbm>>) target(%arg7 : memref<8x128xi32, #tpu.memory_space<vmem>>) target_semaphore(%run_scoped3A : memref<!tpu.dma_semaphore, #tpu.memory_space<semaphore_mem>>)
      %dma_wait3A = arith.constant 0 : i32
      %dma_wait3A_95 = arith.constant 0 : i32
      %dma_wait3A_96 = tpu.memref_slice %arg3[%arg1, %select_n3A_24, %dma_wait3A, %dma_wait3A_95] : memref<16x20x8x128xi32, #tpu.memory_space<hbm>> -> memref<1x1x8x128xi32, #tpu.memory_space<hbm>>
      %dma_wait3A_97 = tpu.memref_squeeze %dma_wait3A_96 : memref<1x1x8x128xi32, #tpu.memory_space<hbm>> -> memref<8x128xi32, #tpu.memory_space<hbm>>
      %dma_wait3A_98 = arith.constant 0 : i32
      %dma_wait3A_99 = arith.constant 0 : i32
      %dma_wait3A_100 = tpu.memref_slice %arg3[%arg1, %select_n3A_24, %dma_wait3A_98, %dma_wait3A_99] : memref<16x20x8x128xi32, #tpu.memory_space<hbm>> -> memref<1x1x8x128xi32, #tpu.memory_space<hbm>>
      %dma_wait3A_101 = tpu.memref_squeeze %dma_wait3A_100 : memref<1x1x8x128xi32, #tpu.memory_space<hbm>> -> memref<8x128xi32, #tpu.memory_space<hbm>>
      tpu.wait_dma2 semaphore(%run_scoped3A : memref<!tpu.dma_semaphore, #tpu.memory_space<semaphore_mem>>) src(%dma_wait3A_101 : memref<8x128xi32, #tpu.memory_space<hbm>>) dst(%arg7 : memref<8x128xi32, #tpu.memory_space<vmem>>)
      tpu.yield
    }) : () -> ()
    "tpu.region"() ({
      %run_scoped3A = tpu.sem_alloc : memref<!tpu.dma_semaphore, #tpu.memory_space<semaphore_mem>>
      %dma_start3A_87 = arith.constant 0 : i32
      %dma_start3A_88 = arith.constant 0 : i32
      %dma_start3A_89 = tpu.memref_slice %arg4[%arg1, %select_n3A_24, %dma_start3A_87, %dma_start3A_88] : memref<16x20x8x128xi32, #tpu.memory_space<hbm>> -> memref<1x1x8x128xi32, #tpu.memory_space<hbm>>
      %dma_start3A_90 = tpu.memref_squeeze %dma_start3A_89 : memref<1x1x8x128xi32, #tpu.memory_space<hbm>> -> memref<8x128xi32, #tpu.memory_space<hbm>>
      %dma_start3A_91 = arith.constant 0 : i32
      %dma_start3A_92 = arith.constant 0 : i32
      %dma_start3A_93 = tpu.memref_slice %arg4[%arg1, %select_n3A_24, %dma_start3A_91, %dma_start3A_92] : memref<16x20x8x128xi32, #tpu.memory_space<hbm>> -> memref<1x1x8x128xi32, #tpu.memory_space<hbm>>
      %dma_start3A_94 = tpu.memref_squeeze %dma_start3A_93 : memref<1x1x8x128xi32, #tpu.memory_space<hbm>> -> memref<8x128xi32, #tpu.memory_space<hbm>>
      tpu.enqueue_dma source(%dma_start3A_94 : memref<8x128xi32, #tpu.memory_space<hbm>>) target(%arg9 : memref<8x128xi32, #tpu.memory_space<vmem>>) target_semaphore(%run_scoped3A : memref<!tpu.dma_semaphore, #tpu.memory_space<semaphore_mem>>)
      %dma_wait3A = arith.constant 0 : i32
      %dma_wait3A_95 = arith.constant 0 : i32
      %dma_wait3A_96 = tpu.memref_slice %arg4[%arg1, %select_n3A_24, %dma_wait3A, %dma_wait3A_95] : memref<16x20x8x128xi32, #tpu.memory_space<hbm>> -> memref<1x1x8x128xi32, #tpu.memory_space<hbm>>
      %dma_wait3A_97 = tpu.memref_squeeze %dma_wait3A_96 : memref<1x1x8x128xi32, #tpu.memory_space<hbm>> -> memref<8x128xi32, #tpu.memory_space<hbm>>
      %dma_wait3A_98 = arith.constant 0 : i32
      %dma_wait3A_99 = arith.constant 0 : i32
      %dma_wait3A_100 = tpu.memref_slice %arg4[%arg1, %select_n3A_24, %dma_wait3A_98, %dma_wait3A_99] : memref<16x20x8x128xi32, #tpu.memory_space<hbm>> -> memref<1x1x8x128xi32, #tpu.memory_space<hbm>>
      %dma_wait3A_101 = tpu.memref_squeeze %dma_wait3A_100 : memref<1x1x8x128xi32, #tpu.memory_space<hbm>> -> memref<8x128xi32, #tpu.memory_space<hbm>>
      tpu.wait_dma2 semaphore(%run_scoped3A : memref<!tpu.dma_semaphore, #tpu.memory_space<semaphore_mem>>) src(%dma_wait3A_101 : memref<8x128xi32, #tpu.memory_space<hbm>>) dst(%arg9 : memref<8x128xi32, #tpu.memory_space<vmem>>)
      tpu.yield
    }) : () -> ()
    %add3A = arith.constant 1 : i32
    %add3A_25 = arith.addi %select_n3A_24, %add3A : i32
    %dma_start3A = arith.constant 0 : i32
    %dma_start3A_26 = arith.constant 0 : i32
    %dma_start3A_27 = tpu.memref_slice %arg3[%arg1, %add3A_25, %dma_start3A, %dma_start3A_26] : memref<16x20x8x128xi32, #tpu.memory_space<hbm>> -> memref<1x1x8x128xi32, #tpu.memory_space<hbm>>
    %dma_start3A_28 = tpu.memref_squeeze %dma_start3A_27 : memref<1x1x8x128xi32, #tpu.memory_space<hbm>> -> memref<8x128xi32, #tpu.memory_space<hbm>>
    %dma_start3A_29 = arith.constant 0 : i32
    %dma_start3A_30 = arith.constant 0 : i32
    %dma_start3A_31 = tpu.memref_slice %arg3[%arg1, %add3A_25, %dma_start3A_29, %dma_start3A_30] : memref<16x20x8x128xi32, #tpu.memory_space<hbm>> -> memref<1x1x8x128xi32, #tpu.memory_space<hbm>>
    %dma_start3A_32 = tpu.memref_squeeze %dma_start3A_31 : memref<1x1x8x128xi32, #tpu.memory_space<hbm>> -> memref<8x128xi32, #tpu.memory_space<hbm>>
    tpu.enqueue_dma source(%dma_start3A_32 : memref<8x128xi32, #tpu.memory_space<hbm>>) target(%arg8 : memref<8x128xi32, #tpu.memory_space<vmem>>) target_semaphore(%arg17 : memref<!tpu.dma_semaphore, #tpu.memory_space<semaphore_mem>>)
    %add3A_33 = arith.constant 1 : i32
    %add3A_34 = arith.addi %select_n3A_24, %add3A_33 : i32
    %dma_start3A_35 = arith.constant 0 : i32
    %dma_start3A_36 = arith.constant 0 : i32
    %dma_start3A_37 = tpu.memref_slice %arg4[%arg1, %add3A_34, %dma_start3A_35, %dma_start3A_36] : memref<16x20x8x128xi32, #tpu.memory_space<hbm>> -> memref<1x1x8x128xi32, #tpu.memory_space<hbm>>
    %dma_start3A_38 = tpu.memref_squeeze %dma_start3A_37 : memref<1x1x8x128xi32, #tpu.memory_space<hbm>> -> memref<8x128xi32, #tpu.memory_space<hbm>>
    %dma_start3A_39 = arith.constant 0 : i32
    %dma_start3A_40 = arith.constant 0 : i32
    %dma_start3A_41 = tpu.memref_slice %arg4[%arg1, %add3A_34, %dma_start3A_39, %dma_start3A_40] : memref<16x20x8x128xi32, #tpu.memory_space<hbm>> -> memref<1x1x8x128xi32, #tpu.memory_space<hbm>>
    %dma_start3A_42 = tpu.memref_squeeze %dma_start3A_41 : memref<1x1x8x128xi32, #tpu.memory_space<hbm>> -> memref<8x128xi32, #tpu.memory_space<hbm>>
    tpu.enqueue_dma source(%dma_start3A_42 : memref<8x128xi32, #tpu.memory_space<hbm>>) target(%arg10 : memref<8x128xi32, #tpu.memory_space<vmem>>) target_semaphore(%arg17 : memref<!tpu.dma_semaphore, #tpu.memory_space<semaphore_mem>>)
    %dma_start3A_43 = arith.constant 0 : i32
    %dma_start3A_44 = arith.constant 0 : i32
    %dma_start3A_45 = tpu.memref_slice %arg7[%dma_start3A_43, %dma_start3A_44] : memref<8x128xi32, #tpu.memory_space<vmem>> -> memref<1x128xi32, #tpu.memory_space<vmem>>
    %dma_start3A_46 = tpu.memref_squeeze %dma_start3A_45 : memref<1x128xi32, #tpu.memory_space<vmem>> -> memref<128xi32, #tpu.memory_space<vmem>>
    %dma_start3A_47 = arith.constant 0 : i32
    %dma_start3A_48 = arith.constant 0 : i32
    %dma_start3A_49 = tpu.memref_slice %arg2[%dma_start3A_47, %dma_start3A_48] : memref<10000x128xf32, #tpu.memory_space<hbm>> -> memref<10000x128xf32, #tpu.memory_space<hbm>>
    tpu.enqueue_indirect_dma source(%dma_start3A_49 : memref<10000x128xf32, #tpu.memory_space<hbm>>) target(%arg11 : memref<128x128xf32, #tpu.memory_space<vmem>>) offsets(%dma_start3A_46 : memref<128xi32, #tpu.memory_space<vmem>>) semaphore(%arg14 : memref<!tpu.dma_semaphore, #tpu.memory_space<semaphore_mem>>)
    %dma_start3A_50 = arith.constant 1 : i32
    %dma_start3A_51 = arith.constant 0 : i32
    %dma_start3A_52 = tpu.memref_slice %arg7[%dma_start3A_50, %dma_start3A_51] : memref<8x128xi32, #tpu.memory_space<vmem>> -> memref<1x128xi32, #tpu.memory_space<vmem>>
    %dma_start3A_53 = tpu.memref_squeeze %dma_start3A_52 : memref<1x128xi32, #tpu.memory_space<vmem>> -> memref<128xi32, #tpu.memory_space<vmem>>
    %dma_start3A_54 = arith.constant 0 : i32
    %dma_start3A_55 = arith.constant 0 : i32
    %dma_start3A_56 = tpu.memref_slice %arg2[%dma_start3A_54, %dma_start3A_55] : memref<10000x128xf32, #tpu.memory_space<hbm>> -> memref<10000x128xf32, #tpu.memory_space<hbm>>
    tpu.enqueue_indirect_dma source(%dma_start3A_56 : memref<10000x128xf32, #tpu.memory_space<hbm>>) target(%arg12 : memref<128x128xf32, #tpu.memory_space<vmem>>) offsets(%dma_start3A_53 : memref<128xi32, #tpu.memory_space<vmem>>) semaphore(%arg15 : memref<!tpu.dma_semaphore, #tpu.memory_space<semaphore_mem>>)
    %eq3A_57 = arith.constant 0 : i32
    %eq3A_58 = arith.cmpi eq, %arg0, %eq3A_57 : i32
    %convert_element_type3A = arith.extui %eq3A_58 : i1 to i32
    %cond3A = arith.constant 0 : i32
    %cond3A_59 = arith.cmpi ne, %convert_element_type3A, %cond3A : i32
    scf.if %cond3A_59 {
      %mul3A_87 = arith.constant 624 : i32
      %mul3A_88 = arith.muli %arg1, %mul3A_87 : i32
      %mul3A_89 = arith.constant 624 : i32
      %mul3A_90 = arith.muli %arg1, %mul3A_89 : i32
      "tpu.region"() ({
        %run_scoped3A = tpu.sem_alloc : memref<!tpu.dma_semaphore, #tpu.memory_space<semaphore_mem>>
        %dma_start3A_96 = arith.constant 0 : i32
        %dma_start3A_97 = tpu.memref_slice %arg13[%mul3A_90, %dma_start3A_96] : memref<10112x128xf32, #tpu.memory_space<vmem_shared>> -> memref<624x128xf32, #tpu.memory_space<vmem_shared>>
        %dma_start3A_98 = arith.constant 0 : i32
        %dma_start3A_99 = tpu.memref_slice %arg2[%mul3A_88, %dma_start3A_98] : memref<10000x128xf32, #tpu.memory_space<hbm>> -> memref<624x128xf32, #tpu.memory_space<hbm>>
        tpu.enqueue_dma source(%dma_start3A_99 : memref<624x128xf32, #tpu.memory_space<hbm>>) target(%dma_start3A_97 : memref<624x128xf32, #tpu.memory_space<vmem_shared>>) target_semaphore(%run_scoped3A : memref<!tpu.dma_semaphore, #tpu.memory_space<semaphore_mem>>)
        %dma_wait3A = arith.constant 0 : i32
        %dma_wait3A_100 = tpu.memref_slice %arg13[%mul3A_90, %dma_wait3A] : memref<10112x128xf32, #tpu.memory_space<vmem_shared>> -> memref<624x128xf32, #tpu.memory_space<vmem_shared>>
        %dma_wait3A_101 = arith.constant 0 : i32
        %dma_wait3A_102 = tpu.memref_slice %arg2[%mul3A_88, %dma_wait3A_101] : memref<10000x128xf32, #tpu.memory_space<hbm>> -> memref<624x128xf32, #tpu.memory_space<hbm>>
        tpu.wait_dma2 semaphore(%run_scoped3A : memref<!tpu.dma_semaphore, #tpu.memory_space<semaphore_mem>>) src(%dma_wait3A_102 : memref<624x128xf32, #tpu.memory_space<hbm>>) dst(%dma_wait3A_100 : memref<624x128xf32, #tpu.memory_space<vmem_shared>>)
        tpu.yield
      }) : () -> ()
      %eq3A_91 = arith.constant 0 : i32
      %eq3A_92 = arith.cmpi eq, %arg1, %eq3A_91 : i32
      %convert_element_type3A_93 = arith.extui %eq3A_92 : i1 to i32
      %cond3A_94 = arith.constant 0 : i32
      %cond3A_95 = arith.cmpi ne, %convert_element_type3A_93, %cond3A_94 : i32
      scf.if %cond3A_95 {
        "tpu.region"() ({
          %run_scoped3A = tpu.sem_alloc : memref<!tpu.dma_semaphore, #tpu.memory_space<semaphore_mem>>
          %dma_start3A_96 = arith.constant 9984 : i32
          %dma_start3A_97 = arith.constant 0 : i32
          %dma_start3A_98 = tpu.memref_slice %arg13[%dma_start3A_96, %dma_start3A_97] : memref<10112x128xf32, #tpu.memory_space<vmem_shared>> -> memref<16x128xf32, #tpu.memory_space<vmem_shared>>
          %dma_start3A_99 = arith.constant 9984 : i32
          %dma_start3A_100 = arith.constant 0 : i32
          %dma_start3A_101 = tpu.memref_slice %arg2[%dma_start3A_99, %dma_start3A_100] : memref<10000x128xf32, #tpu.memory_space<hbm>> -> memref<16x128xf32, #tpu.memory_space<hbm>>
          tpu.enqueue_dma source(%dma_start3A_101 : memref<16x128xf32, #tpu.memory_space<hbm>>) target(%dma_start3A_98 : memref<16x128xf32, #tpu.memory_space<vmem_shared>>) target_semaphore(%run_scoped3A : memref<!tpu.dma_semaphore, #tpu.memory_space<semaphore_mem>>)
          %dma_wait3A = arith.constant 9984 : i32
          %dma_wait3A_102 = arith.constant 0 : i32
          %dma_wait3A_103 = tpu.memref_slice %arg13[%dma_wait3A, %dma_wait3A_102] : memref<10112x128xf32, #tpu.memory_space<vmem_shared>> -> memref<16x128xf32, #tpu.memory_space<vmem_shared>>
          %dma_wait3A_104 = arith.constant 9984 : i32
          %dma_wait3A_105 = arith.constant 0 : i32
          %dma_wait3A_106 = tpu.memref_slice %arg2[%dma_wait3A_104, %dma_wait3A_105] : memref<10000x128xf32, #tpu.memory_space<hbm>> -> memref<16x128xf32, #tpu.memory_space<hbm>>
          tpu.wait_dma2 semaphore(%run_scoped3A : memref<!tpu.dma_semaphore, #tpu.memory_space<semaphore_mem>>) src(%dma_wait3A_106 : memref<16x128xf32, #tpu.memory_space<hbm>>) dst(%dma_wait3A_103 : memref<16x128xf32, #tpu.memory_space<vmem_shared>>)
          tpu.yield
        }) : () -> ()
      } else {
      }
    } else {
    }
    %eq3A_60 = arith.constant 1 : i32
    %eq3A_61 = arith.cmpi eq, %arg0, %eq3A_60 : i32
    %convert_element_type3A_62 = arith.extui %eq3A_61 : i1 to i32
    %cond3A_63 = arith.constant 0 : i32
    %cond3A_64 = arith.cmpi ne, %convert_element_type3A_62, %cond3A_63 : i32
    scf.if %cond3A_64 {
      %mul3A_87 = arith.constant 624 : i32
      %mul3A_88 = arith.muli %arg1, %mul3A_87 : i32
      %mul3A_89 = arith.constant 624 : i32
      %mul3A_90 = arith.muli %arg1, %mul3A_89 : i32
      "tpu.region"() ({
        %run_scoped3A = tpu.sem_alloc : memref<!tpu.dma_semaphore, #tpu.memory_space<semaphore_mem>>
        %dma_start3A_96 = arith.constant 0 : i32
        %dma_start3A_97 = tpu.memref_slice %arg13[%mul3A_90, %dma_start3A_96] : memref<10112x128xf32, #tpu.memory_space<vmem_shared>> -> memref<624x128xf32, #tpu.memory_space<vmem_shared>>
        %dma_start3A_98 = arith.constant 0 : i32
        %dma_start3A_99 = tpu.memref_slice %arg5[%mul3A_88, %dma_start3A_98] : memref<10000x128xf32, #tpu.memory_space<hbm>> -> memref<624x128xf32, #tpu.memory_space<hbm>>
        tpu.enqueue_dma source(%dma_start3A_99 : memref<624x128xf32, #tpu.memory_space<hbm>>) target(%dma_start3A_97 : memref<624x128xf32, #tpu.memory_space<vmem_shared>>) target_semaphore(%run_scoped3A : memref<!tpu.dma_semaphore, #tpu.memory_space<semaphore_mem>>)
        %dma_wait3A = arith.constant 0 : i32
        %dma_wait3A_100 = tpu.memref_slice %arg13[%mul3A_90, %dma_wait3A] : memref<10112x128xf32, #tpu.memory_space<vmem_shared>> -> memref<624x128xf32, #tpu.memory_space<vmem_shared>>
        %dma_wait3A_101 = arith.constant 0 : i32
        %dma_wait3A_102 = tpu.memref_slice %arg5[%mul3A_88, %dma_wait3A_101] : memref<10000x128xf32, #tpu.memory_space<hbm>> -> memref<624x128xf32, #tpu.memory_space<hbm>>
        tpu.wait_dma2 semaphore(%run_scoped3A : memref<!tpu.dma_semaphore, #tpu.memory_space<semaphore_mem>>) src(%dma_wait3A_102 : memref<624x128xf32, #tpu.memory_space<hbm>>) dst(%dma_wait3A_100 : memref<624x128xf32, #tpu.memory_space<vmem_shared>>)
        tpu.yield
      }) : () -> ()
      %eq3A_91 = arith.constant 0 : i32
      %eq3A_92 = arith.cmpi eq, %arg1, %eq3A_91 : i32
      %convert_element_type3A_93 = arith.extui %eq3A_92 : i1 to i32
      %cond3A_94 = arith.constant 0 : i32
      %cond3A_95 = arith.cmpi ne, %convert_element_type3A_93, %cond3A_94 : i32
      scf.if %cond3A_95 {
        "tpu.region"() ({
          %run_scoped3A = tpu.sem_alloc : memref<!tpu.dma_semaphore, #tpu.memory_space<semaphore_mem>>
          %dma_start3A_96 = arith.constant 9984 : i32
          %dma_start3A_97 = arith.constant 0 : i32
          %dma_start3A_98 = tpu.memref_slice %arg13[%dma_start3A_96, %dma_start3A_97] : memref<10112x128xf32, #tpu.memory_space<vmem_shared>> -> memref<16x128xf32, #tpu.memory_space<vmem_shared>>
          %dma_start3A_99 = arith.constant 9984 : i32
          %dma_start3A_100 = arith.constant 0 : i32
          %dma_start3A_101 = tpu.memref_slice %arg5[%dma_start3A_99, %dma_start3A_100] : memref<10000x128xf32, #tpu.memory_space<hbm>> -> memref<16x128xf32, #tpu.memory_space<hbm>>
          tpu.enqueue_dma source(%dma_start3A_101 : memref<16x128xf32, #tpu.memory_space<hbm>>) target(%dma_start3A_98 : memref<16x128xf32, #tpu.memory_space<vmem_shared>>) target_semaphore(%run_scoped3A : memref<!tpu.dma_semaphore, #tpu.memory_space<semaphore_mem>>)
          %dma_wait3A = arith.constant 9984 : i32
          %dma_wait3A_102 = arith.constant 0 : i32
          %dma_wait3A_103 = tpu.memref_slice %arg13[%dma_wait3A, %dma_wait3A_102] : memref<10112x128xf32, #tpu.memory_space<vmem_shared>> -> memref<16x128xf32, #tpu.memory_space<vmem_shared>>
          %dma_wait3A_104 = arith.constant 9984 : i32
          %dma_wait3A_105 = arith.constant 0 : i32
          %dma_wait3A_106 = tpu.memref_slice %arg5[%dma_wait3A_104, %dma_wait3A_105] : memref<10000x128xf32, #tpu.memory_space<hbm>> -> memref<16x128xf32, #tpu.memory_space<hbm>>
          tpu.wait_dma2 semaphore(%run_scoped3A : memref<!tpu.dma_semaphore, #tpu.memory_space<semaphore_mem>>) src(%dma_wait3A_106 : memref<16x128xf32, #tpu.memory_space<hbm>>) dst(%dma_wait3A_103 : memref<16x128xf32, #tpu.memory_space<vmem_shared>>)
          tpu.yield
        }) : () -> ()
      } else {
      }
    } else {
    }
    %barrier3A = arith.constant 0 : index
    tpu.barrier barrier_id(%barrier3A)
    %sub3A_65 = arith.constant 0 : i32
    %sub3A_66 = arith.subi %select_n3A_19, %sub3A_65 : i32
    %sub3A_67 = arith.constant 1 : i32
    %sub3A_68 = arith.constant 1 : i32
    %sub3A_69 = arith.subi %sub3A_67, %sub3A_68 : i32
    %add3A_70 = arith.addi %sub3A_66, %sub3A_69 : i32
    %div3A_71 = arith.constant 1 : i32
    %div3A_72 = arith.divsi %add3A_70, %div3A_71 : i32
    %while3A = arith.constant 1 : i32
    %while3A_73 = arith.constant 0 : i32
    %while3A_74 = arith.constant 0 : i32
    %while3A_75 = arith.subi %div3A_72, %while3A_74 : i32
    %while3A_76 = arith.addi %while3A_74, %while3A_75 : i32
    %while3A_77 = arith.constant 1 : i32
    %while3A_78 = arith.divsi %while3A_75, %while3A_77 : i32
    %while3A_79 = arith.muli %while3A_78, %while3A_77 : i32
    %while3A_80 = arith.addi %while3A_74, %while3A_79 : i32
    %while3A_81 = arith.constant 1 : i32
    scf.for %while3A_87 = %while3A_74 to %while3A_80 step %while3A_81  : i32 {
      %mul3A_88 = arith.muli %while3A_87, %while3A : i32
      %add3A_89 = arith.addi %while3A_73, %mul3A_88 : i32
      %mul3A_90 = arith.constant 2 : i32
      %mul3A_91 = arith.muli %mul3A_90, %add3A_89 : i32
      %add3A_92 = arith.addi %select_n3A_24, %mul3A_91 : i32
      %add3A_93 = arith.constant 1 : i32
      %add3A_94 = arith.addi %add3A_92, %add3A_93 : i32
      %mul3A_95 = arith.constant 2 : i32
      %mul3A_96 = arith.muli %mul3A_95, %add3A_89 : i32
      %add3A_97 = arith.constant 2 : i32
      %add3A_98 = arith.addi %mul3A_96, %add3A_97 : i32
      %lt3A = arith.cmpi slt, %add3A_98, %select_n3A : i32
      %scan3A = arith.constant 0 : i32
      %scan3A_99 = arith.constant 3 : i32
      %scan3A_100 = arith.addi %scan3A, %scan3A_99 : i32
      %scan3A_101 = arith.constant 1 : i32
      scf.for %scan3A_188 = %scan3A to %scan3A_100 step %scan3A_101  : i32 {
        %mul3A_189 = arith.constant 2 : i32
        %mul3A_190 = arith.muli %scan3A_188, %mul3A_189 : i32
        %add3A_191 = arith.constant 0 : i32
        %add3A_192 = arith.addi %add3A_191, %mul3A_190 : i32
        %dma_wait3A_193 = arith.constant 0 : i32
        %dma_wait3A_194 = tpu.memref_slice %arg7[%add3A_192, %dma_wait3A_193] : memref<8x128xi32, #tpu.memory_space<vmem>> -> memref<1x128xi32, #tpu.memory_space<vmem>>
        %dma_wait3A_195 = tpu.memref_squeeze %dma_wait3A_194 : memref<1x128xi32, #tpu.memory_space<vmem>> -> memref<128xi32, #tpu.memory_space<vmem>>
        %dma_wait3A_196 = arith.constant 0 : i32
        %dma_wait3A_197 = arith.constant 0 : i32
        %dma_wait3A_198 = tpu.memref_slice %arg2[%dma_wait3A_196, %dma_wait3A_197] : memref<10000x128xf32, #tpu.memory_space<hbm>> -> memref<10000x128xf32, #tpu.memory_space<hbm>>
        tpu.wait_indirect_dma semaphore(%arg14 : memref<!tpu.dma_semaphore, #tpu.memory_space<semaphore_mem>>) src(%dma_wait3A_198 : memref<10000x128xf32, #tpu.memory_space<hbm>>) dst(%arg11 : memref<128x128xf32, #tpu.memory_space<vmem>>)
        "tpu.region"() ({
          %run_scoped3A_225 = tpu.sem_alloc : memref<!tpu.dma_semaphore, #tpu.memory_space<semaphore_mem>>
          %dma_start3A_226 = arith.constant 0 : i32
          %dma_start3A_227 = tpu.memref_slice %arg9[%add3A_192, %dma_start3A_226] : memref<8x128xi32, #tpu.memory_space<vmem>> -> memref<1x128xi32, #tpu.memory_space<vmem>>
          %dma_start3A_228 = tpu.memref_squeeze %dma_start3A_227 : memref<1x128xi32, #tpu.memory_space<vmem>> -> memref<128xi32, #tpu.memory_space<vmem>>
          %dma_start3A_229 = arith.constant 0 : i32
          %dma_start3A_230 = arith.constant 0 : i32
          %dma_start3A_231 = tpu.memref_slice %arg13[%dma_start3A_229, %dma_start3A_230] : memref<10112x128xf32, #tpu.memory_space<vmem_shared>> -> memref<10112x128xf32, #tpu.memory_space<vmem_shared>>
          tpu.enqueue_indirect_dma source(%arg11 : memref<128x128xf32, #tpu.memory_space<vmem>>) target(%dma_start3A_231 : memref<10112x128xf32, #tpu.memory_space<vmem_shared>>) offsets(%dma_start3A_228 : memref<128xi32, #tpu.memory_space<vmem>>) semaphore(%run_scoped3A_225 : memref<!tpu.dma_semaphore, #tpu.memory_space<semaphore_mem>>) {add = true}
          %dma_wait3A_232 = arith.constant 0 : i32
          %dma_wait3A_233 = tpu.memref_slice %arg9[%add3A_192, %dma_wait3A_232] : memref<8x128xi32, #tpu.memory_space<vmem>> -> memref<1x128xi32, #tpu.memory_space<vmem>>
          %dma_wait3A_234 = tpu.memref_squeeze %dma_wait3A_233 : memref<1x128xi32, #tpu.memory_space<vmem>> -> memref<128xi32, #tpu.memory_space<vmem>>
          %dma_wait3A_235 = arith.constant 0 : i32
          %dma_wait3A_236 = arith.constant 0 : i32
          %dma_wait3A_237 = tpu.memref_slice %arg13[%dma_wait3A_235, %dma_wait3A_236] : memref<10112x128xf32, #tpu.memory_space<vmem_shared>> -> memref<10112x128xf32, #tpu.memory_space<vmem_shared>>
          tpu.wait_indirect_dma semaphore(%run_scoped3A_225 : memref<!tpu.dma_semaphore, #tpu.memory_space<semaphore_mem>>) src(%arg11 : memref<128x128xf32, #tpu.memory_space<vmem>>) dst(%dma_wait3A_237 : memref<10112x128xf32, #tpu.memory_space<vmem_shared>>)
          tpu.yield
        }) : () -> ()
        %add3A_199 = arith.constant 2 : i32
        %add3A_200 = arith.addi %add3A_192, %add3A_199 : i32
        %dma_start3A_201 = arith.constant 0 : i32
        %dma_start3A_202 = tpu.memref_slice %arg7[%add3A_200, %dma_start3A_201] : memref<8x128xi32, #tpu.memory_space<vmem>> -> memref<1x128xi32, #tpu.memory_space<vmem>>
        %dma_start3A_203 = tpu.memref_squeeze %dma_start3A_202 : memref<1x128xi32, #tpu.memory_space<vmem>> -> memref<128xi32, #tpu.memory_space<vmem>>
        %dma_start3A_204 = arith.constant 0 : i32
        %dma_start3A_205 = arith.constant 0 : i32
        %dma_start3A_206 = tpu.memref_slice %arg2[%dma_start3A_204, %dma_start3A_205] : memref<10000x128xf32, #tpu.memory_space<hbm>> -> memref<10000x128xf32, #tpu.memory_space<hbm>>
        tpu.enqueue_indirect_dma source(%dma_start3A_206 : memref<10000x128xf32, #tpu.memory_space<hbm>>) target(%arg11 : memref<128x128xf32, #tpu.memory_space<vmem>>) offsets(%dma_start3A_203 : memref<128xi32, #tpu.memory_space<vmem>>) semaphore(%arg14 : memref<!tpu.dma_semaphore, #tpu.memory_space<semaphore_mem>>)
        %add3A_207 = arith.constant 1 : i32
        %add3A_208 = arith.addi %add3A_192, %add3A_207 : i32
        %dma_wait3A_209 = arith.constant 0 : i32
        %dma_wait3A_210 = tpu.memref_slice %arg7[%add3A_208, %dma_wait3A_209] : memref<8x128xi32, #tpu.memory_space<vmem>> -> memref<1x128xi32, #tpu.memory_space<vmem>>
        %dma_wait3A_211 = tpu.memref_squeeze %dma_wait3A_210 : memref<1x128xi32, #tpu.memory_space<vmem>> -> memref<128xi32, #tpu.memory_space<vmem>>
        %dma_wait3A_212 = arith.constant 0 : i32
        %dma_wait3A_213 = arith.constant 0 : i32
        %dma_wait3A_214 = tpu.memref_slice %arg2[%dma_wait3A_212, %dma_wait3A_213] : memref<10000x128xf32, #tpu.memory_space<hbm>> -> memref<10000x128xf32, #tpu.memory_space<hbm>>
        tpu.wait_indirect_dma semaphore(%arg15 : memref<!tpu.dma_semaphore, #tpu.memory_space<semaphore_mem>>) src(%dma_wait3A_214 : memref<10000x128xf32, #tpu.memory_space<hbm>>) dst(%arg12 : memref<128x128xf32, #tpu.memory_space<vmem>>)
        %add3A_215 = arith.constant 1 : i32
        %add3A_216 = arith.addi %add3A_192, %add3A_215 : i32
        "tpu.region"() ({
          %run_scoped3A_225 = tpu.sem_alloc : memref<!tpu.dma_semaphore, #tpu.memory_space<semaphore_mem>>
          %dma_start3A_226 = arith.constant 0 : i32
          %dma_start3A_227 = tpu.memref_slice %arg9[%add3A_216, %dma_start3A_226] : memref<8x128xi32, #tpu.memory_space<vmem>> -> memref<1x128xi32, #tpu.memory_space<vmem>>
          %dma_start3A_228 = tpu.memref_squeeze %dma_start3A_227 : memref<1x128xi32, #tpu.memory_space<vmem>> -> memref<128xi32, #tpu.memory_space<vmem>>
          %dma_start3A_229 = arith.constant 0 : i32
          %dma_start3A_230 = arith.constant 0 : i32
          %dma_start3A_231 = tpu.memref_slice %arg13[%dma_start3A_229, %dma_start3A_230] : memref<10112x128xf32, #tpu.memory_space<vmem_shared>> -> memref<10112x128xf32, #tpu.memory_space<vmem_shared>>
          tpu.enqueue_indirect_dma source(%arg12 : memref<128x128xf32, #tpu.memory_space<vmem>>) target(%dma_start3A_231 : memref<10112x128xf32, #tpu.memory_space<vmem_shared>>) offsets(%dma_start3A_228 : memref<128xi32, #tpu.memory_space<vmem>>) semaphore(%run_scoped3A_225 : memref<!tpu.dma_semaphore, #tpu.memory_space<semaphore_mem>>) {add = true}
          %dma_wait3A_232 = arith.constant 0 : i32
          %dma_wait3A_233 = tpu.memref_slice %arg9[%add3A_216, %dma_wait3A_232] : memref<8x128xi32, #tpu.memory_space<vmem>> -> memref<1x128xi32, #tpu.memory_space<vmem>>
          %dma_wait3A_234 = tpu.memref_squeeze %dma_wait3A_233 : memref<1x128xi32, #tpu.memory_space<vmem>> -> memref<128xi32, #tpu.memory_space<vmem>>
          %dma_wait3A_235 = arith.constant 0 : i32
          %dma_wait3A_236 = arith.constant 0 : i32
          %dma_wait3A_237 = tpu.memref_slice %arg13[%dma_wait3A_235, %dma_wait3A_236] : memref<10112x128xf32, #tpu.memory_space<vmem_shared>> -> memref<10112x128xf32, #tpu.memory_space<vmem_shared>>
          tpu.wait_indirect_dma semaphore(%run_scoped3A_225 : memref<!tpu.dma_semaphore, #tpu.memory_space<semaphore_mem>>) src(%arg12 : memref<128x128xf32, #tpu.memory_space<vmem>>) dst(%dma_wait3A_237 : memref<10112x128xf32, #tpu.memory_space<vmem_shared>>)
          tpu.yield
        }) : () -> ()
        %add3A_217 = arith.constant 3 : i32
        %add3A_218 = arith.addi %add3A_192, %add3A_217 : i32
        %dma_start3A_219 = arith.constant 0 : i32
        %dma_start3A_220 = tpu.memref_slice %arg7[%add3A_218, %dma_start3A_219] : memref<8x128xi32, #tpu.memory_space<vmem>> -> memref<1x128xi32, #tpu.memory_space<vmem>>
        %dma_start3A_221 = tpu.memref_squeeze %dma_start3A_220 : memref<1x128xi32, #tpu.memory_space<vmem>> -> memref<128xi32, #tpu.memory_space<vmem>>
        %dma_start3A_222 = arith.constant 0 : i32
        %dma_start3A_223 = arith.constant 0 : i32
        %dma_start3A_224 = tpu.memref_slice %arg2[%dma_start3A_222, %dma_start3A_223] : memref<10000x128xf32, #tpu.memory_space<hbm>> -> memref<10000x128xf32, #tpu.memory_space<hbm>>
        tpu.enqueue_indirect_dma source(%dma_start3A_224 : memref<10000x128xf32, #tpu.memory_space<hbm>>) target(%arg12 : memref<128x128xf32, #tpu.memory_space<vmem>>) offsets(%dma_start3A_221 : memref<128xi32, #tpu.memory_space<vmem>>) semaphore(%arg15 : memref<!tpu.dma_semaphore, #tpu.memory_space<semaphore_mem>>)
      }
      %scan3A_102 = arith.constant 3 : i32
      %dma_wait3A = arith.constant 0 : i32
      %dma_wait3A_103 = arith.constant 0 : i32
      %dma_wait3A_104 = tpu.memref_slice %arg3[%arg1, %add3A_94, %dma_wait3A, %dma_wait3A_103] : memref<16x20x8x128xi32, #tpu.memory_space<hbm>> -> memref<1x1x8x128xi32, #tpu.memory_space<hbm>>
      %dma_wait3A_105 = tpu.memref_squeeze %dma_wait3A_104 : memref<1x1x8x128xi32, #tpu.memory_space<hbm>> -> memref<8x128xi32, #tpu.memory_space<hbm>>
      %dma_wait3A_106 = arith.constant 0 : i32
      %dma_wait3A_107 = arith.constant 0 : i32
      %dma_wait3A_108 = tpu.memref_slice %arg3[%arg1, %add3A_94, %dma_wait3A_106, %dma_wait3A_107] : memref<16x20x8x128xi32, #tpu.memory_space<hbm>> -> memref<1x1x8x128xi32, #tpu.memory_space<hbm>>
      %dma_wait3A_109 = tpu.memref_squeeze %dma_wait3A_108 : memref<1x1x8x128xi32, #tpu.memory_space<hbm>> -> memref<8x128xi32, #tpu.memory_space<hbm>>
      tpu.wait_dma2 semaphore(%arg17 : memref<!tpu.dma_semaphore, #tpu.memory_space<semaphore_mem>>) src(%dma_wait3A_109 : memref<8x128xi32, #tpu.memory_space<hbm>>) dst(%arg8 : memref<8x128xi32, #tpu.memory_space<vmem>>)
      %dma_wait3A_110 = arith.constant 0 : i32
      %dma_wait3A_111 = arith.constant 0 : i32
      %dma_wait3A_112 = tpu.memref_slice %arg4[%arg1, %add3A_94, %dma_wait3A_110, %dma_wait3A_111] : memref<16x20x8x128xi32, #tpu.memory_space<hbm>> -> memref<1x1x8x128xi32, #tpu.memory_space<hbm>>
      %dma_wait3A_113 = tpu.memref_squeeze %dma_wait3A_112 : memref<1x1x8x128xi32, #tpu.memory_space<hbm>> -> memref<8x128xi32, #tpu.memory_space<hbm>>
      %dma_wait3A_114 = arith.constant 0 : i32
      %dma_wait3A_115 = arith.constant 0 : i32
      %dma_wait3A_116 = tpu.memref_slice %arg4[%arg1, %add3A_94, %dma_wait3A_114, %dma_wait3A_115] : memref<16x20x8x128xi32, #tpu.memory_space<hbm>> -> memref<1x1x8x128xi32, #tpu.memory_space<hbm>>
      %dma_wait3A_117 = tpu.memref_squeeze %dma_wait3A_116 : memref<1x1x8x128xi32, #tpu.memory_space<hbm>> -> memref<8x128xi32, #tpu.memory_space<hbm>>
      tpu.wait_dma2 semaphore(%arg17 : memref<!tpu.dma_semaphore, #tpu.memory_space<semaphore_mem>>) src(%dma_wait3A_117 : memref<8x128xi32, #tpu.memory_space<hbm>>) dst(%arg10 : memref<8x128xi32, #tpu.memory_space<vmem>>)
      %dma_wait3A_118 = arith.constant 6 : i32
      %dma_wait3A_119 = arith.constant 0 : i32
      %dma_wait3A_120 = tpu.memref_slice %arg7[%dma_wait3A_118, %dma_wait3A_119] : memref<8x128xi32, #tpu.memory_space<vmem>> -> memref<1x128xi32, #tpu.memory_space<vmem>>
      %dma_wait3A_121 = tpu.memref_squeeze %dma_wait3A_120 : memref<1x128xi32, #tpu.memory_space<vmem>> -> memref<128xi32, #tpu.memory_space<vmem>>
      %dma_wait3A_122 = arith.constant 0 : i32
      %dma_wait3A_123 = arith.constant 0 : i32
      %dma_wait3A_124 = tpu.memref_slice %arg2[%dma_wait3A_122, %dma_wait3A_123] : memref<10000x128xf32, #tpu.memory_space<hbm>> -> memref<10000x128xf32, #tpu.memory_space<hbm>>
      tpu.wait_indirect_dma semaphore(%arg14 : memref<!tpu.dma_semaphore, #tpu.memory_space<semaphore_mem>>) src(%dma_wait3A_124 : memref<10000x128xf32, #tpu.memory_space<hbm>>) dst(%arg11 : memref<128x128xf32, #tpu.memory_space<vmem>>)
      %run_scoped3A = arith.constant 6 : i32
      "tpu.region"() ({
        %run_scoped3A_188 = tpu.sem_alloc : memref<!tpu.dma_semaphore, #tpu.memory_space<semaphore_mem>>
        %dma_start3A_189 = arith.constant 0 : i32
        %dma_start3A_190 = tpu.memref_slice %arg9[%run_scoped3A, %dma_start3A_189] : memref<8x128xi32, #tpu.memory_space<vmem>> -> memref<1x128xi32, #tpu.memory_space<vmem>>
        %dma_start3A_191 = tpu.memref_squeeze %dma_start3A_190 : memref<1x128xi32, #tpu.memory_space<vmem>> -> memref<128xi32, #tpu.memory_space<vmem>>
        %dma_start3A_192 = arith.constant 0 : i32
        %dma_start3A_193 = arith.constant 0 : i32
        %dma_start3A_194 = tpu.memref_slice %arg13[%dma_start3A_192, %dma_start3A_193] : memref<10112x128xf32, #tpu.memory_space<vmem_shared>> -> memref<10112x128xf32, #tpu.memory_space<vmem_shared>>
        tpu.enqueue_indirect_dma source(%arg11 : memref<128x128xf32, #tpu.memory_space<vmem>>) target(%dma_start3A_194 : memref<10112x128xf32, #tpu.memory_space<vmem_shared>>) offsets(%dma_start3A_191 : memref<128xi32, #tpu.memory_space<vmem>>) semaphore(%run_scoped3A_188 : memref<!tpu.dma_semaphore, #tpu.memory_space<semaphore_mem>>) {add = true}
        %dma_wait3A_195 = arith.constant 0 : i32
        %dma_wait3A_196 = tpu.memref_slice %arg9[%run_scoped3A, %dma_wait3A_195] : memref<8x128xi32, #tpu.memory_space<vmem>> -> memref<1x128xi32, #tpu.memory_space<vmem>>
        %dma_wait3A_197 = tpu.memref_squeeze %dma_wait3A_196 : memref<1x128xi32, #tpu.memory_space<vmem>> -> memref<128xi32, #tpu.memory_space<vmem>>
        %dma_wait3A_198 = arith.constant 0 : i32
        %dma_wait3A_199 = arith.constant 0 : i32
        %dma_wait3A_200 = tpu.memref_slice %arg13[%dma_wait3A_198, %dma_wait3A_199] : memref<10112x128xf32, #tpu.memory_space<vmem_shared>> -> memref<10112x128xf32, #tpu.memory_space<vmem_shared>>
        tpu.wait_indirect_dma semaphore(%run_scoped3A_188 : memref<!tpu.dma_semaphore, #tpu.memory_space<semaphore_mem>>) src(%arg11 : memref<128x128xf32, #tpu.memory_space<vmem>>) dst(%dma_wait3A_200 : memref<10112x128xf32, #tpu.memory_space<vmem_shared>>)
        tpu.yield
      }) : () -> ()
      %dma_start3A_125 = arith.constant 0 : i32
      %dma_start3A_126 = arith.constant 0 : i32
      %dma_start3A_127 = tpu.memref_slice %arg8[%dma_start3A_125, %dma_start3A_126] : memref<8x128xi32, #tpu.memory_space<vmem>> -> memref<1x128xi32, #tpu.memory_space<vmem>>
      %dma_start3A_128 = tpu.memref_squeeze %dma_start3A_127 : memref<1x128xi32, #tpu.memory_space<vmem>> -> memref<128xi32, #tpu.memory_space<vmem>>
      %dma_start3A_129 = arith.constant 0 : i32
      %dma_start3A_130 = arith.constant 0 : i32
      %dma_start3A_131 = tpu.memref_slice %arg2[%dma_start3A_129, %dma_start3A_130] : memref<10000x128xf32, #tpu.memory_space<hbm>> -> memref<10000x128xf32, #tpu.memory_space<hbm>>
      tpu.enqueue_indirect_dma source(%dma_start3A_131 : memref<10000x128xf32, #tpu.memory_space<hbm>>) target(%arg11 : memref<128x128xf32, #tpu.memory_space<vmem>>) offsets(%dma_start3A_128 : memref<128xi32, #tpu.memory_space<vmem>>) semaphore(%arg14 : memref<!tpu.dma_semaphore, #tpu.memory_space<semaphore_mem>>)
      %dma_wait3A_132 = arith.constant 7 : i32
      %dma_wait3A_133 = arith.constant 0 : i32
      %dma_wait3A_134 = tpu.memref_slice %arg7[%dma_wait3A_132, %dma_wait3A_133] : memref<8x128xi32, #tpu.memory_space<vmem>> -> memref<1x128xi32, #tpu.memory_space<vmem>>
      %dma_wait3A_135 = tpu.memref_squeeze %dma_wait3A_134 : memref<1x128xi32, #tpu.memory_space<vmem>> -> memref<128xi32, #tpu.memory_space<vmem>>
      %dma_wait3A_136 = arith.constant 0 : i32
      %dma_wait3A_137 = arith.constant 0 : i32
      %dma_wait3A_138 = tpu.memref_slice %arg2[%dma_wait3A_136, %dma_wait3A_137] : memref<10000x128xf32, #tpu.memory_space<hbm>> -> memref<10000x128xf32, #tpu.memory_space<hbm>>
      tpu.wait_indirect_dma semaphore(%arg15 : memref<!tpu.dma_semaphore, #tpu.memory_space<semaphore_mem>>) src(%dma_wait3A_138 : memref<10000x128xf32, #tpu.memory_space<hbm>>) dst(%arg12 : memref<128x128xf32, #tpu.memory_space<vmem>>)
      %run_scoped3A_139 = arith.constant 7 : i32
      "tpu.region"() ({
        %run_scoped3A_188 = tpu.sem_alloc : memref<!tpu.dma_semaphore, #tpu.memory_space<semaphore_mem>>
        %dma_start3A_189 = arith.constant 0 : i32
        %dma_start3A_190 = tpu.memref_slice %arg9[%run_scoped3A_139, %dma_start3A_189] : memref<8x128xi32, #tpu.memory_space<vmem>> -> memref<1x128xi32, #tpu.memory_space<vmem>>
        %dma_start3A_191 = tpu.memref_squeeze %dma_start3A_190 : memref<1x128xi32, #tpu.memory_space<vmem>> -> memref<128xi32, #tpu.memory_space<vmem>>
        %dma_start3A_192 = arith.constant 0 : i32
        %dma_start3A_193 = arith.constant 0 : i32
        %dma_start3A_194 = tpu.memref_slice %arg13[%dma_start3A_192, %dma_start3A_193] : memref<10112x128xf32, #tpu.memory_space<vmem_shared>> -> memref<10112x128xf32, #tpu.memory_space<vmem_shared>>
        tpu.enqueue_indirect_dma source(%arg12 : memref<128x128xf32, #tpu.memory_space<vmem>>) target(%dma_start3A_194 : memref<10112x128xf32, #tpu.memory_space<vmem_shared>>) offsets(%dma_start3A_191 : memref<128xi32, #tpu.memory_space<vmem>>) semaphore(%run_scoped3A_188 : memref<!tpu.dma_semaphore, #tpu.memory_space<semaphore_mem>>) {add = true}
        %dma_wait3A_195 = arith.constant 0 : i32
        %dma_wait3A_196 = tpu.memref_slice %arg9[%run_scoped3A_139, %dma_wait3A_195] : memref<8x128xi32, #tpu.memory_space<vmem>> -> memref<1x128xi32, #tpu.memory_space<vmem>>
        %dma_wait3A_197 = tpu.memref_squeeze %dma_wait3A_196 : memref<1x128xi32, #tpu.memory_space<vmem>> -> memref<128xi32, #tpu.memory_space<vmem>>
        %dma_wait3A_198 = arith.constant 0 : i32
        %dma_wait3A_199 = arith.constant 0 : i32
        %dma_wait3A_200 = tpu.memref_slice %arg13[%dma_wait3A_198, %dma_wait3A_199] : memref<10112x128xf32, #tpu.memory_space<vmem_shared>> -> memref<10112x128xf32, #tpu.memory_space<vmem_shared>>
        tpu.wait_indirect_dma semaphore(%run_scoped3A_188 : memref<!tpu.dma_semaphore, #tpu.memory_space<semaphore_mem>>) src(%arg12 : memref<128x128xf32, #tpu.memory_space<vmem>>) dst(%dma_wait3A_200 : memref<10112x128xf32, #tpu.memory_space<vmem_shared>>)
        tpu.yield
      }) : () -> ()
      %dma_start3A_140 = arith.constant 1 : i32
      %dma_start3A_141 = arith.constant 0 : i32
      %dma_start3A_142 = tpu.memref_slice %arg8[%dma_start3A_140, %dma_start3A_141] : memref<8x128xi32, #tpu.memory_space<vmem>> -> memref<1x128xi32, #tpu.memory_space<vmem>>
      %dma_start3A_143 = tpu.memref_squeeze %dma_start3A_142 : memref<1x128xi32, #tpu.memory_space<vmem>> -> memref<128xi32, #tpu.memory_space<vmem>>
      %dma_start3A_144 = arith.constant 0 : i32
      %dma_start3A_145 = arith.constant 0 : i32
      %dma_start3A_146 = tpu.memref_slice %arg2[%dma_start3A_144, %dma_start3A_145] : memref<10000x128xf32, #tpu.memory_space<hbm>> -> memref<10000x128xf32, #tpu.memory_space<hbm>>
      tpu.enqueue_indirect_dma source(%dma_start3A_146 : memref<10000x128xf32, #tpu.memory_space<hbm>>) target(%arg12 : memref<128x128xf32, #tpu.memory_space<vmem>>) offsets(%dma_start3A_143 : memref<128xi32, #tpu.memory_space<vmem>>) semaphore(%arg15 : memref<!tpu.dma_semaphore, #tpu.memory_space<semaphore_mem>>)
      %convert_element_type3A_147 = arith.extui %lt3A : i1 to i32
      %cond3A_148 = arith.constant 0 : i32
      %cond3A_149 = arith.cmpi ne, %convert_element_type3A_147, %cond3A_148 : i32
      scf.if %cond3A_149 {
        %add3A_188 = arith.constant 2 : i32
        %add3A_189 = arith.addi %add3A_92, %add3A_188 : i32
        %dma_start3A_190 = arith.constant 0 : i32
        %dma_start3A_191 = arith.constant 0 : i32
        %dma_start3A_192 = tpu.memref_slice %arg3[%arg1, %add3A_189, %dma_start3A_190, %dma_start3A_191] : memref<16x20x8x128xi32, #tpu.memory_space<hbm>> -> memref<1x1x8x128xi32, #tpu.memory_space<hbm>>
        %dma_start3A_193 = tpu.memref_squeeze %dma_start3A_192 : memref<1x1x8x128xi32, #tpu.memory_space<hbm>> -> memref<8x128xi32, #tpu.memory_space<hbm>>
        %dma_start3A_194 = arith.constant 0 : i32
        %dma_start3A_195 = arith.constant 0 : i32
        %dma_start3A_196 = tpu.memref_slice %arg3[%arg1, %add3A_189, %dma_start3A_194, %dma_start3A_195] : memref<16x20x8x128xi32, #tpu.memory_space<hbm>> -> memref<1x1x8x128xi32, #tpu.memory_space<hbm>>
        %dma_start3A_197 = tpu.memref_squeeze %dma_start3A_196 : memref<1x1x8x128xi32, #tpu.memory_space<hbm>> -> memref<8x128xi32, #tpu.memory_space<hbm>>
        tpu.enqueue_dma source(%dma_start3A_197 : memref<8x128xi32, #tpu.memory_space<hbm>>) target(%arg7 : memref<8x128xi32, #tpu.memory_space<vmem>>) target_semaphore(%arg16 : memref<!tpu.dma_semaphore, #tpu.memory_space<semaphore_mem>>)
        %add3A_198 = arith.constant 2 : i32
        %add3A_199 = arith.addi %add3A_92, %add3A_198 : i32
        %dma_start3A_200 = arith.constant 0 : i32
        %dma_start3A_201 = arith.constant 0 : i32
        %dma_start3A_202 = tpu.memref_slice %arg4[%arg1, %add3A_199, %dma_start3A_200, %dma_start3A_201] : memref<16x20x8x128xi32, #tpu.memory_space<hbm>> -> memref<1x1x8x128xi32, #tpu.memory_space<hbm>>
        %dma_start3A_203 = tpu.memref_squeeze %dma_start3A_202 : memref<1x1x8x128xi32, #tpu.memory_space<hbm>> -> memref<8x128xi32, #tpu.memory_space<hbm>>
        %dma_start3A_204 = arith.constant 0 : i32
        %dma_start3A_205 = arith.constant 0 : i32
        %dma_start3A_206 = tpu.memref_slice %arg4[%arg1, %add3A_199, %dma_start3A_204, %dma_start3A_205] : memref<16x20x8x128xi32, #tpu.memory_space<hbm>> -> memref<1x1x8x128xi32, #tpu.memory_space<hbm>>
        %dma_start3A_207 = tpu.memref_squeeze %dma_start3A_206 : memref<1x1x8x128xi32, #tpu.memory_space<hbm>> -> memref<8x128xi32, #tpu.memory_space<hbm>>
        tpu.enqueue_dma source(%dma_start3A_207 : memref<8x128xi32, #tpu.memory_space<hbm>>) target(%arg9 : memref<8x128xi32, #tpu.memory_space<vmem>>) target_semaphore(%arg16 : memref<!tpu.dma_semaphore, #tpu.memory_space<semaphore_mem>>)
      } else {
      }
      %scan3A_150 = arith.constant 0 : i32
      %scan3A_151 = arith.constant 3 : i32
      %scan3A_152 = arith.addi %scan3A_150, %scan3A_151 : i32
      %scan3A_153 = arith.constant 1 : i32
      scf.for %scan3A_188 = %scan3A_150 to %scan3A_152 step %scan3A_153  : i32 {
        %mul3A_189 = arith.constant 2 : i32
        %mul3A_190 = arith.muli %scan3A_188, %mul3A_189 : i32
        %add3A_191 = arith.constant 0 : i32
        %add3A_192 = arith.addi %add3A_191, %mul3A_190 : i32
        %dma_wait3A_193 = arith.constant 0 : i32
        %dma_wait3A_194 = tpu.memref_slice %arg8[%add3A_192, %dma_wait3A_193] : memref<8x128xi32, #tpu.memory_space<vmem>> -> memref<1x128xi32, #tpu.memory_space<vmem>>
        %dma_wait3A_195 = tpu.memref_squeeze %dma_wait3A_194 : memref<1x128xi32, #tpu.memory_space<vmem>> -> memref<128xi32, #tpu.memory_space<vmem>>
        %dma_wait3A_196 = arith.constant 0 : i32
        %dma_wait3A_197 = arith.constant 0 : i32
        %dma_wait3A_198 = tpu.memref_slice %arg2[%dma_wait3A_196, %dma_wait3A_197] : memref<10000x128xf32, #tpu.memory_space<hbm>> -> memref<10000x128xf32, #tpu.memory_space<hbm>>
        tpu.wait_indirect_dma semaphore(%arg14 : memref<!tpu.dma_semaphore, #tpu.memory_space<semaphore_mem>>) src(%dma_wait3A_198 : memref<10000x128xf32, #tpu.memory_space<hbm>>) dst(%arg11 : memref<128x128xf32, #tpu.memory_space<vmem>>)
        "tpu.region"() ({
          %run_scoped3A_225 = tpu.sem_alloc : memref<!tpu.dma_semaphore, #tpu.memory_space<semaphore_mem>>
          %dma_start3A_226 = arith.constant 0 : i32
          %dma_start3A_227 = tpu.memref_slice %arg10[%add3A_192, %dma_start3A_226] : memref<8x128xi32, #tpu.memory_space<vmem>> -> memref<1x128xi32, #tpu.memory_space<vmem>>
          %dma_start3A_228 = tpu.memref_squeeze %dma_start3A_227 : memref<1x128xi32, #tpu.memory_space<vmem>> -> memref<128xi32, #tpu.memory_space<vmem>>
          %dma_start3A_229 = arith.constant 0 : i32
          %dma_start3A_230 = arith.constant 0 : i32
          %dma_start3A_231 = tpu.memref_slice %arg13[%dma_start3A_229, %dma_start3A_230] : memref<10112x128xf32, #tpu.memory_space<vmem_shared>> -> memref<10112x128xf32, #tpu.memory_space<vmem_shared>>
          tpu.enqueue_indirect_dma source(%arg11 : memref<128x128xf32, #tpu.memory_space<vmem>>) target(%dma_start3A_231 : memref<10112x128xf32, #tpu.memory_space<vmem_shared>>) offsets(%dma_start3A_228 : memref<128xi32, #tpu.memory_space<vmem>>) semaphore(%run_scoped3A_225 : memref<!tpu.dma_semaphore, #tpu.memory_space<semaphore_mem>>) {add = true}
          %dma_wait3A_232 = arith.constant 0 : i32
          %dma_wait3A_233 = tpu.memref_slice %arg10[%add3A_192, %dma_wait3A_232] : memref<8x128xi32, #tpu.memory_space<vmem>> -> memref<1x128xi32, #tpu.memory_space<vmem>>
          %dma_wait3A_234 = tpu.memref_squeeze %dma_wait3A_233 : memref<1x128xi32, #tpu.memory_space<vmem>> -> memref<128xi32, #tpu.memory_space<vmem>>
          %dma_wait3A_235 = arith.constant 0 : i32
          %dma_wait3A_236 = arith.constant 0 : i32
          %dma_wait3A_237 = tpu.memref_slice %arg13[%dma_wait3A_235, %dma_wait3A_236] : memref<10112x128xf32, #tpu.memory_space<vmem_shared>> -> memref<10112x128xf32, #tpu.memory_space<vmem_shared>>
          tpu.wait_indirect_dma semaphore(%run_scoped3A_225 : memref<!tpu.dma_semaphore, #tpu.memory_space<semaphore_mem>>) src(%arg11 : memref<128x128xf32, #tpu.memory_space<vmem>>) dst(%dma_wait3A_237 : memref<10112x128xf32, #tpu.memory_space<vmem_shared>>)
          tpu.yield
        }) : () -> ()
        %add3A_199 = arith.constant 2 : i32
        %add3A_200 = arith.addi %add3A_192, %add3A_199 : i32
        %dma_start3A_201 = arith.constant 0 : i32
        %dma_start3A_202 = tpu.memref_slice %arg8[%add3A_200, %dma_start3A_201] : memref<8x128xi32, #tpu.memory_space<vmem>> -> memref<1x128xi32, #tpu.memory_space<vmem>>
        %dma_start3A_203 = tpu.memref_squeeze %dma_start3A_202 : memref<1x128xi32, #tpu.memory_space<vmem>> -> memref<128xi32, #tpu.memory_space<vmem>>
        %dma_start3A_204 = arith.constant 0 : i32
        %dma_start3A_205 = arith.constant 0 : i32
        %dma_start3A_206 = tpu.memref_slice %arg2[%dma_start3A_204, %dma_start3A_205] : memref<10000x128xf32, #tpu.memory_space<hbm>> -> memref<10000x128xf32, #tpu.memory_space<hbm>>
        tpu.enqueue_indirect_dma source(%dma_start3A_206 : memref<10000x128xf32, #tpu.memory_space<hbm>>) target(%arg11 : memref<128x128xf32, #tpu.memory_space<vmem>>) offsets(%dma_start3A_203 : memref<128xi32, #tpu.memory_space<vmem>>) semaphore(%arg14 : memref<!tpu.dma_semaphore, #tpu.memory_space<semaphore_mem>>)
        %add3A_207 = arith.constant 1 : i32
        %add3A_208 = arith.addi %add3A_192, %add3A_207 : i32
        %dma_wait3A_209 = arith.constant 0 : i32
        %dma_wait3A_210 = tpu.memref_slice %arg8[%add3A_208, %dma_wait3A_209] : memref<8x128xi32, #tpu.memory_space<vmem>> -> memref<1x128xi32, #tpu.memory_space<vmem>>
        %dma_wait3A_211 = tpu.memref_squeeze %dma_wait3A_210 : memref<1x128xi32, #tpu.memory_space<vmem>> -> memref<128xi32, #tpu.memory_space<vmem>>
        %dma_wait3A_212 = arith.constant 0 : i32
        %dma_wait3A_213 = arith.constant 0 : i32
        %dma_wait3A_214 = tpu.memref_slice %arg2[%dma_wait3A_212, %dma_wait3A_213] : memref<10000x128xf32, #tpu.memory_space<hbm>> -> memref<10000x128xf32, #tpu.memory_space<hbm>>
        tpu.wait_indirect_dma semaphore(%arg15 : memref<!tpu.dma_semaphore, #tpu.memory_space<semaphore_mem>>) src(%dma_wait3A_214 : memref<10000x128xf32, #tpu.memory_space<hbm>>) dst(%arg12 : memref<128x128xf32, #tpu.memory_space<vmem>>)
        %add3A_215 = arith.constant 1 : i32
        %add3A_216 = arith.addi %add3A_192, %add3A_215 : i32
        "tpu.region"() ({
          %run_scoped3A_225 = tpu.sem_alloc : memref<!tpu.dma_semaphore, #tpu.memory_space<semaphore_mem>>
          %dma_start3A_226 = arith.constant 0 : i32
          %dma_start3A_227 = tpu.memref_slice %arg10[%add3A_216, %dma_start3A_226] : memref<8x128xi32, #tpu.memory_space<vmem>> -> memref<1x128xi32, #tpu.memory_space<vmem>>
          %dma_start3A_228 = tpu.memref_squeeze %dma_start3A_227 : memref<1x128xi32, #tpu.memory_space<vmem>> -> memref<128xi32, #tpu.memory_space<vmem>>
          %dma_start3A_229 = arith.constant 0 : i32
          %dma_start3A_230 = arith.constant 0 : i32
          %dma_start3A_231 = tpu.memref_slice %arg13[%dma_start3A_229, %dma_start3A_230] : memref<10112x128xf32, #tpu.memory_space<vmem_shared>> -> memref<10112x128xf32, #tpu.memory_space<vmem_shared>>
          tpu.enqueue_indirect_dma source(%arg12 : memref<128x128xf32, #tpu.memory_space<vmem>>) target(%dma_start3A_231 : memref<10112x128xf32, #tpu.memory_space<vmem_shared>>) offsets(%dma_start3A_228 : memref<128xi32, #tpu.memory_space<vmem>>) semaphore(%run_scoped3A_225 : memref<!tpu.dma_semaphore, #tpu.memory_space<semaphore_mem>>) {add = true}
          %dma_wait3A_232 = arith.constant 0 : i32
          %dma_wait3A_233 = tpu.memref_slice %arg10[%add3A_216, %dma_wait3A_232] : memref<8x128xi32, #tpu.memory_space<vmem>> -> memref<1x128xi32, #tpu.memory_space<vmem>>
          %dma_wait3A_234 = tpu.memref_squeeze %dma_wait3A_233 : memref<1x128xi32, #tpu.memory_space<vmem>> -> memref<128xi32, #tpu.memory_space<vmem>>
          %dma_wait3A_235 = arith.constant 0 : i32
          %dma_wait3A_236 = arith.constant 0 : i32
          %dma_wait3A_237 = tpu.memref_slice %arg13[%dma_wait3A_235, %dma_wait3A_236] : memref<10112x128xf32, #tpu.memory_space<vmem_shared>> -> memref<10112x128xf32, #tpu.memory_space<vmem_shared>>
          tpu.wait_indirect_dma semaphore(%run_scoped3A_225 : memref<!tpu.dma_semaphore, #tpu.memory_space<semaphore_mem>>) src(%arg12 : memref<128x128xf32, #tpu.memory_space<vmem>>) dst(%dma_wait3A_237 : memref<10112x128xf32, #tpu.memory_space<vmem_shared>>)
          tpu.yield
        }) : () -> ()
        %add3A_217 = arith.constant 3 : i32
        %add3A_218 = arith.addi %add3A_192, %add3A_217 : i32
        %dma_start3A_219 = arith.constant 0 : i32
        %dma_start3A_220 = tpu.memref_slice %arg8[%add3A_218, %dma_start3A_219] : memref<8x128xi32, #tpu.memory_space<vmem>> -> memref<1x128xi32, #tpu.memory_space<vmem>>
        %dma_start3A_221 = tpu.memref_squeeze %dma_start3A_220 : memref<1x128xi32, #tpu.memory_space<vmem>> -> memref<128xi32, #tpu.memory_space<vmem>>
        %dma_start3A_222 = arith.constant 0 : i32
        %dma_start3A_223 = arith.constant 0 : i32
        %dma_start3A_224 = tpu.memref_slice %arg2[%dma_start3A_222, %dma_start3A_223] : memref<10000x128xf32, #tpu.memory_space<hbm>> -> memref<10000x128xf32, #tpu.memory_space<hbm>>
        tpu.enqueue_indirect_dma source(%dma_start3A_224 : memref<10000x128xf32, #tpu.memory_space<hbm>>) target(%arg12 : memref<128x128xf32, #tpu.memory_space<vmem>>) offsets(%dma_start3A_221 : memref<128xi32, #tpu.memory_space<vmem>>) semaphore(%arg15 : memref<!tpu.dma_semaphore, #tpu.memory_space<semaphore_mem>>)
      }
      %scan3A_154 = arith.constant 3 : i32
      %convert_element_type3A_155 = arith.extui %lt3A : i1 to i32
      %cond3A_156 = arith.constant 0 : i32
      %cond3A_157 = arith.cmpi ne, %convert_element_type3A_155, %cond3A_156 : i32
      scf.if %cond3A_157 {
        %add3A_188 = arith.constant 2 : i32
        %add3A_189 = arith.addi %add3A_92, %add3A_188 : i32
        %dma_wait3A_190 = arith.constant 0 : i32
        %dma_wait3A_191 = arith.constant 0 : i32
        %dma_wait3A_192 = tpu.memref_slice %arg3[%arg1, %add3A_189, %dma_wait3A_190, %dma_wait3A_191] : memref<16x20x8x128xi32, #tpu.memory_space<hbm>> -> memref<1x1x8x128xi32, #tpu.memory_space<hbm>>
        %dma_wait3A_193 = tpu.memref_squeeze %dma_wait3A_192 : memref<1x1x8x128xi32, #tpu.memory_space<hbm>> -> memref<8x128xi32, #tpu.memory_space<hbm>>
        %dma_wait3A_194 = arith.constant 0 : i32
        %dma_wait3A_195 = arith.constant 0 : i32
        %dma_wait3A_196 = tpu.memref_slice %arg3[%arg1, %add3A_189, %dma_wait3A_194, %dma_wait3A_195] : memref<16x20x8x128xi32, #tpu.memory_space<hbm>> -> memref<1x1x8x128xi32, #tpu.memory_space<hbm>>
        %dma_wait3A_197 = tpu.memref_squeeze %dma_wait3A_196 : memref<1x1x8x128xi32, #tpu.memory_space<hbm>> -> memref<8x128xi32, #tpu.memory_space<hbm>>
        tpu.wait_dma2 semaphore(%arg16 : memref<!tpu.dma_semaphore, #tpu.memory_space<semaphore_mem>>) src(%dma_wait3A_197 : memref<8x128xi32, #tpu.memory_space<hbm>>) dst(%arg7 : memref<8x128xi32, #tpu.memory_space<vmem>>)
        %add3A_198 = arith.constant 2 : i32
        %add3A_199 = arith.addi %add3A_92, %add3A_198 : i32
        %dma_wait3A_200 = arith.constant 0 : i32
        %dma_wait3A_201 = arith.constant 0 : i32
        %dma_wait3A_202 = tpu.memref_slice %arg4[%arg1, %add3A_199, %dma_wait3A_200, %dma_wait3A_201] : memref<16x20x8x128xi32, #tpu.memory_space<hbm>> -> memref<1x1x8x128xi32, #tpu.memory_space<hbm>>
        %dma_wait3A_203 = tpu.memref_squeeze %dma_wait3A_202 : memref<1x1x8x128xi32, #tpu.memory_space<hbm>> -> memref<8x128xi32, #tpu.memory_space<hbm>>
        %dma_wait3A_204 = arith.constant 0 : i32
        %dma_wait3A_205 = arith.constant 0 : i32
        %dma_wait3A_206 = tpu.memref_slice %arg4[%arg1, %add3A_199, %dma_wait3A_204, %dma_wait3A_205] : memref<16x20x8x128xi32, #tpu.memory_space<hbm>> -> memref<1x1x8x128xi32, #tpu.memory_space<hbm>>
        %dma_wait3A_207 = tpu.memref_squeeze %dma_wait3A_206 : memref<1x1x8x128xi32, #tpu.memory_space<hbm>> -> memref<8x128xi32, #tpu.memory_space<hbm>>
        tpu.wait_dma2 semaphore(%arg16 : memref<!tpu.dma_semaphore, #tpu.memory_space<semaphore_mem>>) src(%dma_wait3A_207 : memref<8x128xi32, #tpu.memory_space<hbm>>) dst(%arg9 : memref<8x128xi32, #tpu.memory_space<vmem>>)
      } else {
      }
      %dma_wait3A_158 = arith.constant 6 : i32
      %dma_wait3A_159 = arith.constant 0 : i32
      %dma_wait3A_160 = tpu.memref_slice %arg8[%dma_wait3A_158, %dma_wait3A_159] : memref<8x128xi32, #tpu.memory_space<vmem>> -> memref<1x128xi32, #tpu.memory_space<vmem>>
      %dma_wait3A_161 = tpu.memref_squeeze %dma_wait3A_160 : memref<1x128xi32, #tpu.memory_space<vmem>> -> memref<128xi32, #tpu.memory_space<vmem>>
      %dma_wait3A_162 = arith.constant 0 : i32
      %dma_wait3A_163 = arith.constant 0 : i32
      %dma_wait3A_164 = tpu.memref_slice %arg2[%dma_wait3A_162, %dma_wait3A_163] : memref<10000x128xf32, #tpu.memory_space<hbm>> -> memref<10000x128xf32, #tpu.memory_space<hbm>>
      tpu.wait_indirect_dma semaphore(%arg14 : memref<!tpu.dma_semaphore, #tpu.memory_space<semaphore_mem>>) src(%dma_wait3A_164 : memref<10000x128xf32, #tpu.memory_space<hbm>>) dst(%arg11 : memref<128x128xf32, #tpu.memory_space<vmem>>)
      %run_scoped3A_165 = arith.constant 6 : i32
      "tpu.region"() ({
        %run_scoped3A_188 = tpu.sem_alloc : memref<!tpu.dma_semaphore, #tpu.memory_space<semaphore_mem>>
        %dma_start3A_189 = arith.constant 0 : i32
        %dma_start3A_190 = tpu.memref_slice %arg10[%run_scoped3A_165, %dma_start3A_189] : memref<8x128xi32, #tpu.memory_space<vmem>> -> memref<1x128xi32, #tpu.memory_space<vmem>>
        %dma_start3A_191 = tpu.memref_squeeze %dma_start3A_190 : memref<1x128xi32, #tpu.memory_space<vmem>> -> memref<128xi32, #tpu.memory_space<vmem>>
        %dma_start3A_192 = arith.constant 0 : i32
        %dma_start3A_193 = arith.constant 0 : i32
        %dma_start3A_194 = tpu.memref_slice %arg13[%dma_start3A_192, %dma_start3A_193] : memref<10112x128xf32, #tpu.memory_space<vmem_shared>> -> memref<10112x128xf32, #tpu.memory_space<vmem_shared>>
        tpu.enqueue_indirect_dma source(%arg11 : memref<128x128xf32, #tpu.memory_space<vmem>>) target(%dma_start3A_194 : memref<10112x128xf32, #tpu.memory_space<vmem_shared>>) offsets(%dma_start3A_191 : memref<128xi32, #tpu.memory_space<vmem>>) semaphore(%run_scoped3A_188 : memref<!tpu.dma_semaphore, #tpu.memory_space<semaphore_mem>>) {add = true}
        %dma_wait3A_195 = arith.constant 0 : i32
        %dma_wait3A_196 = tpu.memref_slice %arg10[%run_scoped3A_165, %dma_wait3A_195] : memref<8x128xi32, #tpu.memory_space<vmem>> -> memref<1x128xi32, #tpu.memory_space<vmem>>
        %dma_wait3A_197 = tpu.memref_squeeze %dma_wait3A_196 : memref<1x128xi32, #tpu.memory_space<vmem>> -> memref<128xi32, #tpu.memory_space<vmem>>
        %dma_wait3A_198 = arith.constant 0 : i32
        %dma_wait3A_199 = arith.constant 0 : i32
        %dma_wait3A_200 = tpu.memref_slice %arg13[%dma_wait3A_198, %dma_wait3A_199] : memref<10112x128xf32, #tpu.memory_space<vmem_shared>> -> memref<10112x128xf32, #tpu.memory_space<vmem_shared>>
        tpu.wait_indirect_dma semaphore(%run_scoped3A_188 : memref<!tpu.dma_semaphore, #tpu.memory_space<semaphore_mem>>) src(%arg11 : memref<128x128xf32, #tpu.memory_space<vmem>>) dst(%dma_wait3A_200 : memref<10112x128xf32, #tpu.memory_space<vmem_shared>>)
        tpu.yield
      }) : () -> ()
      %convert_element_type3A_166 = arith.extui %lt3A : i1 to i32
      %cond3A_167 = arith.constant 0 : i32
      %cond3A_168 = arith.cmpi ne, %convert_element_type3A_166, %cond3A_167 : i32
      scf.if %cond3A_168 {
        %dma_start3A_188 = arith.constant 0 : i32
        %dma_start3A_189 = arith.constant 0 : i32
        %dma_start3A_190 = tpu.memref_slice %arg7[%dma_start3A_188, %dma_start3A_189] : memref<8x128xi32, #tpu.memory_space<vmem>> -> memref<1x128xi32, #tpu.memory_space<vmem>>
        %dma_start3A_191 = tpu.memref_squeeze %dma_start3A_190 : memref<1x128xi32, #tpu.memory_space<vmem>> -> memref<128xi32, #tpu.memory_space<vmem>>
        %dma_start3A_192 = arith.constant 0 : i32
        %dma_start3A_193 = arith.constant 0 : i32
        %dma_start3A_194 = tpu.memref_slice %arg2[%dma_start3A_192, %dma_start3A_193] : memref<10000x128xf32, #tpu.memory_space<hbm>> -> memref<10000x128xf32, #tpu.memory_space<hbm>>
        tpu.enqueue_indirect_dma source(%dma_start3A_194 : memref<10000x128xf32, #tpu.memory_space<hbm>>) target(%arg11 : memref<128x128xf32, #tpu.memory_space<vmem>>) offsets(%dma_start3A_191 : memref<128xi32, #tpu.memory_space<vmem>>) semaphore(%arg14 : memref<!tpu.dma_semaphore, #tpu.memory_space<semaphore_mem>>)
      } else {
      }
      %dma_wait3A_169 = arith.constant 7 : i32
      %dma_wait3A_170 = arith.constant 0 : i32
      %dma_wait3A_171 = tpu.memref_slice %arg8[%dma_wait3A_169, %dma_wait3A_170] : memref<8x128xi32, #tpu.memory_space<vmem>> -> memref<1x128xi32, #tpu.memory_space<vmem>>
      %dma_wait3A_172 = tpu.memref_squeeze %dma_wait3A_171 : memref<1x128xi32, #tpu.memory_space<vmem>> -> memref<128xi32, #tpu.memory_space<vmem>>
      %dma_wait3A_173 = arith.constant 0 : i32
      %dma_wait3A_174 = arith.constant 0 : i32
      %dma_wait3A_175 = tpu.memref_slice %arg2[%dma_wait3A_173, %dma_wait3A_174] : memref<10000x128xf32, #tpu.memory_space<hbm>> -> memref<10000x128xf32, #tpu.memory_space<hbm>>
      tpu.wait_indirect_dma semaphore(%arg15 : memref<!tpu.dma_semaphore, #tpu.memory_space<semaphore_mem>>) src(%dma_wait3A_175 : memref<10000x128xf32, #tpu.memory_space<hbm>>) dst(%arg12 : memref<128x128xf32, #tpu.memory_space<vmem>>)
      %run_scoped3A_176 = arith.constant 7 : i32
      "tpu.region"() ({
        %run_scoped3A_188 = tpu.sem_alloc : memref<!tpu.dma_semaphore, #tpu.memory_space<semaphore_mem>>
        %dma_start3A_189 = arith.constant 0 : i32
        %dma_start3A_190 = tpu.memref_slice %arg10[%run_scoped3A_176, %dma_start3A_189] : memref<8x128xi32, #tpu.memory_space<vmem>> -> memref<1x128xi32, #tpu.memory_space<vmem>>
        %dma_start3A_191 = tpu.memref_squeeze %dma_start3A_190 : memref<1x128xi32, #tpu.memory_space<vmem>> -> memref<128xi32, #tpu.memory_space<vmem>>
        %dma_start3A_192 = arith.constant 0 : i32
        %dma_start3A_193 = arith.constant 0 : i32
        %dma_start3A_194 = tpu.memref_slice %arg13[%dma_start3A_192, %dma_start3A_193] : memref<10112x128xf32, #tpu.memory_space<vmem_shared>> -> memref<10112x128xf32, #tpu.memory_space<vmem_shared>>
        tpu.enqueue_indirect_dma source(%arg12 : memref<128x128xf32, #tpu.memory_space<vmem>>) target(%dma_start3A_194 : memref<10112x128xf32, #tpu.memory_space<vmem_shared>>) offsets(%dma_start3A_191 : memref<128xi32, #tpu.memory_space<vmem>>) semaphore(%run_scoped3A_188 : memref<!tpu.dma_semaphore, #tpu.memory_space<semaphore_mem>>) {add = true}
        %dma_wait3A_195 = arith.constant 0 : i32
        %dma_wait3A_196 = tpu.memref_slice %arg10[%run_scoped3A_176, %dma_wait3A_195] : memref<8x128xi32, #tpu.memory_space<vmem>> -> memref<1x128xi32, #tpu.memory_space<vmem>>
        %dma_wait3A_197 = tpu.memref_squeeze %dma_wait3A_196 : memref<1x128xi32, #tpu.memory_space<vmem>> -> memref<128xi32, #tpu.memory_space<vmem>>
        %dma_wait3A_198 = arith.constant 0 : i32
        %dma_wait3A_199 = arith.constant 0 : i32
        %dma_wait3A_200 = tpu.memref_slice %arg13[%dma_wait3A_198, %dma_wait3A_199] : memref<10112x128xf32, #tpu.memory_space<vmem_shared>> -> memref<10112x128xf32, #tpu.memory_space<vmem_shared>>
        tpu.wait_indirect_dma semaphore(%run_scoped3A_188 : memref<!tpu.dma_semaphore, #tpu.memory_space<semaphore_mem>>) src(%arg12 : memref<128x128xf32, #tpu.memory_space<vmem>>) dst(%dma_wait3A_200 : memref<10112x128xf32, #tpu.memory_space<vmem_shared>>)
        tpu.yield
      }) : () -> ()
      %convert_element_type3A_177 = arith.extui %lt3A : i1 to i32
      %cond3A_178 = arith.constant 0 : i32
      %cond3A_179 = arith.cmpi ne, %convert_element_type3A_177, %cond3A_178 : i32
      scf.if %cond3A_179 {
        %dma_start3A_188 = arith.constant 1 : i32
        %dma_start3A_189 = arith.constant 0 : i32
        %dma_start3A_190 = tpu.memref_slice %arg7[%dma_start3A_188, %dma_start3A_189] : memref<8x128xi32, #tpu.memory_space<vmem>> -> memref<1x128xi32, #tpu.memory_space<vmem>>
        %dma_start3A_191 = tpu.memref_squeeze %dma_start3A_190 : memref<1x128xi32, #tpu.memory_space<vmem>> -> memref<128xi32, #tpu.memory_space<vmem>>
        %dma_start3A_192 = arith.constant 0 : i32
        %dma_start3A_193 = arith.constant 0 : i32
        %dma_start3A_194 = tpu.memref_slice %arg2[%dma_start3A_192, %dma_start3A_193] : memref<10000x128xf32, #tpu.memory_space<hbm>> -> memref<10000x128xf32, #tpu.memory_space<hbm>>
        tpu.enqueue_indirect_dma source(%dma_start3A_194 : memref<10000x128xf32, #tpu.memory_space<hbm>>) target(%arg12 : memref<128x128xf32, #tpu.memory_space<vmem>>) offsets(%dma_start3A_191 : memref<128xi32, #tpu.memory_space<vmem>>) semaphore(%arg15 : memref<!tpu.dma_semaphore, #tpu.memory_space<semaphore_mem>>)
      } else {
      }
      %mul3A_180 = arith.constant 2 : i32
      %mul3A_181 = arith.muli %mul3A_180, %add3A_89 : i32
      %add3A_182 = arith.constant 3 : i32
      %add3A_183 = arith.addi %mul3A_181, %add3A_182 : i32
      %lt3A_184 = arith.cmpi slt, %add3A_183, %select_n3A : i32
      %convert_element_type3A_185 = arith.extui %lt3A_184 : i1 to i32
      %cond3A_186 = arith.constant 0 : i32
      %cond3A_187 = arith.cmpi ne, %convert_element_type3A_185, %cond3A_186 : i32
      scf.if %cond3A_187 {
        %add3A_188 = arith.constant 2 : i32
        %add3A_189 = arith.addi %add3A_94, %add3A_188 : i32
        %dma_start3A_190 = arith.constant 0 : i32
        %dma_start3A_191 = arith.constant 0 : i32
        %dma_start3A_192 = tpu.memref_slice %arg3[%arg1, %add3A_189, %dma_start3A_190, %dma_start3A_191] : memref<16x20x8x128xi32, #tpu.memory_space<hbm>> -> memref<1x1x8x128xi32, #tpu.memory_space<hbm>>
        %dma_start3A_193 = tpu.memref_squeeze %dma_start3A_192 : memref<1x1x8x128xi32, #tpu.memory_space<hbm>> -> memref<8x128xi32, #tpu.memory_space<hbm>>
        %dma_start3A_194 = arith.constant 0 : i32
        %dma_start3A_195 = arith.constant 0 : i32
        %dma_start3A_196 = tpu.memref_slice %arg3[%arg1, %add3A_189, %dma_start3A_194, %dma_start3A_195] : memref<16x20x8x128xi32, #tpu.memory_space<hbm>> -> memref<1x1x8x128xi32, #tpu.memory_space<hbm>>
        %dma_start3A_197 = tpu.memref_squeeze %dma_start3A_196 : memref<1x1x8x128xi32, #tpu.memory_space<hbm>> -> memref<8x128xi32, #tpu.memory_space<hbm>>
        tpu.enqueue_dma source(%dma_start3A_197 : memref<8x128xi32, #tpu.memory_space<hbm>>) target(%arg8 : memref<8x128xi32, #tpu.memory_space<vmem>>) target_semaphore(%arg17 : memref<!tpu.dma_semaphore, #tpu.memory_space<semaphore_mem>>)
        %add3A_198 = arith.constant 2 : i32
        %add3A_199 = arith.addi %add3A_94, %add3A_198 : i32
        %dma_start3A_200 = arith.constant 0 : i32
        %dma_start3A_201 = arith.constant 0 : i32
        %dma_start3A_202 = tpu.memref_slice %arg4[%arg1, %add3A_199, %dma_start3A_200, %dma_start3A_201] : memref<16x20x8x128xi32, #tpu.memory_space<hbm>> -> memref<1x1x8x128xi32, #tpu.memory_space<hbm>>
        %dma_start3A_203 = tpu.memref_squeeze %dma_start3A_202 : memref<1x1x8x128xi32, #tpu.memory_space<hbm>> -> memref<8x128xi32, #tpu.memory_space<hbm>>
        %dma_start3A_204 = arith.constant 0 : i32
        %dma_start3A_205 = arith.constant 0 : i32
        %dma_start3A_206 = tpu.memref_slice %arg4[%arg1, %add3A_199, %dma_start3A_204, %dma_start3A_205] : memref<16x20x8x128xi32, #tpu.memory_space<hbm>> -> memref<1x1x8x128xi32, #tpu.memory_space<hbm>>
        %dma_start3A_207 = tpu.memref_squeeze %dma_start3A_206 : memref<1x1x8x128xi32, #tpu.memory_space<hbm>> -> memref<8x128xi32, #tpu.memory_space<hbm>>
        tpu.enqueue_dma source(%dma_start3A_207 : memref<8x128xi32, #tpu.memory_space<hbm>>) target(%arg10 : memref<8x128xi32, #tpu.memory_space<vmem>>) target_semaphore(%arg17 : memref<!tpu.dma_semaphore, #tpu.memory_space<semaphore_mem>>)
      } else {
      }
    }
    %while3A_82 = arith.constant 1 : i32
    scf.for %while3A_87 = %while3A_80 to %while3A_76 step %while3A_82  : i32 {
      %mul3A_88 = arith.muli %while3A_87, %while3A : i32
      %add3A_89 = arith.addi %while3A_73, %mul3A_88 : i32
      %mul3A_90 = arith.constant 2 : i32
      %mul3A_91 = arith.muli %mul3A_90, %add3A_89 : i32
      %add3A_92 = arith.addi %select_n3A_24, %mul3A_91 : i32
      %add3A_93 = arith.constant 1 : i32
      %add3A_94 = arith.addi %add3A_92, %add3A_93 : i32
      %mul3A_95 = arith.constant 2 : i32
      %mul3A_96 = arith.muli %mul3A_95, %add3A_89 : i32
      %add3A_97 = arith.constant 2 : i32
      %add3A_98 = arith.addi %mul3A_96, %add3A_97 : i32
      %lt3A = arith.cmpi slt, %add3A_98, %select_n3A : i32
      %scan3A = arith.constant 0 : i32
      %scan3A_99 = arith.constant 3 : i32
      %scan3A_100 = arith.addi %scan3A, %scan3A_99 : i32
      %scan3A_101 = arith.constant 1 : i32
      scf.for %scan3A_188 = %scan3A to %scan3A_100 step %scan3A_101  : i32 {
        %mul3A_189 = arith.constant 2 : i32
        %mul3A_190 = arith.muli %scan3A_188, %mul3A_189 : i32
        %add3A_191 = arith.constant 0 : i32
        %add3A_192 = arith.addi %add3A_191, %mul3A_190 : i32
        %dma_wait3A_193 = arith.constant 0 : i32
        %dma_wait3A_194 = tpu.memref_slice %arg7[%add3A_192, %dma_wait3A_193] : memref<8x128xi32, #tpu.memory_space<vmem>> -> memref<1x128xi32, #tpu.memory_space<vmem>>
        %dma_wait3A_195 = tpu.memref_squeeze %dma_wait3A_194 : memref<1x128xi32, #tpu.memory_space<vmem>> -> memref<128xi32, #tpu.memory_space<vmem>>
        %dma_wait3A_196 = arith.constant 0 : i32
        %dma_wait3A_197 = arith.constant 0 : i32
        %dma_wait3A_198 = tpu.memref_slice %arg2[%dma_wait3A_196, %dma_wait3A_197] : memref<10000x128xf32, #tpu.memory_space<hbm>> -> memref<10000x128xf32, #tpu.memory_space<hbm>>
        tpu.wait_indirect_dma semaphore(%arg14 : memref<!tpu.dma_semaphore, #tpu.memory_space<semaphore_mem>>) src(%dma_wait3A_198 : memref<10000x128xf32, #tpu.memory_space<hbm>>) dst(%arg11 : memref<128x128xf32, #tpu.memory_space<vmem>>)
        "tpu.region"() ({
          %run_scoped3A_225 = tpu.sem_alloc : memref<!tpu.dma_semaphore, #tpu.memory_space<semaphore_mem>>
          %dma_start3A_226 = arith.constant 0 : i32
          %dma_start3A_227 = tpu.memref_slice %arg9[%add3A_192, %dma_start3A_226] : memref<8x128xi32, #tpu.memory_space<vmem>> -> memref<1x128xi32, #tpu.memory_space<vmem>>
          %dma_start3A_228 = tpu.memref_squeeze %dma_start3A_227 : memref<1x128xi32, #tpu.memory_space<vmem>> -> memref<128xi32, #tpu.memory_space<vmem>>
          %dma_start3A_229 = arith.constant 0 : i32
          %dma_start3A_230 = arith.constant 0 : i32
          %dma_start3A_231 = tpu.memref_slice %arg13[%dma_start3A_229, %dma_start3A_230] : memref<10112x128xf32, #tpu.memory_space<vmem_shared>> -> memref<10112x128xf32, #tpu.memory_space<vmem_shared>>
          tpu.enqueue_indirect_dma source(%arg11 : memref<128x128xf32, #tpu.memory_space<vmem>>) target(%dma_start3A_231 : memref<10112x128xf32, #tpu.memory_space<vmem_shared>>) offsets(%dma_start3A_228 : memref<128xi32, #tpu.memory_space<vmem>>) semaphore(%run_scoped3A_225 : memref<!tpu.dma_semaphore, #tpu.memory_space<semaphore_mem>>) {add = true}
          %dma_wait3A_232 = arith.constant 0 : i32
          %dma_wait3A_233 = tpu.memref_slice %arg9[%add3A_192, %dma_wait3A_232] : memref<8x128xi32, #tpu.memory_space<vmem>> -> memref<1x128xi32, #tpu.memory_space<vmem>>
          %dma_wait3A_234 = tpu.memref_squeeze %dma_wait3A_233 : memref<1x128xi32, #tpu.memory_space<vmem>> -> memref<128xi32, #tpu.memory_space<vmem>>
          %dma_wait3A_235 = arith.constant 0 : i32
          %dma_wait3A_236 = arith.constant 0 : i32
          %dma_wait3A_237 = tpu.memref_slice %arg13[%dma_wait3A_235, %dma_wait3A_236] : memref<10112x128xf32, #tpu.memory_space<vmem_shared>> -> memref<10112x128xf32, #tpu.memory_space<vmem_shared>>
          tpu.wait_indirect_dma semaphore(%run_scoped3A_225 : memref<!tpu.dma_semaphore, #tpu.memory_space<semaphore_mem>>) src(%arg11 : memref<128x128xf32, #tpu.memory_space<vmem>>) dst(%dma_wait3A_237 : memref<10112x128xf32, #tpu.memory_space<vmem_shared>>)
          tpu.yield
        }) : () -> ()
        %add3A_199 = arith.constant 2 : i32
        %add3A_200 = arith.addi %add3A_192, %add3A_199 : i32
        %dma_start3A_201 = arith.constant 0 : i32
        %dma_start3A_202 = tpu.memref_slice %arg7[%add3A_200, %dma_start3A_201] : memref<8x128xi32, #tpu.memory_space<vmem>> -> memref<1x128xi32, #tpu.memory_space<vmem>>
        %dma_start3A_203 = tpu.memref_squeeze %dma_start3A_202 : memref<1x128xi32, #tpu.memory_space<vmem>> -> memref<128xi32, #tpu.memory_space<vmem>>
        %dma_start3A_204 = arith.constant 0 : i32
        %dma_start3A_205 = arith.constant 0 : i32
        %dma_start3A_206 = tpu.memref_slice %arg2[%dma_start3A_204, %dma_start3A_205] : memref<10000x128xf32, #tpu.memory_space<hbm>> -> memref<10000x128xf32, #tpu.memory_space<hbm>>
        tpu.enqueue_indirect_dma source(%dma_start3A_206 : memref<10000x128xf32, #tpu.memory_space<hbm>>) target(%arg11 : memref<128x128xf32, #tpu.memory_space<vmem>>) offsets(%dma_start3A_203 : memref<128xi32, #tpu.memory_space<vmem>>) semaphore(%arg14 : memref<!tpu.dma_semaphore, #tpu.memory_space<semaphore_mem>>)
        %add3A_207 = arith.constant 1 : i32
        %add3A_208 = arith.addi %add3A_192, %add3A_207 : i32
        %dma_wait3A_209 = arith.constant 0 : i32
        %dma_wait3A_210 = tpu.memref_slice %arg7[%add3A_208, %dma_wait3A_209] : memref<8x128xi32, #tpu.memory_space<vmem>> -> memref<1x128xi32, #tpu.memory_space<vmem>>
        %dma_wait3A_211 = tpu.memref_squeeze %dma_wait3A_210 : memref<1x128xi32, #tpu.memory_space<vmem>> -> memref<128xi32, #tpu.memory_space<vmem>>
        %dma_wait3A_212 = arith.constant 0 : i32
        %dma_wait3A_213 = arith.constant 0 : i32
        %dma_wait3A_214 = tpu.memref_slice %arg2[%dma_wait3A_212, %dma_wait3A_213] : memref<10000x128xf32, #tpu.memory_space<hbm>> -> memref<10000x128xf32, #tpu.memory_space<hbm>>
        tpu.wait_indirect_dma semaphore(%arg15 : memref<!tpu.dma_semaphore, #tpu.memory_space<semaphore_mem>>) src(%dma_wait3A_214 : memref<10000x128xf32, #tpu.memory_space<hbm>>) dst(%arg12 : memref<128x128xf32, #tpu.memory_space<vmem>>)
        %add3A_215 = arith.constant 1 : i32
        %add3A_216 = arith.addi %add3A_192, %add3A_215 : i32
        "tpu.region"() ({
          %run_scoped3A_225 = tpu.sem_alloc : memref<!tpu.dma_semaphore, #tpu.memory_space<semaphore_mem>>
          %dma_start3A_226 = arith.constant 0 : i32
          %dma_start3A_227 = tpu.memref_slice %arg9[%add3A_216, %dma_start3A_226] : memref<8x128xi32, #tpu.memory_space<vmem>> -> memref<1x128xi32, #tpu.memory_space<vmem>>
          %dma_start3A_228 = tpu.memref_squeeze %dma_start3A_227 : memref<1x128xi32, #tpu.memory_space<vmem>> -> memref<128xi32, #tpu.memory_space<vmem>>
          %dma_start3A_229 = arith.constant 0 : i32
          %dma_start3A_230 = arith.constant 0 : i32
          %dma_start3A_231 = tpu.memref_slice %arg13[%dma_start3A_229, %dma_start3A_230] : memref<10112x128xf32, #tpu.memory_space<vmem_shared>> -> memref<10112x128xf32, #tpu.memory_space<vmem_shared>>
          tpu.enqueue_indirect_dma source(%arg12 : memref<128x128xf32, #tpu.memory_space<vmem>>) target(%dma_start3A_231 : memref<10112x128xf32, #tpu.memory_space<vmem_shared>>) offsets(%dma_start3A_228 : memref<128xi32, #tpu.memory_space<vmem>>) semaphore(%run_scoped3A_225 : memref<!tpu.dma_semaphore, #tpu.memory_space<semaphore_mem>>) {add = true}
          %dma_wait3A_232 = arith.constant 0 : i32
          %dma_wait3A_233 = tpu.memref_slice %arg9[%add3A_216, %dma_wait3A_232] : memref<8x128xi32, #tpu.memory_space<vmem>> -> memref<1x128xi32, #tpu.memory_space<vmem>>
          %dma_wait3A_234 = tpu.memref_squeeze %dma_wait3A_233 : memref<1x128xi32, #tpu.memory_space<vmem>> -> memref<128xi32, #tpu.memory_space<vmem>>
          %dma_wait3A_235 = arith.constant 0 : i32
          %dma_wait3A_236 = arith.constant 0 : i32
          %dma_wait3A_237 = tpu.memref_slice %arg13[%dma_wait3A_235, %dma_wait3A_236] : memref<10112x128xf32, #tpu.memory_space<vmem_shared>> -> memref<10112x128xf32, #tpu.memory_space<vmem_shared>>
          tpu.wait_indirect_dma semaphore(%run_scoped3A_225 : memref<!tpu.dma_semaphore, #tpu.memory_space<semaphore_mem>>) src(%arg12 : memref<128x128xf32, #tpu.memory_space<vmem>>) dst(%dma_wait3A_237 : memref<10112x128xf32, #tpu.memory_space<vmem_shared>>)
          tpu.yield
        }) : () -> ()
        %add3A_217 = arith.constant 3 : i32
        %add3A_218 = arith.addi %add3A_192, %add3A_217 : i32
        %dma_start3A_219 = arith.constant 0 : i32
        %dma_start3A_220 = tpu.memref_slice %arg7[%add3A_218, %dma_start3A_219] : memref<8x128xi32, #tpu.memory_space<vmem>> -> memref<1x128xi32, #tpu.memory_space<vmem>>
        %dma_start3A_221 = tpu.memref_squeeze %dma_start3A_220 : memref<1x128xi32, #tpu.memory_space<vmem>> -> memref<128xi32, #tpu.memory_space<vmem>>
        %dma_start3A_222 = arith.constant 0 : i32
        %dma_start3A_223 = arith.constant 0 : i32
        %dma_start3A_224 = tpu.memref_slice %arg2[%dma_start3A_222, %dma_start3A_223] : memref<10000x128xf32, #tpu.memory_space<hbm>> -> memref<10000x128xf32, #tpu.memory_space<hbm>>
        tpu.enqueue_indirect_dma source(%dma_start3A_224 : memref<10000x128xf32, #tpu.memory_space<hbm>>) target(%arg12 : memref<128x128xf32, #tpu.memory_space<vmem>>) offsets(%dma_start3A_221 : memref<128xi32, #tpu.memory_space<vmem>>) semaphore(%arg15 : memref<!tpu.dma_semaphore, #tpu.memory_space<semaphore_mem>>)
      }
      %scan3A_102 = arith.constant 3 : i32
      %dma_wait3A = arith.constant 0 : i32
      %dma_wait3A_103 = arith.constant 0 : i32
      %dma_wait3A_104 = tpu.memref_slice %arg3[%arg1, %add3A_94, %dma_wait3A, %dma_wait3A_103] : memref<16x20x8x128xi32, #tpu.memory_space<hbm>> -> memref<1x1x8x128xi32, #tpu.memory_space<hbm>>
      %dma_wait3A_105 = tpu.memref_squeeze %dma_wait3A_104 : memref<1x1x8x128xi32, #tpu.memory_space<hbm>> -> memref<8x128xi32, #tpu.memory_space<hbm>>
      %dma_wait3A_106 = arith.constant 0 : i32
      %dma_wait3A_107 = arith.constant 0 : i32
      %dma_wait3A_108 = tpu.memref_slice %arg3[%arg1, %add3A_94, %dma_wait3A_106, %dma_wait3A_107] : memref<16x20x8x128xi32, #tpu.memory_space<hbm>> -> memref<1x1x8x128xi32, #tpu.memory_space<hbm>>
      %dma_wait3A_109 = tpu.memref_squeeze %dma_wait3A_108 : memref<1x1x8x128xi32, #tpu.memory_space<hbm>> -> memref<8x128xi32, #tpu.memory_space<hbm>>
      tpu.wait_dma2 semaphore(%arg17 : memref<!tpu.dma_semaphore, #tpu.memory_space<semaphore_mem>>) src(%dma_wait3A_109 : memref<8x128xi32, #tpu.memory_space<hbm>>) dst(%arg8 : memref<8x128xi32, #tpu.memory_space<vmem>>)
      %dma_wait3A_110 = arith.constant 0 : i32
      %dma_wait3A_111 = arith.constant 0 : i32
      %dma_wait3A_112 = tpu.memref_slice %arg4[%arg1, %add3A_94, %dma_wait3A_110, %dma_wait3A_111] : memref<16x20x8x128xi32, #tpu.memory_space<hbm>> -> memref<1x1x8x128xi32, #tpu.memory_space<hbm>>
      %dma_wait3A_113 = tpu.memref_squeeze %dma_wait3A_112 : memref<1x1x8x128xi32, #tpu.memory_space<hbm>> -> memref<8x128xi32, #tpu.memory_space<hbm>>
      %dma_wait3A_114 = arith.constant 0 : i32
      %dma_wait3A_115 = arith.constant 0 : i32
      %dma_wait3A_116 = tpu.memref_slice %arg4[%arg1, %add3A_94, %dma_wait3A_114, %dma_wait3A_115] : memref<16x20x8x128xi32, #tpu.memory_space<hbm>> -> memref<1x1x8x128xi32, #tpu.memory_space<hbm>>
      %dma_wait3A_117 = tpu.memref_squeeze %dma_wait3A_116 : memref<1x1x8x128xi32, #tpu.memory_space<hbm>> -> memref<8x128xi32, #tpu.memory_space<hbm>>
      tpu.wait_dma2 semaphore(%arg17 : memref<!tpu.dma_semaphore, #tpu.memory_space<semaphore_mem>>) src(%dma_wait3A_117 : memref<8x128xi32, #tpu.memory_space<hbm>>) dst(%arg10 : memref<8x128xi32, #tpu.memory_space<vmem>>)
      %dma_wait3A_118 = arith.constant 6 : i32
      %dma_wait3A_119 = arith.constant 0 : i32
      %dma_wait3A_120 = tpu.memref_slice %arg7[%dma_wait3A_118, %dma_wait3A_119] : memref<8x128xi32, #tpu.memory_space<vmem>> -> memref<1x128xi32, #tpu.memory_space<vmem>>
      %dma_wait3A_121 = tpu.memref_squeeze %dma_wait3A_120 : memref<1x128xi32, #tpu.memory_space<vmem>> -> memref<128xi32, #tpu.memory_space<vmem>>
      %dma_wait3A_122 = arith.constant 0 : i32
      %dma_wait3A_123 = arith.constant 0 : i32
      %dma_wait3A_124 = tpu.memref_slice %arg2[%dma_wait3A_122, %dma_wait3A_123] : memref<10000x128xf32, #tpu.memory_space<hbm>> -> memref<10000x128xf32, #tpu.memory_space<hbm>>
      tpu.wait_indirect_dma semaphore(%arg14 : memref<!tpu.dma_semaphore, #tpu.memory_space<semaphore_mem>>) src(%dma_wait3A_124 : memref<10000x128xf32, #tpu.memory_space<hbm>>) dst(%arg11 : memref<128x128xf32, #tpu.memory_space<vmem>>)
      %run_scoped3A = arith.constant 6 : i32
      "tpu.region"() ({
        %run_scoped3A_188 = tpu.sem_alloc : memref<!tpu.dma_semaphore, #tpu.memory_space<semaphore_mem>>
        %dma_start3A_189 = arith.constant 0 : i32
        %dma_start3A_190 = tpu.memref_slice %arg9[%run_scoped3A, %dma_start3A_189] : memref<8x128xi32, #tpu.memory_space<vmem>> -> memref<1x128xi32, #tpu.memory_space<vmem>>
        %dma_start3A_191 = tpu.memref_squeeze %dma_start3A_190 : memref<1x128xi32, #tpu.memory_space<vmem>> -> memref<128xi32, #tpu.memory_space<vmem>>
        %dma_start3A_192 = arith.constant 0 : i32
        %dma_start3A_193 = arith.constant 0 : i32
        %dma_start3A_194 = tpu.memref_slice %arg13[%dma_start3A_192, %dma_start3A_193] : memref<10112x128xf32, #tpu.memory_space<vmem_shared>> -> memref<10112x128xf32, #tpu.memory_space<vmem_shared>>
        tpu.enqueue_indirect_dma source(%arg11 : memref<128x128xf32, #tpu.memory_space<vmem>>) target(%dma_start3A_194 : memref<10112x128xf32, #tpu.memory_space<vmem_shared>>) offsets(%dma_start3A_191 : memref<128xi32, #tpu.memory_space<vmem>>) semaphore(%run_scoped3A_188 : memref<!tpu.dma_semaphore, #tpu.memory_space<semaphore_mem>>) {add = true}
        %dma_wait3A_195 = arith.constant 0 : i32
        %dma_wait3A_196 = tpu.memref_slice %arg9[%run_scoped3A, %dma_wait3A_195] : memref<8x128xi32, #tpu.memory_space<vmem>> -> memref<1x128xi32, #tpu.memory_space<vmem>>
        %dma_wait3A_197 = tpu.memref_squeeze %dma_wait3A_196 : memref<1x128xi32, #tpu.memory_space<vmem>> -> memref<128xi32, #tpu.memory_space<vmem>>
        %dma_wait3A_198 = arith.constant 0 : i32
        %dma_wait3A_199 = arith.constant 0 : i32
        %dma_wait3A_200 = tpu.memref_slice %arg13[%dma_wait3A_198, %dma_wait3A_199] : memref<10112x128xf32, #tpu.memory_space<vmem_shared>> -> memref<10112x128xf32, #tpu.memory_space<vmem_shared>>
        tpu.wait_indirect_dma semaphore(%run_scoped3A_188 : memref<!tpu.dma_semaphore, #tpu.memory_space<semaphore_mem>>) src(%arg11 : memref<128x128xf32, #tpu.memory_space<vmem>>) dst(%dma_wait3A_200 : memref<10112x128xf32, #tpu.memory_space<vmem_shared>>)
        tpu.yield
      }) : () -> ()
      %dma_start3A_125 = arith.constant 0 : i32
      %dma_start3A_126 = arith.constant 0 : i32
      %dma_start3A_127 = tpu.memref_slice %arg8[%dma_start3A_125, %dma_start3A_126] : memref<8x128xi32, #tpu.memory_space<vmem>> -> memref<1x128xi32, #tpu.memory_space<vmem>>
      %dma_start3A_128 = tpu.memref_squeeze %dma_start3A_127 : memref<1x128xi32, #tpu.memory_space<vmem>> -> memref<128xi32, #tpu.memory_space<vmem>>
      %dma_start3A_129 = arith.constant 0 : i32
      %dma_start3A_130 = arith.constant 0 : i32
      %dma_start3A_131 = tpu.memref_slice %arg2[%dma_start3A_129, %dma_start3A_130] : memref<10000x128xf32, #tpu.memory_space<hbm>> -> memref<10000x128xf32, #tpu.memory_space<hbm>>
      tpu.enqueue_indirect_dma source(%dma_start3A_131 : memref<10000x128xf32, #tpu.memory_space<hbm>>) target(%arg11 : memref<128x128xf32, #tpu.memory_space<vmem>>) offsets(%dma_start3A_128 : memref<128xi32, #tpu.memory_space<vmem>>) semaphore(%arg14 : memref<!tpu.dma_semaphore, #tpu.memory_space<semaphore_mem>>)
      %dma_wait3A_132 = arith.constant 7 : i32
      %dma_wait3A_133 = arith.constant 0 : i32
      %dma_wait3A_134 = tpu.memref_slice %arg7[%dma_wait3A_132, %dma_wait3A_133] : memref<8x128xi32, #tpu.memory_space<vmem>> -> memref<1x128xi32, #tpu.memory_space<vmem>>
      %dma_wait3A_135 = tpu.memref_squeeze %dma_wait3A_134 : memref<1x128xi32, #tpu.memory_space<vmem>> -> memref<128xi32, #tpu.memory_space<vmem>>
      %dma_wait3A_136 = arith.constant 0 : i32
      %dma_wait3A_137 = arith.constant 0 : i32
      %dma_wait3A_138 = tpu.memref_slice %arg2[%dma_wait3A_136, %dma_wait3A_137] : memref<10000x128xf32, #tpu.memory_space<hbm>> -> memref<10000x128xf32, #tpu.memory_space<hbm>>
      tpu.wait_indirect_dma semaphore(%arg15 : memref<!tpu.dma_semaphore, #tpu.memory_space<semaphore_mem>>) src(%dma_wait3A_138 : memref<10000x128xf32, #tpu.memory_space<hbm>>) dst(%arg12 : memref<128x128xf32, #tpu.memory_space<vmem>>)
      %run_scoped3A_139 = arith.constant 7 : i32
      "tpu.region"() ({
        %run_scoped3A_188 = tpu.sem_alloc : memref<!tpu.dma_semaphore, #tpu.memory_space<semaphore_mem>>
        %dma_start3A_189 = arith.constant 0 : i32
        %dma_start3A_190 = tpu.memref_slice %arg9[%run_scoped3A_139, %dma_start3A_189] : memref<8x128xi32, #tpu.memory_space<vmem>> -> memref<1x128xi32, #tpu.memory_space<vmem>>
        %dma_start3A_191 = tpu.memref_squeeze %dma_start3A_190 : memref<1x128xi32, #tpu.memory_space<vmem>> -> memref<128xi32, #tpu.memory_space<vmem>>
        %dma_start3A_192 = arith.constant 0 : i32
        %dma_start3A_193 = arith.constant 0 : i32
        %dma_start3A_194 = tpu.memref_slice %arg13[%dma_start3A_192, %dma_start3A_193] : memref<10112x128xf32, #tpu.memory_space<vmem_shared>> -> memref<10112x128xf32, #tpu.memory_space<vmem_shared>>
        tpu.enqueue_indirect_dma source(%arg12 : memref<128x128xf32, #tpu.memory_space<vmem>>) target(%dma_start3A_194 : memref<10112x128xf32, #tpu.memory_space<vmem_shared>>) offsets(%dma_start3A_191 : memref<128xi32, #tpu.memory_space<vmem>>) semaphore(%run_scoped3A_188 : memref<!tpu.dma_semaphore, #tpu.memory_space<semaphore_mem>>) {add = true}
        %dma_wait3A_195 = arith.constant 0 : i32
        %dma_wait3A_196 = tpu.memref_slice %arg9[%run_scoped3A_139, %dma_wait3A_195] : memref<8x128xi32, #tpu.memory_space<vmem>> -> memref<1x128xi32, #tpu.memory_space<vmem>>
        %dma_wait3A_197 = tpu.memref_squeeze %dma_wait3A_196 : memref<1x128xi32, #tpu.memory_space<vmem>> -> memref<128xi32, #tpu.memory_space<vmem>>
        %dma_wait3A_198 = arith.constant 0 : i32
        %dma_wait3A_199 = arith.constant 0 : i32
        %dma_wait3A_200 = tpu.memref_slice %arg13[%dma_wait3A_198, %dma_wait3A_199] : memref<10112x128xf32, #tpu.memory_space<vmem_shared>> -> memref<10112x128xf32, #tpu.memory_space<vmem_shared>>
        tpu.wait_indirect_dma semaphore(%run_scoped3A_188 : memref<!tpu.dma_semaphore, #tpu.memory_space<semaphore_mem>>) src(%arg12 : memref<128x128xf32, #tpu.memory_space<vmem>>) dst(%dma_wait3A_200 : memref<10112x128xf32, #tpu.memory_space<vmem_shared>>)
        tpu.yield
      }) : () -> ()
      %dma_start3A_140 = arith.constant 1 : i32
      %dma_start3A_141 = arith.constant 0 : i32
      %dma_start3A_142 = tpu.memref_slice %arg8[%dma_start3A_140, %dma_start3A_141] : memref<8x128xi32, #tpu.memory_space<vmem>> -> memref<1x128xi32, #tpu.memory_space<vmem>>
      %dma_start3A_143 = tpu.memref_squeeze %dma_start3A_142 : memref<1x128xi32, #tpu.memory_space<vmem>> -> memref<128xi32, #tpu.memory_space<vmem>>
      %dma_start3A_144 = arith.constant 0 : i32
      %dma_start3A_145 = arith.constant 0 : i32
      %dma_start3A_146 = tpu.memref_slice %arg2[%dma_start3A_144, %dma_start3A_145] : memref<10000x128xf32, #tpu.memory_space<hbm>> -> memref<10000x128xf32, #tpu.memory_space<hbm>>
      tpu.enqueue_indirect_dma source(%dma_start3A_146 : memref<10000x128xf32, #tpu.memory_space<hbm>>) target(%arg12 : memref<128x128xf32, #tpu.memory_space<vmem>>) offsets(%dma_start3A_143 : memref<128xi32, #tpu.memory_space<vmem>>) semaphore(%arg15 : memref<!tpu.dma_semaphore, #tpu.memory_space<semaphore_mem>>)
      %convert_element_type3A_147 = arith.extui %lt3A : i1 to i32
      %cond3A_148 = arith.constant 0 : i32
      %cond3A_149 = arith.cmpi ne, %convert_element_type3A_147, %cond3A_148 : i32
      scf.if %cond3A_149 {
        %add3A_188 = arith.constant 2 : i32
        %add3A_189 = arith.addi %add3A_92, %add3A_188 : i32
        %dma_start3A_190 = arith.constant 0 : i32
        %dma_start3A_191 = arith.constant 0 : i32
        %dma_start3A_192 = tpu.memref_slice %arg3[%arg1, %add3A_189, %dma_start3A_190, %dma_start3A_191] : memref<16x20x8x128xi32, #tpu.memory_space<hbm>> -> memref<1x1x8x128xi32, #tpu.memory_space<hbm>>
        %dma_start3A_193 = tpu.memref_squeeze %dma_start3A_192 : memref<1x1x8x128xi32, #tpu.memory_space<hbm>> -> memref<8x128xi32, #tpu.memory_space<hbm>>
        %dma_start3A_194 = arith.constant 0 : i32
        %dma_start3A_195 = arith.constant 0 : i32
        %dma_start3A_196 = tpu.memref_slice %arg3[%arg1, %add3A_189, %dma_start3A_194, %dma_start3A_195] : memref<16x20x8x128xi32, #tpu.memory_space<hbm>> -> memref<1x1x8x128xi32, #tpu.memory_space<hbm>>
        %dma_start3A_197 = tpu.memref_squeeze %dma_start3A_196 : memref<1x1x8x128xi32, #tpu.memory_space<hbm>> -> memref<8x128xi32, #tpu.memory_space<hbm>>
        tpu.enqueue_dma source(%dma_start3A_197 : memref<8x128xi32, #tpu.memory_space<hbm>>) target(%arg7 : memref<8x128xi32, #tpu.memory_space<vmem>>) target_semaphore(%arg16 : memref<!tpu.dma_semaphore, #tpu.memory_space<semaphore_mem>>)
        %add3A_198 = arith.constant 2 : i32
        %add3A_199 = arith.addi %add3A_92, %add3A_198 : i32
        %dma_start3A_200 = arith.constant 0 : i32
        %dma_start3A_201 = arith.constant 0 : i32
        %dma_start3A_202 = tpu.memref_slice %arg4[%arg1, %add3A_199, %dma_start3A_200, %dma_start3A_201] : memref<16x20x8x128xi32, #tpu.memory_space<hbm>> -> memref<1x1x8x128xi32, #tpu.memory_space<hbm>>
        %dma_start3A_203 = tpu.memref_squeeze %dma_start3A_202 : memref<1x1x8x128xi32, #tpu.memory_space<hbm>> -> memref<8x128xi32, #tpu.memory_space<hbm>>
        %dma_start3A_204 = arith.constant 0 : i32
        %dma_start3A_205 = arith.constant 0 : i32
        %dma_start3A_206 = tpu.memref_slice %arg4[%arg1, %add3A_199, %dma_start3A_204, %dma_start3A_205] : memref<16x20x8x128xi32, #tpu.memory_space<hbm>> -> memref<1x1x8x128xi32, #tpu.memory_space<hbm>>
        %dma_start3A_207 = tpu.memref_squeeze %dma_start3A_206 : memref<1x1x8x128xi32, #tpu.memory_space<hbm>> -> memref<8x128xi32, #tpu.memory_space<hbm>>
        tpu.enqueue_dma source(%dma_start3A_207 : memref<8x128xi32, #tpu.memory_space<hbm>>) target(%arg9 : memref<8x128xi32, #tpu.memory_space<vmem>>) target_semaphore(%arg16 : memref<!tpu.dma_semaphore, #tpu.memory_space<semaphore_mem>>)
      } else {
      }
      %scan3A_150 = arith.constant 0 : i32
      %scan3A_151 = arith.constant 3 : i32
      %scan3A_152 = arith.addi %scan3A_150, %scan3A_151 : i32
      %scan3A_153 = arith.constant 1 : i32
      scf.for %scan3A_188 = %scan3A_150 to %scan3A_152 step %scan3A_153  : i32 {
        %mul3A_189 = arith.constant 2 : i32
        %mul3A_190 = arith.muli %scan3A_188, %mul3A_189 : i32
        %add3A_191 = arith.constant 0 : i32
        %add3A_192 = arith.addi %add3A_191, %mul3A_190 : i32
        %dma_wait3A_193 = arith.constant 0 : i32
        %dma_wait3A_194 = tpu.memref_slice %arg8[%add3A_192, %dma_wait3A_193] : memref<8x128xi32, #tpu.memory_space<vmem>> -> memref<1x128xi32, #tpu.memory_space<vmem>>
        %dma_wait3A_195 = tpu.memref_squeeze %dma_wait3A_194 : memref<1x128xi32, #tpu.memory_space<vmem>> -> memref<128xi32, #tpu.memory_space<vmem>>
        %dma_wait3A_196 = arith.constant 0 : i32
        %dma_wait3A_197 = arith.constant 0 : i32
        %dma_wait3A_198 = tpu.memref_slice %arg2[%dma_wait3A_196, %dma_wait3A_197] : memref<10000x128xf32, #tpu.memory_space<hbm>> -> memref<10000x128xf32, #tpu.memory_space<hbm>>
        tpu.wait_indirect_dma semaphore(%arg14 : memref<!tpu.dma_semaphore, #tpu.memory_space<semaphore_mem>>) src(%dma_wait3A_198 : memref<10000x128xf32, #tpu.memory_space<hbm>>) dst(%arg11 : memref<128x128xf32, #tpu.memory_space<vmem>>)
        "tpu.region"() ({
          %run_scoped3A_225 = tpu.sem_alloc : memref<!tpu.dma_semaphore, #tpu.memory_space<semaphore_mem>>
          %dma_start3A_226 = arith.constant 0 : i32
          %dma_start3A_227 = tpu.memref_slice %arg10[%add3A_192, %dma_start3A_226] : memref<8x128xi32, #tpu.memory_space<vmem>> -> memref<1x128xi32, #tpu.memory_space<vmem>>
          %dma_start3A_228 = tpu.memref_squeeze %dma_start3A_227 : memref<1x128xi32, #tpu.memory_space<vmem>> -> memref<128xi32, #tpu.memory_space<vmem>>
          %dma_start3A_229 = arith.constant 0 : i32
          %dma_start3A_230 = arith.constant 0 : i32
          %dma_start3A_231 = tpu.memref_slice %arg13[%dma_start3A_229, %dma_start3A_230] : memref<10112x128xf32, #tpu.memory_space<vmem_shared>> -> memref<10112x128xf32, #tpu.memory_space<vmem_shared>>
          tpu.enqueue_indirect_dma source(%arg11 : memref<128x128xf32, #tpu.memory_space<vmem>>) target(%dma_start3A_231 : memref<10112x128xf32, #tpu.memory_space<vmem_shared>>) offsets(%dma_start3A_228 : memref<128xi32, #tpu.memory_space<vmem>>) semaphore(%run_scoped3A_225 : memref<!tpu.dma_semaphore, #tpu.memory_space<semaphore_mem>>) {add = true}
          %dma_wait3A_232 = arith.constant 0 : i32
          %dma_wait3A_233 = tpu.memref_slice %arg10[%add3A_192, %dma_wait3A_232] : memref<8x128xi32, #tpu.memory_space<vmem>> -> memref<1x128xi32, #tpu.memory_space<vmem>>
          %dma_wait3A_234 = tpu.memref_squeeze %dma_wait3A_233 : memref<1x128xi32, #tpu.memory_space<vmem>> -> memref<128xi32, #tpu.memory_space<vmem>>
          %dma_wait3A_235 = arith.constant 0 : i32
          %dma_wait3A_236 = arith.constant 0 : i32
          %dma_wait3A_237 = tpu.memref_slice %arg13[%dma_wait3A_235, %dma_wait3A_236] : memref<10112x128xf32, #tpu.memory_space<vmem_shared>> -> memref<10112x128xf32, #tpu.memory_space<vmem_shared>>
          tpu.wait_indirect_dma semaphore(%run_scoped3A_225 : memref<!tpu.dma_semaphore, #tpu.memory_space<semaphore_mem>>) src(%arg11 : memref<128x128xf32, #tpu.memory_space<vmem>>) dst(%dma_wait3A_237 : memref<10112x128xf32, #tpu.memory_space<vmem_shared>>)
          tpu.yield
        }) : () -> ()
        %add3A_199 = arith.constant 2 : i32
        %add3A_200 = arith.addi %add3A_192, %add3A_199 : i32
        %dma_start3A_201 = arith.constant 0 : i32
        %dma_start3A_202 = tpu.memref_slice %arg8[%add3A_200, %dma_start3A_201] : memref<8x128xi32, #tpu.memory_space<vmem>> -> memref<1x128xi32, #tpu.memory_space<vmem>>
        %dma_start3A_203 = tpu.memref_squeeze %dma_start3A_202 : memref<1x128xi32, #tpu.memory_space<vmem>> -> memref<128xi32, #tpu.memory_space<vmem>>
        %dma_start3A_204 = arith.constant 0 : i32
        %dma_start3A_205 = arith.constant 0 : i32
        %dma_start3A_206 = tpu.memref_slice %arg2[%dma_start3A_204, %dma_start3A_205] : memref<10000x128xf32, #tpu.memory_space<hbm>> -> memref<10000x128xf32, #tpu.memory_space<hbm>>
        tpu.enqueue_indirect_dma source(%dma_start3A_206 : memref<10000x128xf32, #tpu.memory_space<hbm>>) target(%arg11 : memref<128x128xf32, #tpu.memory_space<vmem>>) offsets(%dma_start3A_203 : memref<128xi32, #tpu.memory_space<vmem>>) semaphore(%arg14 : memref<!tpu.dma_semaphore, #tpu.memory_space<semaphore_mem>>)
        %add3A_207 = arith.constant 1 : i32
        %add3A_208 = arith.addi %add3A_192, %add3A_207 : i32
        %dma_wait3A_209 = arith.constant 0 : i32
        %dma_wait3A_210 = tpu.memref_slice %arg8[%add3A_208, %dma_wait3A_209] : memref<8x128xi32, #tpu.memory_space<vmem>> -> memref<1x128xi32, #tpu.memory_space<vmem>>
        %dma_wait3A_211 = tpu.memref_squeeze %dma_wait3A_210 : memref<1x128xi32, #tpu.memory_space<vmem>> -> memref<128xi32, #tpu.memory_space<vmem>>
        %dma_wait3A_212 = arith.constant 0 : i32
        %dma_wait3A_213 = arith.constant 0 : i32
        %dma_wait3A_214 = tpu.memref_slice %arg2[%dma_wait3A_212, %dma_wait3A_213] : memref<10000x128xf32, #tpu.memory_space<hbm>> -> memref<10000x128xf32, #tpu.memory_space<hbm>>
        tpu.wait_indirect_dma semaphore(%arg15 : memref<!tpu.dma_semaphore, #tpu.memory_space<semaphore_mem>>) src(%dma_wait3A_214 : memref<10000x128xf32, #tpu.memory_space<hbm>>) dst(%arg12 : memref<128x128xf32, #tpu.memory_space<vmem>>)
        %add3A_215 = arith.constant 1 : i32
        %add3A_216 = arith.addi %add3A_192, %add3A_215 : i32
        "tpu.region"() ({
          %run_scoped3A_225 = tpu.sem_alloc : memref<!tpu.dma_semaphore, #tpu.memory_space<semaphore_mem>>
          %dma_start3A_226 = arith.constant 0 : i32
          %dma_start3A_227 = tpu.memref_slice %arg10[%add3A_216, %dma_start3A_226] : memref<8x128xi32, #tpu.memory_space<vmem>> -> memref<1x128xi32, #tpu.memory_space<vmem>>
          %dma_start3A_228 = tpu.memref_squeeze %dma_start3A_227 : memref<1x128xi32, #tpu.memory_space<vmem>> -> memref<128xi32, #tpu.memory_space<vmem>>
          %dma_start3A_229 = arith.constant 0 : i32
          %dma_start3A_230 = arith.constant 0 : i32
          %dma_start3A_231 = tpu.memref_slice %arg13[%dma_start3A_229, %dma_start3A_230] : memref<10112x128xf32, #tpu.memory_space<vmem_shared>> -> memref<10112x128xf32, #tpu.memory_space<vmem_shared>>
          tpu.enqueue_indirect_dma source(%arg12 : memref<128x128xf32, #tpu.memory_space<vmem>>) target(%dma_start3A_231 : memref<10112x128xf32, #tpu.memory_space<vmem_shared>>) offsets(%dma_start3A_228 : memref<128xi32, #tpu.memory_space<vmem>>) semaphore(%run_scoped3A_225 : memref<!tpu.dma_semaphore, #tpu.memory_space<semaphore_mem>>) {add = true}
          %dma_wait3A_232 = arith.constant 0 : i32
          %dma_wait3A_233 = tpu.memref_slice %arg10[%add3A_216, %dma_wait3A_232] : memref<8x128xi32, #tpu.memory_space<vmem>> -> memref<1x128xi32, #tpu.memory_space<vmem>>
          %dma_wait3A_234 = tpu.memref_squeeze %dma_wait3A_233 : memref<1x128xi32, #tpu.memory_space<vmem>> -> memref<128xi32, #tpu.memory_space<vmem>>
          %dma_wait3A_235 = arith.constant 0 : i32
          %dma_wait3A_236 = arith.constant 0 : i32
          %dma_wait3A_237 = tpu.memref_slice %arg13[%dma_wait3A_235, %dma_wait3A_236] : memref<10112x128xf32, #tpu.memory_space<vmem_shared>> -> memref<10112x128xf32, #tpu.memory_space<vmem_shared>>
          tpu.wait_indirect_dma semaphore(%run_scoped3A_225 : memref<!tpu.dma_semaphore, #tpu.memory_space<semaphore_mem>>) src(%arg12 : memref<128x128xf32, #tpu.memory_space<vmem>>) dst(%dma_wait3A_237 : memref<10112x128xf32, #tpu.memory_space<vmem_shared>>)
          tpu.yield
        }) : () -> ()
        %add3A_217 = arith.constant 3 : i32
        %add3A_218 = arith.addi %add3A_192, %add3A_217 : i32
        %dma_start3A_219 = arith.constant 0 : i32
        %dma_start3A_220 = tpu.memref_slice %arg8[%add3A_218, %dma_start3A_219] : memref<8x128xi32, #tpu.memory_space<vmem>> -> memref<1x128xi32, #tpu.memory_space<vmem>>
        %dma_start3A_221 = tpu.memref_squeeze %dma_start3A_220 : memref<1x128xi32, #tpu.memory_space<vmem>> -> memref<128xi32, #tpu.memory_space<vmem>>
        %dma_start3A_222 = arith.constant 0 : i32
        %dma_start3A_223 = arith.constant 0 : i32
        %dma_start3A_224 = tpu.memref_slice %arg2[%dma_start3A_222, %dma_start3A_223] : memref<10000x128xf32, #tpu.memory_space<hbm>> -> memref<10000x128xf32, #tpu.memory_space<hbm>>
        tpu.enqueue_indirect_dma source(%dma_start3A_224 : memref<10000x128xf32, #tpu.memory_space<hbm>>) target(%arg12 : memref<128x128xf32, #tpu.memory_space<vmem>>) offsets(%dma_start3A_221 : memref<128xi32, #tpu.memory_space<vmem>>) semaphore(%arg15 : memref<!tpu.dma_semaphore, #tpu.memory_space<semaphore_mem>>)
      }
      %scan3A_154 = arith.constant 3 : i32
      %convert_element_type3A_155 = arith.extui %lt3A : i1 to i32
      %cond3A_156 = arith.constant 0 : i32
      %cond3A_157 = arith.cmpi ne, %convert_element_type3A_155, %cond3A_156 : i32
      scf.if %cond3A_157 {
        %add3A_188 = arith.constant 2 : i32
        %add3A_189 = arith.addi %add3A_92, %add3A_188 : i32
        %dma_wait3A_190 = arith.constant 0 : i32
        %dma_wait3A_191 = arith.constant 0 : i32
        %dma_wait3A_192 = tpu.memref_slice %arg3[%arg1, %add3A_189, %dma_wait3A_190, %dma_wait3A_191] : memref<16x20x8x128xi32, #tpu.memory_space<hbm>> -> memref<1x1x8x128xi32, #tpu.memory_space<hbm>>
        %dma_wait3A_193 = tpu.memref_squeeze %dma_wait3A_192 : memref<1x1x8x128xi32, #tpu.memory_space<hbm>> -> memref<8x128xi32, #tpu.memory_space<hbm>>
        %dma_wait3A_194 = arith.constant 0 : i32
        %dma_wait3A_195 = arith.constant 0 : i32
        %dma_wait3A_196 = tpu.memref_slice %arg3[%arg1, %add3A_189, %dma_wait3A_194, %dma_wait3A_195] : memref<16x20x8x128xi32, #tpu.memory_space<hbm>> -> memref<1x1x8x128xi32, #tpu.memory_space<hbm>>
        %dma_wait3A_197 = tpu.memref_squeeze %dma_wait3A_196 : memref<1x1x8x128xi32, #tpu.memory_space<hbm>> -> memref<8x128xi32, #tpu.memory_space<hbm>>
        tpu.wait_dma2 semaphore(%arg16 : memref<!tpu.dma_semaphore, #tpu.memory_space<semaphore_mem>>) src(%dma_wait3A_197 : memref<8x128xi32, #tpu.memory_space<hbm>>) dst(%arg7 : memref<8x128xi32, #tpu.memory_space<vmem>>)
        %add3A_198 = arith.constant 2 : i32
        %add3A_199 = arith.addi %add3A_92, %add3A_198 : i32
        %dma_wait3A_200 = arith.constant 0 : i32
        %dma_wait3A_201 = arith.constant 0 : i32
        %dma_wait3A_202 = tpu.memref_slice %arg4[%arg1, %add3A_199, %dma_wait3A_200, %dma_wait3A_201] : memref<16x20x8x128xi32, #tpu.memory_space<hbm>> -> memref<1x1x8x128xi32, #tpu.memory_space<hbm>>
        %dma_wait3A_203 = tpu.memref_squeeze %dma_wait3A_202 : memref<1x1x8x128xi32, #tpu.memory_space<hbm>> -> memref<8x128xi32, #tpu.memory_space<hbm>>
        %dma_wait3A_204 = arith.constant 0 : i32
        %dma_wait3A_205 = arith.constant 0 : i32
        %dma_wait3A_206 = tpu.memref_slice %arg4[%arg1, %add3A_199, %dma_wait3A_204, %dma_wait3A_205] : memref<16x20x8x128xi32, #tpu.memory_space<hbm>> -> memref<1x1x8x128xi32, #tpu.memory_space<hbm>>
        %dma_wait3A_207 = tpu.memref_squeeze %dma_wait3A_206 : memref<1x1x8x128xi32, #tpu.memory_space<hbm>> -> memref<8x128xi32, #tpu.memory_space<hbm>>
        tpu.wait_dma2 semaphore(%arg16 : memref<!tpu.dma_semaphore, #tpu.memory_space<semaphore_mem>>) src(%dma_wait3A_207 : memref<8x128xi32, #tpu.memory_space<hbm>>) dst(%arg9 : memref<8x128xi32, #tpu.memory_space<vmem>>)
      } else {
      }
      %dma_wait3A_158 = arith.constant 6 : i32
      %dma_wait3A_159 = arith.constant 0 : i32
      %dma_wait3A_160 = tpu.memref_slice %arg8[%dma_wait3A_158, %dma_wait3A_159] : memref<8x128xi32, #tpu.memory_space<vmem>> -> memref<1x128xi32, #tpu.memory_space<vmem>>
      %dma_wait3A_161 = tpu.memref_squeeze %dma_wait3A_160 : memref<1x128xi32, #tpu.memory_space<vmem>> -> memref<128xi32, #tpu.memory_space<vmem>>
      %dma_wait3A_162 = arith.constant 0 : i32
      %dma_wait3A_163 = arith.constant 0 : i32
      %dma_wait3A_164 = tpu.memref_slice %arg2[%dma_wait3A_162, %dma_wait3A_163] : memref<10000x128xf32, #tpu.memory_space<hbm>> -> memref<10000x128xf32, #tpu.memory_space<hbm>>
      tpu.wait_indirect_dma semaphore(%arg14 : memref<!tpu.dma_semaphore, #tpu.memory_space<semaphore_mem>>) src(%dma_wait3A_164 : memref<10000x128xf32, #tpu.memory_space<hbm>>) dst(%arg11 : memref<128x128xf32, #tpu.memory_space<vmem>>)
      %run_scoped3A_165 = arith.constant 6 : i32
      "tpu.region"() ({
        %run_scoped3A_188 = tpu.sem_alloc : memref<!tpu.dma_semaphore, #tpu.memory_space<semaphore_mem>>
        %dma_start3A_189 = arith.constant 0 : i32
        %dma_start3A_190 = tpu.memref_slice %arg10[%run_scoped3A_165, %dma_start3A_189] : memref<8x128xi32, #tpu.memory_space<vmem>> -> memref<1x128xi32, #tpu.memory_space<vmem>>
        %dma_start3A_191 = tpu.memref_squeeze %dma_start3A_190 : memref<1x128xi32, #tpu.memory_space<vmem>> -> memref<128xi32, #tpu.memory_space<vmem>>
        %dma_start3A_192 = arith.constant 0 : i32
        %dma_start3A_193 = arith.constant 0 : i32
        %dma_start3A_194 = tpu.memref_slice %arg13[%dma_start3A_192, %dma_start3A_193] : memref<10112x128xf32, #tpu.memory_space<vmem_shared>> -> memref<10112x128xf32, #tpu.memory_space<vmem_shared>>
        tpu.enqueue_indirect_dma source(%arg11 : memref<128x128xf32, #tpu.memory_space<vmem>>) target(%dma_start3A_194 : memref<10112x128xf32, #tpu.memory_space<vmem_shared>>) offsets(%dma_start3A_191 : memref<128xi32, #tpu.memory_space<vmem>>) semaphore(%run_scoped3A_188 : memref<!tpu.dma_semaphore, #tpu.memory_space<semaphore_mem>>) {add = true}
        %dma_wait3A_195 = arith.constant 0 : i32
        %dma_wait3A_196 = tpu.memref_slice %arg10[%run_scoped3A_165, %dma_wait3A_195] : memref<8x128xi32, #tpu.memory_space<vmem>> -> memref<1x128xi32, #tpu.memory_space<vmem>>
        %dma_wait3A_197 = tpu.memref_squeeze %dma_wait3A_196 : memref<1x128xi32, #tpu.memory_space<vmem>> -> memref<128xi32, #tpu.memory_space<vmem>>
        %dma_wait3A_198 = arith.constant 0 : i32
        %dma_wait3A_199 = arith.constant 0 : i32
        %dma_wait3A_200 = tpu.memref_slice %arg13[%dma_wait3A_198, %dma_wait3A_199] : memref<10112x128xf32, #tpu.memory_space<vmem_shared>> -> memref<10112x128xf32, #tpu.memory_space<vmem_shared>>
        tpu.wait_indirect_dma semaphore(%run_scoped3A_188 : memref<!tpu.dma_semaphore, #tpu.memory_space<semaphore_mem>>) src(%arg11 : memref<128x128xf32, #tpu.memory_space<vmem>>) dst(%dma_wait3A_200 : memref<10112x128xf32, #tpu.memory_space<vmem_shared>>)
        tpu.yield
      }) : () -> ()
      %convert_element_type3A_166 = arith.extui %lt3A : i1 to i32
      %cond3A_167 = arith.constant 0 : i32
      %cond3A_168 = arith.cmpi ne, %convert_element_type3A_166, %cond3A_167 : i32
      scf.if %cond3A_168 {
        %dma_start3A_188 = arith.constant 0 : i32
        %dma_start3A_189 = arith.constant 0 : i32
        %dma_start3A_190 = tpu.memref_slice %arg7[%dma_start3A_188, %dma_start3A_189] : memref<8x128xi32, #tpu.memory_space<vmem>> -> memref<1x128xi32, #tpu.memory_space<vmem>>
        %dma_start3A_191 = tpu.memref_squeeze %dma_start3A_190 : memref<1x128xi32, #tpu.memory_space<vmem>> -> memref<128xi32, #tpu.memory_space<vmem>>
        %dma_start3A_192 = arith.constant 0 : i32
        %dma_start3A_193 = arith.constant 0 : i32
        %dma_start3A_194 = tpu.memref_slice %arg2[%dma_start3A_192, %dma_start3A_193] : memref<10000x128xf32, #tpu.memory_space<hbm>> -> memref<10000x128xf32, #tpu.memory_space<hbm>>
        tpu.enqueue_indirect_dma source(%dma_start3A_194 : memref<10000x128xf32, #tpu.memory_space<hbm>>) target(%arg11 : memref<128x128xf32, #tpu.memory_space<vmem>>) offsets(%dma_start3A_191 : memref<128xi32, #tpu.memory_space<vmem>>) semaphore(%arg14 : memref<!tpu.dma_semaphore, #tpu.memory_space<semaphore_mem>>)
      } else {
      }
      %dma_wait3A_169 = arith.constant 7 : i32
      %dma_wait3A_170 = arith.constant 0 : i32
      %dma_wait3A_171 = tpu.memref_slice %arg8[%dma_wait3A_169, %dma_wait3A_170] : memref<8x128xi32, #tpu.memory_space<vmem>> -> memref<1x128xi32, #tpu.memory_space<vmem>>
      %dma_wait3A_172 = tpu.memref_squeeze %dma_wait3A_171 : memref<1x128xi32, #tpu.memory_space<vmem>> -> memref<128xi32, #tpu.memory_space<vmem>>
      %dma_wait3A_173 = arith.constant 0 : i32
      %dma_wait3A_174 = arith.constant 0 : i32
      %dma_wait3A_175 = tpu.memref_slice %arg2[%dma_wait3A_173, %dma_wait3A_174] : memref<10000x128xf32, #tpu.memory_space<hbm>> -> memref<10000x128xf32, #tpu.memory_space<hbm>>
      tpu.wait_indirect_dma semaphore(%arg15 : memref<!tpu.dma_semaphore, #tpu.memory_space<semaphore_mem>>) src(%dma_wait3A_175 : memref<10000x128xf32, #tpu.memory_space<hbm>>) dst(%arg12 : memref<128x128xf32, #tpu.memory_space<vmem>>)
      %run_scoped3A_176 = arith.constant 7 : i32
      "tpu.region"() ({
        %run_scoped3A_188 = tpu.sem_alloc : memref<!tpu.dma_semaphore, #tpu.memory_space<semaphore_mem>>
        %dma_start3A_189 = arith.constant 0 : i32
        %dma_start3A_190 = tpu.memref_slice %arg10[%run_scoped3A_176, %dma_start3A_189] : memref<8x128xi32, #tpu.memory_space<vmem>> -> memref<1x128xi32, #tpu.memory_space<vmem>>
        %dma_start3A_191 = tpu.memref_squeeze %dma_start3A_190 : memref<1x128xi32, #tpu.memory_space<vmem>> -> memref<128xi32, #tpu.memory_space<vmem>>
        %dma_start3A_192 = arith.constant 0 : i32
        %dma_start3A_193 = arith.constant 0 : i32
        %dma_start3A_194 = tpu.memref_slice %arg13[%dma_start3A_192, %dma_start3A_193] : memref<10112x128xf32, #tpu.memory_space<vmem_shared>> -> memref<10112x128xf32, #tpu.memory_space<vmem_shared>>
        tpu.enqueue_indirect_dma source(%arg12 : memref<128x128xf32, #tpu.memory_space<vmem>>) target(%dma_start3A_194 : memref<10112x128xf32, #tpu.memory_space<vmem_shared>>) offsets(%dma_start3A_191 : memref<128xi32, #tpu.memory_space<vmem>>) semaphore(%run_scoped3A_188 : memref<!tpu.dma_semaphore, #tpu.memory_space<semaphore_mem>>) {add = true}
        %dma_wait3A_195 = arith.constant 0 : i32
        %dma_wait3A_196 = tpu.memref_slice %arg10[%run_scoped3A_176, %dma_wait3A_195] : memref<8x128xi32, #tpu.memory_space<vmem>> -> memref<1x128xi32, #tpu.memory_space<vmem>>
        %dma_wait3A_197 = tpu.memref_squeeze %dma_wait3A_196 : memref<1x128xi32, #tpu.memory_space<vmem>> -> memref<128xi32, #tpu.memory_space<vmem>>
        %dma_wait3A_198 = arith.constant 0 : i32
        %dma_wait3A_199 = arith.constant 0 : i32
        %dma_wait3A_200 = tpu.memref_slice %arg13[%dma_wait3A_198, %dma_wait3A_199] : memref<10112x128xf32, #tpu.memory_space<vmem_shared>> -> memref<10112x128xf32, #tpu.memory_space<vmem_shared>>
        tpu.wait_indirect_dma semaphore(%run_scoped3A_188 : memref<!tpu.dma_semaphore, #tpu.memory_space<semaphore_mem>>) src(%arg12 : memref<128x128xf32, #tpu.memory_space<vmem>>) dst(%dma_wait3A_200 : memref<10112x128xf32, #tpu.memory_space<vmem_shared>>)
        tpu.yield
      }) : () -> ()
      %convert_element_type3A_177 = arith.extui %lt3A : i1 to i32
      %cond3A_178 = arith.constant 0 : i32
      %cond3A_179 = arith.cmpi ne, %convert_element_type3A_177, %cond3A_178 : i32
      scf.if %cond3A_179 {
        %dma_start3A_188 = arith.constant 1 : i32
        %dma_start3A_189 = arith.constant 0 : i32
        %dma_start3A_190 = tpu.memref_slice %arg7[%dma_start3A_188, %dma_start3A_189] : memref<8x128xi32, #tpu.memory_space<vmem>> -> memref<1x128xi32, #tpu.memory_space<vmem>>
        %dma_start3A_191 = tpu.memref_squeeze %dma_start3A_190 : memref<1x128xi32, #tpu.memory_space<vmem>> -> memref<128xi32, #tpu.memory_space<vmem>>
        %dma_start3A_192 = arith.constant 0 : i32
        %dma_start3A_193 = arith.constant 0 : i32
        %dma_start3A_194 = tpu.memref_slice %arg2[%dma_start3A_192, %dma_start3A_193] : memref<10000x128xf32, #tpu.memory_space<hbm>> -> memref<10000x128xf32, #tpu.memory_space<hbm>>
        tpu.enqueue_indirect_dma source(%dma_start3A_194 : memref<10000x128xf32, #tpu.memory_space<hbm>>) target(%arg12 : memref<128x128xf32, #tpu.memory_space<vmem>>) offsets(%dma_start3A_191 : memref<128xi32, #tpu.memory_space<vmem>>) semaphore(%arg15 : memref<!tpu.dma_semaphore, #tpu.memory_space<semaphore_mem>>)
      } else {
      }
      %mul3A_180 = arith.constant 2 : i32
      %mul3A_181 = arith.muli %mul3A_180, %add3A_89 : i32
      %add3A_182 = arith.constant 3 : i32
      %add3A_183 = arith.addi %mul3A_181, %add3A_182 : i32
      %lt3A_184 = arith.cmpi slt, %add3A_183, %select_n3A : i32
      %convert_element_type3A_185 = arith.extui %lt3A_184 : i1 to i32
      %cond3A_186 = arith.constant 0 : i32
      %cond3A_187 = arith.cmpi ne, %convert_element_type3A_185, %cond3A_186 : i32
      scf.if %cond3A_187 {
        %add3A_188 = arith.constant 2 : i32
        %add3A_189 = arith.addi %add3A_94, %add3A_188 : i32
        %dma_start3A_190 = arith.constant 0 : i32
        %dma_start3A_191 = arith.constant 0 : i32
        %dma_start3A_192 = tpu.memref_slice %arg3[%arg1, %add3A_189, %dma_start3A_190, %dma_start3A_191] : memref<16x20x8x128xi32, #tpu.memory_space<hbm>> -> memref<1x1x8x128xi32, #tpu.memory_space<hbm>>
        %dma_start3A_193 = tpu.memref_squeeze %dma_start3A_192 : memref<1x1x8x128xi32, #tpu.memory_space<hbm>> -> memref<8x128xi32, #tpu.memory_space<hbm>>
        %dma_start3A_194 = arith.constant 0 : i32
        %dma_start3A_195 = arith.constant 0 : i32
        %dma_start3A_196 = tpu.memref_slice %arg3[%arg1, %add3A_189, %dma_start3A_194, %dma_start3A_195] : memref<16x20x8x128xi32, #tpu.memory_space<hbm>> -> memref<1x1x8x128xi32, #tpu.memory_space<hbm>>
        %dma_start3A_197 = tpu.memref_squeeze %dma_start3A_196 : memref<1x1x8x128xi32, #tpu.memory_space<hbm>> -> memref<8x128xi32, #tpu.memory_space<hbm>>
        tpu.enqueue_dma source(%dma_start3A_197 : memref<8x128xi32, #tpu.memory_space<hbm>>) target(%arg8 : memref<8x128xi32, #tpu.memory_space<vmem>>) target_semaphore(%arg17 : memref<!tpu.dma_semaphore, #tpu.memory_space<semaphore_mem>>)
        %add3A_198 = arith.constant 2 : i32
        %add3A_199 = arith.addi %add3A_94, %add3A_198 : i32
        %dma_start3A_200 = arith.constant 0 : i32
        %dma_start3A_201 = arith.constant 0 : i32
        %dma_start3A_202 = tpu.memref_slice %arg4[%arg1, %add3A_199, %dma_start3A_200, %dma_start3A_201] : memref<16x20x8x128xi32, #tpu.memory_space<hbm>> -> memref<1x1x8x128xi32, #tpu.memory_space<hbm>>
        %dma_start3A_203 = tpu.memref_squeeze %dma_start3A_202 : memref<1x1x8x128xi32, #tpu.memory_space<hbm>> -> memref<8x128xi32, #tpu.memory_space<hbm>>
        %dma_start3A_204 = arith.constant 0 : i32
        %dma_start3A_205 = arith.constant 0 : i32
        %dma_start3A_206 = tpu.memref_slice %arg4[%arg1, %add3A_199, %dma_start3A_204, %dma_start3A_205] : memref<16x20x8x128xi32, #tpu.memory_space<hbm>> -> memref<1x1x8x128xi32, #tpu.memory_space<hbm>>
        %dma_start3A_207 = tpu.memref_squeeze %dma_start3A_206 : memref<1x1x8x128xi32, #tpu.memory_space<hbm>> -> memref<8x128xi32, #tpu.memory_space<hbm>>
        tpu.enqueue_dma source(%dma_start3A_207 : memref<8x128xi32, #tpu.memory_space<hbm>>) target(%arg10 : memref<8x128xi32, #tpu.memory_space<vmem>>) target_semaphore(%arg17 : memref<!tpu.dma_semaphore, #tpu.memory_space<semaphore_mem>>)
      } else {
      }
    }
    %barrier3A_83 = arith.constant 0 : index
    tpu.barrier barrier_id(%barrier3A_83)
    %mul3A = arith.constant 632 : i32
    %mul3A_84 = arith.muli %arg1, %mul3A : i32
    %mul3A_85 = arith.constant 632 : i32
    %mul3A_86 = arith.muli %arg1, %mul3A_85 : i32
    "tpu.region"() ({
      %run_scoped3A = tpu.sem_alloc : memref<!tpu.dma_semaphore, #tpu.memory_space<semaphore_mem>>
      %dma_start3A_87 = arith.constant 0 : i32
      %dma_start3A_88 = tpu.memref_slice %arg6[%arg0, %mul3A_86, %dma_start3A_87] : memref<2x10112x128xf32, #tpu.memory_space<hbm>> -> memref<1x632x128xf32, #tpu.memory_space<hbm>>
      %dma_start3A_89 = tpu.memref_squeeze %dma_start3A_88 : memref<1x632x128xf32, #tpu.memory_space<hbm>> -> memref<632x128xf32, #tpu.memory_space<hbm>>
      %dma_start3A_90 = arith.constant 0 : i32
      %dma_start3A_91 = tpu.memref_slice %arg13[%mul3A_84, %dma_start3A_90] : memref<10112x128xf32, #tpu.memory_space<vmem_shared>> -> memref<632x128xf32, #tpu.memory_space<vmem_shared>>
      tpu.enqueue_dma source(%dma_start3A_91 : memref<632x128xf32, #tpu.memory_space<vmem_shared>>) target(%dma_start3A_89 : memref<632x128xf32, #tpu.memory_space<hbm>>) target_semaphore(%run_scoped3A : memref<!tpu.dma_semaphore, #tpu.memory_space<semaphore_mem>>)
      %dma_wait3A = arith.constant 0 : i32
      %dma_wait3A_92 = tpu.memref_slice %arg6[%arg0, %mul3A_86, %dma_wait3A] : memref<2x10112x128xf32, #tpu.memory_space<hbm>> -> memref<1x632x128xf32, #tpu.memory_space<hbm>>
      %dma_wait3A_93 = tpu.memref_squeeze %dma_wait3A_92 : memref<1x632x128xf32, #tpu.memory_space<hbm>> -> memref<632x128xf32, #tpu.memory_space<hbm>>
      %dma_wait3A_94 = arith.constant 0 : i32
      %dma_wait3A_95 = tpu.memref_slice %arg13[%mul3A_84, %dma_wait3A_94] : memref<10112x128xf32, #tpu.memory_space<vmem_shared>> -> memref<632x128xf32, #tpu.memory_space<vmem_shared>>
      tpu.wait_dma2 semaphore(%run_scoped3A : memref<!tpu.dma_semaphore, #tpu.memory_space<semaphore_mem>>) src(%dma_wait3A_95 : memref<632x128xf32, #tpu.memory_space<vmem_shared>>) dst(%dma_wait3A_93 : memref<632x128xf32, #tpu.memory_space<hbm>>)
      tpu.yield
    }) : () -> ()
    return
  }
}

#map = affine_map<(d0, d1) -> (0, 0)>
#map1 = affine_map<(d0, d1) -> (0, 0, 0, 0)>
#map2 = affine_map<(d0, d1) -> (0, 0, 0)>
module attributes {stable_mosaic.version = 14 : i64} {
  func.func @k(%arg0: i32, %arg1: i32, %arg2: memref<10000x128xf32, #tpu.memory_space<hbm>>, %arg3: memref<16x20x8x128xi32, #tpu.memory_space<hbm>>, %arg4: memref<16x20x8x128xi32, #tpu.memory_space<hbm>>, %arg5: memref<10000x128xf32, #tpu.memory_space<hbm>>, %arg6: memref<2x10112x128xf32, #tpu.memory_space<hbm>>, %arg7: memref<8x128xi32, #tpu.memory_space<vmem>>, %arg8: memref<8x128xi32, #tpu.memory_space<vmem>>, %arg9: memref<8x128xi32, #tpu.memory_space<vmem>>, %arg10: memref<8x128xi32, #tpu.memory_space<vmem>>, %arg11: memref<128x128xf32, #tpu.memory_space<vmem>>, %arg12: memref<128x128xf32, #tpu.memory_space<vmem>>, %arg13: memref<10112x128xf32, #tpu.memory_space<vmem_shared>>, %arg14: memref<!tpu.dma_semaphore, #tpu.memory_space<semaphore_mem>>, %arg15: memref<!tpu.dma_semaphore, #tpu.memory_space<semaphore_mem>>, %arg16: memref<!tpu.dma_semaphore, #tpu.memory_space<semaphore_mem>>, %arg17: memref<!tpu.dma_semaphore, #tpu.memory_space<semaphore_mem>>) attributes {dimension_semantics = [#tpu.dimension_semantics<core_parallel>, #tpu.dimension_semantics<subcore_parallel>], iteration_bounds = array<i64: 2, 16>, scalar_prefetch = 0 : i64, scratch_operands = 11 : i64, tpu.core_type = #tpu.core_type<sc_vector_subcore>, window_params = [{transform_indices = #map}, {transform_indices = #map1}, {transform_indices = #map1}, {transform_indices = #map}, {transform_indices = #map2}]} {
    %eq3A = arith.constant 0 : i32
    %eq3A_0 = arith.cmpi eq, %arg0, %eq3A : i32
    %jit3A = arith.constant 10 : i32
    %jit3A_1 = arith.constant 10 : i32
    %select_n3A = arith.select %eq3A_0, %jit3A, %jit3A_1 : i32
    %jit3A_2 = arith.constant 2 : i32
    %div3A = arith.divsi %select_n3A, %jit3A_2 : i32
    %sign3A = arith.constant 0 : i32
    %sign3A_3 = arith.cmpi sgt, %select_n3A, %sign3A : i32
    %sign3A_4 = arith.extui %sign3A_3 : i1 to i32
    %sign3A_5 = arith.constant 0 : i32
    %sign3A_6 = arith.cmpi slt, %select_n3A, %sign3A_5 : i32
    %sign3A_7 = arith.extui %sign3A_6 : i1 to i32
    %sign3A_8 = arith.subi %sign3A_4, %sign3A_7 : i32
    %sign3A_9 = arith.constant 0 : i32
    %sign3A_10 = arith.cmpi sgt, %jit3A_2, %sign3A_9 : i32
    %sign3A_11 = arith.extui %sign3A_10 : i1 to i32
    %sign3A_12 = arith.constant 0 : i32
    %sign3A_13 = arith.cmpi slt, %jit3A_2, %sign3A_12 : i32
    %sign3A_14 = arith.extui %sign3A_13 : i1 to i32
    %sign3A_15 = arith.subi %sign3A_11, %sign3A_14 : i32
    %ne3A = arith.cmpi ne, %sign3A_8, %sign3A_15 : i32
    %rem3A = arith.remsi %select_n3A, %jit3A_2 : i32
    %ne3A_16 = arith.constant 0 : i32
    %ne3A_17 = arith.cmpi ne, %rem3A, %ne3A_16 : i32
    %and3A = arith.andi %ne3A, %ne3A_17 : i1
    %sub3A = arith.constant 1 : i32
    %sub3A_18 = arith.subi %div3A, %sub3A : i32
    %select_n3A_19 = arith.select %and3A, %sub3A_18, %div3A : i32
    %eq3A_20 = arith.constant 0 : i32
    %eq3A_21 = arith.cmpi eq, %arg0, %eq3A_20 : i32
    %jit3A_22 = arith.constant 10 : i32
    %jit3A_23 = arith.constant 0 : i32
    %select_n3A_24 = arith.select %eq3A_21, %jit3A_22, %jit3A_23 : i32
    "tpu.region"() ({
      %run_scoped3A = tpu.sem_alloc : memref<!tpu.dma_semaphore, #tpu.memory_space<semaphore_mem>>
      %dma_start3A_87 = arith.constant 0 : i32
      %dma_start3A_88 = arith.constant 0 : i32
      %dma_start3A_89 = tpu.memref_slice %arg3[%arg1, %select_n3A_24, %dma_start3A_87, %dma_start3A_88] : memref<16x20x8x128xi32, #tpu.memory_space<hbm>> -> memref<1x1x8x128xi32, #tpu.memory_space<hbm>>
      %dma_start3A_90 = tpu.memref_squeeze %dma_start3A_89 : memref<1x1x8x128xi32, #tpu.memory_space<hbm>> -> memref<8x128xi32, #tpu.memory_space<hbm>>
      %dma_start3A_91 = arith.constant 0 : i32
      %dma_start3A_92 = arith.constant 0 : i32
      %dma_start3A_93 = tpu.memref_slice %arg3[%arg1, %select_n3A_24, %dma_start3A_91, %dma_start3A_92] : memref<16x20x8x128xi32, #tpu.memory_space<hbm>> -> memref<1x1x8x128xi32, #tpu.memory_space<hbm>>
      %dma_start3A_94 = tpu.memref_squeeze %dma_start3A_93 : memref<1x1x8x128xi32, #tpu.memory_space<hbm>> -> memref<8x128xi32, #tpu.memory_space<hbm>>
      tpu.enqueue_dma source(%dma_start3A_94 : memref<8x128xi32, #tpu.memory_space<hbm>>) target(%arg7 : memref<8x128xi32, #tpu.memory_space<vmem>>) target_semaphore(%run_scoped3A : memref<!tpu.dma_semaphore, #tpu.memory_space<semaphore_mem>>)
      %dma_wait3A = arith.constant 0 : i32
      %dma_wait3A_95 = arith.constant 0 : i32
      %dma_wait3A_96 = tpu.memref_slice %arg3[%arg1, %select_n3A_24, %dma_wait3A, %dma_wait3A_95] : memref<16x20x8x128xi32, #tpu.memory_space<hbm>> -> memref<1x1x8x128xi32, #tpu.memory_space<hbm>>
      %dma_wait3A_97 = tpu.memref_squeeze %dma_wait3A_96 : memref<1x1x8x128xi32, #tpu.memory_space<hbm>> -> memref<8x128xi32, #tpu.memory_space<hbm>>
      %dma_wait3A_98 = arith.constant 0 : i32
      %dma_wait3A_99 = arith.constant 0 : i32
      %dma_wait3A_100 = tpu.memref_slice %arg3[%arg1, %select_n3A_24, %dma_wait3A_98, %dma_wait3A_99] : memref<16x20x8x128xi32, #tpu.memory_space<hbm>> -> memref<1x1x8x128xi32, #tpu.memory_space<hbm>>
      %dma_wait3A_101 = tpu.memref_squeeze %dma_wait3A_100 : memref<1x1x8x128xi32, #tpu.memory_space<hbm>> -> memref<8x128xi32, #tpu.memory_space<hbm>>
      tpu.wait_dma2 semaphore(%run_scoped3A : memref<!tpu.dma_semaphore, #tpu.memory_space<semaphore_mem>>) src(%dma_wait3A_101 : memref<8x128xi32, #tpu.memory_space<hbm>>) dst(%arg7 : memref<8x128xi32, #tpu.memory_space<vmem>>)
      tpu.yield
    }) : () -> ()
    "tpu.region"() ({
      %run_scoped3A = tpu.sem_alloc : memref<!tpu.dma_semaphore, #tpu.memory_space<semaphore_mem>>
      %dma_start3A_87 = arith.constant 0 : i32
      %dma_start3A_88 = arith.constant 0 : i32
      %dma_start3A_89 = tpu.memref_slice %arg4[%arg1, %select_n3A_24, %dma_start3A_87, %dma_start3A_88] : memref<16x20x8x128xi32, #tpu.memory_space<hbm>> -> memref<1x1x8x128xi32, #tpu.memory_space<hbm>>
      %dma_start3A_90 = tpu.memref_squeeze %dma_start3A_89 : memref<1x1x8x128xi32, #tpu.memory_space<hbm>> -> memref<8x128xi32, #tpu.memory_space<hbm>>
      %dma_start3A_91 = arith.constant 0 : i32
      %dma_start3A_92 = arith.constant 0 : i32
      %dma_start3A_93 = tpu.memref_slice %arg4[%arg1, %select_n3A_24, %dma_start3A_91, %dma_start3A_92] : memref<16x20x8x128xi32, #tpu.memory_space<hbm>> -> memref<1x1x8x128xi32, #tpu.memory_space<hbm>>
      %dma_start3A_94 = tpu.memref_squeeze %dma_start3A_93 : memref<1x1x8x128xi32, #tpu.memory_space<hbm>> -> memref<8x128xi32, #tpu.memory_space<hbm>>
      tpu.enqueue_dma source(%dma_start3A_94 : memref<8x128xi32, #tpu.memory_space<hbm>>) target(%arg9 : memref<8x128xi32, #tpu.memory_space<vmem>>) target_semaphore(%run_scoped3A : memref<!tpu.dma_semaphore, #tpu.memory_space<semaphore_mem>>)
      %dma_wait3A = arith.constant 0 : i32
      %dma_wait3A_95 = arith.constant 0 : i32
      %dma_wait3A_96 = tpu.memref_slice %arg4[%arg1, %select_n3A_24, %dma_wait3A, %dma_wait3A_95] : memref<16x20x8x128xi32, #tpu.memory_space<hbm>> -> memref<1x1x8x128xi32, #tpu.memory_space<hbm>>
      %dma_wait3A_97 = tpu.memref_squeeze %dma_wait3A_96 : memref<1x1x8x128xi32, #tpu.memory_space<hbm>> -> memref<8x128xi32, #tpu.memory_space<hbm>>
      %dma_wait3A_98 = arith.constant 0 : i32
      %dma_wait3A_99 = arith.constant 0 : i32
      %dma_wait3A_100 = tpu.memref_slice %arg4[%arg1, %select_n3A_24, %dma_wait3A_98, %dma_wait3A_99] : memref<16x20x8x128xi32, #tpu.memory_space<hbm>> -> memref<1x1x8x128xi32, #tpu.memory_space<hbm>>
      %dma_wait3A_101 = tpu.memref_squeeze %dma_wait3A_100 : memref<1x1x8x128xi32, #tpu.memory_space<hbm>> -> memref<8x128xi32, #tpu.memory_space<hbm>>
      tpu.wait_dma2 semaphore(%run_scoped3A : memref<!tpu.dma_semaphore, #tpu.memory_space<semaphore_mem>>) src(%dma_wait3A_101 : memref<8x128xi32, #tpu.memory_space<hbm>>) dst(%arg9 : memref<8x128xi32, #tpu.memory_space<vmem>>)
      tpu.yield
    }) : () -> ()
    %add3A = arith.constant 1 : i32
    %add3A_25 = arith.addi %select_n3A_24, %add3A : i32
    %dma_start3A = arith.constant 0 : i32
    %dma_start3A_26 = arith.constant 0 : i32
    %dma_start3A_27 = tpu.memref_slice %arg3[%arg1, %add3A_25, %dma_start3A, %dma_start3A_26] : memref<16x20x8x128xi32, #tpu.memory_space<hbm>> -> memref<1x1x8x128xi32, #tpu.memory_space<hbm>>
    %dma_start3A_28 = tpu.memref_squeeze %dma_start3A_27 : memref<1x1x8x128xi32, #tpu.memory_space<hbm>> -> memref<8x128xi32, #tpu.memory_space<hbm>>
    %dma_start3A_29 = arith.constant 0 : i32
    %dma_start3A_30 = arith.constant 0 : i32
    %dma_start3A_31 = tpu.memref_slice %arg3[%arg1, %add3A_25, %dma_start3A_29, %dma_start3A_30] : memref<16x20x8x128xi32, #tpu.memory_space<hbm>> -> memref<1x1x8x128xi32, #tpu.memory_space<hbm>>
    %dma_start3A_32 = tpu.memref_squeeze %dma_start3A_31 : memref<1x1x8x128xi32, #tpu.memory_space<hbm>> -> memref<8x128xi32, #tpu.memory_space<hbm>>
    tpu.enqueue_dma source(%dma_start3A_32 : memref<8x128xi32, #tpu.memory_space<hbm>>) target(%arg8 : memref<8x128xi32, #tpu.memory_space<vmem>>) target_semaphore(%arg17 : memref<!tpu.dma_semaphore, #tpu.memory_space<semaphore_mem>>)
    %add3A_33 = arith.constant 1 : i32
    %add3A_34 = arith.addi %select_n3A_24, %add3A_33 : i32
    %dma_start3A_35 = arith.constant 0 : i32
    %dma_start3A_36 = arith.constant 0 : i32
    %dma_start3A_37 = tpu.memref_slice %arg4[%arg1, %add3A_34, %dma_start3A_35, %dma_start3A_36] : memref<16x20x8x128xi32, #tpu.memory_space<hbm>> -> memref<1x1x8x128xi32, #tpu.memory_space<hbm>>
    %dma_start3A_38 = tpu.memref_squeeze %dma_start3A_37 : memref<1x1x8x128xi32, #tpu.memory_space<hbm>> -> memref<8x128xi32, #tpu.memory_space<hbm>>
    %dma_start3A_39 = arith.constant 0 : i32
    %dma_start3A_40 = arith.constant 0 : i32
    %dma_start3A_41 = tpu.memref_slice %arg4[%arg1, %add3A_34, %dma_start3A_39, %dma_start3A_40] : memref<16x20x8x128xi32, #tpu.memory_space<hbm>> -> memref<1x1x8x128xi32, #tpu.memory_space<hbm>>
    %dma_start3A_42 = tpu.memref_squeeze %dma_start3A_41 : memref<1x1x8x128xi32, #tpu.memory_space<hbm>> -> memref<8x128xi32, #tpu.memory_space<hbm>>
    tpu.enqueue_dma source(%dma_start3A_42 : memref<8x128xi32, #tpu.memory_space<hbm>>) target(%arg10 : memref<8x128xi32, #tpu.memory_space<vmem>>) target_semaphore(%arg17 : memref<!tpu.dma_semaphore, #tpu.memory_space<semaphore_mem>>)
    %dma_start3A_43 = arith.constant 0 : i32
    %dma_start3A_44 = arith.constant 0 : i32
    %dma_start3A_45 = tpu.memref_slice %arg7[%dma_start3A_43, %dma_start3A_44] : memref<8x128xi32, #tpu.memory_space<vmem>> -> memref<1x128xi32, #tpu.memory_space<vmem>>
    %dma_start3A_46 = tpu.memref_squeeze %dma_start3A_45 : memref<1x128xi32, #tpu.memory_space<vmem>> -> memref<128xi32, #tpu.memory_space<vmem>>
    %dma_start3A_47 = arith.constant 0 : i32
    %dma_start3A_48 = arith.constant 0 : i32
    %dma_start3A_49 = tpu.memref_slice %arg2[%dma_start3A_47, %dma_start3A_48] : memref<10000x128xf32, #tpu.memory_space<hbm>> -> memref<10000x128xf32, #tpu.memory_space<hbm>>
    tpu.enqueue_indirect_dma source(%dma_start3A_49 : memref<10000x128xf32, #tpu.memory_space<hbm>>) target(%arg11 : memref<128x128xf32, #tpu.memory_space<vmem>>) offsets(%dma_start3A_46 : memref<128xi32, #tpu.memory_space<vmem>>) semaphore(%arg14 : memref<!tpu.dma_semaphore, #tpu.memory_space<semaphore_mem>>)
    %dma_start3A_50 = arith.constant 1 : i32
    %dma_start3A_51 = arith.constant 0 : i32
    %dma_start3A_52 = tpu.memref_slice %arg7[%dma_start3A_50, %dma_start3A_51] : memref<8x128xi32, #tpu.memory_space<vmem>> -> memref<1x128xi32, #tpu.memory_space<vmem>>
    %dma_start3A_53 = tpu.memref_squeeze %dma_start3A_52 : memref<1x128xi32, #tpu.memory_space<vmem>> -> memref<128xi32, #tpu.memory_space<vmem>>
    %dma_start3A_54 = arith.constant 0 : i32
    %dma_start3A_55 = arith.constant 0 : i32
    %dma_start3A_56 = tpu.memref_slice %arg2[%dma_start3A_54, %dma_start3A_55] : memref<10000x128xf32, #tpu.memory_space<hbm>> -> memref<10000x128xf32, #tpu.memory_space<hbm>>
    tpu.enqueue_indirect_dma source(%dma_start3A_56 : memref<10000x128xf32, #tpu.memory_space<hbm>>) target(%arg12 : memref<128x128xf32, #tpu.memory_space<vmem>>) offsets(%dma_start3A_53 : memref<128xi32, #tpu.memory_space<vmem>>) semaphore(%arg15 : memref<!tpu.dma_semaphore, #tpu.memory_space<semaphore_mem>>)
    %eq3A_57 = arith.constant 0 : i32
    %eq3A_58 = arith.cmpi eq, %arg0, %eq3A_57 : i32
    %convert_element_type3A = arith.extui %eq3A_58 : i1 to i32
    %cond3A = arith.constant 0 : i32
    %cond3A_59 = arith.cmpi ne, %convert_element_type3A, %cond3A : i32
    scf.if %cond3A_59 {
      %mul3A_87 = arith.constant 624 : i32
      %mul3A_88 = arith.muli %arg1, %mul3A_87 : i32
      %mul3A_89 = arith.constant 624 : i32
      %mul3A_90 = arith.muli %arg1, %mul3A_89 : i32
      "tpu.region"() ({
        %run_scoped3A = tpu.sem_alloc : memref<!tpu.dma_semaphore, #tpu.memory_space<semaphore_mem>>
        %dma_start3A_96 = arith.constant 0 : i32
        %dma_start3A_97 = tpu.memref_slice %arg13[%mul3A_90, %dma_start3A_96] : memref<10112x128xf32, #tpu.memory_space<vmem_shared>> -> memref<624x128xf32, #tpu.memory_space<vmem_shared>>
        %dma_start3A_98 = arith.constant 0 : i32
        %dma_start3A_99 = tpu.memref_slice %arg2[%mul3A_88, %dma_start3A_98] : memref<10000x128xf32, #tpu.memory_space<hbm>> -> memref<624x128xf32, #tpu.memory_space<hbm>>
        tpu.enqueue_dma source(%dma_start3A_99 : memref<624x128xf32, #tpu.memory_space<hbm>>) target(%dma_start3A_97 : memref<624x128xf32, #tpu.memory_space<vmem_shared>>) target_semaphore(%run_scoped3A : memref<!tpu.dma_semaphore, #tpu.memory_space<semaphore_mem>>)
        %dma_wait3A = arith.constant 0 : i32
        %dma_wait3A_100 = tpu.memref_slice %arg13[%mul3A_90, %dma_wait3A] : memref<10112x128xf32, #tpu.memory_space<vmem_shared>> -> memref<624x128xf32, #tpu.memory_space<vmem_shared>>
        %dma_wait3A_101 = arith.constant 0 : i32
        %dma_wait3A_102 = tpu.memref_slice %arg2[%mul3A_88, %dma_wait3A_101] : memref<10000x128xf32, #tpu.memory_space<hbm>> -> memref<624x128xf32, #tpu.memory_space<hbm>>
        tpu.wait_dma2 semaphore(%run_scoped3A : memref<!tpu.dma_semaphore, #tpu.memory_space<semaphore_mem>>) src(%dma_wait3A_102 : memref<624x128xf32, #tpu.memory_space<hbm>>) dst(%dma_wait3A_100 : memref<624x128xf32, #tpu.memory_space<vmem_shared>>)
        tpu.yield
      }) : () -> ()
      %eq3A_91 = arith.constant 0 : i32
      %eq3A_92 = arith.cmpi eq, %arg1, %eq3A_91 : i32
      %convert_element_type3A_93 = arith.extui %eq3A_92 : i1 to i32
      %cond3A_94 = arith.constant 0 : i32
      %cond3A_95 = arith.cmpi ne, %convert_element_type3A_93, %cond3A_94 : i32
      scf.if %cond3A_95 {
        "tpu.region"() ({
          %run_scoped3A = tpu.sem_alloc : memref<!tpu.dma_semaphore, #tpu.memory_space<semaphore_mem>>
          %dma_start3A_96 = arith.constant 9984 : i32
          %dma_start3A_97 = arith.constant 0 : i32
          %dma_start3A_98 = tpu.memref_slice %arg13[%dma_start3A_96, %dma_start3A_97] : memref<10112x128xf32, #tpu.memory_space<vmem_shared>> -> memref<16x128xf32, #tpu.memory_space<vmem_shared>>
          %dma_start3A_99 = arith.constant 9984 : i32
          %dma_start3A_100 = arith.constant 0 : i32
          %dma_start3A_101 = tpu.memref_slice %arg2[%dma_start3A_99, %dma_start3A_100] : memref<10000x128xf32, #tpu.memory_space<hbm>> -> memref<16x128xf32, #tpu.memory_space<hbm>>
          tpu.enqueue_dma source(%dma_start3A_101 : memref<16x128xf32, #tpu.memory_space<hbm>>) target(%dma_start3A_98 : memref<16x128xf32, #tpu.memory_space<vmem_shared>>) target_semaphore(%run_scoped3A : memref<!tpu.dma_semaphore, #tpu.memory_space<semaphore_mem>>)
          %dma_wait3A = arith.constant 9984 : i32
          %dma_wait3A_102 = arith.constant 0 : i32
          %dma_wait3A_103 = tpu.memref_slice %arg13[%dma_wait3A, %dma_wait3A_102] : memref<10112x128xf32, #tpu.memory_space<vmem_shared>> -> memref<16x128xf32, #tpu.memory_space<vmem_shared>>
          %dma_wait3A_104 = arith.constant 9984 : i32
          %dma_wait3A_105 = arith.constant 0 : i32
          %dma_wait3A_106 = tpu.memref_slice %arg2[%dma_wait3A_104, %dma_wait3A_105] : memref<10000x128xf32, #tpu.memory_space<hbm>> -> memref<16x128xf32, #tpu.memory_space<hbm>>
          tpu.wait_dma2 semaphore(%run_scoped3A : memref<!tpu.dma_semaphore, #tpu.memory_space<semaphore_mem>>) src(%dma_wait3A_106 : memref<16x128xf32, #tpu.memory_space<hbm>>) dst(%dma_wait3A_103 : memref<16x128xf32, #tpu.memory_space<vmem_shared>>)
          tpu.yield
        }) : () -> ()
      } else {
      }
    } else {
    }
    %eq3A_60 = arith.constant 1 : i32
    %eq3A_61 = arith.cmpi eq, %arg0, %eq3A_60 : i32
    %convert_element_type3A_62 = arith.extui %eq3A_61 : i1 to i32
    %cond3A_63 = arith.constant 0 : i32
    %cond3A_64 = arith.cmpi ne, %convert_element_type3A_62, %cond3A_63 : i32
    scf.if %cond3A_64 {
      %mul3A_87 = arith.constant 624 : i32
      %mul3A_88 = arith.muli %arg1, %mul3A_87 : i32
      %mul3A_89 = arith.constant 624 : i32
      %mul3A_90 = arith.muli %arg1, %mul3A_89 : i32
      "tpu.region"() ({
        %run_scoped3A = tpu.sem_alloc : memref<!tpu.dma_semaphore, #tpu.memory_space<semaphore_mem>>
        %dma_start3A_96 = arith.constant 0 : i32
        %dma_start3A_97 = tpu.memref_slice %arg13[%mul3A_90, %dma_start3A_96] : memref<10112x128xf32, #tpu.memory_space<vmem_shared>> -> memref<624x128xf32, #tpu.memory_space<vmem_shared>>
        %dma_start3A_98 = arith.constant 0 : i32
        %dma_start3A_99 = tpu.memref_slice %arg5[%mul3A_88, %dma_start3A_98] : memref<10000x128xf32, #tpu.memory_space<hbm>> -> memref<624x128xf32, #tpu.memory_space<hbm>>
        tpu.enqueue_dma source(%dma_start3A_99 : memref<624x128xf32, #tpu.memory_space<hbm>>) target(%dma_start3A_97 : memref<624x128xf32, #tpu.memory_space<vmem_shared>>) target_semaphore(%run_scoped3A : memref<!tpu.dma_semaphore, #tpu.memory_space<semaphore_mem>>)
        %dma_wait3A = arith.constant 0 : i32
        %dma_wait3A_100 = tpu.memref_slice %arg13[%mul3A_90, %dma_wait3A] : memref<10112x128xf32, #tpu.memory_space<vmem_shared>> -> memref<624x128xf32, #tpu.memory_space<vmem_shared>>
        %dma_wait3A_101 = arith.constant 0 : i32
        %dma_wait3A_102 = tpu.memref_slice %arg5[%mul3A_88, %dma_wait3A_101] : memref<10000x128xf32, #tpu.memory_space<hbm>> -> memref<624x128xf32, #tpu.memory_space<hbm>>
        tpu.wait_dma2 semaphore(%run_scoped3A : memref<!tpu.dma_semaphore, #tpu.memory_space<semaphore_mem>>) src(%dma_wait3A_102 : memref<624x128xf32, #tpu.memory_space<hbm>>) dst(%dma_wait3A_100 : memref<624x128xf32, #tpu.memory_space<vmem_shared>>)
        tpu.yield
      }) : () -> ()
      %eq3A_91 = arith.constant 0 : i32
      %eq3A_92 = arith.cmpi eq, %arg1, %eq3A_91 : i32
      %convert_element_type3A_93 = arith.extui %eq3A_92 : i1 to i32
      %cond3A_94 = arith.constant 0 : i32
      %cond3A_95 = arith.cmpi ne, %convert_element_type3A_93, %cond3A_94 : i32
      scf.if %cond3A_95 {
        "tpu.region"() ({
          %run_scoped3A = tpu.sem_alloc : memref<!tpu.dma_semaphore, #tpu.memory_space<semaphore_mem>>
          %dma_start3A_96 = arith.constant 9984 : i32
          %dma_start3A_97 = arith.constant 0 : i32
          %dma_start3A_98 = tpu.memref_slice %arg13[%dma_start3A_96, %dma_start3A_97] : memref<10112x128xf32, #tpu.memory_space<vmem_shared>> -> memref<16x128xf32, #tpu.memory_space<vmem_shared>>
          %dma_start3A_99 = arith.constant 9984 : i32
          %dma_start3A_100 = arith.constant 0 : i32
          %dma_start3A_101 = tpu.memref_slice %arg5[%dma_start3A_99, %dma_start3A_100] : memref<10000x128xf32, #tpu.memory_space<hbm>> -> memref<16x128xf32, #tpu.memory_space<hbm>>
          tpu.enqueue_dma source(%dma_start3A_101 : memref<16x128xf32, #tpu.memory_space<hbm>>) target(%dma_start3A_98 : memref<16x128xf32, #tpu.memory_space<vmem_shared>>) target_semaphore(%run_scoped3A : memref<!tpu.dma_semaphore, #tpu.memory_space<semaphore_mem>>)
          %dma_wait3A = arith.constant 9984 : i32
          %dma_wait3A_102 = arith.constant 0 : i32
          %dma_wait3A_103 = tpu.memref_slice %arg13[%dma_wait3A, %dma_wait3A_102] : memref<10112x128xf32, #tpu.memory_space<vmem_shared>> -> memref<16x128xf32, #tpu.memory_space<vmem_shared>>
          %dma_wait3A_104 = arith.constant 9984 : i32
          %dma_wait3A_105 = arith.constant 0 : i32
          %dma_wait3A_106 = tpu.memref_slice %arg5[%dma_wait3A_104, %dma_wait3A_105] : memref<10000x128xf32, #tpu.memory_space<hbm>> -> memref<16x128xf32, #tpu.memory_space<hbm>>
          tpu.wait_dma2 semaphore(%run_scoped3A : memref<!tpu.dma_semaphore, #tpu.memory_space<semaphore_mem>>) src(%dma_wait3A_106 : memref<16x128xf32, #tpu.memory_space<hbm>>) dst(%dma_wait3A_103 : memref<16x128xf32, #tpu.memory_space<vmem_shared>>)
          tpu.yield
        }) : () -> ()
      } else {
      }
    } else {
    }
    %barrier3A = arith.constant 0 : index
    tpu.barrier barrier_id(%barrier3A)
    %sub3A_65 = arith.constant 0 : i32
    %sub3A_66 = arith.subi %select_n3A_19, %sub3A_65 : i32
    %sub3A_67 = arith.constant 1 : i32
    %sub3A_68 = arith.constant 1 : i32
    %sub3A_69 = arith.subi %sub3A_67, %sub3A_68 : i32
    %add3A_70 = arith.addi %sub3A_66, %sub3A_69 : i32
    %div3A_71 = arith.constant 1 : i32
    %div3A_72 = arith.divsi %add3A_70, %div3A_71 : i32
    %while3A = arith.constant 1 : i32
    %while3A_73 = arith.constant 0 : i32
    %while3A_74 = arith.constant 0 : i32
    %while3A_75 = arith.subi %div3A_72, %while3A_74 : i32
    %while3A_76 = arith.addi %while3A_74, %while3A_75 : i32
    %while3A_77 = arith.constant 1 : i32
    %while3A_78 = arith.divsi %while3A_75, %while3A_77 : i32
    %while3A_79 = arith.muli %while3A_78, %while3A_77 : i32
    %while3A_80 = arith.addi %while3A_74, %while3A_79 : i32
    %while3A_81 = arith.constant 1 : i32
    scf.for %while3A_87 = %while3A_74 to %while3A_80 step %while3A_81  : i32 {
      %mul3A_88 = arith.muli %while3A_87, %while3A : i32
      %add3A_89 = arith.addi %while3A_73, %mul3A_88 : i32
      %mul3A_90 = arith.constant 2 : i32
      %mul3A_91 = arith.muli %mul3A_90, %add3A_89 : i32
      %add3A_92 = arith.addi %select_n3A_24, %mul3A_91 : i32
      %add3A_93 = arith.constant 1 : i32
      %add3A_94 = arith.addi %add3A_92, %add3A_93 : i32
      %mul3A_95 = arith.constant 2 : i32
      %mul3A_96 = arith.muli %mul3A_95, %add3A_89 : i32
      %add3A_97 = arith.constant 2 : i32
      %add3A_98 = arith.addi %mul3A_96, %add3A_97 : i32
      %lt3A = arith.cmpi slt, %add3A_98, %select_n3A : i32
      %scan3A = arith.constant 0 : i32
      %scan3A_99 = arith.constant 3 : i32
      %scan3A_100 = arith.addi %scan3A, %scan3A_99 : i32
      %scan3A_101 = arith.constant 1 : i32
      scf.for %scan3A_188 = %scan3A to %scan3A_100 step %scan3A_101  : i32 {
        %mul3A_189 = arith.constant 2 : i32
        %mul3A_190 = arith.muli %scan3A_188, %mul3A_189 : i32
        %add3A_191 = arith.constant 0 : i32
        %add3A_192 = arith.addi %add3A_191, %mul3A_190 : i32
        %dma_wait3A_193 = arith.constant 0 : i32
        %dma_wait3A_194 = tpu.memref_slice %arg7[%add3A_192, %dma_wait3A_193] : memref<8x128xi32, #tpu.memory_space<vmem>> -> memref<1x128xi32, #tpu.memory_space<vmem>>
        %dma_wait3A_195 = tpu.memref_squeeze %dma_wait3A_194 : memref<1x128xi32, #tpu.memory_space<vmem>> -> memref<128xi32, #tpu.memory_space<vmem>>
        %dma_wait3A_196 = arith.constant 0 : i32
        %dma_wait3A_197 = arith.constant 0 : i32
        %dma_wait3A_198 = tpu.memref_slice %arg2[%dma_wait3A_196, %dma_wait3A_197] : memref<10000x128xf32, #tpu.memory_space<hbm>> -> memref<10000x128xf32, #tpu.memory_space<hbm>>
        tpu.wait_indirect_dma semaphore(%arg14 : memref<!tpu.dma_semaphore, #tpu.memory_space<semaphore_mem>>) src(%dma_wait3A_198 : memref<10000x128xf32, #tpu.memory_space<hbm>>) dst(%arg11 : memref<128x128xf32, #tpu.memory_space<vmem>>)
        "tpu.region"() ({
          %run_scoped3A_225 = tpu.sem_alloc : memref<!tpu.dma_semaphore, #tpu.memory_space<semaphore_mem>>
          %dma_start3A_226 = arith.constant 0 : i32
          %dma_start3A_227 = tpu.memref_slice %arg9[%add3A_192, %dma_start3A_226] : memref<8x128xi32, #tpu.memory_space<vmem>> -> memref<1x128xi32, #tpu.memory_space<vmem>>
          %dma_start3A_228 = tpu.memref_squeeze %dma_start3A_227 : memref<1x128xi32, #tpu.memory_space<vmem>> -> memref<128xi32, #tpu.memory_space<vmem>>
          %dma_start3A_229 = arith.constant 0 : i32
          %dma_start3A_230 = arith.constant 0 : i32
          %dma_start3A_231 = tpu.memref_slice %arg13[%dma_start3A_229, %dma_start3A_230] : memref<10112x128xf32, #tpu.memory_space<vmem_shared>> -> memref<10112x128xf32, #tpu.memory_space<vmem_shared>>
          tpu.enqueue_indirect_dma source(%arg11 : memref<128x128xf32, #tpu.memory_space<vmem>>) target(%dma_start3A_231 : memref<10112x128xf32, #tpu.memory_space<vmem_shared>>) offsets(%dma_start3A_228 : memref<128xi32, #tpu.memory_space<vmem>>) semaphore(%run_scoped3A_225 : memref<!tpu.dma_semaphore, #tpu.memory_space<semaphore_mem>>) {add = true}
          %dma_wait3A_232 = arith.constant 0 : i32
          %dma_wait3A_233 = tpu.memref_slice %arg9[%add3A_192, %dma_wait3A_232] : memref<8x128xi32, #tpu.memory_space<vmem>> -> memref<1x128xi32, #tpu.memory_space<vmem>>
          %dma_wait3A_234 = tpu.memref_squeeze %dma_wait3A_233 : memref<1x128xi32, #tpu.memory_space<vmem>> -> memref<128xi32, #tpu.memory_space<vmem>>
          %dma_wait3A_235 = arith.constant 0 : i32
          %dma_wait3A_236 = arith.constant 0 : i32
          %dma_wait3A_237 = tpu.memref_slice %arg13[%dma_wait3A_235, %dma_wait3A_236] : memref<10112x128xf32, #tpu.memory_space<vmem_shared>> -> memref<10112x128xf32, #tpu.memory_space<vmem_shared>>
          tpu.wait_indirect_dma semaphore(%run_scoped3A_225 : memref<!tpu.dma_semaphore, #tpu.memory_space<semaphore_mem>>) src(%arg11 : memref<128x128xf32, #tpu.memory_space<vmem>>) dst(%dma_wait3A_237 : memref<10112x128xf32, #tpu.memory_space<vmem_shared>>)
          tpu.yield
        }) : () -> ()
        %add3A_199 = arith.constant 2 : i32
        %add3A_200 = arith.addi %add3A_192, %add3A_199 : i32
        %dma_start3A_201 = arith.constant 0 : i32
        %dma_start3A_202 = tpu.memref_slice %arg7[%add3A_200, %dma_start3A_201] : memref<8x128xi32, #tpu.memory_space<vmem>> -> memref<1x128xi32, #tpu.memory_space<vmem>>
        %dma_start3A_203 = tpu.memref_squeeze %dma_start3A_202 : memref<1x128xi32, #tpu.memory_space<vmem>> -> memref<128xi32, #tpu.memory_space<vmem>>
        %dma_start3A_204 = arith.constant 0 : i32
        %dma_start3A_205 = arith.constant 0 : i32
        %dma_start3A_206 = tpu.memref_slice %arg2[%dma_start3A_204, %dma_start3A_205] : memref<10000x128xf32, #tpu.memory_space<hbm>> -> memref<10000x128xf32, #tpu.memory_space<hbm>>
        tpu.enqueue_indirect_dma source(%dma_start3A_206 : memref<10000x128xf32, #tpu.memory_space<hbm>>) target(%arg11 : memref<128x128xf32, #tpu.memory_space<vmem>>) offsets(%dma_start3A_203 : memref<128xi32, #tpu.memory_space<vmem>>) semaphore(%arg14 : memref<!tpu.dma_semaphore, #tpu.memory_space<semaphore_mem>>)
        %add3A_207 = arith.constant 1 : i32
        %add3A_208 = arith.addi %add3A_192, %add3A_207 : i32
        %dma_wait3A_209 = arith.constant 0 : i32
        %dma_wait3A_210 = tpu.memref_slice %arg7[%add3A_208, %dma_wait3A_209] : memref<8x128xi32, #tpu.memory_space<vmem>> -> memref<1x128xi32, #tpu.memory_space<vmem>>
        %dma_wait3A_211 = tpu.memref_squeeze %dma_wait3A_210 : memref<1x128xi32, #tpu.memory_space<vmem>> -> memref<128xi32, #tpu.memory_space<vmem>>
        %dma_wait3A_212 = arith.constant 0 : i32
        %dma_wait3A_213 = arith.constant 0 : i32
        %dma_wait3A_214 = tpu.memref_slice %arg2[%dma_wait3A_212, %dma_wait3A_213] : memref<10000x128xf32, #tpu.memory_space<hbm>> -> memref<10000x128xf32, #tpu.memory_space<hbm>>
        tpu.wait_indirect_dma semaphore(%arg15 : memref<!tpu.dma_semaphore, #tpu.memory_space<semaphore_mem>>) src(%dma_wait3A_214 : memref<10000x128xf32, #tpu.memory_space<hbm>>) dst(%arg12 : memref<128x128xf32, #tpu.memory_space<vmem>>)
        %add3A_215 = arith.constant 1 : i32
        %add3A_216 = arith.addi %add3A_192, %add3A_215 : i32
        "tpu.region"() ({
          %run_scoped3A_225 = tpu.sem_alloc : memref<!tpu.dma_semaphore, #tpu.memory_space<semaphore_mem>>
          %dma_start3A_226 = arith.constant 0 : i32
          %dma_start3A_227 = tpu.memref_slice %arg9[%add3A_216, %dma_start3A_226] : memref<8x128xi32, #tpu.memory_space<vmem>> -> memref<1x128xi32, #tpu.memory_space<vmem>>
          %dma_start3A_228 = tpu.memref_squeeze %dma_start3A_227 : memref<1x128xi32, #tpu.memory_space<vmem>> -> memref<128xi32, #tpu.memory_space<vmem>>
          %dma_start3A_229 = arith.constant 0 : i32
          %dma_start3A_230 = arith.constant 0 : i32
          %dma_start3A_231 = tpu.memref_slice %arg13[%dma_start3A_229, %dma_start3A_230] : memref<10112x128xf32, #tpu.memory_space<vmem_shared>> -> memref<10112x128xf32, #tpu.memory_space<vmem_shared>>
          tpu.enqueue_indirect_dma source(%arg12 : memref<128x128xf32, #tpu.memory_space<vmem>>) target(%dma_start3A_231 : memref<10112x128xf32, #tpu.memory_space<vmem_shared>>) offsets(%dma_start3A_228 : memref<128xi32, #tpu.memory_space<vmem>>) semaphore(%run_scoped3A_225 : memref<!tpu.dma_semaphore, #tpu.memory_space<semaphore_mem>>) {add = true}
          %dma_wait3A_232 = arith.constant 0 : i32
          %dma_wait3A_233 = tpu.memref_slice %arg9[%add3A_216, %dma_wait3A_232] : memref<8x128xi32, #tpu.memory_space<vmem>> -> memref<1x128xi32, #tpu.memory_space<vmem>>
          %dma_wait3A_234 = tpu.memref_squeeze %dma_wait3A_233 : memref<1x128xi32, #tpu.memory_space<vmem>> -> memref<128xi32, #tpu.memory_space<vmem>>
          %dma_wait3A_235 = arith.constant 0 : i32
          %dma_wait3A_236 = arith.constant 0 : i32
          %dma_wait3A_237 = tpu.memref_slice %arg13[%dma_wait3A_235, %dma_wait3A_236] : memref<10112x128xf32, #tpu.memory_space<vmem_shared>> -> memref<10112x128xf32, #tpu.memory_space<vmem_shared>>
          tpu.wait_indirect_dma semaphore(%run_scoped3A_225 : memref<!tpu.dma_semaphore, #tpu.memory_space<semaphore_mem>>) src(%arg12 : memref<128x128xf32, #tpu.memory_space<vmem>>) dst(%dma_wait3A_237 : memref<10112x128xf32, #tpu.memory_space<vmem_shared>>)
          tpu.yield
        }) : () -> ()
        %add3A_217 = arith.constant 3 : i32
        %add3A_218 = arith.addi %add3A_192, %add3A_217 : i32
        %dma_start3A_219 = arith.constant 0 : i32
        %dma_start3A_220 = tpu.memref_slice %arg7[%add3A_218, %dma_start3A_219] : memref<8x128xi32, #tpu.memory_space<vmem>> -> memref<1x128xi32, #tpu.memory_space<vmem>>
        %dma_start3A_221 = tpu.memref_squeeze %dma_start3A_220 : memref<1x128xi32, #tpu.memory_space<vmem>> -> memref<128xi32, #tpu.memory_space<vmem>>
        %dma_start3A_222 = arith.constant 0 : i32
        %dma_start3A_223 = arith.constant 0 : i32
        %dma_start3A_224 = tpu.memref_slice %arg2[%dma_start3A_222, %dma_start3A_223] : memref<10000x128xf32, #tpu.memory_space<hbm>> -> memref<10000x128xf32, #tpu.memory_space<hbm>>
        tpu.enqueue_indirect_dma source(%dma_start3A_224 : memref<10000x128xf32, #tpu.memory_space<hbm>>) target(%arg12 : memref<128x128xf32, #tpu.memory_space<vmem>>) offsets(%dma_start3A_221 : memref<128xi32, #tpu.memory_space<vmem>>) semaphore(%arg15 : memref<!tpu.dma_semaphore, #tpu.memory_space<semaphore_mem>>)
      }
      %scan3A_102 = arith.constant 3 : i32
      %dma_wait3A = arith.constant 0 : i32
      %dma_wait3A_103 = arith.constant 0 : i32
      %dma_wait3A_104 = tpu.memref_slice %arg3[%arg1, %add3A_94, %dma_wait3A, %dma_wait3A_103] : memref<16x20x8x128xi32, #tpu.memory_space<hbm>> -> memref<1x1x8x128xi32, #tpu.memory_space<hbm>>
      %dma_wait3A_105 = tpu.memref_squeeze %dma_wait3A_104 : memref<1x1x8x128xi32, #tpu.memory_space<hbm>> -> memref<8x128xi32, #tpu.memory_space<hbm>>
      %dma_wait3A_106 = arith.constant 0 : i32
      %dma_wait3A_107 = arith.constant 0 : i32
      %dma_wait3A_108 = tpu.memref_slice %arg3[%arg1, %add3A_94, %dma_wait3A_106, %dma_wait3A_107] : memref<16x20x8x128xi32, #tpu.memory_space<hbm>> -> memref<1x1x8x128xi32, #tpu.memory_space<hbm>>
      %dma_wait3A_109 = tpu.memref_squeeze %dma_wait3A_108 : memref<1x1x8x128xi32, #tpu.memory_space<hbm>> -> memref<8x128xi32, #tpu.memory_space<hbm>>
      tpu.wait_dma2 semaphore(%arg17 : memref<!tpu.dma_semaphore, #tpu.memory_space<semaphore_mem>>) src(%dma_wait3A_109 : memref<8x128xi32, #tpu.memory_space<hbm>>) dst(%arg8 : memref<8x128xi32, #tpu.memory_space<vmem>>)
      %dma_wait3A_110 = arith.constant 0 : i32
      %dma_wait3A_111 = arith.constant 0 : i32
      %dma_wait3A_112 = tpu.memref_slice %arg4[%arg1, %add3A_94, %dma_wait3A_110, %dma_wait3A_111] : memref<16x20x8x128xi32, #tpu.memory_space<hbm>> -> memref<1x1x8x128xi32, #tpu.memory_space<hbm>>
      %dma_wait3A_113 = tpu.memref_squeeze %dma_wait3A_112 : memref<1x1x8x128xi32, #tpu.memory_space<hbm>> -> memref<8x128xi32, #tpu.memory_space<hbm>>
      %dma_wait3A_114 = arith.constant 0 : i32
      %dma_wait3A_115 = arith.constant 0 : i32
      %dma_wait3A_116 = tpu.memref_slice %arg4[%arg1, %add3A_94, %dma_wait3A_114, %dma_wait3A_115] : memref<16x20x8x128xi32, #tpu.memory_space<hbm>> -> memref<1x1x8x128xi32, #tpu.memory_space<hbm>>
      %dma_wait3A_117 = tpu.memref_squeeze %dma_wait3A_116 : memref<1x1x8x128xi32, #tpu.memory_space<hbm>> -> memref<8x128xi32, #tpu.memory_space<hbm>>
      tpu.wait_dma2 semaphore(%arg17 : memref<!tpu.dma_semaphore, #tpu.memory_space<semaphore_mem>>) src(%dma_wait3A_117 : memref<8x128xi32, #tpu.memory_space<hbm>>) dst(%arg10 : memref<8x128xi32, #tpu.memory_space<vmem>>)
      %dma_wait3A_118 = arith.constant 6 : i32
      %dma_wait3A_119 = arith.constant 0 : i32
      %dma_wait3A_120 = tpu.memref_slice %arg7[%dma_wait3A_118, %dma_wait3A_119] : memref<8x128xi32, #tpu.memory_space<vmem>> -> memref<1x128xi32, #tpu.memory_space<vmem>>
      %dma_wait3A_121 = tpu.memref_squeeze %dma_wait3A_120 : memref<1x128xi32, #tpu.memory_space<vmem>> -> memref<128xi32, #tpu.memory_space<vmem>>
      %dma_wait3A_122 = arith.constant 0 : i32
      %dma_wait3A_123 = arith.constant 0 : i32
      %dma_wait3A_124 = tpu.memref_slice %arg2[%dma_wait3A_122, %dma_wait3A_123] : memref<10000x128xf32, #tpu.memory_space<hbm>> -> memref<10000x128xf32, #tpu.memory_space<hbm>>
      tpu.wait_indirect_dma semaphore(%arg14 : memref<!tpu.dma_semaphore, #tpu.memory_space<semaphore_mem>>) src(%dma_wait3A_124 : memref<10000x128xf32, #tpu.memory_space<hbm>>) dst(%arg11 : memref<128x128xf32, #tpu.memory_space<vmem>>)
      %run_scoped3A = arith.constant 6 : i32
      "tpu.region"() ({
        %run_scoped3A_188 = tpu.sem_alloc : memref<!tpu.dma_semaphore, #tpu.memory_space<semaphore_mem>>
        %dma_start3A_189 = arith.constant 0 : i32
        %dma_start3A_190 = tpu.memref_slice %arg9[%run_scoped3A, %dma_start3A_189] : memref<8x128xi32, #tpu.memory_space<vmem>> -> memref<1x128xi32, #tpu.memory_space<vmem>>
        %dma_start3A_191 = tpu.memref_squeeze %dma_start3A_190 : memref<1x128xi32, #tpu.memory_space<vmem>> -> memref<128xi32, #tpu.memory_space<vmem>>
        %dma_start3A_192 = arith.constant 0 : i32
        %dma_start3A_193 = arith.constant 0 : i32
        %dma_start3A_194 = tpu.memref_slice %arg13[%dma_start3A_192, %dma_start3A_193] : memref<10112x128xf32, #tpu.memory_space<vmem_shared>> -> memref<10112x128xf32, #tpu.memory_space<vmem_shared>>
        tpu.enqueue_indirect_dma source(%arg11 : memref<128x128xf32, #tpu.memory_space<vmem>>) target(%dma_start3A_194 : memref<10112x128xf32, #tpu.memory_space<vmem_shared>>) offsets(%dma_start3A_191 : memref<128xi32, #tpu.memory_space<vmem>>) semaphore(%run_scoped3A_188 : memref<!tpu.dma_semaphore, #tpu.memory_space<semaphore_mem>>) {add = true}
        %dma_wait3A_195 = arith.constant 0 : i32
        %dma_wait3A_196 = tpu.memref_slice %arg9[%run_scoped3A, %dma_wait3A_195] : memref<8x128xi32, #tpu.memory_space<vmem>> -> memref<1x128xi32, #tpu.memory_space<vmem>>
        %dma_wait3A_197 = tpu.memref_squeeze %dma_wait3A_196 : memref<1x128xi32, #tpu.memory_space<vmem>> -> memref<128xi32, #tpu.memory_space<vmem>>
        %dma_wait3A_198 = arith.constant 0 : i32
        %dma_wait3A_199 = arith.constant 0 : i32
        %dma_wait3A_200 = tpu.memref_slice %arg13[%dma_wait3A_198, %dma_wait3A_199] : memref<10112x128xf32, #tpu.memory_space<vmem_shared>> -> memref<10112x128xf32, #tpu.memory_space<vmem_shared>>
        tpu.wait_indirect_dma semaphore(%run_scoped3A_188 : memref<!tpu.dma_semaphore, #tpu.memory_space<semaphore_mem>>) src(%arg11 : memref<128x128xf32, #tpu.memory_space<vmem>>) dst(%dma_wait3A_200 : memref<10112x128xf32, #tpu.memory_space<vmem_shared>>)
        tpu.yield
      }) : () -> ()
      %dma_start3A_125 = arith.constant 0 : i32
      %dma_start3A_126 = arith.constant 0 : i32
      %dma_start3A_127 = tpu.memref_slice %arg8[%dma_start3A_125, %dma_start3A_126] : memref<8x128xi32, #tpu.memory_space<vmem>> -> memref<1x128xi32, #tpu.memory_space<vmem>>
      %dma_start3A_128 = tpu.memref_squeeze %dma_start3A_127 : memref<1x128xi32, #tpu.memory_space<vmem>> -> memref<128xi32, #tpu.memory_space<vmem>>
      %dma_start3A_129 = arith.constant 0 : i32
      %dma_start3A_130 = arith.constant 0 : i32
      %dma_start3A_131 = tpu.memref_slice %arg2[%dma_start3A_129, %dma_start3A_130] : memref<10000x128xf32, #tpu.memory_space<hbm>> -> memref<10000x128xf32, #tpu.memory_space<hbm>>
      tpu.enqueue_indirect_dma source(%dma_start3A_131 : memref<10000x128xf32, #tpu.memory_space<hbm>>) target(%arg11 : memref<128x128xf32, #tpu.memory_space<vmem>>) offsets(%dma_start3A_128 : memref<128xi32, #tpu.memory_space<vmem>>) semaphore(%arg14 : memref<!tpu.dma_semaphore, #tpu.memory_space<semaphore_mem>>)
      %dma_wait3A_132 = arith.constant 7 : i32
      %dma_wait3A_133 = arith.constant 0 : i32
      %dma_wait3A_134 = tpu.memref_slice %arg7[%dma_wait3A_132, %dma_wait3A_133] : memref<8x128xi32, #tpu.memory_space<vmem>> -> memref<1x128xi32, #tpu.memory_space<vmem>>
      %dma_wait3A_135 = tpu.memref_squeeze %dma_wait3A_134 : memref<1x128xi32, #tpu.memory_space<vmem>> -> memref<128xi32, #tpu.memory_space<vmem>>
      %dma_wait3A_136 = arith.constant 0 : i32
      %dma_wait3A_137 = arith.constant 0 : i32
      %dma_wait3A_138 = tpu.memref_slice %arg2[%dma_wait3A_136, %dma_wait3A_137] : memref<10000x128xf32, #tpu.memory_space<hbm>> -> memref<10000x128xf32, #tpu.memory_space<hbm>>
      tpu.wait_indirect_dma semaphore(%arg15 : memref<!tpu.dma_semaphore, #tpu.memory_space<semaphore_mem>>) src(%dma_wait3A_138 : memref<10000x128xf32, #tpu.memory_space<hbm>>) dst(%arg12 : memref<128x128xf32, #tpu.memory_space<vmem>>)
      %run_scoped3A_139 = arith.constant 7 : i32
      "tpu.region"() ({
        %run_scoped3A_188 = tpu.sem_alloc : memref<!tpu.dma_semaphore, #tpu.memory_space<semaphore_mem>>
        %dma_start3A_189 = arith.constant 0 : i32
        %dma_start3A_190 = tpu.memref_slice %arg9[%run_scoped3A_139, %dma_start3A_189] : memref<8x128xi32, #tpu.memory_space<vmem>> -> memref<1x128xi32, #tpu.memory_space<vmem>>
        %dma_start3A_191 = tpu.memref_squeeze %dma_start3A_190 : memref<1x128xi32, #tpu.memory_space<vmem>> -> memref<128xi32, #tpu.memory_space<vmem>>
        %dma_start3A_192 = arith.constant 0 : i32
        %dma_start3A_193 = arith.constant 0 : i32
        %dma_start3A_194 = tpu.memref_slice %arg13[%dma_start3A_192, %dma_start3A_193] : memref<10112x128xf32, #tpu.memory_space<vmem_shared>> -> memref<10112x128xf32, #tpu.memory_space<vmem_shared>>
        tpu.enqueue_indirect_dma source(%arg12 : memref<128x128xf32, #tpu.memory_space<vmem>>) target(%dma_start3A_194 : memref<10112x128xf32, #tpu.memory_space<vmem_shared>>) offsets(%dma_start3A_191 : memref<128xi32, #tpu.memory_space<vmem>>) semaphore(%run_scoped3A_188 : memref<!tpu.dma_semaphore, #tpu.memory_space<semaphore_mem>>) {add = true}
        %dma_wait3A_195 = arith.constant 0 : i32
        %dma_wait3A_196 = tpu.memref_slice %arg9[%run_scoped3A_139, %dma_wait3A_195] : memref<8x128xi32, #tpu.memory_space<vmem>> -> memref<1x128xi32, #tpu.memory_space<vmem>>
        %dma_wait3A_197 = tpu.memref_squeeze %dma_wait3A_196 : memref<1x128xi32, #tpu.memory_space<vmem>> -> memref<128xi32, #tpu.memory_space<vmem>>
        %dma_wait3A_198 = arith.constant 0 : i32
        %dma_wait3A_199 = arith.constant 0 : i32
        %dma_wait3A_200 = tpu.memref_slice %arg13[%dma_wait3A_198, %dma_wait3A_199] : memref<10112x128xf32, #tpu.memory_space<vmem_shared>> -> memref<10112x128xf32, #tpu.memory_space<vmem_shared>>
        tpu.wait_indirect_dma semaphore(%run_scoped3A_188 : memref<!tpu.dma_semaphore, #tpu.memory_space<semaphore_mem>>) src(%arg12 : memref<128x128xf32, #tpu.memory_space<vmem>>) dst(%dma_wait3A_200 : memref<10112x128xf32, #tpu.memory_space<vmem_shared>>)
        tpu.yield
      }) : () -> ()
      %dma_start3A_140 = arith.constant 1 : i32
      %dma_start3A_141 = arith.constant 0 : i32
      %dma_start3A_142 = tpu.memref_slice %arg8[%dma_start3A_140, %dma_start3A_141] : memref<8x128xi32, #tpu.memory_space<vmem>> -> memref<1x128xi32, #tpu.memory_space<vmem>>
      %dma_start3A_143 = tpu.memref_squeeze %dma_start3A_142 : memref<1x128xi32, #tpu.memory_space<vmem>> -> memref<128xi32, #tpu.memory_space<vmem>>
      %dma_start3A_144 = arith.constant 0 : i32
      %dma_start3A_145 = arith.constant 0 : i32
      %dma_start3A_146 = tpu.memref_slice %arg2[%dma_start3A_144, %dma_start3A_145] : memref<10000x128xf32, #tpu.memory_space<hbm>> -> memref<10000x128xf32, #tpu.memory_space<hbm>>
      tpu.enqueue_indirect_dma source(%dma_start3A_146 : memref<10000x128xf32, #tpu.memory_space<hbm>>) target(%arg12 : memref<128x128xf32, #tpu.memory_space<vmem>>) offsets(%dma_start3A_143 : memref<128xi32, #tpu.memory_space<vmem>>) semaphore(%arg15 : memref<!tpu.dma_semaphore, #tpu.memory_space<semaphore_mem>>)
      %convert_element_type3A_147 = arith.extui %lt3A : i1 to i32
      %cond3A_148 = arith.constant 0 : i32
      %cond3A_149 = arith.cmpi ne, %convert_element_type3A_147, %cond3A_148 : i32
      scf.if %cond3A_149 {
        %add3A_188 = arith.constant 2 : i32
        %add3A_189 = arith.addi %add3A_92, %add3A_188 : i32
        %dma_start3A_190 = arith.constant 0 : i32
        %dma_start3A_191 = arith.constant 0 : i32
        %dma_start3A_192 = tpu.memref_slice %arg3[%arg1, %add3A_189, %dma_start3A_190, %dma_start3A_191] : memref<16x20x8x128xi32, #tpu.memory_space<hbm>> -> memref<1x1x8x128xi32, #tpu.memory_space<hbm>>
        %dma_start3A_193 = tpu.memref_squeeze %dma_start3A_192 : memref<1x1x8x128xi32, #tpu.memory_space<hbm>> -> memref<8x128xi32, #tpu.memory_space<hbm>>
        %dma_start3A_194 = arith.constant 0 : i32
        %dma_start3A_195 = arith.constant 0 : i32
        %dma_start3A_196 = tpu.memref_slice %arg3[%arg1, %add3A_189, %dma_start3A_194, %dma_start3A_195] : memref<16x20x8x128xi32, #tpu.memory_space<hbm>> -> memref<1x1x8x128xi32, #tpu.memory_space<hbm>>
        %dma_start3A_197 = tpu.memref_squeeze %dma_start3A_196 : memref<1x1x8x128xi32, #tpu.memory_space<hbm>> -> memref<8x128xi32, #tpu.memory_space<hbm>>
        tpu.enqueue_dma source(%dma_start3A_197 : memref<8x128xi32, #tpu.memory_space<hbm>>) target(%arg7 : memref<8x128xi32, #tpu.memory_space<vmem>>) target_semaphore(%arg16 : memref<!tpu.dma_semaphore, #tpu.memory_space<semaphore_mem>>)
        %add3A_198 = arith.constant 2 : i32
        %add3A_199 = arith.addi %add3A_92, %add3A_198 : i32
        %dma_start3A_200 = arith.constant 0 : i32
        %dma_start3A_201 = arith.constant 0 : i32
        %dma_start3A_202 = tpu.memref_slice %arg4[%arg1, %add3A_199, %dma_start3A_200, %dma_start3A_201] : memref<16x20x8x128xi32, #tpu.memory_space<hbm>> -> memref<1x1x8x128xi32, #tpu.memory_space<hbm>>
        %dma_start3A_203 = tpu.memref_squeeze %dma_start3A_202 : memref<1x1x8x128xi32, #tpu.memory_space<hbm>> -> memref<8x128xi32, #tpu.memory_space<hbm>>
        %dma_start3A_204 = arith.constant 0 : i32
        %dma_start3A_205 = arith.constant 0 : i32
        %dma_start3A_206 = tpu.memref_slice %arg4[%arg1, %add3A_199, %dma_start3A_204, %dma_start3A_205] : memref<16x20x8x128xi32, #tpu.memory_space<hbm>> -> memref<1x1x8x128xi32, #tpu.memory_space<hbm>>
        %dma_start3A_207 = tpu.memref_squeeze %dma_start3A_206 : memref<1x1x8x128xi32, #tpu.memory_space<hbm>> -> memref<8x128xi32, #tpu.memory_space<hbm>>
        tpu.enqueue_dma source(%dma_start3A_207 : memref<8x128xi32, #tpu.memory_space<hbm>>) target(%arg9 : memref<8x128xi32, #tpu.memory_space<vmem>>) target_semaphore(%arg16 : memref<!tpu.dma_semaphore, #tpu.memory_space<semaphore_mem>>)
      } else {
      }
      %scan3A_150 = arith.constant 0 : i32
      %scan3A_151 = arith.constant 3 : i32
      %scan3A_152 = arith.addi %scan3A_150, %scan3A_151 : i32
      %scan3A_153 = arith.constant 1 : i32
      scf.for %scan3A_188 = %scan3A_150 to %scan3A_152 step %scan3A_153  : i32 {
        %mul3A_189 = arith.constant 2 : i32
        %mul3A_190 = arith.muli %scan3A_188, %mul3A_189 : i32
        %add3A_191 = arith.constant 0 : i32
        %add3A_192 = arith.addi %add3A_191, %mul3A_190 : i32
        %dma_wait3A_193 = arith.constant 0 : i32
        %dma_wait3A_194 = tpu.memref_slice %arg8[%add3A_192, %dma_wait3A_193] : memref<8x128xi32, #tpu.memory_space<vmem>> -> memref<1x128xi32, #tpu.memory_space<vmem>>
        %dma_wait3A_195 = tpu.memref_squeeze %dma_wait3A_194 : memref<1x128xi32, #tpu.memory_space<vmem>> -> memref<128xi32, #tpu.memory_space<vmem>>
        %dma_wait3A_196 = arith.constant 0 : i32
        %dma_wait3A_197 = arith.constant 0 : i32
        %dma_wait3A_198 = tpu.memref_slice %arg2[%dma_wait3A_196, %dma_wait3A_197] : memref<10000x128xf32, #tpu.memory_space<hbm>> -> memref<10000x128xf32, #tpu.memory_space<hbm>>
        tpu.wait_indirect_dma semaphore(%arg14 : memref<!tpu.dma_semaphore, #tpu.memory_space<semaphore_mem>>) src(%dma_wait3A_198 : memref<10000x128xf32, #tpu.memory_space<hbm>>) dst(%arg11 : memref<128x128xf32, #tpu.memory_space<vmem>>)
        "tpu.region"() ({
          %run_scoped3A_225 = tpu.sem_alloc : memref<!tpu.dma_semaphore, #tpu.memory_space<semaphore_mem>>
          %dma_start3A_226 = arith.constant 0 : i32
          %dma_start3A_227 = tpu.memref_slice %arg10[%add3A_192, %dma_start3A_226] : memref<8x128xi32, #tpu.memory_space<vmem>> -> memref<1x128xi32, #tpu.memory_space<vmem>>
          %dma_start3A_228 = tpu.memref_squeeze %dma_start3A_227 : memref<1x128xi32, #tpu.memory_space<vmem>> -> memref<128xi32, #tpu.memory_space<vmem>>
          %dma_start3A_229 = arith.constant 0 : i32
          %dma_start3A_230 = arith.constant 0 : i32
          %dma_start3A_231 = tpu.memref_slice %arg13[%dma_start3A_229, %dma_start3A_230] : memref<10112x128xf32, #tpu.memory_space<vmem_shared>> -> memref<10112x128xf32, #tpu.memory_space<vmem_shared>>
          tpu.enqueue_indirect_dma source(%arg11 : memref<128x128xf32, #tpu.memory_space<vmem>>) target(%dma_start3A_231 : memref<10112x128xf32, #tpu.memory_space<vmem_shared>>) offsets(%dma_start3A_228 : memref<128xi32, #tpu.memory_space<vmem>>) semaphore(%run_scoped3A_225 : memref<!tpu.dma_semaphore, #tpu.memory_space<semaphore_mem>>) {add = true}
          %dma_wait3A_232 = arith.constant 0 : i32
          %dma_wait3A_233 = tpu.memref_slice %arg10[%add3A_192, %dma_wait3A_232] : memref<8x128xi32, #tpu.memory_space<vmem>> -> memref<1x128xi32, #tpu.memory_space<vmem>>
          %dma_wait3A_234 = tpu.memref_squeeze %dma_wait3A_233 : memref<1x128xi32, #tpu.memory_space<vmem>> -> memref<128xi32, #tpu.memory_space<vmem>>
          %dma_wait3A_235 = arith.constant 0 : i32
          %dma_wait3A_236 = arith.constant 0 : i32
          %dma_wait3A_237 = tpu.memref_slice %arg13[%dma_wait3A_235, %dma_wait3A_236] : memref<10112x128xf32, #tpu.memory_space<vmem_shared>> -> memref<10112x128xf32, #tpu.memory_space<vmem_shared>>
          tpu.wait_indirect_dma semaphore(%run_scoped3A_225 : memref<!tpu.dma_semaphore, #tpu.memory_space<semaphore_mem>>) src(%arg11 : memref<128x128xf32, #tpu.memory_space<vmem>>) dst(%dma_wait3A_237 : memref<10112x128xf32, #tpu.memory_space<vmem_shared>>)
          tpu.yield
        }) : () -> ()
        %add3A_199 = arith.constant 2 : i32
        %add3A_200 = arith.addi %add3A_192, %add3A_199 : i32
        %dma_start3A_201 = arith.constant 0 : i32
        %dma_start3A_202 = tpu.memref_slice %arg8[%add3A_200, %dma_start3A_201] : memref<8x128xi32, #tpu.memory_space<vmem>> -> memref<1x128xi32, #tpu.memory_space<vmem>>
        %dma_start3A_203 = tpu.memref_squeeze %dma_start3A_202 : memref<1x128xi32, #tpu.memory_space<vmem>> -> memref<128xi32, #tpu.memory_space<vmem>>
        %dma_start3A_204 = arith.constant 0 : i32
        %dma_start3A_205 = arith.constant 0 : i32
        %dma_start3A_206 = tpu.memref_slice %arg2[%dma_start3A_204, %dma_start3A_205] : memref<10000x128xf32, #tpu.memory_space<hbm>> -> memref<10000x128xf32, #tpu.memory_space<hbm>>
        tpu.enqueue_indirect_dma source(%dma_start3A_206 : memref<10000x128xf32, #tpu.memory_space<hbm>>) target(%arg11 : memref<128x128xf32, #tpu.memory_space<vmem>>) offsets(%dma_start3A_203 : memref<128xi32, #tpu.memory_space<vmem>>) semaphore(%arg14 : memref<!tpu.dma_semaphore, #tpu.memory_space<semaphore_mem>>)
        %add3A_207 = arith.constant 1 : i32
        %add3A_208 = arith.addi %add3A_192, %add3A_207 : i32
        %dma_wait3A_209 = arith.constant 0 : i32
        %dma_wait3A_210 = tpu.memref_slice %arg8[%add3A_208, %dma_wait3A_209] : memref<8x128xi32, #tpu.memory_space<vmem>> -> memref<1x128xi32, #tpu.memory_space<vmem>>
        %dma_wait3A_211 = tpu.memref_squeeze %dma_wait3A_210 : memref<1x128xi32, #tpu.memory_space<vmem>> -> memref<128xi32, #tpu.memory_space<vmem>>
        %dma_wait3A_212 = arith.constant 0 : i32
        %dma_wait3A_213 = arith.constant 0 : i32
        %dma_wait3A_214 = tpu.memref_slice %arg2[%dma_wait3A_212, %dma_wait3A_213] : memref<10000x128xf32, #tpu.memory_space<hbm>> -> memref<10000x128xf32, #tpu.memory_space<hbm>>
        tpu.wait_indirect_dma semaphore(%arg15 : memref<!tpu.dma_semaphore, #tpu.memory_space<semaphore_mem>>) src(%dma_wait3A_214 : memref<10000x128xf32, #tpu.memory_space<hbm>>) dst(%arg12 : memref<128x128xf32, #tpu.memory_space<vmem>>)
        %add3A_215 = arith.constant 1 : i32
        %add3A_216 = arith.addi %add3A_192, %add3A_215 : i32
        "tpu.region"() ({
          %run_scoped3A_225 = tpu.sem_alloc : memref<!tpu.dma_semaphore, #tpu.memory_space<semaphore_mem>>
          %dma_start3A_226 = arith.constant 0 : i32
          %dma_start3A_227 = tpu.memref_slice %arg10[%add3A_216, %dma_start3A_226] : memref<8x128xi32, #tpu.memory_space<vmem>> -> memref<1x128xi32, #tpu.memory_space<vmem>>
          %dma_start3A_228 = tpu.memref_squeeze %dma_start3A_227 : memref<1x128xi32, #tpu.memory_space<vmem>> -> memref<128xi32, #tpu.memory_space<vmem>>
          %dma_start3A_229 = arith.constant 0 : i32
          %dma_start3A_230 = arith.constant 0 : i32
          %dma_start3A_231 = tpu.memref_slice %arg13[%dma_start3A_229, %dma_start3A_230] : memref<10112x128xf32, #tpu.memory_space<vmem_shared>> -> memref<10112x128xf32, #tpu.memory_space<vmem_shared>>
          tpu.enqueue_indirect_dma source(%arg12 : memref<128x128xf32, #tpu.memory_space<vmem>>) target(%dma_start3A_231 : memref<10112x128xf32, #tpu.memory_space<vmem_shared>>) offsets(%dma_start3A_228 : memref<128xi32, #tpu.memory_space<vmem>>) semaphore(%run_scoped3A_225 : memref<!tpu.dma_semaphore, #tpu.memory_space<semaphore_mem>>) {add = true}
          %dma_wait3A_232 = arith.constant 0 : i32
          %dma_wait3A_233 = tpu.memref_slice %arg10[%add3A_216, %dma_wait3A_232] : memref<8x128xi32, #tpu.memory_space<vmem>> -> memref<1x128xi32, #tpu.memory_space<vmem>>
          %dma_wait3A_234 = tpu.memref_squeeze %dma_wait3A_233 : memref<1x128xi32, #tpu.memory_space<vmem>> -> memref<128xi32, #tpu.memory_space<vmem>>
          %dma_wait3A_235 = arith.constant 0 : i32
          %dma_wait3A_236 = arith.constant 0 : i32
          %dma_wait3A_237 = tpu.memref_slice %arg13[%dma_wait3A_235, %dma_wait3A_236] : memref<10112x128xf32, #tpu.memory_space<vmem_shared>> -> memref<10112x128xf32, #tpu.memory_space<vmem_shared>>
          tpu.wait_indirect_dma semaphore(%run_scoped3A_225 : memref<!tpu.dma_semaphore, #tpu.memory_space<semaphore_mem>>) src(%arg12 : memref<128x128xf32, #tpu.memory_space<vmem>>) dst(%dma_wait3A_237 : memref<10112x128xf32, #tpu.memory_space<vmem_shared>>)
          tpu.yield
        }) : () -> ()
        %add3A_217 = arith.constant 3 : i32
        %add3A_218 = arith.addi %add3A_192, %add3A_217 : i32
        %dma_start3A_219 = arith.constant 0 : i32
        %dma_start3A_220 = tpu.memref_slice %arg8[%add3A_218, %dma_start3A_219] : memref<8x128xi32, #tpu.memory_space<vmem>> -> memref<1x128xi32, #tpu.memory_space<vmem>>
        %dma_start3A_221 = tpu.memref_squeeze %dma_start3A_220 : memref<1x128xi32, #tpu.memory_space<vmem>> -> memref<128xi32, #tpu.memory_space<vmem>>
        %dma_start3A_222 = arith.constant 0 : i32
        %dma_start3A_223 = arith.constant 0 : i32
        %dma_start3A_224 = tpu.memref_slice %arg2[%dma_start3A_222, %dma_start3A_223] : memref<10000x128xf32, #tpu.memory_space<hbm>> -> memref<10000x128xf32, #tpu.memory_space<hbm>>
        tpu.enqueue_indirect_dma source(%dma_start3A_224 : memref<10000x128xf32, #tpu.memory_space<hbm>>) target(%arg12 : memref<128x128xf32, #tpu.memory_space<vmem>>) offsets(%dma_start3A_221 : memref<128xi32, #tpu.memory_space<vmem>>) semaphore(%arg15 : memref<!tpu.dma_semaphore, #tpu.memory_space<semaphore_mem>>)
      }
      %scan3A_154 = arith.constant 3 : i32
      %convert_element_type3A_155 = arith.extui %lt3A : i1 to i32
      %cond3A_156 = arith.constant 0 : i32
      %cond3A_157 = arith.cmpi ne, %convert_element_type3A_155, %cond3A_156 : i32
      scf.if %cond3A_157 {
        %add3A_188 = arith.constant 2 : i32
        %add3A_189 = arith.addi %add3A_92, %add3A_188 : i32
        %dma_wait3A_190 = arith.constant 0 : i32
        %dma_wait3A_191 = arith.constant 0 : i32
        %dma_wait3A_192 = tpu.memref_slice %arg3[%arg1, %add3A_189, %dma_wait3A_190, %dma_wait3A_191] : memref<16x20x8x128xi32, #tpu.memory_space<hbm>> -> memref<1x1x8x128xi32, #tpu.memory_space<hbm>>
        %dma_wait3A_193 = tpu.memref_squeeze %dma_wait3A_192 : memref<1x1x8x128xi32, #tpu.memory_space<hbm>> -> memref<8x128xi32, #tpu.memory_space<hbm>>
        %dma_wait3A_194 = arith.constant 0 : i32
        %dma_wait3A_195 = arith.constant 0 : i32
        %dma_wait3A_196 = tpu.memref_slice %arg3[%arg1, %add3A_189, %dma_wait3A_194, %dma_wait3A_195] : memref<16x20x8x128xi32, #tpu.memory_space<hbm>> -> memref<1x1x8x128xi32, #tpu.memory_space<hbm>>
        %dma_wait3A_197 = tpu.memref_squeeze %dma_wait3A_196 : memref<1x1x8x128xi32, #tpu.memory_space<hbm>> -> memref<8x128xi32, #tpu.memory_space<hbm>>
        tpu.wait_dma2 semaphore(%arg16 : memref<!tpu.dma_semaphore, #tpu.memory_space<semaphore_mem>>) src(%dma_wait3A_197 : memref<8x128xi32, #tpu.memory_space<hbm>>) dst(%arg7 : memref<8x128xi32, #tpu.memory_space<vmem>>)
        %add3A_198 = arith.constant 2 : i32
        %add3A_199 = arith.addi %add3A_92, %add3A_198 : i32
        %dma_wait3A_200 = arith.constant 0 : i32
        %dma_wait3A_201 = arith.constant 0 : i32
        %dma_wait3A_202 = tpu.memref_slice %arg4[%arg1, %add3A_199, %dma_wait3A_200, %dma_wait3A_201] : memref<16x20x8x128xi32, #tpu.memory_space<hbm>> -> memref<1x1x8x128xi32, #tpu.memory_space<hbm>>
        %dma_wait3A_203 = tpu.memref_squeeze %dma_wait3A_202 : memref<1x1x8x128xi32, #tpu.memory_space<hbm>> -> memref<8x128xi32, #tpu.memory_space<hbm>>
        %dma_wait3A_204 = arith.constant 0 : i32
        %dma_wait3A_205 = arith.constant 0 : i32
        %dma_wait3A_206 = tpu.memref_slice %arg4[%arg1, %add3A_199, %dma_wait3A_204, %dma_wait3A_205] : memref<16x20x8x128xi32, #tpu.memory_space<hbm>> -> memref<1x1x8x128xi32, #tpu.memory_space<hbm>>
        %dma_wait3A_207 = tpu.memref_squeeze %dma_wait3A_206 : memref<1x1x8x128xi32, #tpu.memory_space<hbm>> -> memref<8x128xi32, #tpu.memory_space<hbm>>
        tpu.wait_dma2 semaphore(%arg16 : memref<!tpu.dma_semaphore, #tpu.memory_space<semaphore_mem>>) src(%dma_wait3A_207 : memref<8x128xi32, #tpu.memory_space<hbm>>) dst(%arg9 : memref<8x128xi32, #tpu.memory_space<vmem>>)
      } else {
      }
      %dma_wait3A_158 = arith.constant 6 : i32
      %dma_wait3A_159 = arith.constant 0 : i32
      %dma_wait3A_160 = tpu.memref_slice %arg8[%dma_wait3A_158, %dma_wait3A_159] : memref<8x128xi32, #tpu.memory_space<vmem>> -> memref<1x128xi32, #tpu.memory_space<vmem>>
      %dma_wait3A_161 = tpu.memref_squeeze %dma_wait3A_160 : memref<1x128xi32, #tpu.memory_space<vmem>> -> memref<128xi32, #tpu.memory_space<vmem>>
      %dma_wait3A_162 = arith.constant 0 : i32
      %dma_wait3A_163 = arith.constant 0 : i32
      %dma_wait3A_164 = tpu.memref_slice %arg2[%dma_wait3A_162, %dma_wait3A_163] : memref<10000x128xf32, #tpu.memory_space<hbm>> -> memref<10000x128xf32, #tpu.memory_space<hbm>>
      tpu.wait_indirect_dma semaphore(%arg14 : memref<!tpu.dma_semaphore, #tpu.memory_space<semaphore_mem>>) src(%dma_wait3A_164 : memref<10000x128xf32, #tpu.memory_space<hbm>>) dst(%arg11 : memref<128x128xf32, #tpu.memory_space<vmem>>)
      %run_scoped3A_165 = arith.constant 6 : i32
      "tpu.region"() ({
        %run_scoped3A_188 = tpu.sem_alloc : memref<!tpu.dma_semaphore, #tpu.memory_space<semaphore_mem>>
        %dma_start3A_189 = arith.constant 0 : i32
        %dma_start3A_190 = tpu.memref_slice %arg10[%run_scoped3A_165, %dma_start3A_189] : memref<8x128xi32, #tpu.memory_space<vmem>> -> memref<1x128xi32, #tpu.memory_space<vmem>>
        %dma_start3A_191 = tpu.memref_squeeze %dma_start3A_190 : memref<1x128xi32, #tpu.memory_space<vmem>> -> memref<128xi32, #tpu.memory_space<vmem>>
        %dma_start3A_192 = arith.constant 0 : i32
        %dma_start3A_193 = arith.constant 0 : i32
        %dma_start3A_194 = tpu.memref_slice %arg13[%dma_start3A_192, %dma_start3A_193] : memref<10112x128xf32, #tpu.memory_space<vmem_shared>> -> memref<10112x128xf32, #tpu.memory_space<vmem_shared>>
        tpu.enqueue_indirect_dma source(%arg11 : memref<128x128xf32, #tpu.memory_space<vmem>>) target(%dma_start3A_194 : memref<10112x128xf32, #tpu.memory_space<vmem_shared>>) offsets(%dma_start3A_191 : memref<128xi32, #tpu.memory_space<vmem>>) semaphore(%run_scoped3A_188 : memref<!tpu.dma_semaphore, #tpu.memory_space<semaphore_mem>>) {add = true}
        %dma_wait3A_195 = arith.constant 0 : i32
        %dma_wait3A_196 = tpu.memref_slice %arg10[%run_scoped3A_165, %dma_wait3A_195] : memref<8x128xi32, #tpu.memory_space<vmem>> -> memref<1x128xi32, #tpu.memory_space<vmem>>
        %dma_wait3A_197 = tpu.memref_squeeze %dma_wait3A_196 : memref<1x128xi32, #tpu.memory_space<vmem>> -> memref<128xi32, #tpu.memory_space<vmem>>
        %dma_wait3A_198 = arith.constant 0 : i32
        %dma_wait3A_199 = arith.constant 0 : i32
        %dma_wait3A_200 = tpu.memref_slice %arg13[%dma_wait3A_198, %dma_wait3A_199] : memref<10112x128xf32, #tpu.memory_space<vmem_shared>> -> memref<10112x128xf32, #tpu.memory_space<vmem_shared>>
        tpu.wait_indirect_dma semaphore(%run_scoped3A_188 : memref<!tpu.dma_semaphore, #tpu.memory_space<semaphore_mem>>) src(%arg11 : memref<128x128xf32, #tpu.memory_space<vmem>>) dst(%dma_wait3A_200 : memref<10112x128xf32, #tpu.memory_space<vmem_shared>>)
        tpu.yield
      }) : () -> ()
      %convert_element_type3A_166 = arith.extui %lt3A : i1 to i32
      %cond3A_167 = arith.constant 0 : i32
      %cond3A_168 = arith.cmpi ne, %convert_element_type3A_166, %cond3A_167 : i32
      scf.if %cond3A_168 {
        %dma_start3A_188 = arith.constant 0 : i32
        %dma_start3A_189 = arith.constant 0 : i32
        %dma_start3A_190 = tpu.memref_slice %arg7[%dma_start3A_188, %dma_start3A_189] : memref<8x128xi32, #tpu.memory_space<vmem>> -> memref<1x128xi32, #tpu.memory_space<vmem>>
        %dma_start3A_191 = tpu.memref_squeeze %dma_start3A_190 : memref<1x128xi32, #tpu.memory_space<vmem>> -> memref<128xi32, #tpu.memory_space<vmem>>
        %dma_start3A_192 = arith.constant 0 : i32
        %dma_start3A_193 = arith.constant 0 : i32
        %dma_start3A_194 = tpu.memref_slice %arg2[%dma_start3A_192, %dma_start3A_193] : memref<10000x128xf32, #tpu.memory_space<hbm>> -> memref<10000x128xf32, #tpu.memory_space<hbm>>
        tpu.enqueue_indirect_dma source(%dma_start3A_194 : memref<10000x128xf32, #tpu.memory_space<hbm>>) target(%arg11 : memref<128x128xf32, #tpu.memory_space<vmem>>) offsets(%dma_start3A_191 : memref<128xi32, #tpu.memory_space<vmem>>) semaphore(%arg14 : memref<!tpu.dma_semaphore, #tpu.memory_space<semaphore_mem>>)
      } else {
      }
      %dma_wait3A_169 = arith.constant 7 : i32
      %dma_wait3A_170 = arith.constant 0 : i32
      %dma_wait3A_171 = tpu.memref_slice %arg8[%dma_wait3A_169, %dma_wait3A_170] : memref<8x128xi32, #tpu.memory_space<vmem>> -> memref<1x128xi32, #tpu.memory_space<vmem>>
      %dma_wait3A_172 = tpu.memref_squeeze %dma_wait3A_171 : memref<1x128xi32, #tpu.memory_space<vmem>> -> memref<128xi32, #tpu.memory_space<vmem>>
      %dma_wait3A_173 = arith.constant 0 : i32
      %dma_wait3A_174 = arith.constant 0 : i32
      %dma_wait3A_175 = tpu.memref_slice %arg2[%dma_wait3A_173, %dma_wait3A_174] : memref<10000x128xf32, #tpu.memory_space<hbm>> -> memref<10000x128xf32, #tpu.memory_space<hbm>>
      tpu.wait_indirect_dma semaphore(%arg15 : memref<!tpu.dma_semaphore, #tpu.memory_space<semaphore_mem>>) src(%dma_wait3A_175 : memref<10000x128xf32, #tpu.memory_space<hbm>>) dst(%arg12 : memref<128x128xf32, #tpu.memory_space<vmem>>)
      %run_scoped3A_176 = arith.constant 7 : i32
      "tpu.region"() ({
        %run_scoped3A_188 = tpu.sem_alloc : memref<!tpu.dma_semaphore, #tpu.memory_space<semaphore_mem>>
        %dma_start3A_189 = arith.constant 0 : i32
        %dma_start3A_190 = tpu.memref_slice %arg10[%run_scoped3A_176, %dma_start3A_189] : memref<8x128xi32, #tpu.memory_space<vmem>> -> memref<1x128xi32, #tpu.memory_space<vmem>>
        %dma_start3A_191 = tpu.memref_squeeze %dma_start3A_190 : memref<1x128xi32, #tpu.memory_space<vmem>> -> memref<128xi32, #tpu.memory_space<vmem>>
        %dma_start3A_192 = arith.constant 0 : i32
        %dma_start3A_193 = arith.constant 0 : i32
        %dma_start3A_194 = tpu.memref_slice %arg13[%dma_start3A_192, %dma_start3A_193] : memref<10112x128xf32, #tpu.memory_space<vmem_shared>> -> memref<10112x128xf32, #tpu.memory_space<vmem_shared>>
        tpu.enqueue_indirect_dma source(%arg12 : memref<128x128xf32, #tpu.memory_space<vmem>>) target(%dma_start3A_194 : memref<10112x128xf32, #tpu.memory_space<vmem_shared>>) offsets(%dma_start3A_191 : memref<128xi32, #tpu.memory_space<vmem>>) semaphore(%run_scoped3A_188 : memref<!tpu.dma_semaphore, #tpu.memory_space<semaphore_mem>>) {add = true}
        %dma_wait3A_195 = arith.constant 0 : i32
        %dma_wait3A_196 = tpu.memref_slice %arg10[%run_scoped3A_176, %dma_wait3A_195] : memref<8x128xi32, #tpu.memory_space<vmem>> -> memref<1x128xi32, #tpu.memory_space<vmem>>
        %dma_wait3A_197 = tpu.memref_squeeze %dma_wait3A_196 : memref<1x128xi32, #tpu.memory_space<vmem>> -> memref<128xi32, #tpu.memory_space<vmem>>
        %dma_wait3A_198 = arith.constant 0 : i32
        %dma_wait3A_199 = arith.constant 0 : i32
        %dma_wait3A_200 = tpu.memref_slice %arg13[%dma_wait3A_198, %dma_wait3A_199] : memref<10112x128xf32, #tpu.memory_space<vmem_shared>> -> memref<10112x128xf32, #tpu.memory_space<vmem_shared>>
        tpu.wait_indirect_dma semaphore(%run_scoped3A_188 : memref<!tpu.dma_semaphore, #tpu.memory_space<semaphore_mem>>) src(%arg12 : memref<128x128xf32, #tpu.memory_space<vmem>>) dst(%dma_wait3A_200 : memref<10112x128xf32, #tpu.memory_space<vmem_shared>>)
        tpu.yield
      }) : () -> ()
      %convert_element_type3A_177 = arith.extui %lt3A : i1 to i32
      %cond3A_178 = arith.constant 0 : i32
      %cond3A_179 = arith.cmpi ne, %convert_element_type3A_177, %cond3A_178 : i32
      scf.if %cond3A_179 {
        %dma_start3A_188 = arith.constant 1 : i32
        %dma_start3A_189 = arith.constant 0 : i32
        %dma_start3A_190 = tpu.memref_slice %arg7[%dma_start3A_188, %dma_start3A_189] : memref<8x128xi32, #tpu.memory_space<vmem>> -> memref<1x128xi32, #tpu.memory_space<vmem>>
        %dma_start3A_191 = tpu.memref_squeeze %dma_start3A_190 : memref<1x128xi32, #tpu.memory_space<vmem>> -> memref<128xi32, #tpu.memory_space<vmem>>
        %dma_start3A_192 = arith.constant 0 : i32
        %dma_start3A_193 = arith.constant 0 : i32
        %dma_start3A_194 = tpu.memref_slice %arg2[%dma_start3A_192, %dma_start3A_193] : memref<10000x128xf32, #tpu.memory_space<hbm>> -> memref<10000x128xf32, #tpu.memory_space<hbm>>
        tpu.enqueue_indirect_dma source(%dma_start3A_194 : memref<10000x128xf32, #tpu.memory_space<hbm>>) target(%arg12 : memref<128x128xf32, #tpu.memory_space<vmem>>) offsets(%dma_start3A_191 : memref<128xi32, #tpu.memory_space<vmem>>) semaphore(%arg15 : memref<!tpu.dma_semaphore, #tpu.memory_space<semaphore_mem>>)
      } else {
      }
      %mul3A_180 = arith.constant 2 : i32
      %mul3A_181 = arith.muli %mul3A_180, %add3A_89 : i32
      %add3A_182 = arith.constant 3 : i32
      %add3A_183 = arith.addi %mul3A_181, %add3A_182 : i32
      %lt3A_184 = arith.cmpi slt, %add3A_183, %select_n3A : i32
      %convert_element_type3A_185 = arith.extui %lt3A_184 : i1 to i32
      %cond3A_186 = arith.constant 0 : i32
      %cond3A_187 = arith.cmpi ne, %convert_element_type3A_185, %cond3A_186 : i32
      scf.if %cond3A_187 {
        %add3A_188 = arith.constant 2 : i32
        %add3A_189 = arith.addi %add3A_94, %add3A_188 : i32
        %dma_start3A_190 = arith.constant 0 : i32
        %dma_start3A_191 = arith.constant 0 : i32
        %dma_start3A_192 = tpu.memref_slice %arg3[%arg1, %add3A_189, %dma_start3A_190, %dma_start3A_191] : memref<16x20x8x128xi32, #tpu.memory_space<hbm>> -> memref<1x1x8x128xi32, #tpu.memory_space<hbm>>
        %dma_start3A_193 = tpu.memref_squeeze %dma_start3A_192 : memref<1x1x8x128xi32, #tpu.memory_space<hbm>> -> memref<8x128xi32, #tpu.memory_space<hbm>>
        %dma_start3A_194 = arith.constant 0 : i32
        %dma_start3A_195 = arith.constant 0 : i32
        %dma_start3A_196 = tpu.memref_slice %arg3[%arg1, %add3A_189, %dma_start3A_194, %dma_start3A_195] : memref<16x20x8x128xi32, #tpu.memory_space<hbm>> -> memref<1x1x8x128xi32, #tpu.memory_space<hbm>>
        %dma_start3A_197 = tpu.memref_squeeze %dma_start3A_196 : memref<1x1x8x128xi32, #tpu.memory_space<hbm>> -> memref<8x128xi32, #tpu.memory_space<hbm>>
        tpu.enqueue_dma source(%dma_start3A_197 : memref<8x128xi32, #tpu.memory_space<hbm>>) target(%arg8 : memref<8x128xi32, #tpu.memory_space<vmem>>) target_semaphore(%arg17 : memref<!tpu.dma_semaphore, #tpu.memory_space<semaphore_mem>>)
        %add3A_198 = arith.constant 2 : i32
        %add3A_199 = arith.addi %add3A_94, %add3A_198 : i32
        %dma_start3A_200 = arith.constant 0 : i32
        %dma_start3A_201 = arith.constant 0 : i32
        %dma_start3A_202 = tpu.memref_slice %arg4[%arg1, %add3A_199, %dma_start3A_200, %dma_start3A_201] : memref<16x20x8x128xi32, #tpu.memory_space<hbm>> -> memref<1x1x8x128xi32, #tpu.memory_space<hbm>>
        %dma_start3A_203 = tpu.memref_squeeze %dma_start3A_202 : memref<1x1x8x128xi32, #tpu.memory_space<hbm>> -> memref<8x128xi32, #tpu.memory_space<hbm>>
        %dma_start3A_204 = arith.constant 0 : i32
        %dma_start3A_205 = arith.constant 0 : i32
        %dma_start3A_206 = tpu.memref_slice %arg4[%arg1, %add3A_199, %dma_start3A_204, %dma_start3A_205] : memref<16x20x8x128xi32, #tpu.memory_space<hbm>> -> memref<1x1x8x128xi32, #tpu.memory_space<hbm>>
        %dma_start3A_207 = tpu.memref_squeeze %dma_start3A_206 : memref<1x1x8x128xi32, #tpu.memory_space<hbm>> -> memref<8x128xi32, #tpu.memory_space<hbm>>
        tpu.enqueue_dma source(%dma_start3A_207 : memref<8x128xi32, #tpu.memory_space<hbm>>) target(%arg10 : memref<8x128xi32, #tpu.memory_space<vmem>>) target_semaphore(%arg17 : memref<!tpu.dma_semaphore, #tpu.memory_space<semaphore_mem>>)
      } else {
      }
    }
    %while3A_82 = arith.constant 1 : i32
    scf.for %while3A_87 = %while3A_80 to %while3A_76 step %while3A_82  : i32 {
      %mul3A_88 = arith.muli %while3A_87, %while3A : i32
      %add3A_89 = arith.addi %while3A_73, %mul3A_88 : i32
      %mul3A_90 = arith.constant 2 : i32
      %mul3A_91 = arith.muli %mul3A_90, %add3A_89 : i32
      %add3A_92 = arith.addi %select_n3A_24, %mul3A_91 : i32
      %add3A_93 = arith.constant 1 : i32
      %add3A_94 = arith.addi %add3A_92, %add3A_93 : i32
      %mul3A_95 = arith.constant 2 : i32
      %mul3A_96 = arith.muli %mul3A_95, %add3A_89 : i32
      %add3A_97 = arith.constant 2 : i32
      %add3A_98 = arith.addi %mul3A_96, %add3A_97 : i32
      %lt3A = arith.cmpi slt, %add3A_98, %select_n3A : i32
      %scan3A = arith.constant 0 : i32
      %scan3A_99 = arith.constant 3 : i32
      %scan3A_100 = arith.addi %scan3A, %scan3A_99 : i32
      %scan3A_101 = arith.constant 1 : i32
      scf.for %scan3A_188 = %scan3A to %scan3A_100 step %scan3A_101  : i32 {
        %mul3A_189 = arith.constant 2 : i32
        %mul3A_190 = arith.muli %scan3A_188, %mul3A_189 : i32
        %add3A_191 = arith.constant 0 : i32
        %add3A_192 = arith.addi %add3A_191, %mul3A_190 : i32
        %dma_wait3A_193 = arith.constant 0 : i32
        %dma_wait3A_194 = tpu.memref_slice %arg7[%add3A_192, %dma_wait3A_193] : memref<8x128xi32, #tpu.memory_space<vmem>> -> memref<1x128xi32, #tpu.memory_space<vmem>>
        %dma_wait3A_195 = tpu.memref_squeeze %dma_wait3A_194 : memref<1x128xi32, #tpu.memory_space<vmem>> -> memref<128xi32, #tpu.memory_space<vmem>>
        %dma_wait3A_196 = arith.constant 0 : i32
        %dma_wait3A_197 = arith.constant 0 : i32
        %dma_wait3A_198 = tpu.memref_slice %arg2[%dma_wait3A_196, %dma_wait3A_197] : memref<10000x128xf32, #tpu.memory_space<hbm>> -> memref<10000x128xf32, #tpu.memory_space<hbm>>
        tpu.wait_indirect_dma semaphore(%arg14 : memref<!tpu.dma_semaphore, #tpu.memory_space<semaphore_mem>>) src(%dma_wait3A_198 : memref<10000x128xf32, #tpu.memory_space<hbm>>) dst(%arg11 : memref<128x128xf32, #tpu.memory_space<vmem>>)
        "tpu.region"() ({
          %run_scoped3A_225 = tpu.sem_alloc : memref<!tpu.dma_semaphore, #tpu.memory_space<semaphore_mem>>
          %dma_start3A_226 = arith.constant 0 : i32
          %dma_start3A_227 = tpu.memref_slice %arg9[%add3A_192, %dma_start3A_226] : memref<8x128xi32, #tpu.memory_space<vmem>> -> memref<1x128xi32, #tpu.memory_space<vmem>>
          %dma_start3A_228 = tpu.memref_squeeze %dma_start3A_227 : memref<1x128xi32, #tpu.memory_space<vmem>> -> memref<128xi32, #tpu.memory_space<vmem>>
          %dma_start3A_229 = arith.constant 0 : i32
          %dma_start3A_230 = arith.constant 0 : i32
          %dma_start3A_231 = tpu.memref_slice %arg13[%dma_start3A_229, %dma_start3A_230] : memref<10112x128xf32, #tpu.memory_space<vmem_shared>> -> memref<10112x128xf32, #tpu.memory_space<vmem_shared>>
          tpu.enqueue_indirect_dma source(%arg11 : memref<128x128xf32, #tpu.memory_space<vmem>>) target(%dma_start3A_231 : memref<10112x128xf32, #tpu.memory_space<vmem_shared>>) offsets(%dma_start3A_228 : memref<128xi32, #tpu.memory_space<vmem>>) semaphore(%run_scoped3A_225 : memref<!tpu.dma_semaphore, #tpu.memory_space<semaphore_mem>>) {add = true}
          %dma_wait3A_232 = arith.constant 0 : i32
          %dma_wait3A_233 = tpu.memref_slice %arg9[%add3A_192, %dma_wait3A_232] : memref<8x128xi32, #tpu.memory_space<vmem>> -> memref<1x128xi32, #tpu.memory_space<vmem>>
          %dma_wait3A_234 = tpu.memref_squeeze %dma_wait3A_233 : memref<1x128xi32, #tpu.memory_space<vmem>> -> memref<128xi32, #tpu.memory_space<vmem>>
          %dma_wait3A_235 = arith.constant 0 : i32
          %dma_wait3A_236 = arith.constant 0 : i32
          %dma_wait3A_237 = tpu.memref_slice %arg13[%dma_wait3A_235, %dma_wait3A_236] : memref<10112x128xf32, #tpu.memory_space<vmem_shared>> -> memref<10112x128xf32, #tpu.memory_space<vmem_shared>>
          tpu.wait_indirect_dma semaphore(%run_scoped3A_225 : memref<!tpu.dma_semaphore, #tpu.memory_space<semaphore_mem>>) src(%arg11 : memref<128x128xf32, #tpu.memory_space<vmem>>) dst(%dma_wait3A_237 : memref<10112x128xf32, #tpu.memory_space<vmem_shared>>)
          tpu.yield
        }) : () -> ()
        %add3A_199 = arith.constant 2 : i32
        %add3A_200 = arith.addi %add3A_192, %add3A_199 : i32
        %dma_start3A_201 = arith.constant 0 : i32
        %dma_start3A_202 = tpu.memref_slice %arg7[%add3A_200, %dma_start3A_201] : memref<8x128xi32, #tpu.memory_space<vmem>> -> memref<1x128xi32, #tpu.memory_space<vmem>>
        %dma_start3A_203 = tpu.memref_squeeze %dma_start3A_202 : memref<1x128xi32, #tpu.memory_space<vmem>> -> memref<128xi32, #tpu.memory_space<vmem>>
        %dma_start3A_204 = arith.constant 0 : i32
        %dma_start3A_205 = arith.constant 0 : i32
        %dma_start3A_206 = tpu.memref_slice %arg2[%dma_start3A_204, %dma_start3A_205] : memref<10000x128xf32, #tpu.memory_space<hbm>> -> memref<10000x128xf32, #tpu.memory_space<hbm>>
        tpu.enqueue_indirect_dma source(%dma_start3A_206 : memref<10000x128xf32, #tpu.memory_space<hbm>>) target(%arg11 : memref<128x128xf32, #tpu.memory_space<vmem>>) offsets(%dma_start3A_203 : memref<128xi32, #tpu.memory_space<vmem>>) semaphore(%arg14 : memref<!tpu.dma_semaphore, #tpu.memory_space<semaphore_mem>>)
        %add3A_207 = arith.constant 1 : i32
        %add3A_208 = arith.addi %add3A_192, %add3A_207 : i32
        %dma_wait3A_209 = arith.constant 0 : i32
        %dma_wait3A_210 = tpu.memref_slice %arg7[%add3A_208, %dma_wait3A_209] : memref<8x128xi32, #tpu.memory_space<vmem>> -> memref<1x128xi32, #tpu.memory_space<vmem>>
        %dma_wait3A_211 = tpu.memref_squeeze %dma_wait3A_210 : memref<1x128xi32, #tpu.memory_space<vmem>> -> memref<128xi32, #tpu.memory_space<vmem>>
        %dma_wait3A_212 = arith.constant 0 : i32
        %dma_wait3A_213 = arith.constant 0 : i32
        %dma_wait3A_214 = tpu.memref_slice %arg2[%dma_wait3A_212, %dma_wait3A_213] : memref<10000x128xf32, #tpu.memory_space<hbm>> -> memref<10000x128xf32, #tpu.memory_space<hbm>>
        tpu.wait_indirect_dma semaphore(%arg15 : memref<!tpu.dma_semaphore, #tpu.memory_space<semaphore_mem>>) src(%dma_wait3A_214 : memref<10000x128xf32, #tpu.memory_space<hbm>>) dst(%arg12 : memref<128x128xf32, #tpu.memory_space<vmem>>)
        %add3A_215 = arith.constant 1 : i32
        %add3A_216 = arith.addi %add3A_192, %add3A_215 : i32
        "tpu.region"() ({
          %run_scoped3A_225 = tpu.sem_alloc : memref<!tpu.dma_semaphore, #tpu.memory_space<semaphore_mem>>
          %dma_start3A_226 = arith.constant 0 : i32
          %dma_start3A_227 = tpu.memref_slice %arg9[%add3A_216, %dma_start3A_226] : memref<8x128xi32, #tpu.memory_space<vmem>> -> memref<1x128xi32, #tpu.memory_space<vmem>>
          %dma_start3A_228 = tpu.memref_squeeze %dma_start3A_227 : memref<1x128xi32, #tpu.memory_space<vmem>> -> memref<128xi32, #tpu.memory_space<vmem>>
          %dma_start3A_229 = arith.constant 0 : i32
          %dma_start3A_230 = arith.constant 0 : i32
          %dma_start3A_231 = tpu.memref_slice %arg13[%dma_start3A_229, %dma_start3A_230] : memref<10112x128xf32, #tpu.memory_space<vmem_shared>> -> memref<10112x128xf32, #tpu.memory_space<vmem_shared>>
          tpu.enqueue_indirect_dma source(%arg12 : memref<128x128xf32, #tpu.memory_space<vmem>>) target(%dma_start3A_231 : memref<10112x128xf32, #tpu.memory_space<vmem_shared>>) offsets(%dma_start3A_228 : memref<128xi32, #tpu.memory_space<vmem>>) semaphore(%run_scoped3A_225 : memref<!tpu.dma_semaphore, #tpu.memory_space<semaphore_mem>>) {add = true}
          %dma_wait3A_232 = arith.constant 0 : i32
          %dma_wait3A_233 = tpu.memref_slice %arg9[%add3A_216, %dma_wait3A_232] : memref<8x128xi32, #tpu.memory_space<vmem>> -> memref<1x128xi32, #tpu.memory_space<vmem>>
          %dma_wait3A_234 = tpu.memref_squeeze %dma_wait3A_233 : memref<1x128xi32, #tpu.memory_space<vmem>> -> memref<128xi32, #tpu.memory_space<vmem>>
          %dma_wait3A_235 = arith.constant 0 : i32
          %dma_wait3A_236 = arith.constant 0 : i32
          %dma_wait3A_237 = tpu.memref_slice %arg13[%dma_wait3A_235, %dma_wait3A_236] : memref<10112x128xf32, #tpu.memory_space<vmem_shared>> -> memref<10112x128xf32, #tpu.memory_space<vmem_shared>>
          tpu.wait_indirect_dma semaphore(%run_scoped3A_225 : memref<!tpu.dma_semaphore, #tpu.memory_space<semaphore_mem>>) src(%arg12 : memref<128x128xf32, #tpu.memory_space<vmem>>) dst(%dma_wait3A_237 : memref<10112x128xf32, #tpu.memory_space<vmem_shared>>)
          tpu.yield
        }) : () -> ()
        %add3A_217 = arith.constant 3 : i32
        %add3A_218 = arith.addi %add3A_192, %add3A_217 : i32
        %dma_start3A_219 = arith.constant 0 : i32
        %dma_start3A_220 = tpu.memref_slice %arg7[%add3A_218, %dma_start3A_219] : memref<8x128xi32, #tpu.memory_space<vmem>> -> memref<1x128xi32, #tpu.memory_space<vmem>>
        %dma_start3A_221 = tpu.memref_squeeze %dma_start3A_220 : memref<1x128xi32, #tpu.memory_space<vmem>> -> memref<128xi32, #tpu.memory_space<vmem>>
        %dma_start3A_222 = arith.constant 0 : i32
        %dma_start3A_223 = arith.constant 0 : i32
        %dma_start3A_224 = tpu.memref_slice %arg2[%dma_start3A_222, %dma_start3A_223] : memref<10000x128xf32, #tpu.memory_space<hbm>> -> memref<10000x128xf32, #tpu.memory_space<hbm>>
        tpu.enqueue_indirect_dma source(%dma_start3A_224 : memref<10000x128xf32, #tpu.memory_space<hbm>>) target(%arg12 : memref<128x128xf32, #tpu.memory_space<vmem>>) offsets(%dma_start3A_221 : memref<128xi32, #tpu.memory_space<vmem>>) semaphore(%arg15 : memref<!tpu.dma_semaphore, #tpu.memory_space<semaphore_mem>>)
      }
      %scan3A_102 = arith.constant 3 : i32
      %dma_wait3A = arith.constant 0 : i32
      %dma_wait3A_103 = arith.constant 0 : i32
      %dma_wait3A_104 = tpu.memref_slice %arg3[%arg1, %add3A_94, %dma_wait3A, %dma_wait3A_103] : memref<16x20x8x128xi32, #tpu.memory_space<hbm>> -> memref<1x1x8x128xi32, #tpu.memory_space<hbm>>
      %dma_wait3A_105 = tpu.memref_squeeze %dma_wait3A_104 : memref<1x1x8x128xi32, #tpu.memory_space<hbm>> -> memref<8x128xi32, #tpu.memory_space<hbm>>
      %dma_wait3A_106 = arith.constant 0 : i32
      %dma_wait3A_107 = arith.constant 0 : i32
      %dma_wait3A_108 = tpu.memref_slice %arg3[%arg1, %add3A_94, %dma_wait3A_106, %dma_wait3A_107] : memref<16x20x8x128xi32, #tpu.memory_space<hbm>> -> memref<1x1x8x128xi32, #tpu.memory_space<hbm>>
      %dma_wait3A_109 = tpu.memref_squeeze %dma_wait3A_108 : memref<1x1x8x128xi32, #tpu.memory_space<hbm>> -> memref<8x128xi32, #tpu.memory_space<hbm>>
      tpu.wait_dma2 semaphore(%arg17 : memref<!tpu.dma_semaphore, #tpu.memory_space<semaphore_mem>>) src(%dma_wait3A_109 : memref<8x128xi32, #tpu.memory_space<hbm>>) dst(%arg8 : memref<8x128xi32, #tpu.memory_space<vmem>>)
      %dma_wait3A_110 = arith.constant 0 : i32
      %dma_wait3A_111 = arith.constant 0 : i32
      %dma_wait3A_112 = tpu.memref_slice %arg4[%arg1, %add3A_94, %dma_wait3A_110, %dma_wait3A_111] : memref<16x20x8x128xi32, #tpu.memory_space<hbm>> -> memref<1x1x8x128xi32, #tpu.memory_space<hbm>>
      %dma_wait3A_113 = tpu.memref_squeeze %dma_wait3A_112 : memref<1x1x8x128xi32, #tpu.memory_space<hbm>> -> memref<8x128xi32, #tpu.memory_space<hbm>>
      %dma_wait3A_114 = arith.constant 0 : i32
      %dma_wait3A_115 = arith.constant 0 : i32
      %dma_wait3A_116 = tpu.memref_slice %arg4[%arg1, %add3A_94, %dma_wait3A_114, %dma_wait3A_115] : memref<16x20x8x128xi32, #tpu.memory_space<hbm>> -> memref<1x1x8x128xi32, #tpu.memory_space<hbm>>
      %dma_wait3A_117 = tpu.memref_squeeze %dma_wait3A_116 : memref<1x1x8x128xi32, #tpu.memory_space<hbm>> -> memref<8x128xi32, #tpu.memory_space<hbm>>
      tpu.wait_dma2 semaphore(%arg17 : memref<!tpu.dma_semaphore, #tpu.memory_space<semaphore_mem>>) src(%dma_wait3A_117 : memref<8x128xi32, #tpu.memory_space<hbm>>) dst(%arg10 : memref<8x128xi32, #tpu.memory_space<vmem>>)
      %dma_wait3A_118 = arith.constant 6 : i32
      %dma_wait3A_119 = arith.constant 0 : i32
      %dma_wait3A_120 = tpu.memref_slice %arg7[%dma_wait3A_118, %dma_wait3A_119] : memref<8x128xi32, #tpu.memory_space<vmem>> -> memref<1x128xi32, #tpu.memory_space<vmem>>
      %dma_wait3A_121 = tpu.memref_squeeze %dma_wait3A_120 : memref<1x128xi32, #tpu.memory_space<vmem>> -> memref<128xi32, #tpu.memory_space<vmem>>
      %dma_wait3A_122 = arith.constant 0 : i32
      %dma_wait3A_123 = arith.constant 0 : i32
      %dma_wait3A_124 = tpu.memref_slice %arg2[%dma_wait3A_122, %dma_wait3A_123] : memref<10000x128xf32, #tpu.memory_space<hbm>> -> memref<10000x128xf32, #tpu.memory_space<hbm>>
      tpu.wait_indirect_dma semaphore(%arg14 : memref<!tpu.dma_semaphore, #tpu.memory_space<semaphore_mem>>) src(%dma_wait3A_124 : memref<10000x128xf32, #tpu.memory_space<hbm>>) dst(%arg11 : memref<128x128xf32, #tpu.memory_space<vmem>>)
      %run_scoped3A = arith.constant 6 : i32
      "tpu.region"() ({
        %run_scoped3A_188 = tpu.sem_alloc : memref<!tpu.dma_semaphore, #tpu.memory_space<semaphore_mem>>
        %dma_start3A_189 = arith.constant 0 : i32
        %dma_start3A_190 = tpu.memref_slice %arg9[%run_scoped3A, %dma_start3A_189] : memref<8x128xi32, #tpu.memory_space<vmem>> -> memref<1x128xi32, #tpu.memory_space<vmem>>
        %dma_start3A_191 = tpu.memref_squeeze %dma_start3A_190 : memref<1x128xi32, #tpu.memory_space<vmem>> -> memref<128xi32, #tpu.memory_space<vmem>>
        %dma_start3A_192 = arith.constant 0 : i32
        %dma_start3A_193 = arith.constant 0 : i32
        %dma_start3A_194 = tpu.memref_slice %arg13[%dma_start3A_192, %dma_start3A_193] : memref<10112x128xf32, #tpu.memory_space<vmem_shared>> -> memref<10112x128xf32, #tpu.memory_space<vmem_shared>>
        tpu.enqueue_indirect_dma source(%arg11 : memref<128x128xf32, #tpu.memory_space<vmem>>) target(%dma_start3A_194 : memref<10112x128xf32, #tpu.memory_space<vmem_shared>>) offsets(%dma_start3A_191 : memref<128xi32, #tpu.memory_space<vmem>>) semaphore(%run_scoped3A_188 : memref<!tpu.dma_semaphore, #tpu.memory_space<semaphore_mem>>) {add = true}
        %dma_wait3A_195 = arith.constant 0 : i32
        %dma_wait3A_196 = tpu.memref_slice %arg9[%run_scoped3A, %dma_wait3A_195] : memref<8x128xi32, #tpu.memory_space<vmem>> -> memref<1x128xi32, #tpu.memory_space<vmem>>
        %dma_wait3A_197 = tpu.memref_squeeze %dma_wait3A_196 : memref<1x128xi32, #tpu.memory_space<vmem>> -> memref<128xi32, #tpu.memory_space<vmem>>
        %dma_wait3A_198 = arith.constant 0 : i32
        %dma_wait3A_199 = arith.constant 0 : i32
        %dma_wait3A_200 = tpu.memref_slice %arg13[%dma_wait3A_198, %dma_wait3A_199] : memref<10112x128xf32, #tpu.memory_space<vmem_shared>> -> memref<10112x128xf32, #tpu.memory_space<vmem_shared>>
        tpu.wait_indirect_dma semaphore(%run_scoped3A_188 : memref<!tpu.dma_semaphore, #tpu.memory_space<semaphore_mem>>) src(%arg11 : memref<128x128xf32, #tpu.memory_space<vmem>>) dst(%dma_wait3A_200 : memref<10112x128xf32, #tpu.memory_space<vmem_shared>>)
        tpu.yield
      }) : () -> ()
      %dma_start3A_125 = arith.constant 0 : i32
      %dma_start3A_126 = arith.constant 0 : i32
      %dma_start3A_127 = tpu.memref_slice %arg8[%dma_start3A_125, %dma_start3A_126] : memref<8x128xi32, #tpu.memory_space<vmem>> -> memref<1x128xi32, #tpu.memory_space<vmem>>
      %dma_start3A_128 = tpu.memref_squeeze %dma_start3A_127 : memref<1x128xi32, #tpu.memory_space<vmem>> -> memref<128xi32, #tpu.memory_space<vmem>>
      %dma_start3A_129 = arith.constant 0 : i32
      %dma_start3A_130 = arith.constant 0 : i32
      %dma_start3A_131 = tpu.memref_slice %arg2[%dma_start3A_129, %dma_start3A_130] : memref<10000x128xf32, #tpu.memory_space<hbm>> -> memref<10000x128xf32, #tpu.memory_space<hbm>>
      tpu.enqueue_indirect_dma source(%dma_start3A_131 : memref<10000x128xf32, #tpu.memory_space<hbm>>) target(%arg11 : memref<128x128xf32, #tpu.memory_space<vmem>>) offsets(%dma_start3A_128 : memref<128xi32, #tpu.memory_space<vmem>>) semaphore(%arg14 : memref<!tpu.dma_semaphore, #tpu.memory_space<semaphore_mem>>)
      %dma_wait3A_132 = arith.constant 7 : i32
      %dma_wait3A_133 = arith.constant 0 : i32
      %dma_wait3A_134 = tpu.memref_slice %arg7[%dma_wait3A_132, %dma_wait3A_133] : memref<8x128xi32, #tpu.memory_space<vmem>> -> memref<1x128xi32, #tpu.memory_space<vmem>>
      %dma_wait3A_135 = tpu.memref_squeeze %dma_wait3A_134 : memref<1x128xi32, #tpu.memory_space<vmem>> -> memref<128xi32, #tpu.memory_space<vmem>>
      %dma_wait3A_136 = arith.constant 0 : i32
      %dma_wait3A_137 = arith.constant 0 : i32
      %dma_wait3A_138 = tpu.memref_slice %arg2[%dma_wait3A_136, %dma_wait3A_137] : memref<10000x128xf32, #tpu.memory_space<hbm>> -> memref<10000x128xf32, #tpu.memory_space<hbm>>
      tpu.wait_indirect_dma semaphore(%arg15 : memref<!tpu.dma_semaphore, #tpu.memory_space<semaphore_mem>>) src(%dma_wait3A_138 : memref<10000x128xf32, #tpu.memory_space<hbm>>) dst(%arg12 : memref<128x128xf32, #tpu.memory_space<vmem>>)
      %run_scoped3A_139 = arith.constant 7 : i32
      "tpu.region"() ({
        %run_scoped3A_188 = tpu.sem_alloc : memref<!tpu.dma_semaphore, #tpu.memory_space<semaphore_mem>>
        %dma_start3A_189 = arith.constant 0 : i32
        %dma_start3A_190 = tpu.memref_slice %arg9[%run_scoped3A_139, %dma_start3A_189] : memref<8x128xi32, #tpu.memory_space<vmem>> -> memref<1x128xi32, #tpu.memory_space<vmem>>
        %dma_start3A_191 = tpu.memref_squeeze %dma_start3A_190 : memref<1x128xi32, #tpu.memory_space<vmem>> -> memref<128xi32, #tpu.memory_space<vmem>>
        %dma_start3A_192 = arith.constant 0 : i32
        %dma_start3A_193 = arith.constant 0 : i32
        %dma_start3A_194 = tpu.memref_slice %arg13[%dma_start3A_192, %dma_start3A_193] : memref<10112x128xf32, #tpu.memory_space<vmem_shared>> -> memref<10112x128xf32, #tpu.memory_space<vmem_shared>>
        tpu.enqueue_indirect_dma source(%arg12 : memref<128x128xf32, #tpu.memory_space<vmem>>) target(%dma_start3A_194 : memref<10112x128xf32, #tpu.memory_space<vmem_shared>>) offsets(%dma_start3A_191 : memref<128xi32, #tpu.memory_space<vmem>>) semaphore(%run_scoped3A_188 : memref<!tpu.dma_semaphore, #tpu.memory_space<semaphore_mem>>) {add = true}
        %dma_wait3A_195 = arith.constant 0 : i32
        %dma_wait3A_196 = tpu.memref_slice %arg9[%run_scoped3A_139, %dma_wait3A_195] : memref<8x128xi32, #tpu.memory_space<vmem>> -> memref<1x128xi32, #tpu.memory_space<vmem>>
        %dma_wait3A_197 = tpu.memref_squeeze %dma_wait3A_196 : memref<1x128xi32, #tpu.memory_space<vmem>> -> memref<128xi32, #tpu.memory_space<vmem>>
        %dma_wait3A_198 = arith.constant 0 : i32
        %dma_wait3A_199 = arith.constant 0 : i32
        %dma_wait3A_200 = tpu.memref_slice %arg13[%dma_wait3A_198, %dma_wait3A_199] : memref<10112x128xf32, #tpu.memory_space<vmem_shared>> -> memref<10112x128xf32, #tpu.memory_space<vmem_shared>>
        tpu.wait_indirect_dma semaphore(%run_scoped3A_188 : memref<!tpu.dma_semaphore, #tpu.memory_space<semaphore_mem>>) src(%arg12 : memref<128x128xf32, #tpu.memory_space<vmem>>) dst(%dma_wait3A_200 : memref<10112x128xf32, #tpu.memory_space<vmem_shared>>)
        tpu.yield
      }) : () -> ()
      %dma_start3A_140 = arith.constant 1 : i32
      %dma_start3A_141 = arith.constant 0 : i32
      %dma_start3A_142 = tpu.memref_slice %arg8[%dma_start3A_140, %dma_start3A_141] : memref<8x128xi32, #tpu.memory_space<vmem>> -> memref<1x128xi32, #tpu.memory_space<vmem>>
      %dma_start3A_143 = tpu.memref_squeeze %dma_start3A_142 : memref<1x128xi32, #tpu.memory_space<vmem>> -> memref<128xi32, #tpu.memory_space<vmem>>
      %dma_start3A_144 = arith.constant 0 : i32
      %dma_start3A_145 = arith.constant 0 : i32
      %dma_start3A_146 = tpu.memref_slice %arg2[%dma_start3A_144, %dma_start3A_145] : memref<10000x128xf32, #tpu.memory_space<hbm>> -> memref<10000x128xf32, #tpu.memory_space<hbm>>
      tpu.enqueue_indirect_dma source(%dma_start3A_146 : memref<10000x128xf32, #tpu.memory_space<hbm>>) target(%arg12 : memref<128x128xf32, #tpu.memory_space<vmem>>) offsets(%dma_start3A_143 : memref<128xi32, #tpu.memory_space<vmem>>) semaphore(%arg15 : memref<!tpu.dma_semaphore, #tpu.memory_space<semaphore_mem>>)
      %convert_element_type3A_147 = arith.extui %lt3A : i1 to i32
      %cond3A_148 = arith.constant 0 : i32
      %cond3A_149 = arith.cmpi ne, %convert_element_type3A_147, %cond3A_148 : i32
      scf.if %cond3A_149 {
        %add3A_188 = arith.constant 2 : i32
        %add3A_189 = arith.addi %add3A_92, %add3A_188 : i32
        %dma_start3A_190 = arith.constant 0 : i32
        %dma_start3A_191 = arith.constant 0 : i32
        %dma_start3A_192 = tpu.memref_slice %arg3[%arg1, %add3A_189, %dma_start3A_190, %dma_start3A_191] : memref<16x20x8x128xi32, #tpu.memory_space<hbm>> -> memref<1x1x8x128xi32, #tpu.memory_space<hbm>>
        %dma_start3A_193 = tpu.memref_squeeze %dma_start3A_192 : memref<1x1x8x128xi32, #tpu.memory_space<hbm>> -> memref<8x128xi32, #tpu.memory_space<hbm>>
        %dma_start3A_194 = arith.constant 0 : i32
        %dma_start3A_195 = arith.constant 0 : i32
        %dma_start3A_196 = tpu.memref_slice %arg3[%arg1, %add3A_189, %dma_start3A_194, %dma_start3A_195] : memref<16x20x8x128xi32, #tpu.memory_space<hbm>> -> memref<1x1x8x128xi32, #tpu.memory_space<hbm>>
        %dma_start3A_197 = tpu.memref_squeeze %dma_start3A_196 : memref<1x1x8x128xi32, #tpu.memory_space<hbm>> -> memref<8x128xi32, #tpu.memory_space<hbm>>
        tpu.enqueue_dma source(%dma_start3A_197 : memref<8x128xi32, #tpu.memory_space<hbm>>) target(%arg7 : memref<8x128xi32, #tpu.memory_space<vmem>>) target_semaphore(%arg16 : memref<!tpu.dma_semaphore, #tpu.memory_space<semaphore_mem>>)
        %add3A_198 = arith.constant 2 : i32
        %add3A_199 = arith.addi %add3A_92, %add3A_198 : i32
        %dma_start3A_200 = arith.constant 0 : i32
        %dma_start3A_201 = arith.constant 0 : i32
        %dma_start3A_202 = tpu.memref_slice %arg4[%arg1, %add3A_199, %dma_start3A_200, %dma_start3A_201] : memref<16x20x8x128xi32, #tpu.memory_space<hbm>> -> memref<1x1x8x128xi32, #tpu.memory_space<hbm>>
        %dma_start3A_203 = tpu.memref_squeeze %dma_start3A_202 : memref<1x1x8x128xi32, #tpu.memory_space<hbm>> -> memref<8x128xi32, #tpu.memory_space<hbm>>
        %dma_start3A_204 = arith.constant 0 : i32
        %dma_start3A_205 = arith.constant 0 : i32
        %dma_start3A_206 = tpu.memref_slice %arg4[%arg1, %add3A_199, %dma_start3A_204, %dma_start3A_205] : memref<16x20x8x128xi32, #tpu.memory_space<hbm>> -> memref<1x1x8x128xi32, #tpu.memory_space<hbm>>
        %dma_start3A_207 = tpu.memref_squeeze %dma_start3A_206 : memref<1x1x8x128xi32, #tpu.memory_space<hbm>> -> memref<8x128xi32, #tpu.memory_space<hbm>>
        tpu.enqueue_dma source(%dma_start3A_207 : memref<8x128xi32, #tpu.memory_space<hbm>>) target(%arg9 : memref<8x128xi32, #tpu.memory_space<vmem>>) target_semaphore(%arg16 : memref<!tpu.dma_semaphore, #tpu.memory_space<semaphore_mem>>)
      } else {
      }
      %scan3A_150 = arith.constant 0 : i32
      %scan3A_151 = arith.constant 3 : i32
      %scan3A_152 = arith.addi %scan3A_150, %scan3A_151 : i32
      %scan3A_153 = arith.constant 1 : i32
      scf.for %scan3A_188 = %scan3A_150 to %scan3A_152 step %scan3A_153  : i32 {
        %mul3A_189 = arith.constant 2 : i32
        %mul3A_190 = arith.muli %scan3A_188, %mul3A_189 : i32
        %add3A_191 = arith.constant 0 : i32
        %add3A_192 = arith.addi %add3A_191, %mul3A_190 : i32
        %dma_wait3A_193 = arith.constant 0 : i32
        %dma_wait3A_194 = tpu.memref_slice %arg8[%add3A_192, %dma_wait3A_193] : memref<8x128xi32, #tpu.memory_space<vmem>> -> memref<1x128xi32, #tpu.memory_space<vmem>>
        %dma_wait3A_195 = tpu.memref_squeeze %dma_wait3A_194 : memref<1x128xi32, #tpu.memory_space<vmem>> -> memref<128xi32, #tpu.memory_space<vmem>>
        %dma_wait3A_196 = arith.constant 0 : i32
        %dma_wait3A_197 = arith.constant 0 : i32
        %dma_wait3A_198 = tpu.memref_slice %arg2[%dma_wait3A_196, %dma_wait3A_197] : memref<10000x128xf32, #tpu.memory_space<hbm>> -> memref<10000x128xf32, #tpu.memory_space<hbm>>
        tpu.wait_indirect_dma semaphore(%arg14 : memref<!tpu.dma_semaphore, #tpu.memory_space<semaphore_mem>>) src(%dma_wait3A_198 : memref<10000x128xf32, #tpu.memory_space<hbm>>) dst(%arg11 : memref<128x128xf32, #tpu.memory_space<vmem>>)
        "tpu.region"() ({
          %run_scoped3A_225 = tpu.sem_alloc : memref<!tpu.dma_semaphore, #tpu.memory_space<semaphore_mem>>
          %dma_start3A_226 = arith.constant 0 : i32
          %dma_start3A_227 = tpu.memref_slice %arg10[%add3A_192, %dma_start3A_226] : memref<8x128xi32, #tpu.memory_space<vmem>> -> memref<1x128xi32, #tpu.memory_space<vmem>>
          %dma_start3A_228 = tpu.memref_squeeze %dma_start3A_227 : memref<1x128xi32, #tpu.memory_space<vmem>> -> memref<128xi32, #tpu.memory_space<vmem>>
          %dma_start3A_229 = arith.constant 0 : i32
          %dma_start3A_230 = arith.constant 0 : i32
          %dma_start3A_231 = tpu.memref_slice %arg13[%dma_start3A_229, %dma_start3A_230] : memref<10112x128xf32, #tpu.memory_space<vmem_shared>> -> memref<10112x128xf32, #tpu.memory_space<vmem_shared>>
          tpu.enqueue_indirect_dma source(%arg11 : memref<128x128xf32, #tpu.memory_space<vmem>>) target(%dma_start3A_231 : memref<10112x128xf32, #tpu.memory_space<vmem_shared>>) offsets(%dma_start3A_228 : memref<128xi32, #tpu.memory_space<vmem>>) semaphore(%run_scoped3A_225 : memref<!tpu.dma_semaphore, #tpu.memory_space<semaphore_mem>>) {add = true}
          %dma_wait3A_232 = arith.constant 0 : i32
          %dma_wait3A_233 = tpu.memref_slice %arg10[%add3A_192, %dma_wait3A_232] : memref<8x128xi32, #tpu.memory_space<vmem>> -> memref<1x128xi32, #tpu.memory_space<vmem>>
          %dma_wait3A_234 = tpu.memref_squeeze %dma_wait3A_233 : memref<1x128xi32, #tpu.memory_space<vmem>> -> memref<128xi32, #tpu.memory_space<vmem>>
          %dma_wait3A_235 = arith.constant 0 : i32
          %dma_wait3A_236 = arith.constant 0 : i32
          %dma_wait3A_237 = tpu.memref_slice %arg13[%dma_wait3A_235, %dma_wait3A_236] : memref<10112x128xf32, #tpu.memory_space<vmem_shared>> -> memref<10112x128xf32, #tpu.memory_space<vmem_shared>>
          tpu.wait_indirect_dma semaphore(%run_scoped3A_225 : memref<!tpu.dma_semaphore, #tpu.memory_space<semaphore_mem>>) src(%arg11 : memref<128x128xf32, #tpu.memory_space<vmem>>) dst(%dma_wait3A_237 : memref<10112x128xf32, #tpu.memory_space<vmem_shared>>)
          tpu.yield
        }) : () -> ()
        %add3A_199 = arith.constant 2 : i32
        %add3A_200 = arith.addi %add3A_192, %add3A_199 : i32
        %dma_start3A_201 = arith.constant 0 : i32
        %dma_start3A_202 = tpu.memref_slice %arg8[%add3A_200, %dma_start3A_201] : memref<8x128xi32, #tpu.memory_space<vmem>> -> memref<1x128xi32, #tpu.memory_space<vmem>>
        %dma_start3A_203 = tpu.memref_squeeze %dma_start3A_202 : memref<1x128xi32, #tpu.memory_space<vmem>> -> memref<128xi32, #tpu.memory_space<vmem>>
        %dma_start3A_204 = arith.constant 0 : i32
        %dma_start3A_205 = arith.constant 0 : i32
        %dma_start3A_206 = tpu.memref_slice %arg2[%dma_start3A_204, %dma_start3A_205] : memref<10000x128xf32, #tpu.memory_space<hbm>> -> memref<10000x128xf32, #tpu.memory_space<hbm>>
        tpu.enqueue_indirect_dma source(%dma_start3A_206 : memref<10000x128xf32, #tpu.memory_space<hbm>>) target(%arg11 : memref<128x128xf32, #tpu.memory_space<vmem>>) offsets(%dma_start3A_203 : memref<128xi32, #tpu.memory_space<vmem>>) semaphore(%arg14 : memref<!tpu.dma_semaphore, #tpu.memory_space<semaphore_mem>>)
        %add3A_207 = arith.constant 1 : i32
        %add3A_208 = arith.addi %add3A_192, %add3A_207 : i32
        %dma_wait3A_209 = arith.constant 0 : i32
        %dma_wait3A_210 = tpu.memref_slice %arg8[%add3A_208, %dma_wait3A_209] : memref<8x128xi32, #tpu.memory_space<vmem>> -> memref<1x128xi32, #tpu.memory_space<vmem>>
        %dma_wait3A_211 = tpu.memref_squeeze %dma_wait3A_210 : memref<1x128xi32, #tpu.memory_space<vmem>> -> memref<128xi32, #tpu.memory_space<vmem>>
        %dma_wait3A_212 = arith.constant 0 : i32
        %dma_wait3A_213 = arith.constant 0 : i32
        %dma_wait3A_214 = tpu.memref_slice %arg2[%dma_wait3A_212, %dma_wait3A_213] : memref<10000x128xf32, #tpu.memory_space<hbm>> -> memref<10000x128xf32, #tpu.memory_space<hbm>>
        tpu.wait_indirect_dma semaphore(%arg15 : memref<!tpu.dma_semaphore, #tpu.memory_space<semaphore_mem>>) src(%dma_wait3A_214 : memref<10000x128xf32, #tpu.memory_space<hbm>>) dst(%arg12 : memref<128x128xf32, #tpu.memory_space<vmem>>)
        %add3A_215 = arith.constant 1 : i32
        %add3A_216 = arith.addi %add3A_192, %add3A_215 : i32
        "tpu.region"() ({
          %run_scoped3A_225 = tpu.sem_alloc : memref<!tpu.dma_semaphore, #tpu.memory_space<semaphore_mem>>
          %dma_start3A_226 = arith.constant 0 : i32
          %dma_start3A_227 = tpu.memref_slice %arg10[%add3A_216, %dma_start3A_226] : memref<8x128xi32, #tpu.memory_space<vmem>> -> memref<1x128xi32, #tpu.memory_space<vmem>>
          %dma_start3A_228 = tpu.memref_squeeze %dma_start3A_227 : memref<1x128xi32, #tpu.memory_space<vmem>> -> memref<128xi32, #tpu.memory_space<vmem>>
          %dma_start3A_229 = arith.constant 0 : i32
          %dma_start3A_230 = arith.constant 0 : i32
          %dma_start3A_231 = tpu.memref_slice %arg13[%dma_start3A_229, %dma_start3A_230] : memref<10112x128xf32, #tpu.memory_space<vmem_shared>> -> memref<10112x128xf32, #tpu.memory_space<vmem_shared>>
          tpu.enqueue_indirect_dma source(%arg12 : memref<128x128xf32, #tpu.memory_space<vmem>>) target(%dma_start3A_231 : memref<10112x128xf32, #tpu.memory_space<vmem_shared>>) offsets(%dma_start3A_228 : memref<128xi32, #tpu.memory_space<vmem>>) semaphore(%run_scoped3A_225 : memref<!tpu.dma_semaphore, #tpu.memory_space<semaphore_mem>>) {add = true}
          %dma_wait3A_232 = arith.constant 0 : i32
          %dma_wait3A_233 = tpu.memref_slice %arg10[%add3A_216, %dma_wait3A_232] : memref<8x128xi32, #tpu.memory_space<vmem>> -> memref<1x128xi32, #tpu.memory_space<vmem>>
          %dma_wait3A_234 = tpu.memref_squeeze %dma_wait3A_233 : memref<1x128xi32, #tpu.memory_space<vmem>> -> memref<128xi32, #tpu.memory_space<vmem>>
          %dma_wait3A_235 = arith.constant 0 : i32
          %dma_wait3A_236 = arith.constant 0 : i32
          %dma_wait3A_237 = tpu.memref_slice %arg13[%dma_wait3A_235, %dma_wait3A_236] : memref<10112x128xf32, #tpu.memory_space<vmem_shared>> -> memref<10112x128xf32, #tpu.memory_space<vmem_shared>>
          tpu.wait_indirect_dma semaphore(%run_scoped3A_225 : memref<!tpu.dma_semaphore, #tpu.memory_space<semaphore_mem>>) src(%arg12 : memref<128x128xf32, #tpu.memory_space<vmem>>) dst(%dma_wait3A_237 : memref<10112x128xf32, #tpu.memory_space<vmem_shared>>)
          tpu.yield
        }) : () -> ()
        %add3A_217 = arith.constant 3 : i32
        %add3A_218 = arith.addi %add3A_192, %add3A_217 : i32
        %dma_start3A_219 = arith.constant 0 : i32
        %dma_start3A_220 = tpu.memref_slice %arg8[%add3A_218, %dma_start3A_219] : memref<8x128xi32, #tpu.memory_space<vmem>> -> memref<1x128xi32, #tpu.memory_space<vmem>>
        %dma_start3A_221 = tpu.memref_squeeze %dma_start3A_220 : memref<1x128xi32, #tpu.memory_space<vmem>> -> memref<128xi32, #tpu.memory_space<vmem>>
        %dma_start3A_222 = arith.constant 0 : i32
        %dma_start3A_223 = arith.constant 0 : i32
        %dma_start3A_224 = tpu.memref_slice %arg2[%dma_start3A_222, %dma_start3A_223] : memref<10000x128xf32, #tpu.memory_space<hbm>> -> memref<10000x128xf32, #tpu.memory_space<hbm>>
        tpu.enqueue_indirect_dma source(%dma_start3A_224 : memref<10000x128xf32, #tpu.memory_space<hbm>>) target(%arg12 : memref<128x128xf32, #tpu.memory_space<vmem>>) offsets(%dma_start3A_221 : memref<128xi32, #tpu.memory_space<vmem>>) semaphore(%arg15 : memref<!tpu.dma_semaphore, #tpu.memory_space<semaphore_mem>>)
      }
      %scan3A_154 = arith.constant 3 : i32
      %convert_element_type3A_155 = arith.extui %lt3A : i1 to i32
      %cond3A_156 = arith.constant 0 : i32
      %cond3A_157 = arith.cmpi ne, %convert_element_type3A_155, %cond3A_156 : i32
      scf.if %cond3A_157 {
        %add3A_188 = arith.constant 2 : i32
        %add3A_189 = arith.addi %add3A_92, %add3A_188 : i32
        %dma_wait3A_190 = arith.constant 0 : i32
        %dma_wait3A_191 = arith.constant 0 : i32
        %dma_wait3A_192 = tpu.memref_slice %arg3[%arg1, %add3A_189, %dma_wait3A_190, %dma_wait3A_191] : memref<16x20x8x128xi32, #tpu.memory_space<hbm>> -> memref<1x1x8x128xi32, #tpu.memory_space<hbm>>
        %dma_wait3A_193 = tpu.memref_squeeze %dma_wait3A_192 : memref<1x1x8x128xi32, #tpu.memory_space<hbm>> -> memref<8x128xi32, #tpu.memory_space<hbm>>
        %dma_wait3A_194 = arith.constant 0 : i32
        %dma_wait3A_195 = arith.constant 0 : i32
        %dma_wait3A_196 = tpu.memref_slice %arg3[%arg1, %add3A_189, %dma_wait3A_194, %dma_wait3A_195] : memref<16x20x8x128xi32, #tpu.memory_space<hbm>> -> memref<1x1x8x128xi32, #tpu.memory_space<hbm>>
        %dma_wait3A_197 = tpu.memref_squeeze %dma_wait3A_196 : memref<1x1x8x128xi32, #tpu.memory_space<hbm>> -> memref<8x128xi32, #tpu.memory_space<hbm>>
        tpu.wait_dma2 semaphore(%arg16 : memref<!tpu.dma_semaphore, #tpu.memory_space<semaphore_mem>>) src(%dma_wait3A_197 : memref<8x128xi32, #tpu.memory_space<hbm>>) dst(%arg7 : memref<8x128xi32, #tpu.memory_space<vmem>>)
        %add3A_198 = arith.constant 2 : i32
        %add3A_199 = arith.addi %add3A_92, %add3A_198 : i32
        %dma_wait3A_200 = arith.constant 0 : i32
        %dma_wait3A_201 = arith.constant 0 : i32
        %dma_wait3A_202 = tpu.memref_slice %arg4[%arg1, %add3A_199, %dma_wait3A_200, %dma_wait3A_201] : memref<16x20x8x128xi32, #tpu.memory_space<hbm>> -> memref<1x1x8x128xi32, #tpu.memory_space<hbm>>
        %dma_wait3A_203 = tpu.memref_squeeze %dma_wait3A_202 : memref<1x1x8x128xi32, #tpu.memory_space<hbm>> -> memref<8x128xi32, #tpu.memory_space<hbm>>
        %dma_wait3A_204 = arith.constant 0 : i32
        %dma_wait3A_205 = arith.constant 0 : i32
        %dma_wait3A_206 = tpu.memref_slice %arg4[%arg1, %add3A_199, %dma_wait3A_204, %dma_wait3A_205] : memref<16x20x8x128xi32, #tpu.memory_space<hbm>> -> memref<1x1x8x128xi32, #tpu.memory_space<hbm>>
        %dma_wait3A_207 = tpu.memref_squeeze %dma_wait3A_206 : memref<1x1x8x128xi32, #tpu.memory_space<hbm>> -> memref<8x128xi32, #tpu.memory_space<hbm>>
        tpu.wait_dma2 semaphore(%arg16 : memref<!tpu.dma_semaphore, #tpu.memory_space<semaphore_mem>>) src(%dma_wait3A_207 : memref<8x128xi32, #tpu.memory_space<hbm>>) dst(%arg9 : memref<8x128xi32, #tpu.memory_space<vmem>>)
      } else {
      }
      %dma_wait3A_158 = arith.constant 6 : i32
      %dma_wait3A_159 = arith.constant 0 : i32
      %dma_wait3A_160 = tpu.memref_slice %arg8[%dma_wait3A_158, %dma_wait3A_159] : memref<8x128xi32, #tpu.memory_space<vmem>> -> memref<1x128xi32, #tpu.memory_space<vmem>>
      %dma_wait3A_161 = tpu.memref_squeeze %dma_wait3A_160 : memref<1x128xi32, #tpu.memory_space<vmem>> -> memref<128xi32, #tpu.memory_space<vmem>>
      %dma_wait3A_162 = arith.constant 0 : i32
      %dma_wait3A_163 = arith.constant 0 : i32
      %dma_wait3A_164 = tpu.memref_slice %arg2[%dma_wait3A_162, %dma_wait3A_163] : memref<10000x128xf32, #tpu.memory_space<hbm>> -> memref<10000x128xf32, #tpu.memory_space<hbm>>
      tpu.wait_indirect_dma semaphore(%arg14 : memref<!tpu.dma_semaphore, #tpu.memory_space<semaphore_mem>>) src(%dma_wait3A_164 : memref<10000x128xf32, #tpu.memory_space<hbm>>) dst(%arg11 : memref<128x128xf32, #tpu.memory_space<vmem>>)
      %run_scoped3A_165 = arith.constant 6 : i32
      "tpu.region"() ({
        %run_scoped3A_188 = tpu.sem_alloc : memref<!tpu.dma_semaphore, #tpu.memory_space<semaphore_mem>>
        %dma_start3A_189 = arith.constant 0 : i32
        %dma_start3A_190 = tpu.memref_slice %arg10[%run_scoped3A_165, %dma_start3A_189] : memref<8x128xi32, #tpu.memory_space<vmem>> -> memref<1x128xi32, #tpu.memory_space<vmem>>
        %dma_start3A_191 = tpu.memref_squeeze %dma_start3A_190 : memref<1x128xi32, #tpu.memory_space<vmem>> -> memref<128xi32, #tpu.memory_space<vmem>>
        %dma_start3A_192 = arith.constant 0 : i32
        %dma_start3A_193 = arith.constant 0 : i32
        %dma_start3A_194 = tpu.memref_slice %arg13[%dma_start3A_192, %dma_start3A_193] : memref<10112x128xf32, #tpu.memory_space<vmem_shared>> -> memref<10112x128xf32, #tpu.memory_space<vmem_shared>>
        tpu.enqueue_indirect_dma source(%arg11 : memref<128x128xf32, #tpu.memory_space<vmem>>) target(%dma_start3A_194 : memref<10112x128xf32, #tpu.memory_space<vmem_shared>>) offsets(%dma_start3A_191 : memref<128xi32, #tpu.memory_space<vmem>>) semaphore(%run_scoped3A_188 : memref<!tpu.dma_semaphore, #tpu.memory_space<semaphore_mem>>) {add = true}
        %dma_wait3A_195 = arith.constant 0 : i32
        %dma_wait3A_196 = tpu.memref_slice %arg10[%run_scoped3A_165, %dma_wait3A_195] : memref<8x128xi32, #tpu.memory_space<vmem>> -> memref<1x128xi32, #tpu.memory_space<vmem>>
        %dma_wait3A_197 = tpu.memref_squeeze %dma_wait3A_196 : memref<1x128xi32, #tpu.memory_space<vmem>> -> memref<128xi32, #tpu.memory_space<vmem>>
        %dma_wait3A_198 = arith.constant 0 : i32
        %dma_wait3A_199 = arith.constant 0 : i32
        %dma_wait3A_200 = tpu.memref_slice %arg13[%dma_wait3A_198, %dma_wait3A_199] : memref<10112x128xf32, #tpu.memory_space<vmem_shared>> -> memref<10112x128xf32, #tpu.memory_space<vmem_shared>>
        tpu.wait_indirect_dma semaphore(%run_scoped3A_188 : memref<!tpu.dma_semaphore, #tpu.memory_space<semaphore_mem>>) src(%arg11 : memref<128x128xf32, #tpu.memory_space<vmem>>) dst(%dma_wait3A_200 : memref<10112x128xf32, #tpu.memory_space<vmem_shared>>)
        tpu.yield
      }) : () -> ()
      %convert_element_type3A_166 = arith.extui %lt3A : i1 to i32
      %cond3A_167 = arith.constant 0 : i32
      %cond3A_168 = arith.cmpi ne, %convert_element_type3A_166, %cond3A_167 : i32
      scf.if %cond3A_168 {
        %dma_start3A_188 = arith.constant 0 : i32
        %dma_start3A_189 = arith.constant 0 : i32
        %dma_start3A_190 = tpu.memref_slice %arg7[%dma_start3A_188, %dma_start3A_189] : memref<8x128xi32, #tpu.memory_space<vmem>> -> memref<1x128xi32, #tpu.memory_space<vmem>>
        %dma_start3A_191 = tpu.memref_squeeze %dma_start3A_190 : memref<1x128xi32, #tpu.memory_space<vmem>> -> memref<128xi32, #tpu.memory_space<vmem>>
        %dma_start3A_192 = arith.constant 0 : i32
        %dma_start3A_193 = arith.constant 0 : i32
        %dma_start3A_194 = tpu.memref_slice %arg2[%dma_start3A_192, %dma_start3A_193] : memref<10000x128xf32, #tpu.memory_space<hbm>> -> memref<10000x128xf32, #tpu.memory_space<hbm>>
        tpu.enqueue_indirect_dma source(%dma_start3A_194 : memref<10000x128xf32, #tpu.memory_space<hbm>>) target(%arg11 : memref<128x128xf32, #tpu.memory_space<vmem>>) offsets(%dma_start3A_191 : memref<128xi32, #tpu.memory_space<vmem>>) semaphore(%arg14 : memref<!tpu.dma_semaphore, #tpu.memory_space<semaphore_mem>>)
      } else {
      }
      %dma_wait3A_169 = arith.constant 7 : i32
      %dma_wait3A_170 = arith.constant 0 : i32
      %dma_wait3A_171 = tpu.memref_slice %arg8[%dma_wait3A_169, %dma_wait3A_170] : memref<8x128xi32, #tpu.memory_space<vmem>> -> memref<1x128xi32, #tpu.memory_space<vmem>>
      %dma_wait3A_172 = tpu.memref_squeeze %dma_wait3A_171 : memref<1x128xi32, #tpu.memory_space<vmem>> -> memref<128xi32, #tpu.memory_space<vmem>>
      %dma_wait3A_173 = arith.constant 0 : i32
      %dma_wait3A_174 = arith.constant 0 : i32
      %dma_wait3A_175 = tpu.memref_slice %arg2[%dma_wait3A_173, %dma_wait3A_174] : memref<10000x128xf32, #tpu.memory_space<hbm>> -> memref<10000x128xf32, #tpu.memory_space<hbm>>
      tpu.wait_indirect_dma semaphore(%arg15 : memref<!tpu.dma_semaphore, #tpu.memory_space<semaphore_mem>>) src(%dma_wait3A_175 : memref<10000x128xf32, #tpu.memory_space<hbm>>) dst(%arg12 : memref<128x128xf32, #tpu.memory_space<vmem>>)
      %run_scoped3A_176 = arith.constant 7 : i32
      "tpu.region"() ({
        %run_scoped3A_188 = tpu.sem_alloc : memref<!tpu.dma_semaphore, #tpu.memory_space<semaphore_mem>>
        %dma_start3A_189 = arith.constant 0 : i32
        %dma_start3A_190 = tpu.memref_slice %arg10[%run_scoped3A_176, %dma_start3A_189] : memref<8x128xi32, #tpu.memory_space<vmem>> -> memref<1x128xi32, #tpu.memory_space<vmem>>
        %dma_start3A_191 = tpu.memref_squeeze %dma_start3A_190 : memref<1x128xi32, #tpu.memory_space<vmem>> -> memref<128xi32, #tpu.memory_space<vmem>>
        %dma_start3A_192 = arith.constant 0 : i32
        %dma_start3A_193 = arith.constant 0 : i32
        %dma_start3A_194 = tpu.memref_slice %arg13[%dma_start3A_192, %dma_start3A_193] : memref<10112x128xf32, #tpu.memory_space<vmem_shared>> -> memref<10112x128xf32, #tpu.memory_space<vmem_shared>>
        tpu.enqueue_indirect_dma source(%arg12 : memref<128x128xf32, #tpu.memory_space<vmem>>) target(%dma_start3A_194 : memref<10112x128xf32, #tpu.memory_space<vmem_shared>>) offsets(%dma_start3A_191 : memref<128xi32, #tpu.memory_space<vmem>>) semaphore(%run_scoped3A_188 : memref<!tpu.dma_semaphore, #tpu.memory_space<semaphore_mem>>) {add = true}
        %dma_wait3A_195 = arith.constant 0 : i32
        %dma_wait3A_196 = tpu.memref_slice %arg10[%run_scoped3A_176, %dma_wait3A_195] : memref<8x128xi32, #tpu.memory_space<vmem>> -> memref<1x128xi32, #tpu.memory_space<vmem>>
        %dma_wait3A_197 = tpu.memref_squeeze %dma_wait3A_196 : memref<1x128xi32, #tpu.memory_space<vmem>> -> memref<128xi32, #tpu.memory_space<vmem>>
        %dma_wait3A_198 = arith.constant 0 : i32
        %dma_wait3A_199 = arith.constant 0 : i32
        %dma_wait3A_200 = tpu.memref_slice %arg13[%dma_wait3A_198, %dma_wait3A_199] : memref<10112x128xf32, #tpu.memory_space<vmem_shared>> -> memref<10112x128xf32, #tpu.memory_space<vmem_shared>>
        tpu.wait_indirect_dma semaphore(%run_scoped3A_188 : memref<!tpu.dma_semaphore, #tpu.memory_space<semaphore_mem>>) src(%arg12 : memref<128x128xf32, #tpu.memory_space<vmem>>) dst(%dma_wait3A_200 : memref<10112x128xf32, #tpu.memory_space<vmem_shared>>)
        tpu.yield
      }) : () -> ()
      %convert_element_type3A_177 = arith.extui %lt3A : i1 to i32
      %cond3A_178 = arith.constant 0 : i32
      %cond3A_179 = arith.cmpi ne, %convert_element_type3A_177, %cond3A_178 : i32
      scf.if %cond3A_179 {
        %dma_start3A_188 = arith.constant 1 : i32
        %dma_start3A_189 = arith.constant 0 : i32
        %dma_start3A_190 = tpu.memref_slice %arg7[%dma_start3A_188, %dma_start3A_189] : memref<8x128xi32, #tpu.memory_space<vmem>> -> memref<1x128xi32, #tpu.memory_space<vmem>>
        %dma_start3A_191 = tpu.memref_squeeze %dma_start3A_190 : memref<1x128xi32, #tpu.memory_space<vmem>> -> memref<128xi32, #tpu.memory_space<vmem>>
        %dma_start3A_192 = arith.constant 0 : i32
        %dma_start3A_193 = arith.constant 0 : i32
        %dma_start3A_194 = tpu.memref_slice %arg2[%dma_start3A_192, %dma_start3A_193] : memref<10000x128xf32, #tpu.memory_space<hbm>> -> memref<10000x128xf32, #tpu.memory_space<hbm>>
        tpu.enqueue_indirect_dma source(%dma_start3A_194 : memref<10000x128xf32, #tpu.memory_space<hbm>>) target(%arg12 : memref<128x128xf32, #tpu.memory_space<vmem>>) offsets(%dma_start3A_191 : memref<128xi32, #tpu.memory_space<vmem>>) semaphore(%arg15 : memref<!tpu.dma_semaphore, #tpu.memory_space<semaphore_mem>>)
      } else {
      }
      %mul3A_180 = arith.constant 2 : i32
      %mul3A_181 = arith.muli %mul3A_180, %add3A_89 : i32
      %add3A_182 = arith.constant 3 : i32
      %add3A_183 = arith.addi %mul3A_181, %add3A_182 : i32
      %lt3A_184 = arith.cmpi slt, %add3A_183, %select_n3A : i32
      %convert_element_type3A_185 = arith.extui %lt3A_184 : i1 to i32
      %cond3A_186 = arith.constant 0 : i32
      %cond3A_187 = arith.cmpi ne, %convert_element_type3A_185, %cond3A_186 : i32
      scf.if %cond3A_187 {
        %add3A_188 = arith.constant 2 : i32
        %add3A_189 = arith.addi %add3A_94, %add3A_188 : i32
        %dma_start3A_190 = arith.constant 0 : i32
        %dma_start3A_191 = arith.constant 0 : i32
        %dma_start3A_192 = tpu.memref_slice %arg3[%arg1, %add3A_189, %dma_start3A_190, %dma_start3A_191] : memref<16x20x8x128xi32, #tpu.memory_space<hbm>> -> memref<1x1x8x128xi32, #tpu.memory_space<hbm>>
        %dma_start3A_193 = tpu.memref_squeeze %dma_start3A_192 : memref<1x1x8x128xi32, #tpu.memory_space<hbm>> -> memref<8x128xi32, #tpu.memory_space<hbm>>
        %dma_start3A_194 = arith.constant 0 : i32
        %dma_start3A_195 = arith.constant 0 : i32
        %dma_start3A_196 = tpu.memref_slice %arg3[%arg1, %add3A_189, %dma_start3A_194, %dma_start3A_195] : memref<16x20x8x128xi32, #tpu.memory_space<hbm>> -> memref<1x1x8x128xi32, #tpu.memory_space<hbm>>
        %dma_start3A_197 = tpu.memref_squeeze %dma_start3A_196 : memref<1x1x8x128xi32, #tpu.memory_space<hbm>> -> memref<8x128xi32, #tpu.memory_space<hbm>>
        tpu.enqueue_dma source(%dma_start3A_197 : memref<8x128xi32, #tpu.memory_space<hbm>>) target(%arg8 : memref<8x128xi32, #tpu.memory_space<vmem>>) target_semaphore(%arg17 : memref<!tpu.dma_semaphore, #tpu.memory_space<semaphore_mem>>)
        %add3A_198 = arith.constant 2 : i32
        %add3A_199 = arith.addi %add3A_94, %add3A_198 : i32
        %dma_start3A_200 = arith.constant 0 : i32
        %dma_start3A_201 = arith.constant 0 : i32
        %dma_start3A_202 = tpu.memref_slice %arg4[%arg1, %add3A_199, %dma_start3A_200, %dma_start3A_201] : memref<16x20x8x128xi32, #tpu.memory_space<hbm>> -> memref<1x1x8x128xi32, #tpu.memory_space<hbm>>
        %dma_start3A_203 = tpu.memref_squeeze %dma_start3A_202 : memref<1x1x8x128xi32, #tpu.memory_space<hbm>> -> memref<8x128xi32, #tpu.memory_space<hbm>>
        %dma_start3A_204 = arith.constant 0 : i32
        %dma_start3A_205 = arith.constant 0 : i32
        %dma_start3A_206 = tpu.memref_slice %arg4[%arg1, %add3A_199, %dma_start3A_204, %dma_start3A_205] : memref<16x20x8x128xi32, #tpu.memory_space<hbm>> -> memref<1x1x8x128xi32, #tpu.memory_space<hbm>>
        %dma_start3A_207 = tpu.memref_squeeze %dma_start3A_206 : memref<1x1x8x128xi32, #tpu.memory_space<hbm>> -> memref<8x128xi32, #tpu.memory_space<hbm>>
        tpu.enqueue_dma source(%dma_start3A_207 : memref<8x128xi32, #tpu.memory_space<hbm>>) target(%arg10 : memref<8x128xi32, #tpu.memory_space<vmem>>) target_semaphore(%arg17 : memref<!tpu.dma_semaphore, #tpu.memory_space<semaphore_mem>>)
      } else {
      }
    }
    %barrier3A_83 = arith.constant 0 : index
    tpu.barrier barrier_id(%barrier3A_83)
    %mul3A = arith.constant 632 : i32
    %mul3A_84 = arith.muli %arg1, %mul3A : i32
    %mul3A_85 = arith.constant 632 : i32
    %mul3A_86 = arith.muli %arg1, %mul3A_85 : i32
    "tpu.region"() ({
      %run_scoped3A = tpu.sem_alloc : memref<!tpu.dma_semaphore, #tpu.memory_space<semaphore_mem>>
      %dma_start3A_87 = arith.constant 0 : i32
      %dma_start3A_88 = tpu.memref_slice %arg6[%arg0, %mul3A_86, %dma_start3A_87] : memref<2x10112x128xf32, #tpu.memory_space<hbm>> -> memref<1x632x128xf32, #tpu.memory_space<hbm>>
      %dma_start3A_89 = tpu.memref_squeeze %dma_start3A_88 : memref<1x632x128xf32, #tpu.memory_space<hbm>> -> memref<632x128xf32, #tpu.memory_space<hbm>>
      %dma_start3A_90 = arith.constant 0 : i32
      %dma_start3A_91 = tpu.memref_slice %arg13[%mul3A_84, %dma_start3A_90] : memref<10112x128xf32, #tpu.memory_space<vmem_shared>> -> memref<632x128xf32, #tpu.memory_space<vmem_shared>>
      tpu.enqueue_dma source(%dma_start3A_91 : memref<632x128xf32, #tpu.memory_space<vmem_shared>>) target(%dma_start3A_89 : memref<632x128xf32, #tpu.memory_space<hbm>>) target_semaphore(%run_scoped3A : memref<!tpu.dma_semaphore, #tpu.memory_space<semaphore_mem>>)
      %dma_wait3A = arith.constant 0 : i32
      %dma_wait3A_92 = tpu.memref_slice %arg6[%arg0, %mul3A_86, %dma_wait3A] : memref<2x10112x128xf32, #tpu.memory_space<hbm>> -> memref<1x632x128xf32, #tpu.memory_space<hbm>>
      %dma_wait3A_93 = tpu.memref_squeeze %dma_wait3A_92 : memref<1x632x128xf32, #tpu.memory_space<hbm>> -> memref<632x128xf32, #tpu.memory_space<hbm>>
      %dma_wait3A_94 = arith.constant 0 : i32
      %dma_wait3A_95 = tpu.memref_slice %arg13[%mul3A_84, %dma_wait3A_94] : memref<10112x128xf32, #tpu.memory_space<vmem_shared>> -> memref<632x128xf32, #tpu.memory_space<vmem_shared>>
      tpu.wait_dma2 semaphore(%run_scoped3A : memref<!tpu.dma_semaphore, #tpu.memory_space<semaphore_mem>>) src(%dma_wait3A_95 : memref<632x128xf32, #tpu.memory_space<vmem_shared>>) dst(%dma_wait3A_93 : memref<632x128xf32, #tpu.memory_space<hbm>>)
      tpu.yield
    }) : () -> ()
    return
  }
}

module attributes {stable_mosaic.version = 14 : i64} {
  func.func @body(%arg0: i32, %arg1: memref<2x2000x128xf32, #tpu.memory_space<vmem>>, %arg2: memref<128x128xf32, #tpu.memory_space<vmem>>, %arg3: memref<1x128xf32, #tpu.memory_space<vmem>>, %arg4: memref<128x128xf32, #tpu.memory_space<vmem>>, %arg5: memref<1x128xf32, #tpu.memory_space<vmem>>, %arg6: memref<2000x128xf32, #tpu.memory_space<vmem>>) attributes {dimension_semantics = [#tpu.dimension_semantics<arbitrary>], iteration_bounds = array<i64: 5>, scalar_prefetch = 0 : i64, scratch_operands = 0 : i64, tpu.core_type = #tpu.core_type<tc>, window_params = [{transform_indices = @transform_0, window_bounds = array<i64: 2, 2000, 128>}, {pipeline_mode = #tpu.pipeline_mode<synchronous>, transform_indices = @transform_1, window_bounds = array<i64: 128, 128>}, {pipeline_mode = #tpu.pipeline_mode<synchronous>, transform_indices = @transform_2, window_bounds = array<i64: 1, 128>}, {pipeline_mode = #tpu.pipeline_mode<synchronous>, transform_indices = @transform_3, window_bounds = array<i64: 128, 128>}, {pipeline_mode = #tpu.pipeline_mode<synchronous>, transform_indices = @transform_4, window_bounds = array<i64: 1, 128>}, {transform_indices = @transform_5, window_bounds = array<i64: 2000, 128>}]} {
    %get3A = arith.constant 0 : index
    %get3A_0 = arith.constant 0 : index
    %get3A_1 = arith.constant 0 : index
    %get3A_2 = vector.load %arg1[%get3A, %get3A_0, %get3A_1] : memref<2x2000x128xf32, #tpu.memory_space<vmem>>, vector<1x2000x128xf32>
    %get3A_3 = vector.shape_cast %get3A_2 : vector<1x2000x128xf32> to vector<2000x128xf32>
    %get3A_4 = arith.constant 1 : index
    %get3A_5 = arith.constant 0 : index
    %get3A_6 = arith.constant 0 : index
    %get3A_7 = vector.load %arg1[%get3A_4, %get3A_5, %get3A_6] : memref<2x2000x128xf32, #tpu.memory_space<vmem>>, vector<1x2000x128xf32>
    %get3A_8 = vector.shape_cast %get3A_7 : vector<1x2000x128xf32> to vector<2000x128xf32>
    %add3A = arith.addf %get3A_3, %get3A_8 : vector<2000x128xf32>
    %get3A_9 = arith.constant 0 : index
    %get3A_10 = arith.constant 0 : index
    %get3A_11 = vector.load %arg2[%get3A_9, %get3A_10] : memref<128x128xf32, #tpu.memory_space<vmem>>, vector<128x128xf32>
    %dot_general3A = arith.constant dense<0.000000e+00> : vector<2000x128xf32>
    %dot_general3A_12 = tpu.matmul %add3A, %get3A_11, %dot_general3A {dimension_numbers = #tpu.dot_dimension_numbers<[1], [0], [0], [1], [0, 0, 1, 1], [], []>, transpose_lhs_hint = false} : vector<2000x128xf32>, vector<128x128xf32>, vector<2000x128xf32> -> vector<2000x128xf32>
    %get3A_13 = arith.constant 0 : index
    %get3A_14 = arith.constant 0 : index
    %get3A_15 = vector.load %arg3[%get3A_13, %get3A_14] : memref<1x128xf32, #tpu.memory_space<vmem>>, vector<1x128xf32>
    %add3A_16 = vector.broadcast %get3A_15 : vector<1x128xf32> to vector<2000x128xf32>
    %add3A_17 = arith.addf %dot_general3A_12, %add3A_16 : vector<2000x128xf32>
    %max3A = arith.constant 0.000000e+00 : f32
    %max3A_18 = vector.broadcast %max3A : f32 to vector<2000x128xf32>
    %max3A_19 = arith.maximumf %add3A_17, %max3A_18 : vector<2000x128xf32>
    %get3A_20 = arith.constant 0 : index
    %get3A_21 = arith.constant 0 : index
    %get3A_22 = vector.load %arg4[%get3A_20, %get3A_21] : memref<128x128xf32, #tpu.memory_space<vmem>>, vector<128x128xf32>
    %dot_general3A_23 = arith.constant dense<0.000000e+00> : vector<2000x128xf32>
    %dot_general3A_24 = tpu.matmul %max3A_19, %get3A_22, %dot_general3A_23 {dimension_numbers = #tpu.dot_dimension_numbers<[1], [0], [0], [1], [0, 0, 1, 1], [], []>, transpose_lhs_hint = false} : vector<2000x128xf32>, vector<128x128xf32>, vector<2000x128xf32> -> vector<2000x128xf32>
    %get3A_25 = arith.constant 0 : index
    %get3A_26 = arith.constant 0 : index
    %get3A_27 = vector.load %arg5[%get3A_25, %get3A_26] : memref<1x128xf32, #tpu.memory_space<vmem>>, vector<1x128xf32>
    %add3A_28 = vector.broadcast %get3A_27 : vector<1x128xf32> to vector<2000x128xf32>
    %add3A_29 = arith.addf %dot_general3A_24, %add3A_28 : vector<2000x128xf32>
    %swap3A = arith.constant 0 : index
    %swap3A_30 = arith.constant 0 : index
    %swap3A_31 = vector.load %arg6[%swap3A, %swap3A_30] : memref<2000x128xf32, #tpu.memory_space<vmem>>, vector<2000x128xf32>
    tpu.vector_store %arg6[%swap3A, %swap3A_30], %add3A_29 {strides = array<i32>} : memref<2000x128xf32, #tpu.memory_space<vmem>>, vector<2000x128xf32>,
    return
  }
  func.func @transform_0(%arg0: i32) -> (i32, i32, i32) {
    %c0_i32 = arith.constant 0 : i32
    %c0_i32_0 = arith.constant 0 : i32
    %c0_i32_1 = arith.constant 0 : i32
    return %c0_i32, %arg0, %c0_i32_0 : i32, i32, i32
  }
  func.func @transform_1(%arg0: i32) -> (i32, i32) {
    %c0_i32 = arith.constant 0 : i32
    %c0_i32_0 = arith.constant 0 : i32
    %c0_i32_1 = arith.constant 0 : i32
    return %c0_i32, %c0_i32_0 : i32, i32
  }
  func.func @transform_2(%arg0: i32) -> (i32, i32) {
    %c0_i32 = arith.constant 0 : i32
    %c0_i32_0 = arith.constant 0 : i32
    %c0_i32_1 = arith.constant 0 : i32
    return %c0_i32, %c0_i32_0 : i32, i32
  }
  func.func @transform_3(%arg0: i32) -> (i32, i32) {
    %c0_i32 = arith.constant 0 : i32
    %c0_i32_0 = arith.constant 0 : i32
    %c0_i32_1 = arith.constant 0 : i32
    return %c0_i32, %c0_i32_0 : i32, i32
  }
  func.func @transform_4(%arg0: i32) -> (i32, i32) {
    %c0_i32 = arith.constant 0 : i32
    %c0_i32_0 = arith.constant 0 : i32
    %c0_i32_1 = arith.constant 0 : i32
    return %c0_i32, %c0_i32_0 : i32, i32
  }
  func.func @transform_5(%arg0: i32) -> (i32, i32) {
    %c0_i32 = arith.constant 0 : i32
    %c0_i32_0 = arith.constant 0 : i32
    return %arg0, %c0_i32 : i32, i32
  }
}

module attributes {stable_mosaic.version = 14 : i64} {
  func.func @body(%arg0: i32, %arg1: memref<2x2000x128xf32, #tpu.memory_space<vmem>>, %arg2: memref<1x1x2000xi32, #tpu.memory_space<vmem>>, %arg3: memref<128x128xf32, #tpu.memory_space<vmem>>, %arg4: memref<1x128xf32, #tpu.memory_space<vmem>>, %arg5: memref<128x128xf32, #tpu.memory_space<vmem>>, %arg6: memref<1x128xf32, #tpu.memory_space<vmem>>, %arg7: memref<128x128xf32, #tpu.memory_space<vmem>>, %arg8: memref<1x128xf32, #tpu.memory_space<vmem>>, %arg9: memref<128x10xf32, #tpu.memory_space<vmem>>, %arg10: memref<1x10xf32, #tpu.memory_space<vmem>>, %arg11: memref<64x10xf32, #tpu.memory_space<vmem>>, %arg12: memref<64x128xf32, #tpu.memory_space<vmem>>) attributes {dimension_semantics = [#tpu.dimension_semantics<arbitrary>], iteration_bounds = array<i64: 5>, scalar_prefetch = 0 : i64, scratch_operands = 1 : i64, tpu.core_type = #tpu.core_type<tc>, window_params = [{transform_indices = @transform_0, window_bounds = array<i64: 2, 2000, 128>}, {transform_indices = @transform_1, window_bounds = array<i64: 1, 1, 2000>}, {pipeline_mode = #tpu.pipeline_mode<synchronous>, transform_indices = @transform_2, window_bounds = array<i64: 128, 128>}, {pipeline_mode = #tpu.pipeline_mode<synchronous>, transform_indices = @transform_3, window_bounds = array<i64: 1, 128>}, {pipeline_mode = #tpu.pipeline_mode<synchronous>, transform_indices = @transform_4, window_bounds = array<i64: 128, 128>}, {pipeline_mode = #tpu.pipeline_mode<synchronous>, transform_indices = @transform_5, window_bounds = array<i64: 1, 128>}, {pipeline_mode = #tpu.pipeline_mode<synchronous>, transform_indices = @transform_6, window_bounds = array<i64: 128, 128>}, {pipeline_mode = #tpu.pipeline_mode<synchronous>, transform_indices = @transform_7, window_bounds = array<i64: 1, 128>}, {pipeline_mode = #tpu.pipeline_mode<synchronous>, transform_indices = @transform_8, window_bounds = array<i64: 128, 10>}, {pipeline_mode = #tpu.pipeline_mode<synchronous>, transform_indices = @transform_9, window_bounds = array<i64: 1, 10>}, {pipeline_mode = #tpu.pipeline_mode<synchronous>, transform_indices = @transform_10, window_bounds = array<i64: 64, 10>}]} {
    %eq3A = arith.constant 0 : i32
    %eq3A_0 = arith.cmpi eq, %arg0, %eq3A : i32
    %convert_element_type3A = arith.extui %eq3A_0 : i1 to i32
    %cond3A = arith.constant 0 : i32
    %cond3A_1 = arith.cmpi ne, %convert_element_type3A, %cond3A : i32
    scf.if %cond3A_1 {
      %broadcast_in_dim3A_54 = arith.constant 0.000000e+00 : f32
      %broadcast_in_dim3A_55 = vector.broadcast %broadcast_in_dim3A_54 : f32 to vector<64x128xf32>
      %swap3A_56 = arith.constant 0 : index
      %swap3A_57 = arith.constant 0 : index
      %swap3A_58 = vector.load %arg12[%swap3A_56, %swap3A_57] : memref<64x128xf32, #tpu.memory_space<vmem>>, vector<64x128xf32>
      tpu.vector_store %arg12[%swap3A_56, %swap3A_57], %broadcast_in_dim3A_55 {strides = array<i32>} : memref<64x128xf32, #tpu.memory_space<vmem>>, vector<64x128xf32>,
    } else {
    }
    %get3A = arith.constant 0 : index
    %get3A_2 = arith.constant 0 : index
    %get3A_3 = arith.constant 0 : index
    %get3A_4 = vector.load %arg1[%get3A, %get3A_2, %get3A_3] : memref<2x2000x128xf32, #tpu.memory_space<vmem>>, vector<1x2000x128xf32>
    %get3A_5 = vector.shape_cast %get3A_4 : vector<1x2000x128xf32> to vector<2000x128xf32>
    %get3A_6 = arith.constant 1 : index
    %get3A_7 = arith.constant 0 : index
    %get3A_8 = arith.constant 0 : index
    %get3A_9 = vector.load %arg1[%get3A_6, %get3A_7, %get3A_8] : memref<2x2000x128xf32, #tpu.memory_space<vmem>>, vector<1x2000x128xf32>
    %get3A_10 = vector.shape_cast %get3A_9 : vector<1x2000x128xf32> to vector<2000x128xf32>
    %add3A = arith.addf %get3A_5, %get3A_10 : vector<2000x128xf32>
    %get3A_11 = arith.constant 0 : index
    %get3A_12 = arith.constant 0 : index
    %get3A_13 = vector.load %arg3[%get3A_11, %get3A_12] : memref<128x128xf32, #tpu.memory_space<vmem>>, vector<128x128xf32>
    %dot_general3A = arith.constant dense<0.000000e+00> : vector<2000x128xf32>
    %dot_general3A_14 = tpu.matmul %add3A, %get3A_13, %dot_general3A {dimension_numbers = #tpu.dot_dimension_numbers<[1], [0], [0], [1], [0, 0, 1, 1], [], []>, transpose_lhs_hint = false} : vector<2000x128xf32>, vector<128x128xf32>, vector<2000x128xf32> -> vector<2000x128xf32>
    %get3A_15 = arith.constant 0 : index
    %get3A_16 = arith.constant 0 : index
    %get3A_17 = vector.load %arg4[%get3A_15, %get3A_16] : memref<1x128xf32, #tpu.memory_space<vmem>>, vector<1x128xf32>
    %add3A_18 = vector.broadcast %get3A_17 : vector<1x128xf32> to vector<2000x128xf32>
    %add3A_19 = arith.addf %dot_general3A_14, %add3A_18 : vector<2000x128xf32>
    %max3A = arith.constant 0.000000e+00 : f32
    %max3A_20 = vector.broadcast %max3A : f32 to vector<2000x128xf32>
    %max3A_21 = arith.maximumf %add3A_19, %max3A_20 : vector<2000x128xf32>
    %get3A_22 = arith.constant 0 : index
    %get3A_23 = arith.constant 0 : index
    %get3A_24 = vector.load %arg5[%get3A_22, %get3A_23] : memref<128x128xf32, #tpu.memory_space<vmem>>, vector<128x128xf32>
    %dot_general3A_25 = arith.constant dense<0.000000e+00> : vector<2000x128xf32>
    %dot_general3A_26 = tpu.matmul %max3A_21, %get3A_24, %dot_general3A_25 {dimension_numbers = #tpu.dot_dimension_numbers<[1], [0], [0], [1], [0, 0, 1, 1], [], []>, transpose_lhs_hint = false} : vector<2000x128xf32>, vector<128x128xf32>, vector<2000x128xf32> -> vector<2000x128xf32>
    %get3A_27 = arith.constant 0 : index
    %get3A_28 = arith.constant 0 : index
    %get3A_29 = vector.load %arg6[%get3A_27, %get3A_28] : memref<1x128xf32, #tpu.memory_space<vmem>>, vector<1x128xf32>
    %add3A_30 = vector.broadcast %get3A_29 : vector<1x128xf32> to vector<2000x128xf32>
    %add3A_31 = arith.addf %dot_general3A_26, %add3A_30 : vector<2000x128xf32>
    %get3A_32 = arith.constant 0 : index
    %get3A_33 = arith.constant 0 : index
    %get3A_34 = arith.constant 0 : index
    %get3A_35 = vector.load %arg2[%get3A_32, %get3A_33, %get3A_34] : memref<1x1x2000xi32, #tpu.memory_space<vmem>>, vector<1x1x2000xi32>
    %get3A_36 = vector.shape_cast %get3A_35 : vector<1x1x2000xi32> to vector<2000xi32>
    %broadcast_in_dim3A = vector.shape_cast %get3A_36 : vector<2000xi32> to vector<2000x1xi32>
    %iota3A = tpu.iota {dimensions = array<i32: 1>} : vector<2000x64xi32>
    %eq3A_37 = vector.broadcast %broadcast_in_dim3A : vector<2000x1xi32> to vector<2000x64xi32>
    %eq3A_38 = arith.cmpi eq, %eq3A_37, %iota3A : vector<2000x64xi32>
    %convert_element_type3A_39 = arith.extui %eq3A_38 : vector<2000x64xi1> to vector<2000x64xi32>
    %convert_element_type3A_40 = arith.sitofp %convert_element_type3A_39 : vector<2000x64xi32> to vector<2000x64xf32>
    %get3A_41 = arith.constant 0 : index
    %get3A_42 = arith.constant 0 : index
    %get3A_43 = vector.load %arg12[%get3A_41, %get3A_42] : memref<64x128xf32, #tpu.memory_space<vmem>>, vector<64x128xf32>
    %dot_general3A_44 = arith.constant dense<0.000000e+00> : vector<64x128xf32>
    %dot_general3A_45 = tpu.matmul %convert_element_type3A_40, %add3A_31, %dot_general3A_44 {dimension_numbers = #tpu.dot_dimension_numbers<[0], [0], [1], [1], [0, 1, 1, 1], [], []>, transpose_lhs_hint = false} : vector<2000x64xf32>, vector<2000x128xf32>, vector<64x128xf32> -> vector<64x128xf32>
    %add3A_46 = arith.addf %get3A_43, %dot_general3A_45 : vector<64x128xf32>
    %swap3A = arith.constant 0 : index
    %swap3A_47 = arith.constant 0 : index
    %swap3A_48 = vector.load %arg12[%swap3A, %swap3A_47] : memref<64x128xf32, #tpu.memory_space<vmem>>, vector<64x128xf32>
    tpu.vector_store %arg12[%swap3A, %swap3A_47], %add3A_46 {strides = array<i32>} : memref<64x128xf32, #tpu.memory_space<vmem>>, vector<64x128xf32>,
    %eq3A_49 = arith.constant 4 : i32
    %eq3A_50 = arith.cmpi eq, %arg0, %eq3A_49 : i32
    %convert_element_type3A_51 = arith.extui %eq3A_50 : i1 to i32
    %cond3A_52 = arith.constant 0 : i32
    %cond3A_53 = arith.cmpi ne, %convert_element_type3A_51, %cond3A_52 : i32
    scf.if %cond3A_53 {
      %get3A_54 = arith.constant 0 : index
      %get3A_55 = arith.constant 0 : index
      %get3A_56 = vector.load %arg12[%get3A_54, %get3A_55] : memref<64x128xf32, #tpu.memory_space<vmem>>, vector<64x128xf32>
      %get3A_57 = arith.constant 0 : index
      %get3A_58 = arith.constant 0 : index
      %get3A_59 = vector.load %arg7[%get3A_57, %get3A_58] : memref<128x128xf32, #tpu.memory_space<vmem>>, vector<128x128xf32>
      %dot_general3A_60 = arith.constant dense<0.000000e+00> : vector<64x128xf32>
      %dot_general3A_61 = tpu.matmul %get3A_56, %get3A_59, %dot_general3A_60 {dimension_numbers = #tpu.dot_dimension_numbers<[1], [0], [0], [1], [0, 0, 1, 1], [], []>, transpose_lhs_hint = false} : vector<64x128xf32>, vector<128x128xf32>, vector<64x128xf32> -> vector<64x128xf32>
      %get3A_62 = arith.constant 0 : index
      %get3A_63 = arith.constant 0 : index
      %get3A_64 = vector.load %arg8[%get3A_62, %get3A_63] : memref<1x128xf32, #tpu.memory_space<vmem>>, vector<1x128xf32>
      %add3A_65 = vector.broadcast %get3A_64 : vector<1x128xf32> to vector<64x128xf32>
      %add3A_66 = arith.addf %dot_general3A_61, %add3A_65 : vector<64x128xf32>
      %max3A_67 = arith.constant 0.000000e+00 : f32
      %max3A_68 = vector.broadcast %max3A_67 : f32 to vector<64x128xf32>
      %max3A_69 = arith.maximumf %add3A_66, %max3A_68 : vector<64x128xf32>
      %get3A_70 = arith.constant 0 : index
      %get3A_71 = arith.constant 0 : index
      %get3A_72 = vector.load %arg9[%get3A_70, %get3A_71] : memref<128x10xf32, #tpu.memory_space<vmem>>, vector<128x10xf32>
      %dot_general3A_73 = arith.constant dense<0.000000e+00> : vector<64x10xf32>
      %dot_general3A_74 = tpu.matmul %max3A_69, %get3A_72, %dot_general3A_73 {dimension_numbers = #tpu.dot_dimension_numbers<[1], [0], [0], [1], [0, 0, 1, 1], [], []>, transpose_lhs_hint = false} : vector<64x128xf32>, vector<128x10xf32>, vector<64x10xf32> -> vector<64x10xf32>
      %get3A_75 = arith.constant 0 : index
      %get3A_76 = arith.constant 0 : index
      %get3A_77 = vector.load %arg10[%get3A_75, %get3A_76] : memref<1x10xf32, #tpu.memory_space<vmem>>, vector<1x10xf32>
      %add3A_78 = vector.broadcast %get3A_77 : vector<1x10xf32> to vector<64x10xf32>
      %add3A_79 = arith.addf %dot_general3A_74, %add3A_78 : vector<64x10xf32>
      %swap3A_80 = arith.constant 0 : index
      %swap3A_81 = arith.constant 0 : index
      %swap3A_82 = vector.load %arg11[%swap3A_80, %swap3A_81] : memref<64x10xf32, #tpu.memory_space<vmem>>, vector<64x10xf32>
      tpu.vector_store %arg11[%swap3A_80, %swap3A_81], %add3A_79 {strides = array<i32>} : memref<64x10xf32, #tpu.memory_space<vmem>>, vector<64x10xf32>,
    } else {
    }
    return
  }
  func.func @transform_0(%arg0: i32) -> (i32, i32, i32) {
    %c0_i32 = arith.constant 0 : i32
    %c0_i32_0 = arith.constant 0 : i32
    %c0_i32_1 = arith.constant 0 : i32
    return %c0_i32, %arg0, %c0_i32_0 : i32, i32, i32
  }
  func.func @transform_1(%arg0: i32) -> (i32, i32, i32) {
    %c0_i32 = arith.constant 0 : i32
    %c0_i32_0 = arith.constant 0 : i32
    %c0_i32_1 = arith.constant 0 : i32
    return %arg0, %c0_i32, %c0_i32_0 : i32, i32, i32
  }
  func.func @transform_2(%arg0: i32) -> (i32, i32) {
    %c0_i32 = arith.constant 0 : i32
    %c0_i32_0 = arith.constant 0 : i32
    %c0_i32_1 = arith.constant 0 : i32
    return %c0_i32, %c0_i32_0 : i32, i32
  }
  func.func @transform_3(%arg0: i32) -> (i32, i32) {
    %c0_i32 = arith.constant 0 : i32
    %c0_i32_0 = arith.constant 0 : i32
    %c0_i32_1 = arith.constant 0 : i32
    return %c0_i32, %c0_i32_0 : i32, i32
  }
  func.func @transform_4(%arg0: i32) -> (i32, i32) {
    %c0_i32 = arith.constant 0 : i32
    %c0_i32_0 = arith.constant 0 : i32
    %c0_i32_1 = arith.constant 0 : i32
    return %c0_i32, %c0_i32_0 : i32, i32
  }
  func.func @transform_5(%arg0: i32) -> (i32, i32) {
    %c0_i32 = arith.constant 0 : i32
    %c0_i32_0 = arith.constant 0 : i32
    %c0_i32_1 = arith.constant 0 : i32
    return %c0_i32, %c0_i32_0 : i32, i32
  }
  func.func @transform_6(%arg0: i32) -> (i32, i32) {
    %c0_i32 = arith.constant 0 : i32
    %c0_i32_0 = arith.constant 0 : i32
    %c0_i32_1 = arith.constant 0 : i32
    return %c0_i32, %c0_i32_0 : i32, i32
  }
  func.func @transform_7(%arg0: i32) -> (i32, i32) {
    %c0_i32 = arith.constant 0 : i32
    %c0_i32_0 = arith.constant 0 : i32
    %c0_i32_1 = arith.constant 0 : i32
    return %c0_i32, %c0_i32_0 : i32, i32
  }
  func.func @transform_8(%arg0: i32) -> (i32, i32) {
    %c0_i32 = arith.constant 0 : i32
    %c0_i32_0 = arith.constant 0 : i32
    %c0_i32_1 = arith.constant 0 : i32
    return %c0_i32, %c0_i32_0 : i32, i32
  }
  func.func @transform_9(%arg0: i32) -> (i32, i32) {
    %c0_i32 = arith.constant 0 : i32
    %c0_i32_0 = arith.constant 0 : i32
    %c0_i32_1 = arith.constant 0 : i32
    return %c0_i32, %c0_i32_0 : i32, i32
  }
  func.func @transform_10(%arg0: i32) -> (i32, i32) {
    %c0_i32 = arith.constant 0 : i32
    %c0_i32_0 = arith.constant 0 : i32
    %c0_i32_1 = arith.constant 0 : i32
    return %c0_i32, %c0_i32_0 : i32, i32
  }
}

</mosaic_0001>

<sc_bundles>
// kernel: kernel.11.cloned.1.call-start
scs
__scs_entry_jumppad:
0x0: {  	(pc) =	sbr.rel $0x88, $3  }
0x1: {  	(tag) =	ssettag $0x0;
	lr =	simm.s32 $0x1  }
0x2: {  	[smem:$0x3F8E] =	sst lr;
	_ =	strace $0xD0000000  }
0x3: {  	_ = 	snop  }
0x4: {  	_ = 	snop  }
0x5: {  	_ = 	snop  }
0x6: {  	_ = 	snop  }
0x7: {  	_ = 	snop  }
__scs_overlays_trampoline_lowered:
0x8: {  	[smem:$0x3F9D] =	sst s0  }
0x9: {  	[smem:$0x3F9E] =	sst s1  }
0xa: {  	[smem:$0x3F9F] =	sst s2  }
0xb: {  	[smem:$0x3FA0] =	sst s3  }
0xc: {  	[smem:$0x3FA1] =	sst s4  }
0xd: {  	[smem:$0x3FA2] =	sst s5  }
0xe: {  	[smem:$0x3FA3] =	sst s6  }
0xf: {  	[smem:$0x3FA4] =	sst s7  }
0x10: {  	[smem:$0x3FA5] =	sst s8  }
0x11: {  	[smem:$0x3FA6] =	sst s9;
	s0 =	simm.s32 @!p0 $0x0  }
0x12: {  	s1 =	sld [smem:$0x3F8C];
	s0 =	simm.s32 @p0 $0x1  }
0x13: {  	[smem:$0x3FA7] =	sst s0;
	s0 =	simm.s32 @!p1 $0x0  }
0x14: {  	s2 =	sld [smem:$0x3F8B];
	s0 =	simm.s32 @p1 $0x1  }
0x15: {  	[smem:$0x3FA8] =	sst s0;
	s0 =	simm.s32 @!p2 $0x0  }
0x16: {  	s3 =	sld [smem:$0x3FDB];
	s0 =	simm.s32 @p2 $0x1  }
0x17: {  	s4 =	simm.s32 $0x1BF5;
	[smem:$0x3FAA] =	sst s0  }
0x18: {  	s0 =	sld [smem:$0x3F8D];
	_ =	swait.ge [sflag:s4], $0x0  }
0x19: {  	s7 =	sld [smem:$0x3F8E]  }
0x1a: {  	s8 =	sadd.s32 $0xFFFFE003, lr  }
0x1b: {  	s9 =	sadd.s32 $0xFFFFFEF7, lr;
	s5 =	simm.s32 $0xFFFFFFFF;
	p2 =	slt.u32 s8, $0xFFFFF086  }
0x1c: {  	p1 =	slt.u32 s9, $0xF7A;
	s5 =	simm.s32 @!p2 $0x0  }
0x1d: {  	s5 =	simm.s32 @p1 $0x1;
	p0 =	seq.s32 s7, s2  }
0x1e: {  	s7 =	smul.u32 @!p0 $0xF7A, s2;
	p2 =	seq.s32 @!p0 s5, $0x0  }
0x1f: {  	s9 =	smul.u32 $0xF7A, s1;
	s8 =	simm.s32 @!p0 $0x1BF5;
	p2 =	por !p2, p0  }
0x20: {  	[sflag:s8] =	ssyncset.s32 @!p0 $0xFFFFF086;
	s6 =	sadd.s32 @!p0 s3, s7;
	s7 =	simm.s32 @!p0 $0x108  }
0x21: {  	s3 =	sadd.s32 s3, s9;
	s6 =	sadd.s32 @!p0 $0x88, s6;
	s7 =	simm.s32 @p2 $0x1082  }
0x22: {  	[simem:s7], [sflag:s8] =	dma.local @!p0 [hbm:s6], $0xF7A  }
0x23: {  	s9 =	sor.u32 $0xD0000000, s2;
	s6 =	simm.s32 $0x108;
	_ =	swait.ge @!p0 [sflag:s8], $0x0  }
0x24: {  	s3 =	sadd.s32 $0x88, s3;
	s6 =	simm.s32 @!p1 $0x1082;
	[sflag:s4] =	ssyncset.s32 $0xFFFFF086  }
0x25: {  	[simem:s6], [sflag:s4] =	dma.local [hbm:s3], $0xF7A  }
0x26: {  	[smem:$0x3F8E] =	sst s1;
	(tag) =	ssettag s2;
	_ =	strace s9  }
0x27: {  	s1 =	sld [smem:$0x3F9E]  }
0x28: {  	s2 =	sld [smem:$0x3F9F]  }
0x29: {  	s4 =	sld [smem:$0x3FA1]  }
0x2a: {  	p0 =	seq.s32 s5, $0x0;
	s5 =	sld [smem:$0x3FA2]  }
0x2b: {  	s6 =	sld [smem:$0x3FA3]  }
0x2c: {  	s7 =	sld [smem:$0x3FA4]  }
0x2d: {  	s3 =	simm.s32 $0x108;
	s8 =	sld [smem:$0x3FA5]  }
0x2e: {  	s3 =	simm.s32 @!p0 $0x1082;
	s9 =	sld [smem:$0x3FA6]  }
0x2f: {  	lr =	sadd.s32 s0, s3;
	s0 =	sld [smem:$0x3F9D]  }
0x30: {  	s3 =	sld [smem:$0x3FA0]  }
0x31: {  	[smem:$0x3FA9] =	sst s10  }
0x32: {  	s10 =	sld [smem:$0x3FA7];
	_ =	sdelay $0x3  }
0x33: {  	p0 =	seq.s32 s10, $0x1;
	s10 =	sld [smem:$0x3FA9];
	_ =	sdelay $0x3  }
0x34: {  	[smem:$0x3FA9] =	sst s10  }
0x35: {  	s10 =	sld [smem:$0x3FA8];
	_ =	sdelay $0x3  }
0x36: {  	p1 =	seq.s32 s10, $0x1;
	s10 =	sld [smem:$0x3FA9];
	_ =	sdelay $0x3  }
0x37: {  	[smem:$0x3FA9] =	sst s10  }
0x38: {  	s10 =	sld [smem:$0x3FAA]  }
0x39: {  	_ = 	snop;
	(pc) =	sbr.ind lr, $3  }
0x3a: {  	_ = 	snop  }
0x3b: {  	_ = 	snop  }
0x3c: {  	p2 =	seq.s32 s10, $0x1;
	s10 =	sld [smem:$0x3FA9]  }
0x3d: {  	_ =	shalt  }
0x3e: {  	_ =	shalt  }
0x3f: {  	_ =	shalt  }
0x40: {  	_ =	shalt  }
0x41: {  	_ =	shalt  }
0x42: {  	_ =	shalt  }
0x43: {  	_ =	shalt  }
0x44: {  	_ =	shalt  }
0x45: {  	_ =	shalt  }
0x46: {  	_ =	shalt  }
0x47: {  	_ =	shalt  }
0x48: {  	_ =	shalt  }
0x49: {  	_ =	shalt  }
0x4a: {  	_ =	shalt  }
0x4b: {  	_ =	shalt  }
0x4c: {  	_ =	shalt  }
0x4d: {  	_ =	shalt  }
0x4e: {  	_ =	shalt  }
0x4f: {  	_ =	shalt  }
0x50: {  	_ =	shalt  }
0x51: {  	_ =	shalt  }
0x52: {  	_ =	shalt  }
0x53: {  	_ =	shalt  }
0x54: {  	_ =	shalt  }
0x55: {  	_ =	shalt  }
0x56: {  	_ =	shalt  }
0x57: {  	_ =	shalt  }
0x58: {  	_ =	shalt  }
0x59: {  	_ =	shalt  }
0x5a: {  	_ =	shalt  }
0x5b: {  	_ =	shalt  }
0x5c: {  	_ =	shalt  }
0x5d: {  	_ =	shalt  }
0x5e: {  	_ =	shalt  }
0x5f: {  	_ =	shalt  }
0x60: {  	_ =	shalt  }
0x61: {  	_ =	shalt  }
0x62: {  	_ =	shalt  }
0x63: {  	_ =	shalt  }
0x64: {  	_ =	shalt  }
0x65: {  	_ =	shalt  }
0x66: {  	_ =	shalt  }
0x67: {  	_ =	shalt  }
0x68: {  	_ =	shalt  }
0x69: {  	_ =	shalt  }
0x6a: {  	_ =	shalt  }
0x6b: {  	_ =	shalt  }
0x6c: {  	_ =	shalt  }
0x6d: {  	_ =	shalt  }
0x6e: {  	_ =	shalt  }
0x6f: {  	_ =	shalt  }
0x70: {  	_ =	shalt  }
0x71: {  	_ =	shalt  }
0x72: {  	_ =	shalt  }
0x73: {  	_ =	shalt  }
0x74: {  	_ =	shalt  }
0x75: {  	_ =	shalt  }
0x76: {  	_ =	shalt  }
0x77: {  	_ =	shalt  }
0x78: {  	_ =	shalt  }
0x79: {  	_ =	shalt  }
0x7a: {  	_ =	shalt  }
0x7b: {  	_ =	shalt  }
0x7c: {  	_ =	shalt  }
0x7d: {  	_ =	shalt  }
0x7e: {  	_ =	shalt  }
0x7f: {  	_ =	shalt  }
0x80: {  	_ =	shalt  }
0x81: {  	_ =	shalt  }
0x82: {  	_ =	shalt  }
0x83: {  	_ =	shalt  }
0x84: {  	_ =	shalt  }
0x85: {  	_ =	shalt  }
0x86: {  	_ =	shalt  }
0x87: {  	_ =	shalt  }
.Lfunc_end0:
.L_simem_size_0:
called_computation.1_lowered:
.L_overlay_start_0:
0x88: {  	s2 =	sld [smem:$0x3FD9]  }
0x89: {  	s3 =	sld [smem:$0x3FFE];
	_ =	sdelay $0x1  }
0x8a: {  	s1 =	srdreg.scid  }
0x8b: {  	s0 =	sand.u32 $0x1, s1  }
0x8c: {  	s16 =	sshll.u32 s0, $0xA;
	s2 =	sadd.s32 s3, s2  }
0x8d: {  	s2 =	sadd.s32 s2, s16  }
0x8e: {  	[smem:$0x3FB5] =	sst s2  }
0x8f: {  	_ = 	snop  }
0x90: {  	(tm) =	ssettm $0x1  }
0x91: {  	s17 =	sld [smem:$0x3FFB];
	_ =	sdelay $0x3  }
0x92: {  	_ =	strace s17  }
0x93: {  	s2 =	sld [smem:$0x3FFC];
	_ =	sdelay $0x3  }
0x94: {  	_ =	strace s2  }
0x95: {  	s2 =	sld [smem:$0x3FFD];
	_ =	sdelay $0x3  }
0x96: {  	_ =	strace s2  }
0x97: {  	_ =	strace $0x8FFFFFFF  }
0x98: {  	s18 =	sld [smem:$0x3FDB];
	_ =	sdelay $0x1  }
0x99: {  	s19 =	simm.s32 $_scs_section_size  }
0x9a: {  	s4 =	simm.s32 $_size__tile_overlayer_lowered;
	s5 =	simm.s32 $_tile_overlayer_lowered  }
0x9b: {  	s22 =	simm.s32 $0x1BFF;
	s21 =	sshll.u32 s5, $0x1;
	s2 =	sadd.s32 s19, s18  }
0x9c: {  	s6 =	simm.s32 $0x0;
	s20 =	sshll.u32 s4, $0x1;
	s4 =	sadd.s32 s21, s2  }
0x9d: {  	[timem:s6], [sflag:s22] =	dma.local [hbm:s4], s20  }
0x9e: {  	_ =	swait.ge [sflag:s22], s20  }
0x9f: {  	s3 =	ssub.s32 $0x0, s20;
	[sflag:s22] =	ssyncset.done $0x0  }
0xa0: {  	[sflag:s22] =	ssyncadd.s32 s3;
	_ =	sdelay $0x1  }
0xa1: {  	s23 =	simm.s32 $0x1B8B  }
0xa2: {  	_ =	swait.ge [sflag:s23], $0x1  }
0xa3: {  	[sflag:s23] =	ssyncset.done $0x0  }
0xa4: {  	s25 =	simm.s32 $0x1B8E;
	s24 =	sld [smem:$0x3FFE];
	[sflag:s23] =	ssyncadd.s32 $0xFFFFFFFF  }
0xa5: {  	s26 =	simm.s32 $execute0_lowered;
	[smem:$0x3FD2] =	sst s25  }
0xa6: {  	s4 =	sshll.u32 s26, $0x1;
	_ =	strace $0x80000049;
	[dreg:$0x1] =	wrdreg $0xFFFFFFFF  }
0xa7: {  	s28 =	simm.s32 $_size_execute0_lowered;
	s2 =	sadd.s32 s2, s4;
	[dreg:$0x0] =	wrdreg $0x0  }
0xa8: {  	s4 =	sshll.u32 s28, $0x1;
	[dreg:$0x2] =	wrdreg s2  }
0xa9: {  	[dreg:$0x3] =	wrdreg s4  }
0xaa: {  	[dreg:$0x4] =	wrdreg $0xC0  }
0xab: {  	_ =	task [dreg:s6], $0x5FFFF  }
0xac: {  	[dreg:$0x1] =	wrdreg $0xFFFFFFFF  }
0xad: {  	[dreg:$0x0] =	wrdreg $0x60  }
0xae: {  	[dreg:$0x2] =	wrdreg s24  }
0xaf: {  	[dreg:$0x3] =	wrdreg $0x90000  }
0xb0: {  	[dreg:$0x4] =	wrdreg $0x9  }
0xb1: {  	_ =	task.clear_ibuf [dreg:s6], $0x5FFFF;
	_ =	strace $0x90000049  }
0xb2: {  	s29 =	simm.s32 $0x9;
	_ =	strace $0x8000004B  }
0xb3: {  	_ =	swait.ge [sflag:s29], $0x1  }
0xb4: {  	[sflag:s29] =	ssyncadd.s32 $0xFFFFFFFF  }
0xb5: {  	_ =	strace $0x9000004B  }
0xb6: {  	_ =	sfence  }
0xb7: {  	s30 =	sld [smem:$0x0];
	_ =	sdelay $0x2  }
0xb8: {  	s31 =	sshll.u32 s1, $0xD;
	s1 =	sshrl.u32 s1, $0x2  }
0xb9: {  	s3 =	sand.u32 $0x4000, s31;
	s1 =	sadd.s32 s1, s30  }
0xba: {  	s0 =	sor.u32 s3, s0;
	s1 =	sshll.u32 s1, $0x11  }
0xbb: {  	s0 =	sor.u32 s1, s0  }
0xbc: {  	s0 =	sadd.s32 $0x8F2B, s0  }
0xbd: {  	[sflag:s0] =	ssyncadd.remote.s32 $0x1  }
0xbe: {  	_ =	sfence.sel $0xFFFF  }
0xbf: {  	[dreg:$0x0] =	wrdreg $0xFFFFFFFF;
	(pc) =	sbr.abs _section_cstart, $3  }
0xc0: {  	[dreg:$0x1] =	wrdreg $0xFFFFFFFF  }
0xc1: {  	_ =	task.clear_ibuf [dreg:s6], $0x2FFFF;
	_ =	strace $0x9FFFFFFF  }
0xc2: {  	(tm) =	ssettm $0x7FFFFFFF  }
0xc3: {  	_ =	shalt  }
tec
execute0_lowered:
.L_overlay_start_1:
0x0: {  	(tag) =	ssettag $0x1  }
0x1: {  	s0 =	rddreg [dreg:$0x0]  }
0x2: {  	s1 =	rddreg [dreg:$0x1];
	s2 =	simm.s32 $0x0  }
0x3: {  	s3 =	srdreg.scid;
	s12 =	stileid.u32;
	s9 =	simm.s32 $0x2800  }
0x4: {  	s22 =	simm.s32 $0x400;
	s28 =	simm.s32 $0x1000;
	s8 =	smul.u32 $0x13C00, s12  }
0x5: {  	s29 =	simm.s32 $0x5000;
	s30 =	simm.s32 $0x1;
	s10 =	smul.u32 $0x5000, s12  }
0x6: {  	[smem:$0x7FF] =	sst s2;
	s3 =	sand.u32 $0x1, s3;
	s31 =	smul.u32 $0x4E000, s12  }
0x7: {  	s4 =	sadd.s32 $0x3E200, s0;
	s5 =	sadd.s32 $0x3000, s0;
	s17 =	smul.u32 $0x2700, s12  }
0x8: {  	s6 =	sadd.s32 $0xD000, s0;
	s13 =	sadd.s32 $0x17000, s0;
	s19 =	smul.u32 $0x4F000, s12  }
0x9: {  	s21 =	sadd.s32 $0x138000, s1;
	p2 =	seq.s32 s12, $0x0;
	p1 =	sne.s32 s12, $0x0  }
0xa: {  	s12 =	simm.s32 $0xF80;
	s7 =	smul.u32 $0x13C000, s3;
	_ =	strace $0x8000004A  }
0xb: {  	s24 =	ssub.s32 $0x2, s3;
	p0 =	seq.s32 s3, $0x0;
	[dreg:$0x3] =	wrdreg s13  }
0xc: {  	s11 =	sshrl.u32 s24, $0x1;
	s9 =	simm.s32 @!p0 $0x0;
	s16 =	sshrl.u32 s31, $0x2  }
0xd: {  	s20 =	sadd.s32 s13, s17;
	s23 =	sshrl.u32 s19, $0x2;
	p0 =	sne.s32 s3, $0x0  }
0xe: {  	s31 =	sshrl.u32 s21, $0x3;
	s13 =	simm.s32 $0x600;
	s3 =	simm.s32 $0x680  }
0xf: {  	s19 =	simm.s32 $0x0;
	s7 =	sadd.s32 s8, s7;
	s25 =	ssub.s32 s24, s11  }
0x10: {  	s26 =	sadd.s32 s10, s9;
	s18 =	sadd.s32 s16, s1;
	[dreg:$0x9] =	wrdreg s20  }
0x11: {  	s11 =	sadd.s32 s4, s17;
	s20 =	simm.s32 $0x5;
	[dreg:$0xe] =	wrdreg s31  }
0x12: {  	s8 =	simm.s32 $0xE00;
	s7 =	sshrl.u32 s7, $0x3;
	[dreg:$0x8] =	wrdreg s18  }
0x13: {  	s9 =	sshrl.u32 s26, $0x3;
	s10 =	sor.u32 $0x400, s26;
	[dreg:$0xa] =	wrdreg s11  }
0x14: {  	s24 =	sadd.s32 $0xC00, s26;
	s26 =	sadd.s32 $0x800, s26;
	s11 =	simm.s32 $0x780  }
0x15: {  	s0 =	sadd.s32 s7, s0;
	s14 =	sadd.s32 s5, s9;
	s9 =	sadd.s32 s6, s9  }
0x16: {  	s15 =	sshrl.u32 s10, $0x3;
	s7 =	smax.u32 s25, $0x1;
	[dreg:$0xd] =	wrdreg s26  }
0x17: {  	s25 =	sshrl.u32 s24, $0x3;
	s26 =	simm.s32 $0x80;
	[dreg:$0x4] =	wrdreg s14  }
0x18: {  	[dreg:$0x5] =	wrdreg s9;
	s10 =	sadd.s32 s5, s15;
	s9 =	sadd.s32 s6, s15  }
0x19: {  	s0 =	sadd.s32 $0x65400, s0;
	[dreg:$0xc] =	wrdreg s7;
	s17 =	sadd.s32 s25, s6  }
.Ltmp0:
0x1a: {  	s18 =	sadd.s32 s25, s5;
	[dreg:$0x6] =	wrdreg s10;
	(pc) =	sbr.rel .LBB2_1-.Ltmp0, $4  }
0x1b: {  	s15 =	simm.s32 $0x4;
	s7 =	simm.s32 $0xD00;
	[dreg:$0x7] =	wrdreg s9  }
0x1c: {  	s14 =	simm.s32 $0xD80;
	[dreg:$0xb] =	wrdreg s0;
	s0 =	sadd.s32 s23, s1  }
0x1d: {  	s23 =	simm.s32 $0xC00;
	s9 =	simm.s32 $0x700;
	s0 =	sshrl.u32 s0, $0x3  }
0x1e: {  	s10 =	simm.s32 $0xE80;
	[dreg:$0xf] =	wrdreg s0;
	s0 =	simm.s32 $0x2  }
.LBB2_8:
0x1f: {  	[bflag:$0x0] =	sbarrier.arrive $0xFFFF  }
0x20: {  	s16 =	rddreg [dreg:$0x11]  }
0x21: {  	s19 =	rddreg [dreg:$0xb]  }
0x22: {  	s21 =	rddreg [dreg:$0xf];
	s16 =	sor.u32 $0x1C05, s16  }
0x23: {  	[hbm:s19], [sflag:s16] =	dma.local [spmem:s21], $0x2780  }
0x24: {  	_ =	swait.ge [sflag:s20], $0x2780  }
0x25: {  	s25 =	rddreg [dreg:$0x10]  }
0x26: {  	s31 =	rddreg [dreg:$0xc];
	s19 =	sadd.s32 $0x1, s25  }
0x27: {  	p3 =	sne.s32 s19, s31  }
.Ltmp1:
0x28: {  	_ = 	snop;
	(pc) =	sbr.rel @!p3 .LBB2_9-.Ltmp1, $3  }
0x29: {  	_ =	sdelay $0x1  }
0x2a: {  	[sflag:s20] =	ssyncset.done $0x0  }
0x2b: {  	[sflag:s20] =	ssyncadd.s32 $0xFFFFD880  }
.LBB2_1:
0x2c: {  	[dreg:$0x10] =	wrdreg s19  }
0x2d: {  	s16 =	rddreg [dreg:$0x4]  }
0x2e: {  	[tilespmem:s2], [sflag:$0x5] =	stream.linear.gather [hbm4b:s16+s2], $0x400, $0x38;
	[tilespmem:$0x1CC00] =	vst v63  }
0x2f: {  	_ =	swait.ge [sflag:s20], $0x400  }
0x30: {  	[sflag:s20] =	ssyncset.done $0x0  }
0x31: {  	s31 =	simm.s32 $0x800;
	s25 =	rddreg [dreg:$0x5];
	[sflag:s20] =	ssyncadd.s32 $0xFFFFFC00  }
0x32: {  	[tilespmem:s31], [sflag:$0x5] =	stream.linear.gather [hbm4b:s25+s2], $0x400, $0x38;
	[tilespmem:$0x1CC00] =	vst v63  }
0x33: {  	_ =	swait.ge [sflag:s20], $0x400  }
0x34: {  	[sflag:s20] =	ssyncset.done $0x0  }
0x35: {  	s21 =	rddreg [dreg:$0x6];
	[sflag:s20] =	ssyncadd.s32 $0xFFFFFC00  }
0x36: {  	[tilespmem:s22], [sflag:$0x4] =	stream.linear.gather [hbm4b:s21+s2], $0x400, $0x38;
	[tilespmem:$0x1CC00] =	vst v63  }
0x37: {  	s24 =	rddreg [dreg:$0x7]  }
0x38: {  	[tilespmem:s23], [sflag:$0x4] =	stream.linear.gather [hbm4b:s24+s2], $0x400, $0x38;
	[tilespmem:$0x1CC00] =	vst v63  }
.Ltmp2:
0x39: {  	s25 =	stileid.u32;
	(pc) =	sbr.rel @p0 .LBB2_3-.Ltmp2, $4  }
0x3a: {  	s31 =	rddreg [dreg:$0x8];
	s21 =	sshll.u32 s25, $0x6  }
0x3b: {  	[tilespmem:s28], [sflag:$0x1] =	stream.indirect.gather [hbm4b:s4+s26], $0x80, s2, s26, $0xb8;
	[tilespmem:$0x1CC00] =	vst v63  }
0x3c: {  	s19 =	sshrl.u32 s31, $0x3;
	s16 =	sor.u32 $0x1C05, s21;
	[dreg:$0x11] =	wrdreg s21  }
0x3d: {  	[tilespmem:s29], [sflag:$0x2] =	stream.indirect.gather [hbm4b:s4+s26], $0x80, s26, s26, $0xb8;
	[tilespmem:$0x1CC00] =	vst v63  }
0x3e: {  	s16 =	sor.u32 $0x1C05, s21;
	s31 =	rddreg [dreg:$0xa]  }
0x3f: {  	[spmem:s19], [sflag:s16] =	dma.local [hbm:s31], $0x2700  }
.Ltmp3:
0x40: {  	_ = 	snop;
	(pc) =	sbr.rel @!p2 .LBB2_5-.Ltmp3, $4  }
.Ltmp4:
0x41: {  	_ = 	snop;
	(pc) =	sbr.rel @p2 .LBB2_4-.Ltmp4, $4  }
0x42: {  	_ =	swait.ge [sflag:s20], $0x2700  }
0x43: {  	[sflag:s20] =	ssyncset.done $0x0  }
0x44: {  	s19 =	smov.u32 s4;
	[sflag:s20] =	ssyncadd.s32 $0xFFFFD900  }
0x45: {  	_ = 	snop  }
.LBB2_3:
.Ltmp5:
0x46: {  	s21 =	rddreg [dreg:$0x9];
	(pc) =	sbr.rel @p1 .LBB2_5-.Ltmp5, $4  }
0x47: {  	[spmem:s19], [sflag:s16] =	dma.local [hbm:s21], $0x2700  }
0x48: {  	_ =	swait.ge [sflag:s20], $0x2700  }
0x49: {  	[sflag:s20] =	ssyncset.done $0x0  }
0x4a: {  	s19 =	rddreg [dreg:$0x3];
	[sflag:s20] =	ssyncadd.s32 $0xFFFFD900  }
.LBB2_4:
0x4b: {  	s19 =	sadd.s32 $0x27000, s19;
	s21 =	rddreg [dreg:$0xe]  }
0x4c: {  	[spmem:s21], [sflag:s16] =	dma.local [hbm:s19], $0x100  }
0x4d: {  	_ =	swait.ge [sflag:s20], $0x100  }
0x4e: {  	[sflag:s20] =	ssyncset.done $0x0  }
0x4f: {  	[sflag:s20] =	ssyncadd.s32 $0xFFFFFF00  }
.LBB2_5:
0x50: {  	[bflag:$0x0] =	sbarrier.arrive $0xFFFF  }
0x51: {  	s16 =	simm.s32 $0x0;
	s19 =	rddreg [dreg:$0xd]  }
.LBB2_6:
0x52: {  	_ =	swait.ge [sflag:s30], $0x4000  }
0x53: {  	[sflag:s30] =	ssyncset.done $0x0  }
0x54: {  	s21 =	simm.s32 $0x800;
	[sflag:s30] =	ssyncadd.s32 $0xFFFFC000  }
0x55: {  	[spmem:s1] =	stream.indirect.scatter.add.f32 [tilespmem:s28], [sflag:$0x5], $0x80, s21, s26, $0xb8;
	[tilespmem:$0x1CC00] =	vst v63  }
0x56: {  	_ =	swait.ge [sflag:s20], $0x4000  }
0x57: {  	[sflag:s20] =	ssyncset.done $0x0  }
0x58: {  	s24 =	simm.s32 $0x100;
	[sflag:s20] =	ssyncadd.s32 $0xFFFFC000  }
0x59: {  	[tilespmem:s28], [sflag:$0x1] =	stream.indirect.gather [hbm4b:s4+s26], $0x80, s24, s26, $0xb8;
	[tilespmem:$0x1CC00] =	vst v63  }
0x5a: {  	_ =	swait.ge [sflag:s0], $0x4000  }
0x5b: {  	[sflag:s0] =	ssyncset.done $0x0  }
0x5c: {  	s25 =	simm.s32 $0x880;
	[sflag:s0] =	ssyncadd.s32 $0xFFFFC000  }
0x5d: {  	[spmem:s1] =	stream.indirect.scatter.add.f32 [tilespmem:s29], [sflag:$0x5], $0x80, s25, s26, $0xb8;
	[tilespmem:$0x1CC00] =	vst v63  }
0x5e: {  	_ =	swait.ge [sflag:s20], $0x4000  }
0x5f: {  	[sflag:s20] =	ssyncset.done $0x0  }
0x60: {  	s31 =	simm.s32 $0x180;
	[sflag:s20] =	ssyncadd.s32 $0xFFFFC000  }
0x61: {  	[tilespmem:s29], [sflag:$0x2] =	stream.indirect.gather [hbm4b:s4+s26], $0x80, s31, s26, $0xb8;
	[tilespmem:$0x1CC00] =	vst v63  }
0x62: {  	_ =	swait.ge [sflag:s30], $0x4000  }
0x63: {  	[sflag:s30] =	ssyncset.done $0x0  }
0x64: {  	s24 =	simm.s32 $0x900;
	[sflag:s30] =	ssyncadd.s32 $0xFFFFC000  }
0x65: {  	[spmem:s1] =	stream.indirect.scatter.add.f32 [tilespmem:s28], [sflag:$0x5], $0x80, s24, s26, $0xb8;
	[tilespmem:$0x1CC00] =	vst v63  }
0x66: {  	_ =	swait.ge [sflag:s20], $0x4000  }
0x67: {  	[sflag:s20] =	ssyncset.done $0x0  }
0x68: {  	s25 =	simm.s32 $0x200;
	[sflag:s20] =	ssyncadd.s32 $0xFFFFC000  }
0x69: {  	[tilespmem:s28], [sflag:$0x1] =	stream.indirect.gather [hbm4b:s4+s26], $0x80, s25, s26, $0xb8;
	[tilespmem:$0x1CC00] =	vst v63  }
0x6a: {  	_ =	swait.ge [sflag:s0], $0x4000  }
0x6b: {  	[sflag:s0] =	ssyncset.done $0x0  }
0x6c: {  	s31 =	simm.s32 $0x980;
	[sflag:s0] =	ssyncadd.s32 $0xFFFFC000  }
0x6d: {  	[spmem:s1] =	stream.indirect.scatter.add.f32 [tilespmem:s29], [sflag:$0x5], $0x80, s31, s26, $0xb8;
	[tilespmem:$0x1CC00] =	vst v63  }
0x6e: {  	_ =	swait.ge [sflag:s20], $0x4000  }
0x6f: {  	[sflag:s20] =	ssyncset.done $0x0  }
0x70: {  	s24 =	simm.s32 $0x280;
	[sflag:s20] =	ssyncadd.s32 $0xFFFFC000  }
0x71: {  	[tilespmem:s29], [sflag:$0x2] =	stream.indirect.gather [hbm4b:s4+s26], $0x80, s24, s26, $0xb8;
	[tilespmem:$0x1CC00] =	vst v63  }
0x72: {  	_ =	swait.ge [sflag:s30], $0x4000  }
0x73: {  	[sflag:s30] =	ssyncset.done $0x0  }
0x74: {  	s25 =	simm.s32 $0xA00;
	[sflag:s30] =	ssyncadd.s32 $0xFFFFC000  }
0x75: {  	[spmem:s1] =	stream.indirect.scatter.add.f32 [tilespmem:s28], [sflag:$0x5], $0x80, s25, s26, $0xb8;
	[tilespmem:$0x1CC00] =	vst v63  }
0x76: {  	_ =	swait.ge [sflag:s20], $0x4000  }
0x77: {  	[sflag:s20] =	ssyncset.done $0x0  }
0x78: {  	s31 =	simm.s32 $0x300;
	[sflag:s20] =	ssyncadd.s32 $0xFFFFC000  }
0x79: {  	[tilespmem:s28], [sflag:$0x1] =	stream.indirect.gather [hbm4b:s4+s26], $0x80, s31, s26, $0xb8;
	[tilespmem:$0x1CC00] =	vst v63  }
0x7a: {  	_ =	swait.ge [sflag:s0], $0x4000  }
0x7b: {  	[sflag:s0] =	ssyncset.done $0x0  }
0x7c: {  	s24 =	simm.s32 $0xA80;
	[sflag:s0] =	ssyncadd.s32 $0xFFFFC000  }
0x7d: {  	[spmem:s1] =	stream.indirect.scatter.add.f32 [tilespmem:s29], [sflag:$0x5], $0x80, s24, s26, $0xb8;
	[tilespmem:$0x1CC00] =	vst v63  }
0x7e: {  	_ =	swait.ge [sflag:s20], $0x4000  }
0x7f: {  	[sflag:s20] =	ssyncset.done $0x0  }
0x80: {  	s25 =	simm.s32 $0x380;
	[sflag:s20] =	ssyncadd.s32 $0xFFFFC000  }
0x81: {  	[tilespmem:s29], [sflag:$0x2] =	stream.indirect.gather [hbm4b:s4+s26], $0x80, s25, s26, $0xb8;
	[tilespmem:$0x1CC00] =	vst v63  }
0x82: {  	_ =	swait.ge [sflag:s15], $0x400  }
0x83: {  	[sflag:s15] =	ssyncset.done $0x0  }
0x84: {  	[sflag:s15] =	ssyncadd.s32 $0xFFFFFC00  }
0x85: {  	_ =	swait.ge [sflag:s15], $0x400  }
0x86: {  	[sflag:s15] =	ssyncset.done $0x0  }
0x87: {  	[sflag:s15] =	ssyncadd.s32 $0xFFFFFC00  }
0x88: {  	_ =	swait.ge [sflag:s30], $0x4000  }
0x89: {  	[sflag:s30] =	ssyncset.done $0x0  }
0x8a: {  	s31 =	simm.s32 $0xB00;
	[sflag:s30] =	ssyncadd.s32 $0xFFFFC000  }
0x8b: {  	[spmem:s1] =	stream.indirect.scatter.add.f32 [tilespmem:s28], [sflag:$0x5], $0x80, s31, s26, $0xb8;
	[tilespmem:$0x1CC00] =	vst v63  }
0x8c: {  	_ =	swait.ge [sflag:s20], $0x4000  }
0x8d: {  	[sflag:s20] =	ssyncset.done $0x0  }
0x8e: {  	[sflag:s20] =	ssyncadd.s32 $0xFFFFC000  }
0x8f: {  	[tilespmem:s28], [sflag:$0x1] =	stream.indirect.gather [hbm4b:s4+s26], $0x80, s22, s26, $0xb8;
	[tilespmem:$0x1CC00] =	vst v63  }
0x90: {  	_ =	swait.ge [sflag:s0], $0x4000  }
0x91: {  	[sflag:s0] =	ssyncset.done $0x0  }
0x92: {  	s24 =	simm.s32 $0xB80;
	[sflag:s0] =	ssyncadd.s32 $0xFFFFC000  }
0x93: {  	[spmem:s1] =	stream.indirect.scatter.add.f32 [tilespmem:s29], [sflag:$0x5], $0x80, s24, s26, $0xb8;
	[tilespmem:$0x1CC00] =	vst v63  }
0x94: {  	_ =	swait.ge [sflag:s20], $0x4000  }
0x95: {  	p3 =	seq.s32 s16, $0x400;
	[sflag:s20] =	ssyncset.done $0x0  }
0x96: {  	s21 =	sshrl.u32 @!p3 s19, $0x3;
	s25 =	simm.s32 $0x480;
	[sflag:s20] =	ssyncadd.s32 $0xFFFFC000  }
0x97: {  	[tilespmem:s29], [sflag:$0x2] =	stream.indirect.gather [hbm4b:s4+s26], $0x80, s25, s26, $0xb8;
	[tilespmem:$0x1CC00] =	vst v63  }
0x98: {  	s31 =	sadd.s32 @!p3 s5, s21;
	s25 =	simm.s32 @!p3 $0x0  }
0x99: {  	[tilespmem:s25], [sflag:$0x3] =	stream.linear.gather @!p3 [hbm4b:s31+s25], $0x400, $0x38;
	[tilespmem:$0x1CC00] =	vst v63  }
0x9a: {  	s21 =	sadd.s32 @!p3 s6, s21;
	s31 =	simm.s32 @!p3 $0x800  }
0x9b: {  	[tilespmem:s31], [sflag:$0x3] =	stream.linear.gather @!p3 [hbm4b:s21+s25], $0x400, $0x38;
	[tilespmem:$0x1CC00] =	vst v63  }
0x9c: {  	_ =	swait.ge [sflag:s30], $0x4000  }
0x9d: {  	[sflag:s30] =	ssyncset.done $0x0  }
0x9e: {  	[sflag:s30] =	ssyncadd.s32 $0xFFFFC000  }
0x9f: {  	[spmem:s1] =	stream.indirect.scatter.add.f32 [tilespmem:s28], [sflag:$0x5], $0x80, s23, s26, $0xb8;
	[tilespmem:$0x1CC00] =	vst v63  }
0xa0: {  	_ =	swait.ge [sflag:s20], $0x4000  }
0xa1: {  	[sflag:s20] =	ssyncset.done $0x0  }
0xa2: {  	s31 =	simm.s32 $0x500;
	[sflag:s20] =	ssyncadd.s32 $0xFFFFC000  }
0xa3: {  	[tilespmem:s28], [sflag:$0x1] =	stream.indirect.gather [hbm4b:s4+s26], $0x80, s31, s26, $0xb8;
	[tilespmem:$0x1CC00] =	vst v63  }
0xa4: {  	_ =	swait.ge [sflag:s0], $0x4000  }
0xa5: {  	[sflag:s0] =	ssyncset.done $0x0  }
0xa6: {  	s24 =	simm.s32 $0xC80;
	[sflag:s0] =	ssyncadd.s32 $0xFFFFC000  }
0xa7: {  	[spmem:s1] =	stream.indirect.scatter.add.f32 [tilespmem:s29], [sflag:$0x5], $0x80, s24, s26, $0xb8;
	[tilespmem:$0x1CC00] =	vst v63  }
0xa8: {  	_ =	swait.ge [sflag:s20], $0x4000  }
0xa9: {  	[sflag:s20] =	ssyncset.done $0x0  }
0xaa: {  	s31 =	simm.s32 $0x580;
	[sflag:s20] =	ssyncadd.s32 $0xFFFFC000  }
0xab: {  	[tilespmem:s29], [sflag:$0x2] =	stream.indirect.gather [hbm4b:s4+s26], $0x80, s31, s26, $0xb8;
	[tilespmem:$0x1CC00] =	vst v63  }
0xac: {  	_ =	swait.ge [sflag:s30], $0x4000  }
0xad: {  	[sflag:s30] =	ssyncset.done $0x0  }
0xae: {  	[sflag:s30] =	ssyncadd.s32 $0xFFFFC000  }
0xaf: {  	[spmem:s1] =	stream.indirect.scatter.add.f32 [tilespmem:s28], [sflag:$0x5], $0x80, s7, s26, $0xb8;
	[tilespmem:$0x1CC00] =	vst v63  }
0xb0: {  	_ =	swait.ge [sflag:s20], $0x4000  }
0xb1: {  	[sflag:s20] =	ssyncset.done $0x0  }
0xb2: {  	[sflag:s20] =	ssyncadd.s32 $0xFFFFC000  }
0xb3: {  	[tilespmem:s28], [sflag:$0x1] =	stream.indirect.gather [hbm4b:s4+s26], $0x80, s13, s26, $0xb8;
	[tilespmem:$0x1CC00] =	vst v63  }
0xb4: {  	_ =	swait.ge [sflag:s0], $0x4000  }
0xb5: {  	[sflag:s0] =	ssyncset.done $0x0  }
0xb6: {  	[sflag:s0] =	ssyncadd.s32 $0xFFFFC000  }
0xb7: {  	[spmem:s1] =	stream.indirect.scatter.add.f32 [tilespmem:s29], [sflag:$0x5], $0x80, s14, s26, $0xb8;
	[tilespmem:$0x1CC00] =	vst v63  }
0xb8: {  	_ =	swait.ge [sflag:s20], $0x4000  }
0xb9: {  	[sflag:s20] =	ssyncset.done $0x0  }
0xba: {  	[sflag:s20] =	ssyncadd.s32 $0xFFFFC000  }
0xbb: {  	[tilespmem:s29], [sflag:$0x2] =	stream.indirect.gather [hbm4b:s4+s26], $0x80, s3, s26, $0xb8;
	[tilespmem:$0x1CC00] =	vst v63  }
0xbc: {  	_ =	swait.ge [sflag:s30], $0x4000  }
0xbd: {  	[sflag:s30] =	ssyncset.done $0x0  }
0xbe: {  	[sflag:s30] =	ssyncadd.s32 $0xFFFFC000  }
0xbf: {  	[spmem:s1] =	stream.indirect.scatter.add.f32 [tilespmem:s28], [sflag:$0x5], $0x80, s8, s26, $0xb8;
	[tilespmem:$0x1CC00] =	vst v63  }
0xc0: {  	_ =	swait.ge [sflag:s20], $0x4000  }
0xc1: {  	[sflag:s20] =	ssyncset.done $0x0  }
0xc2: {  	[sflag:s20] =	ssyncadd.s32 $0xFFFFC000  }
0xc3: {  	[tilespmem:s28], [sflag:$0x1] =	stream.indirect.gather [hbm4b:s4+s26], $0x80, s9, s26, $0xb8;
	[tilespmem:$0x1CC00] =	vst v63  }
0xc4: {  	_ =	swait.ge [sflag:s0], $0x4000  }
0xc5: {  	[sflag:s0] =	ssyncset.done $0x0  }
0xc6: {  	[sflag:s0] =	ssyncadd.s32 $0xFFFFC000  }
0xc7: {  	[spmem:s1] =	stream.indirect.scatter.add.f32 [tilespmem:s29], [sflag:$0x5], $0x80, s10, s26, $0xb8;
	[tilespmem:$0x1CC00] =	vst v63  }
0xc8: {  	_ =	swait.ge [sflag:s20], $0x4000  }
0xc9: {  	[sflag:s20] =	ssyncset.done $0x0  }
0xca: {  	s21 =	simm.s32 @p3 $0x1;
	[sflag:s20] =	ssyncadd.s32 $0xFFFFC000  }
0xcb: {  	[tilespmem:s29], [sflag:$0x2] =	stream.indirect.gather [hbm4b:s4+s26], $0x80, s11, s26, $0xb8;
	[tilespmem:$0x1CC00] =	vst v63  }
0xcc: {  	_ =	swait.ge @p3 [sflag:s21], $0x4000  }
0xcd: {  	s24 =	simm.s32 @p3 $0x1000;
	[sflag:s21] =	ssyncset.done @p3 $0x0  }
0xce: {  	s31 =	simm.s32 @p3 $0xF00;
	[sflag:s21] =	ssyncadd.s32 @p3 $0xFFFFC000;
	s21 =	simm.s32 @p3 $0x80  }
0xcf: {  	[spmem:s1] =	stream.indirect.scatter.add.f32 @p3 [tilespmem:s24], [sflag:$0x5], $0x80, s31, s21, $0xb8;
	[tilespmem:$0x1CC00] =	vst v63  }
0xd0: {  	s21 =	simm.s32 @p3 $0x5  }
0xd1: {  	_ =	swait.ge @p3 [sflag:s21], $0x4000  }
0xd2: {  	[sflag:s21] =	ssyncset.done @p3 $0x0  }
0xd3: {  	[sflag:s21] =	ssyncadd.s32 @p3 $0xFFFFC000;
	s21 =	simm.s32 @!p3 $0x3  }
0xd4: {  	_ =	swait.ge @!p3 [sflag:s21], $0x400  }
0xd5: {  	[sflag:s21] =	ssyncset.done @!p3 $0x0  }
0xd6: {  	[sflag:s21] =	ssyncadd.s32 @!p3 $0xFFFFFC00  }
0xd7: {  	_ =	swait.ge @!p3 [sflag:s21], $0x400  }
0xd8: {  	[sflag:s21] =	ssyncset.done @!p3 $0x0  }
0xd9: {  	[sflag:s21] =	ssyncadd.s32 @!p3 $0xFFFFFC00;
	s21 =	simm.s32 @!p3 $0x1  }
0xda: {  	_ =	swait.ge @!p3 [sflag:s21], $0x4000  }
0xdb: {  	s24 =	simm.s32 @!p3 $0xF00;
	[sflag:s21] =	ssyncset.done @!p3 $0x0  }
0xdc: {  	s31 =	simm.s32 @!p3 $0x1000;
	[sflag:s21] =	ssyncadd.s32 @!p3 $0xFFFFC000;
	s21 =	simm.s32 @!p3 $0x80  }
0xdd: {  	[spmem:s1] =	stream.indirect.scatter.add.f32 @!p3 [tilespmem:s31], [sflag:$0x5], $0x80, s24, s21, $0xb8;
	[tilespmem:$0x1CC00] =	vst v63  }
0xde: {  	s24 =	simm.s32 @!p3 $0x5  }
0xdf: {  	_ =	swait.ge @!p3 [sflag:s24], $0x4000  }
0xe0: {  	[sflag:s24] =	ssyncset.done @!p3 $0x0  }
0xe1: {  	[sflag:s24] =	ssyncadd.s32 @!p3 $0xFFFFC000  }
0xe2: {  	[tilespmem:s31], [sflag:$0x1] =	stream.indirect.gather @!p3 [hbm4b:s4+s21], $0x80, s25, s21, $0xb8;
	[tilespmem:$0x1CC00] =	vst v63  }
0xe3: {  	_ =	swait.ge [sflag:s0], $0x4000  }
0xe4: {  	[sflag:s0] =	ssyncset.done $0x0  }
.Ltmp6:
0xe5: {  	[sflag:s0] =	ssyncadd.s32 $0xFFFFC000;
	(pc) =	sbr.rel @p3 .LBB2_8-.Ltmp6, $4  }
0xe6: {  	[spmem:s1] =	stream.indirect.scatter.add.f32 [tilespmem:s29], [sflag:$0x5], $0x80, s12, s26, $0xb8;
	[tilespmem:$0x1CC00] =	vst v63  }
0xe7: {  	_ =	swait.ge [sflag:s20], $0x4000  }
0xe8: {  	[sflag:s20] =	ssyncset.done $0x0  }
0xe9: {  	[sflag:s20] =	ssyncadd.s32 $0xFFFFC000  }
0xea: {  	[tilespmem:s29], [sflag:$0x2] =	stream.indirect.gather [hbm4b:s4+s26], $0x80, s26, s26, $0xb8;
	[tilespmem:$0x1CC00] =	vst v63  }
.Ltmp7:
0xeb: {  	_ = 	snop;
	(pc) =	sbr.rel .LBB2_6-.Ltmp7, $4  }
0xec: {  	s21 =	sadd.s32 s16, s18  }
0xed: {  	[tilespmem:s22], [sflag:$0x4] =	stream.linear.gather [hbm4b:s21+s2], $0x400, $0x38;
	[tilespmem:$0x1CC00] =	vst v63  }
0xee: {  	s31 =	sadd.s32 s16, s17;
	s16 =	sadd.s32 $0x100, s16;
	s19 =	sadd.s32 $0x800, s19  }
0xef: {  	[tilespmem:s23], [sflag:$0x4] =	stream.linear.gather [hbm4b:s31+s2], $0x400, $0x38;
	[tilespmem:$0x1CC00] =	vst v63  }
.LBB2_9:
0xf0: {  	_ =	sfence.sel $0x180000  }
0xf1: {  	[bflag:$0x0] =	sbarrier.arrive $0xFFFF  }
0xf2: {  	_ =	strace $0x9000004A  }
0xf3: {  	[bflag:$0x2] =	sbarrier.arrive $0xFFFF  }
0xf4: {  	s0 =	rddreg [dreg:$0x2]  }
0xf5: {  	s0 =	sadd.s32 @!p1 $0x100000, s0  }
0xf6: {  	[sflag:s0] =	ssyncadd.tile.s32 @!p1 $0x1;
	_ =	shalt  }
.Lfunc_end2:
_tile_overlayer_lowered:
.L_overlay_start_2:
0xf7: {  	(tag) =	ssettag $0x2  }
0xf8: {  	s0 =	rddreg [dreg:$0x0];
	s2 =	stileid.u32  }
0xf9: {  	s1 =	rddreg [dreg:$0x1];
	p0 =	sne.s32 s2, $0x0  }
0xfa: {  	s3 =	rddreg [dreg:$0x2];
	[bflag:$0x3] =	sbarrier.arrive $0xFFFF;
	s2 =	simm.s32 @!p0 $0x1C05  }
0xfb: {  	[timem:s3], [sflag:s2] =	dma.local @!p0 [hbm:s0], s1  }
0xfc: {  	s0 =	simm.s32 @!p0 $0x5  }
0xfd: {  	_ =	swait.ge @!p0 [sflag:s0], s1  }
0xfe: {  	s1 =	ssub.s32 @!p0 $0x0, s1;
	[sflag:s0] =	ssyncset.done @!p0 $0x0  }
0xff: {  	[sflag:s0] =	ssyncadd.s32 @!p0 s1  }
0x100: {  	[bflag:$0x3] =	sbarrier.arrive $0xFFFF  }
0x101: {  	_ =	shalt  }

// kernel: kernel.14.cloned.1.call-start
scs
__scs_entry_jumppad:
0x0: {  	(pc) =	sbr.rel $0x88, $3  }
0x1: {  	(tag) =	ssettag $0x0;
	lr =	simm.s32 $0x1  }
0x2: {  	[smem:$0x3F8E] =	sst lr;
	_ =	strace $0xD0000000  }
0x3: {  	_ = 	snop  }
0x4: {  	_ = 	snop  }
0x5: {  	_ = 	snop  }
0x6: {  	_ = 	snop  }
0x7: {  	_ = 	snop  }
__scs_overlays_trampoline_lowered:
0x8: {  	[smem:$0x3F9D] =	sst s0  }
0x9: {  	[smem:$0x3F9E] =	sst s1  }
0xa: {  	[smem:$0x3F9F] =	sst s2  }
0xb: {  	[smem:$0x3FA0] =	sst s3  }
0xc: {  	[smem:$0x3FA1] =	sst s4  }
0xd: {  	[smem:$0x3FA2] =	sst s5  }
0xe: {  	[smem:$0x3FA3] =	sst s6  }
0xf: {  	[smem:$0x3FA4] =	sst s7  }
0x10: {  	[smem:$0x3FA5] =	sst s8  }
0x11: {  	[smem:$0x3FA6] =	sst s9;
	s0 =	simm.s32 @!p0 $0x0  }
0x12: {  	s1 =	sld [smem:$0x3F8C];
	s0 =	simm.s32 @p0 $0x1  }
0x13: {  	[smem:$0x3FA7] =	sst s0;
	s0 =	simm.s32 @!p1 $0x0  }
0x14: {  	s2 =	sld [smem:$0x3F8B];
	s0 =	simm.s32 @p1 $0x1  }
0x15: {  	[smem:$0x3FA8] =	sst s0;
	s0 =	simm.s32 @!p2 $0x0  }
0x16: {  	s3 =	sld [smem:$0x3FDB];
	s0 =	simm.s32 @p2 $0x1  }
0x17: {  	s4 =	simm.s32 $0x1BF5;
	[smem:$0x3FAA] =	sst s0  }
0x18: {  	s0 =	sld [smem:$0x3F8D];
	_ =	swait.ge [sflag:s4], $0x0  }
0x19: {  	s7 =	sld [smem:$0x3F8E]  }
0x1a: {  	s8 =	sadd.s32 $0xFFFFE003, lr  }
0x1b: {  	s9 =	sadd.s32 $0xFFFFFEF7, lr;
	s5 =	simm.s32 $0xFFFFFFFF;
	p2 =	slt.u32 s8, $0xFFFFF086  }
0x1c: {  	p1 =	slt.u32 s9, $0xF7A;
	s5 =	simm.s32 @!p2 $0x0  }
0x1d: {  	s5 =	simm.s32 @p1 $0x1;
	p0 =	seq.s32 s7, s2  }
0x1e: {  	s7 =	smul.u32 @!p0 $0xF7A, s2;
	p2 =	seq.s32 @!p0 s5, $0x0  }
0x1f: {  	s9 =	smul.u32 $0xF7A, s1;
	s8 =	simm.s32 @!p0 $0x1BF5;
	p2 =	por !p2, p0  }
0x20: {  	[sflag:s8] =	ssyncset.s32 @!p0 $0xFFFFF086;
	s6 =	sadd.s32 @!p0 s3, s7;
	s7 =	simm.s32 @!p0 $0x108  }
0x21: {  	s3 =	sadd.s32 s3, s9;
	s6 =	sadd.s32 @!p0 $0x88, s6;
	s7 =	simm.s32 @p2 $0x1082  }
0x22: {  	[simem:s7], [sflag:s8] =	dma.local @!p0 [hbm:s6], $0xF7A  }
0x23: {  	s9 =	sor.u32 $0xD0000000, s2;
	s6 =	simm.s32 $0x108;
	_ =	swait.ge @!p0 [sflag:s8], $0x0  }
0x24: {  	s3 =	sadd.s32 $0x88, s3;
	s6 =	simm.s32 @!p1 $0x1082;
	[sflag:s4] =	ssyncset.s32 $0xFFFFF086  }
0x25: {  	[simem:s6], [sflag:s4] =	dma.local [hbm:s3], $0xF7A  }
0x26: {  	[smem:$0x3F8E] =	sst s1;
	(tag) =	ssettag s2;
	_ =	strace s9  }
0x27: {  	s1 =	sld [smem:$0x3F9E]  }
0x28: {  	s2 =	sld [smem:$0x3F9F]  }
0x29: {  	s4 =	sld [smem:$0x3FA1]  }
0x2a: {  	p0 =	seq.s32 s5, $0x0;
	s5 =	sld [smem:$0x3FA2]  }
0x2b: {  	s6 =	sld [smem:$0x3FA3]  }
0x2c: {  	s7 =	sld [smem:$0x3FA4]  }
0x2d: {  	s3 =	simm.s32 $0x108;
	s8 =	sld [smem:$0x3FA5]  }
0x2e: {  	s3 =	simm.s32 @!p0 $0x1082;
	s9 =	sld [smem:$0x3FA6]  }
0x2f: {  	lr =	sadd.s32 s0, s3;
	s0 =	sld [smem:$0x3F9D]  }
0x30: {  	s3 =	sld [smem:$0x3FA0]  }
0x31: {  	[smem:$0x3FA9] =	sst s10  }
0x32: {  	s10 =	sld [smem:$0x3FA7];
	_ =	sdelay $0x3  }
0x33: {  	p0 =	seq.s32 s10, $0x1;
	s10 =	sld [smem:$0x3FA9];
	_ =	sdelay $0x3  }
0x34: {  	[smem:$0x3FA9] =	sst s10  }
0x35: {  	s10 =	sld [smem:$0x3FA8];
	_ =	sdelay $0x3  }
0x36: {  	p1 =	seq.s32 s10, $0x1;
	s10 =	sld [smem:$0x3FA9];
	_ =	sdelay $0x3  }
0x37: {  	[smem:$0x3FA9] =	sst s10  }
0x38: {  	s10 =	sld [smem:$0x3FAA]  }
0x39: {  	_ = 	snop;
	(pc) =	sbr.ind lr, $3  }
0x3a: {  	_ = 	snop  }
0x3b: {  	_ = 	snop  }
0x3c: {  	p2 =	seq.s32 s10, $0x1;
	s10 =	sld [smem:$0x3FA9]  }
0x3d: {  	_ =	shalt  }
0x3e: {  	_ =	shalt  }
0x3f: {  	_ =	shalt  }
0x40: {  	_ =	shalt  }
0x41: {  	_ =	shalt  }
0x42: {  	_ =	shalt  }
0x43: {  	_ =	shalt  }
0x44: {  	_ =	shalt  }
0x45: {  	_ =	shalt  }
0x46: {  	_ =	shalt  }
0x47: {  	_ =	shalt  }
0x48: {  	_ =	shalt  }
0x49: {  	_ =	shalt  }
0x4a: {  	_ =	shalt  }
0x4b: {  	_ =	shalt  }
0x4c: {  	_ =	shalt  }
0x4d: {  	_ =	shalt  }
0x4e: {  	_ =	shalt  }
0x4f: {  	_ =	shalt  }
0x50: {  	_ =	shalt  }
0x51: {  	_ =	shalt  }
0x52: {  	_ =	shalt  }
0x53: {  	_ =	shalt  }
0x54: {  	_ =	shalt  }
0x55: {  	_ =	shalt  }
0x56: {  	_ =	shalt  }
0x57: {  	_ =	shalt  }
0x58: {  	_ =	shalt  }
0x59: {  	_ =	shalt  }
0x5a: {  	_ =	shalt  }
0x5b: {  	_ =	shalt  }
0x5c: {  	_ =	shalt  }
0x5d: {  	_ =	shalt  }
0x5e: {  	_ =	shalt  }
0x5f: {  	_ =	shalt  }
0x60: {  	_ =	shalt  }
0x61: {  	_ =	shalt  }
0x62: {  	_ =	shalt  }
0x63: {  	_ =	shalt  }
0x64: {  	_ =	shalt  }
0x65: {  	_ =	shalt  }
0x66: {  	_ =	shalt  }
0x67: {  	_ =	shalt  }
0x68: {  	_ =	shalt  }
0x69: {  	_ =	shalt  }
0x6a: {  	_ =	shalt  }
0x6b: {  	_ =	shalt  }
0x6c: {  	_ =	shalt  }
0x6d: {  	_ =	shalt  }
0x6e: {  	_ =	shalt  }
0x6f: {  	_ =	shalt  }
0x70: {  	_ =	shalt  }
0x71: {  	_ =	shalt  }
0x72: {  	_ =	shalt  }
0x73: {  	_ =	shalt  }
0x74: {  	_ =	shalt  }
0x75: {  	_ =	shalt  }
0x76: {  	_ =	shalt  }
0x77: {  	_ =	shalt  }
0x78: {  	_ =	shalt  }
0x79: {  	_ =	shalt  }
0x7a: {  	_ =	shalt  }
0x7b: {  	_ =	shalt  }
0x7c: {  	_ =	shalt  }
0x7d: {  	_ =	shalt  }
0x7e: {  	_ =	shalt  }
0x7f: {  	_ =	shalt  }
0x80: {  	_ =	shalt  }
0x81: {  	_ =	shalt  }
0x82: {  	_ =	shalt  }
0x83: {  	_ =	shalt  }
0x84: {  	_ =	shalt  }
0x85: {  	_ =	shalt  }
0x86: {  	_ =	shalt  }
0x87: {  	_ =	shalt  }
.Lfunc_end0:
.L_simem_size_0:
called_computation.2_lowered:
.L_overlay_start_0:
0x88: {  	s2 =	sld [smem:$0x3FD9]  }
0x89: {  	s3 =	sld [smem:$0x3FFE];
	_ =	sdelay $0x1  }
0x8a: {  	s1 =	srdreg.scid  }
0x8b: {  	s0 =	sand.u32 $0x1, s1  }
0x8c: {  	s16 =	sshll.u32 s0, $0xA;
	s2 =	sadd.s32 s3, s2  }
0x8d: {  	s2 =	sadd.s32 s2, s16  }
0x8e: {  	[smem:$0x3FB5] =	sst s2  }
0x8f: {  	_ = 	snop  }
0x90: {  	(tm) =	ssettm $0x1  }
0x91: {  	s17 =	sld [smem:$0x3FFB];
	_ =	sdelay $0x3  }
0x92: {  	_ =	strace s17  }
0x93: {  	s2 =	sld [smem:$0x3FFC];
	_ =	sdelay $0x3  }
0x94: {  	_ =	strace s2  }
0x95: {  	s2 =	sld [smem:$0x3FFD];
	_ =	sdelay $0x3  }
0x96: {  	_ =	strace s2  }
0x97: {  	_ =	strace $0x8FFFFFFF  }
0x98: {  	s18 =	sld [smem:$0x3FDB];
	_ =	sdelay $0x1  }
0x99: {  	s19 =	simm.s32 $_scs_section_size  }
0x9a: {  	s4 =	simm.s32 $_size__tile_overlayer_lowered;
	s5 =	simm.s32 $_tile_overlayer_lowered  }
0x9b: {  	s22 =	simm.s32 $0x1BFF;
	s21 =	sshll.u32 s5, $0x1;
	s2 =	sadd.s32 s19, s18  }
0x9c: {  	s6 =	simm.s32 $0x0;
	s20 =	sshll.u32 s4, $0x1;
	s4 =	sadd.s32 s21, s2  }
0x9d: {  	[timem:s6], [sflag:s22] =	dma.local [hbm:s4], s20  }
0x9e: {  	_ =	swait.ge [sflag:s22], s20  }
0x9f: {  	s3 =	ssub.s32 $0x0, s20;
	[sflag:s22] =	ssyncset.done $0x0  }
0xa0: {  	[sflag:s22] =	ssyncadd.s32 s3;
	_ =	sdelay $0x1  }
0xa1: {  	s23 =	simm.s32 $0x1B8B  }
0xa2: {  	_ =	swait.ge [sflag:s23], $0x1  }
0xa3: {  	[sflag:s23] =	ssyncset.done $0x0  }
0xa4: {  	s25 =	simm.s32 $0x1B8E;
	s24 =	sld [smem:$0x3FFE];
	[sflag:s23] =	ssyncadd.s32 $0xFFFFFFFF  }
0xa5: {  	s26 =	simm.s32 $execute0_lowered;
	[smem:$0x3FD2] =	sst s25  }
0xa6: {  	s4 =	sshll.u32 s26, $0x1;
	_ =	strace $0x8000004C;
	[dreg:$0x1] =	wrdreg $0xFFFFFFFF  }
0xa7: {  	s28 =	simm.s32 $_size_execute0_lowered;
	s2 =	sadd.s32 s2, s4;
	[dreg:$0x0] =	wrdreg $0x0  }
0xa8: {  	s4 =	sshll.u32 s28, $0x1;
	[dreg:$0x2] =	wrdreg s2  }
0xa9: {  	[dreg:$0x3] =	wrdreg s4  }
0xaa: {  	[dreg:$0x4] =	wrdreg $0xC0  }
0xab: {  	_ =	task [dreg:s6], $0x5FFFF  }
0xac: {  	[dreg:$0x1] =	wrdreg $0xFFFFFFFF  }
0xad: {  	[dreg:$0x0] =	wrdreg $0x60  }
0xae: {  	[dreg:$0x2] =	wrdreg s24  }
0xaf: {  	[dreg:$0x3] =	wrdreg $0x90000  }
0xb0: {  	[dreg:$0x4] =	wrdreg $0x9  }
0xb1: {  	_ =	task.clear_ibuf [dreg:s6], $0x5FFFF;
	_ =	strace $0x9000004C  }
0xb2: {  	s29 =	simm.s32 $0x9;
	_ =	strace $0x8000004E  }
0xb3: {  	_ =	swait.ge [sflag:s29], $0x1  }
0xb4: {  	[sflag:s29] =	ssyncadd.s32 $0xFFFFFFFF  }
0xb5: {  	_ =	strace $0x9000004E  }
0xb6: {  	_ =	sfence  }
0xb7: {  	s30 =	sld [smem:$0x0];
	_ =	sdelay $0x2  }
0xb8: {  	s31 =	sshll.u32 s1, $0xD;
	s1 =	sshrl.u32 s1, $0x2  }
0xb9: {  	s3 =	sand.u32 $0x4000, s31;
	s1 =	sadd.s32 s1, s30  }
0xba: {  	s0 =	sor.u32 s3, s0;
	s1 =	sshll.u32 s1, $0x11  }
0xbb: {  	s0 =	sor.u32 s1, s0  }
0xbc: {  	s0 =	sadd.s32 $0x8F2B, s0  }
0xbd: {  	[sflag:s0] =	ssyncadd.remote.s32 $0x1  }
0xbe: {  	_ =	sfence.sel $0xFFFF  }
0xbf: {  	[dreg:$0x0] =	wrdreg $0xFFFFFFFF;
	(pc) =	sbr.abs _section_cstart, $3  }
0xc0: {  	[dreg:$0x1] =	wrdreg $0xFFFFFFFF  }
0xc1: {  	_ =	task.clear_ibuf [dreg:s6], $0x2FFFF;
	_ =	strace $0x9FFFFFFF  }
0xc2: {  	(tm) =	ssettm $0x7FFFFFFF  }
0xc3: {  	_ =	shalt  }
tec
execute0_lowered:
.L_overlay_start_1:
0x0: {  	(tag) =	ssettag $0x1  }
0x1: {  	s0 =	rddreg [dreg:$0x0]  }
0x2: {  	s1 =	rddreg [dreg:$0x1];
	s2 =	simm.s32 $0x0  }
0x3: {  	s3 =	srdreg.scid;
	s12 =	stileid.u32;
	s9 =	simm.s32 $0x2800  }
0x4: {  	s22 =	simm.s32 $0x400;
	s28 =	simm.s32 $0x1000;
	s8 =	smul.u32 $0x13C00, s12  }
0x5: {  	s29 =	simm.s32 $0x5000;
	s30 =	simm.s32 $0x1;
	s10 =	smul.u32 $0x5000, s12  }
0x6: {  	[smem:$0x7FF] =	sst s2;
	s3 =	sand.u32 $0x1, s3;
	s31 =	smul.u32 $0x4E000, s12  }
0x7: {  	s4 =	sadd.s32 $0x3E200, s0;
	s5 =	sadd.s32 $0x3000, s0;
	s17 =	smul.u32 $0x2700, s12  }
0x8: {  	s6 =	sadd.s32 $0xD000, s0;
	s13 =	sadd.s32 $0x17000, s0;
	s19 =	smul.u32 $0x4F000, s12  }
0x9: {  	s21 =	sadd.s32 $0x138000, s1;
	p2 =	seq.s32 s12, $0x0;
	p1 =	sne.s32 s12, $0x0  }
0xa: {  	s12 =	simm.s32 $0xF80;
	s7 =	smul.u32 $0x13C000, s3;
	_ =	strace $0x8000004D  }
0xb: {  	s24 =	ssub.s32 $0x2, s3;
	p0 =	seq.s32 s3, $0x0;
	[dreg:$0x3] =	wrdreg s13  }
0xc: {  	s11 =	sshrl.u32 s24, $0x1;
	s9 =	simm.s32 @!p0 $0x0;
	s16 =	sshrl.u32 s31, $0x2  }
0xd: {  	s20 =	sadd.s32 s13, s17;
	s23 =	sshrl.u32 s19, $0x2;
	p0 =	sne.s32 s3, $0x0  }
0xe: {  	s31 =	sshrl.u32 s21, $0x3;
	s13 =	simm.s32 $0x600;
	s3 =	simm.s32 $0x680  }
0xf: {  	s19 =	simm.s32 $0x0;
	s7 =	sadd.s32 s8, s7;
	s25 =	ssub.s32 s24, s11  }
0x10: {  	s26 =	sadd.s32 s10, s9;
	s18 =	sadd.s32 s16, s1;
	[dreg:$0x9] =	wrdreg s20  }
0x11: {  	s11 =	sadd.s32 s4, s17;
	s20 =	simm.s32 $0x5;
	[dreg:$0xe] =	wrdreg s31  }
0x12: {  	s8 =	simm.s32 $0xE00;
	s7 =	sshrl.u32 s7, $0x3;
	[dreg:$0x8] =	wrdreg s18  }
0x13: {  	s9 =	sshrl.u32 s26, $0x3;
	s10 =	sor.u32 $0x400, s26;
	[dreg:$0xa] =	wrdreg s11  }
0x14: {  	s24 =	sadd.s32 $0xC00, s26;
	s26 =	sadd.s32 $0x800, s26;
	s11 =	simm.s32 $0x780  }
0x15: {  	s0 =	sadd.s32 s7, s0;
	s14 =	sadd.s32 s5, s9;
	s9 =	sadd.s32 s6, s9  }
0x16: {  	s15 =	sshrl.u32 s10, $0x3;
	s7 =	smax.u32 s25, $0x1;
	[dreg:$0xd] =	wrdreg s26  }
0x17: {  	s25 =	sshrl.u32 s24, $0x3;
	s26 =	simm.s32 $0x80;
	[dreg:$0x4] =	wrdreg s14  }
0x18: {  	[dreg:$0x5] =	wrdreg s9;
	s10 =	sadd.s32 s5, s15;
	s9 =	sadd.s32 s6, s15  }
0x19: {  	s0 =	sadd.s32 $0x65400, s0;
	[dreg:$0xc] =	wrdreg s7;
	s17 =	sadd.s32 s25, s6  }
.Ltmp0:
0x1a: {  	s18 =	sadd.s32 s25, s5;
	[dreg:$0x6] =	wrdreg s10;
	(pc) =	sbr.rel .LBB2_1-.Ltmp0, $4  }
0x1b: {  	s15 =	simm.s32 $0x4;
	s7 =	simm.s32 $0xD00;
	[dreg:$0x7] =	wrdreg s9  }
0x1c: {  	s14 =	simm.s32 $0xD80;
	[dreg:$0xb] =	wrdreg s0;
	s0 =	sadd.s32 s23, s1  }
0x1d: {  	s23 =	simm.s32 $0xC00;
	s9 =	simm.s32 $0x700;
	s0 =	sshrl.u32 s0, $0x3  }
0x1e: {  	s10 =	simm.s32 $0xE80;
	[dreg:$0xf] =	wrdreg s0;
	s0 =	simm.s32 $0x2  }
.LBB2_8:
0x1f: {  	[bflag:$0x0] =	sbarrier.arrive $0xFFFF  }
0x20: {  	s16 =	rddreg [dreg:$0x11]  }
0x21: {  	s19 =	rddreg [dreg:$0xb]  }
0x22: {  	s21 =	rddreg [dreg:$0xf];
	s16 =	sor.u32 $0x1C05, s16  }
0x23: {  	[hbm:s19], [sflag:s16] =	dma.local [spmem:s21], $0x2780  }
0x24: {  	_ =	swait.ge [sflag:s20], $0x2780  }
0x25: {  	s25 =	rddreg [dreg:$0x10]  }
0x26: {  	s31 =	rddreg [dreg:$0xc];
	s19 =	sadd.s32 $0x1, s25  }
0x27: {  	p3 =	sne.s32 s19, s31  }
.Ltmp1:
0x28: {  	_ = 	snop;
	(pc) =	sbr.rel @!p3 .LBB2_9-.Ltmp1, $3  }
0x29: {  	_ =	sdelay $0x1  }
0x2a: {  	[sflag:s20] =	ssyncset.done $0x0  }
0x2b: {  	[sflag:s20] =	ssyncadd.s32 $0xFFFFD880  }
.LBB2_1:
0x2c: {  	[dreg:$0x10] =	wrdreg s19  }
0x2d: {  	s16 =	rddreg [dreg:$0x4]  }
0x2e: {  	[tilespmem:s2], [sflag:$0x5] =	stream.linear.gather [hbm4b:s16+s2], $0x400, $0x38;
	[tilespmem:$0x1CC00] =	vst v63  }
0x2f: {  	_ =	swait.ge [sflag:s20], $0x400  }
0x30: {  	[sflag:s20] =	ssyncset.done $0x0  }
0x31: {  	s31 =	simm.s32 $0x800;
	s25 =	rddreg [dreg:$0x5];
	[sflag:s20] =	ssyncadd.s32 $0xFFFFFC00  }
0x32: {  	[tilespmem:s31], [sflag:$0x5] =	stream.linear.gather [hbm4b:s25+s2], $0x400, $0x38;
	[tilespmem:$0x1CC00] =	vst v63  }
0x33: {  	_ =	swait.ge [sflag:s20], $0x400  }
0x34: {  	[sflag:s20] =	ssyncset.done $0x0  }
0x35: {  	s21 =	rddreg [dreg:$0x6];
	[sflag:s20] =	ssyncadd.s32 $0xFFFFFC00  }
0x36: {  	[tilespmem:s22], [sflag:$0x4] =	stream.linear.gather [hbm4b:s21+s2], $0x400, $0x38;
	[tilespmem:$0x1CC00] =	vst v63  }
0x37: {  	s24 =	rddreg [dreg:$0x7]  }
0x38: {  	[tilespmem:s23], [sflag:$0x4] =	stream.linear.gather [hbm4b:s24+s2], $0x400, $0x38;
	[tilespmem:$0x1CC00] =	vst v63  }
.Ltmp2:
0x39: {  	s25 =	stileid.u32;
	(pc) =	sbr.rel @p0 .LBB2_3-.Ltmp2, $4  }
0x3a: {  	s31 =	rddreg [dreg:$0x8];
	s21 =	sshll.u32 s25, $0x6  }
0x3b: {  	[tilespmem:s28], [sflag:$0x1] =	stream.indirect.gather [hbm4b:s4+s26], $0x80, s2, s26, $0xb8;
	[tilespmem:$0x1CC00] =	vst v63  }
0x3c: {  	s19 =	sshrl.u32 s31, $0x3;
	s16 =	sor.u32 $0x1C05, s21;
	[dreg:$0x11] =	wrdreg s21  }
0x3d: {  	[tilespmem:s29], [sflag:$0x2] =	stream.indirect.gather [hbm4b:s4+s26], $0x80, s26, s26, $0xb8;
	[tilespmem:$0x1CC00] =	vst v63  }
0x3e: {  	s16 =	sor.u32 $0x1C05, s21;
	s31 =	rddreg [dreg:$0xa]  }
0x3f: {  	[spmem:s19], [sflag:s16] =	dma.local [hbm:s31], $0x2700  }
.Ltmp3:
0x40: {  	_ = 	snop;
	(pc) =	sbr.rel @!p2 .LBB2_5-.Ltmp3, $4  }
.Ltmp4:
0x41: {  	_ = 	snop;
	(pc) =	sbr.rel @p2 .LBB2_4-.Ltmp4, $4  }
0x42: {  	_ =	swait.ge [sflag:s20], $0x2700  }
0x43: {  	[sflag:s20] =	ssyncset.done $0x0  }
0x44: {  	s19 =	smov.u32 s4;
	[sflag:s20] =	ssyncadd.s32 $0xFFFFD900  }
0x45: {  	_ = 	snop  }
.LBB2_3:
.Ltmp5:
0x46: {  	s21 =	rddreg [dreg:$0x9];
	(pc) =	sbr.rel @p1 .LBB2_5-.Ltmp5, $4  }
0x47: {  	[spmem:s19], [sflag:s16] =	dma.local [hbm:s21], $0x2700  }
0x48: {  	_ =	swait.ge [sflag:s20], $0x2700  }
0x49: {  	[sflag:s20] =	ssyncset.done $0x0  }
0x4a: {  	s19 =	rddreg [dreg:$0x3];
	[sflag:s20] =	ssyncadd.s32 $0xFFFFD900  }
.LBB2_4:
0x4b: {  	s19 =	sadd.s32 $0x27000, s19;
	s21 =	rddreg [dreg:$0xe]  }
0x4c: {  	[spmem:s21], [sflag:s16] =	dma.local [hbm:s19], $0x100  }
0x4d: {  	_ =	swait.ge [sflag:s20], $0x100  }
0x4e: {  	[sflag:s20] =	ssyncset.done $0x0  }
0x4f: {  	[sflag:s20] =	ssyncadd.s32 $0xFFFFFF00  }
.LBB2_5:
0x50: {  	[bflag:$0x0] =	sbarrier.arrive $0xFFFF  }
0x51: {  	s16 =	simm.s32 $0x0;
	s19 =	rddreg [dreg:$0xd]  }
.LBB2_6:
0x52: {  	_ =	swait.ge [sflag:s30], $0x4000  }
0x53: {  	[sflag:s30] =	ssyncset.done $0x0  }
0x54: {  	s21 =	simm.s32 $0x800;
	[sflag:s30] =	ssyncadd.s32 $0xFFFFC000  }
0x55: {  	[spmem:s1] =	stream.indirect.scatter.add.f32 [tilespmem:s28], [sflag:$0x5], $0x80, s21, s26, $0xb8;
	[tilespmem:$0x1CC00] =	vst v63  }
0x56: {  	_ =	swait.ge [sflag:s20], $0x4000  }
0x57: {  	[sflag:s20] =	ssyncset.done $0x0  }
0x58: {  	s24 =	simm.s32 $0x100;
	[sflag:s20] =	ssyncadd.s32 $0xFFFFC000  }
0x59: {  	[tilespmem:s28], [sflag:$0x1] =	stream.indirect.gather [hbm4b:s4+s26], $0x80, s24, s26, $0xb8;
	[tilespmem:$0x1CC00] =	vst v63  }
0x5a: {  	_ =	swait.ge [sflag:s0], $0x4000  }
0x5b: {  	[sflag:s0] =	ssyncset.done $0x0  }
0x5c: {  	s25 =	simm.s32 $0x880;
	[sflag:s0] =	ssyncadd.s32 $0xFFFFC000  }
0x5d: {  	[spmem:s1] =	stream.indirect.scatter.add.f32 [tilespmem:s29], [sflag:$0x5], $0x80, s25, s26, $0xb8;
	[tilespmem:$0x1CC00] =	vst v63  }
0x5e: {  	_ =	swait.ge [sflag:s20], $0x4000  }
0x5f: {  	[sflag:s20] =	ssyncset.done $0x0  }
0x60: {  	s31 =	simm.s32 $0x180;
	[sflag:s20] =	ssyncadd.s32 $0xFFFFC000  }
0x61: {  	[tilespmem:s29], [sflag:$0x2] =	stream.indirect.gather [hbm4b:s4+s26], $0x80, s31, s26, $0xb8;
	[tilespmem:$0x1CC00] =	vst v63  }
0x62: {  	_ =	swait.ge [sflag:s30], $0x4000  }
0x63: {  	[sflag:s30] =	ssyncset.done $0x0  }
0x64: {  	s24 =	simm.s32 $0x900;
	[sflag:s30] =	ssyncadd.s32 $0xFFFFC000  }
0x65: {  	[spmem:s1] =	stream.indirect.scatter.add.f32 [tilespmem:s28], [sflag:$0x5], $0x80, s24, s26, $0xb8;
	[tilespmem:$0x1CC00] =	vst v63  }
0x66: {  	_ =	swait.ge [sflag:s20], $0x4000  }
0x67: {  	[sflag:s20] =	ssyncset.done $0x0  }
0x68: {  	s25 =	simm.s32 $0x200;
	[sflag:s20] =	ssyncadd.s32 $0xFFFFC000  }
0x69: {  	[tilespmem:s28], [sflag:$0x1] =	stream.indirect.gather [hbm4b:s4+s26], $0x80, s25, s26, $0xb8;
	[tilespmem:$0x1CC00] =	vst v63  }
0x6a: {  	_ =	swait.ge [sflag:s0], $0x4000  }
0x6b: {  	[sflag:s0] =	ssyncset.done $0x0  }
0x6c: {  	s31 =	simm.s32 $0x980;
	[sflag:s0] =	ssyncadd.s32 $0xFFFFC000  }
0x6d: {  	[spmem:s1] =	stream.indirect.scatter.add.f32 [tilespmem:s29], [sflag:$0x5], $0x80, s31, s26, $0xb8;
	[tilespmem:$0x1CC00] =	vst v63  }
0x6e: {  	_ =	swait.ge [sflag:s20], $0x4000  }
0x6f: {  	[sflag:s20] =	ssyncset.done $0x0  }
0x70: {  	s24 =	simm.s32 $0x280;
	[sflag:s20] =	ssyncadd.s32 $0xFFFFC000  }
0x71: {  	[tilespmem:s29], [sflag:$0x2] =	stream.indirect.gather [hbm4b:s4+s26], $0x80, s24, s26, $0xb8;
	[tilespmem:$0x1CC00] =	vst v63  }
0x72: {  	_ =	swait.ge [sflag:s30], $0x4000  }
0x73: {  	[sflag:s30] =	ssyncset.done $0x0  }
0x74: {  	s25 =	simm.s32 $0xA00;
	[sflag:s30] =	ssyncadd.s32 $0xFFFFC000  }
0x75: {  	[spmem:s1] =	stream.indirect.scatter.add.f32 [tilespmem:s28], [sflag:$0x5], $0x80, s25, s26, $0xb8;
	[tilespmem:$0x1CC00] =	vst v63  }
0x76: {  	_ =	swait.ge [sflag:s20], $0x4000  }
0x77: {  	[sflag:s20] =	ssyncset.done $0x0  }
0x78: {  	s31 =	simm.s32 $0x300;
	[sflag:s20] =	ssyncadd.s32 $0xFFFFC000  }
0x79: {  	[tilespmem:s28], [sflag:$0x1] =	stream.indirect.gather [hbm4b:s4+s26], $0x80, s31, s26, $0xb8;
	[tilespmem:$0x1CC00] =	vst v63  }
0x7a: {  	_ =	swait.ge [sflag:s0], $0x4000  }
0x7b: {  	[sflag:s0] =	ssyncset.done $0x0  }
0x7c: {  	s24 =	simm.s32 $0xA80;
	[sflag:s0] =	ssyncadd.s32 $0xFFFFC000  }
0x7d: {  	[spmem:s1] =	stream.indirect.scatter.add.f32 [tilespmem:s29], [sflag:$0x5], $0x80, s24, s26, $0xb8;
	[tilespmem:$0x1CC00] =	vst v63  }
0x7e: {  	_ =	swait.ge [sflag:s20], $0x4000  }
0x7f: {  	[sflag:s20] =	ssyncset.done $0x0  }
0x80: {  	s25 =	simm.s32 $0x380;
	[sflag:s20] =	ssyncadd.s32 $0xFFFFC000  }
0x81: {  	[tilespmem:s29], [sflag:$0x2] =	stream.indirect.gather [hbm4b:s4+s26], $0x80, s25, s26, $0xb8;
	[tilespmem:$0x1CC00] =	vst v63  }
0x82: {  	_ =	swait.ge [sflag:s15], $0x400  }
0x83: {  	[sflag:s15] =	ssyncset.done $0x0  }
0x84: {  	[sflag:s15] =	ssyncadd.s32 $0xFFFFFC00  }
0x85: {  	_ =	swait.ge [sflag:s15], $0x400  }
0x86: {  	[sflag:s15] =	ssyncset.done $0x0  }
0x87: {  	[sflag:s15] =	ssyncadd.s32 $0xFFFFFC00  }
0x88: {  	_ =	swait.ge [sflag:s30], $0x4000  }
0x89: {  	[sflag:s30] =	ssyncset.done $0x0  }
0x8a: {  	s31 =	simm.s32 $0xB00;
	[sflag:s30] =	ssyncadd.s32 $0xFFFFC000  }
0x8b: {  	[spmem:s1] =	stream.indirect.scatter.add.f32 [tilespmem:s28], [sflag:$0x5], $0x80, s31, s26, $0xb8;
	[tilespmem:$0x1CC00] =	vst v63  }
0x8c: {  	_ =	swait.ge [sflag:s20], $0x4000  }
0x8d: {  	[sflag:s20] =	ssyncset.done $0x0  }
0x8e: {  	[sflag:s20] =	ssyncadd.s32 $0xFFFFC000  }
0x8f: {  	[tilespmem:s28], [sflag:$0x1] =	stream.indirect.gather [hbm4b:s4+s26], $0x80, s22, s26, $0xb8;
	[tilespmem:$0x1CC00] =	vst v63  }
0x90: {  	_ =	swait.ge [sflag:s0], $0x4000  }
0x91: {  	[sflag:s0] =	ssyncset.done $0x0  }
0x92: {  	s24 =	simm.s32 $0xB80;
	[sflag:s0] =	ssyncadd.s32 $0xFFFFC000  }
0x93: {  	[spmem:s1] =	stream.indirect.scatter.add.f32 [tilespmem:s29], [sflag:$0x5], $0x80, s24, s26, $0xb8;
	[tilespmem:$0x1CC00] =	vst v63  }
0x94: {  	_ =	swait.ge [sflag:s20], $0x4000  }
0x95: {  	p3 =	seq.s32 s16, $0x400;
	[sflag:s20] =	ssyncset.done $0x0  }
0x96: {  	s21 =	sshrl.u32 @!p3 s19, $0x3;
	s25 =	simm.s32 $0x480;
	[sflag:s20] =	ssyncadd.s32 $0xFFFFC000  }
0x97: {  	[tilespmem:s29], [sflag:$0x2] =	stream.indirect.gather [hbm4b:s4+s26], $0x80, s25, s26, $0xb8;
	[tilespmem:$0x1CC00] =	vst v63  }
0x98: {  	s31 =	sadd.s32 @!p3 s5, s21;
	s25 =	simm.s32 @!p3 $0x0  }
0x99: {  	[tilespmem:s25], [sflag:$0x3] =	stream.linear.gather @!p3 [hbm4b:s31+s25], $0x400, $0x38;
	[tilespmem:$0x1CC00] =	vst v63  }
0x9a: {  	s21 =	sadd.s32 @!p3 s6, s21;
	s31 =	simm.s32 @!p3 $0x800  }
0x9b: {  	[tilespmem:s31], [sflag:$0x3] =	stream.linear.gather @!p3 [hbm4b:s21+s25], $0x400, $0x38;
	[tilespmem:$0x1CC00] =	vst v63  }
0x9c: {  	_ =	swait.ge [sflag:s30], $0x4000  }
0x9d: {  	[sflag:s30] =	ssyncset.done $0x0  }
0x9e: {  	[sflag:s30] =	ssyncadd.s32 $0xFFFFC000  }
0x9f: {  	[spmem:s1] =	stream.indirect.scatter.add.f32 [tilespmem:s28], [sflag:$0x5], $0x80, s23, s26, $0xb8;
	[tilespmem:$0x1CC00] =	vst v63  }
0xa0: {  	_ =	swait.ge [sflag:s20], $0x4000  }
0xa1: {  	[sflag:s20] =	ssyncset.done $0x0  }
0xa2: {  	s31 =	simm.s32 $0x500;
	[sflag:s20] =	ssyncadd.s32 $0xFFFFC000  }
0xa3: {  	[tilespmem:s28], [sflag:$0x1] =	stream.indirect.gather [hbm4b:s4+s26], $0x80, s31, s26, $0xb8;
	[tilespmem:$0x1CC00] =	vst v63  }
0xa4: {  	_ =	swait.ge [sflag:s0], $0x4000  }
0xa5: {  	[sflag:s0] =	ssyncset.done $0x0  }
0xa6: {  	s24 =	simm.s32 $0xC80;
	[sflag:s0] =	ssyncadd.s32 $0xFFFFC000  }
0xa7: {  	[spmem:s1] =	stream.indirect.scatter.add.f32 [tilespmem:s29], [sflag:$0x5], $0x80, s24, s26, $0xb8;
	[tilespmem:$0x1CC00] =	vst v63  }
0xa8: {  	_ =	swait.ge [sflag:s20], $0x4000  }
0xa9: {  	[sflag:s20] =	ssyncset.done $0x0  }
0xaa: {  	s31 =	simm.s32 $0x580;
	[sflag:s20] =	ssyncadd.s32 $0xFFFFC000  }
0xab: {  	[tilespmem:s29], [sflag:$0x2] =	stream.indirect.gather [hbm4b:s4+s26], $0x80, s31, s26, $0xb8;
	[tilespmem:$0x1CC00] =	vst v63  }
0xac: {  	_ =	swait.ge [sflag:s30], $0x4000  }
0xad: {  	[sflag:s30] =	ssyncset.done $0x0  }
0xae: {  	[sflag:s30] =	ssyncadd.s32 $0xFFFFC000  }
0xaf: {  	[spmem:s1] =	stream.indirect.scatter.add.f32 [tilespmem:s28], [sflag:$0x5], $0x80, s7, s26, $0xb8;
	[tilespmem:$0x1CC00] =	vst v63  }
0xb0: {  	_ =	swait.ge [sflag:s20], $0x4000  }
0xb1: {  	[sflag:s20] =	ssyncset.done $0x0  }
0xb2: {  	[sflag:s20] =	ssyncadd.s32 $0xFFFFC000  }
0xb3: {  	[tilespmem:s28], [sflag:$0x1] =	stream.indirect.gather [hbm4b:s4+s26], $0x80, s13, s26, $0xb8;
	[tilespmem:$0x1CC00] =	vst v63  }
0xb4: {  	_ =	swait.ge [sflag:s0], $0x4000  }
0xb5: {  	[sflag:s0] =	ssyncset.done $0x0  }
0xb6: {  	[sflag:s0] =	ssyncadd.s32 $0xFFFFC000  }
0xb7: {  	[spmem:s1] =	stream.indirect.scatter.add.f32 [tilespmem:s29], [sflag:$0x5], $0x80, s14, s26, $0xb8;
	[tilespmem:$0x1CC00] =	vst v63  }
0xb8: {  	_ =	swait.ge [sflag:s20], $0x4000  }
0xb9: {  	[sflag:s20] =	ssyncset.done $0x0  }
0xba: {  	[sflag:s20] =	ssyncadd.s32 $0xFFFFC000  }
0xbb: {  	[tilespmem:s29], [sflag:$0x2] =	stream.indirect.gather [hbm4b:s4+s26], $0x80, s3, s26, $0xb8;
	[tilespmem:$0x1CC00] =	vst v63  }
0xbc: {  	_ =	swait.ge [sflag:s30], $0x4000  }
0xbd: {  	[sflag:s30] =	ssyncset.done $0x0  }
0xbe: {  	[sflag:s30] =	ssyncadd.s32 $0xFFFFC000  }
0xbf: {  	[spmem:s1] =	stream.indirect.scatter.add.f32 [tilespmem:s28], [sflag:$0x5], $0x80, s8, s26, $0xb8;
	[tilespmem:$0x1CC00] =	vst v63  }
0xc0: {  	_ =	swait.ge [sflag:s20], $0x4000  }
0xc1: {  	[sflag:s20] =	ssyncset.done $0x0  }
0xc2: {  	[sflag:s20] =	ssyncadd.s32 $0xFFFFC000  }
0xc3: {  	[tilespmem:s28], [sflag:$0x1] =	stream.indirect.gather [hbm4b:s4+s26], $0x80, s9, s26, $0xb8;
	[tilespmem:$0x1CC00] =	vst v63  }
0xc4: {  	_ =	swait.ge [sflag:s0], $0x4000  }
0xc5: {  	[sflag:s0] =	ssyncset.done $0x0  }
0xc6: {  	[sflag:s0] =	ssyncadd.s32 $0xFFFFC000  }
0xc7: {  	[spmem:s1] =	stream.indirect.scatter.add.f32 [tilespmem:s29], [sflag:$0x5], $0x80, s10, s26, $0xb8;
	[tilespmem:$0x1CC00] =	vst v63  }
0xc8: {  	_ =	swait.ge [sflag:s20], $0x4000  }
0xc9: {  	[sflag:s20] =	ssyncset.done $0x0  }
0xca: {  	s21 =	simm.s32 @p3 $0x1;
	[sflag:s20] =	ssyncadd.s32 $0xFFFFC000  }
0xcb: {  	[tilespmem:s29], [sflag:$0x2] =	stream.indirect.gather [hbm4b:s4+s26], $0x80, s11, s26, $0xb8;
	[tilespmem:$0x1CC00] =	vst v63  }
0xcc: {  	_ =	swait.ge @p3 [sflag:s21], $0x4000  }
0xcd: {  	s24 =	simm.s32 @p3 $0x1000;
	[sflag:s21] =	ssyncset.done @p3 $0x0  }
0xce: {  	s31 =	simm.s32 @p3 $0xF00;
	[sflag:s21] =	ssyncadd.s32 @p3 $0xFFFFC000;
	s21 =	simm.s32 @p3 $0x80  }
0xcf: {  	[spmem:s1] =	stream.indirect.scatter.add.f32 @p3 [tilespmem:s24], [sflag:$0x5], $0x80, s31, s21, $0xb8;
	[tilespmem:$0x1CC00] =	vst v63  }
0xd0: {  	s21 =	simm.s32 @p3 $0x5  }
0xd1: {  	_ =	swait.ge @p3 [sflag:s21], $0x4000  }
0xd2: {  	[sflag:s21] =	ssyncset.done @p3 $0x0  }
0xd3: {  	[sflag:s21] =	ssyncadd.s32 @p3 $0xFFFFC000;
	s21 =	simm.s32 @!p3 $0x3  }
0xd4: {  	_ =	swait.ge @!p3 [sflag:s21], $0x400  }
0xd5: {  	[sflag:s21] =	ssyncset.done @!p3 $0x0  }
0xd6: {  	[sflag:s21] =	ssyncadd.s32 @!p3 $0xFFFFFC00  }
0xd7: {  	_ =	swait.ge @!p3 [sflag:s21], $0x400  }
0xd8: {  	[sflag:s21] =	ssyncset.done @!p3 $0x0  }
0xd9: {  	[sflag:s21] =	ssyncadd.s32 @!p3 $0xFFFFFC00;
	s21 =	simm.s32 @!p3 $0x1  }
0xda: {  	_ =	swait.ge @!p3 [sflag:s21], $0x4000  }
0xdb: {  	s24 =	simm.s32 @!p3 $0xF00;
	[sflag:s21] =	ssyncset.done @!p3 $0x0  }
0xdc: {  	s31 =	simm.s32 @!p3 $0x1000;
	[sflag:s21] =	ssyncadd.s32 @!p3 $0xFFFFC000;
	s21 =	simm.s32 @!p3 $0x80  }
0xdd: {  	[spmem:s1] =	stream.indirect.scatter.add.f32 @!p3 [tilespmem:s31], [sflag:$0x5], $0x80, s24, s21, $0xb8;
	[tilespmem:$0x1CC00] =	vst v63  }
0xde: {  	s24 =	simm.s32 @!p3 $0x5  }
0xdf: {  	_ =	swait.ge @!p3 [sflag:s24], $0x4000  }
0xe0: {  	[sflag:s24] =	ssyncset.done @!p3 $0x0  }
0xe1: {  	[sflag:s24] =	ssyncadd.s32 @!p3 $0xFFFFC000  }
0xe2: {  	[tilespmem:s31], [sflag:$0x1] =	stream.indirect.gather @!p3 [hbm4b:s4+s21], $0x80, s25, s21, $0xb8;
	[tilespmem:$0x1CC00] =	vst v63  }
0xe3: {  	_ =	swait.ge [sflag:s0], $0x4000  }
0xe4: {  	[sflag:s0] =	ssyncset.done $0x0  }
.Ltmp6:
0xe5: {  	[sflag:s0] =	ssyncadd.s32 $0xFFFFC000;
	(pc) =	sbr.rel @p3 .LBB2_8-.Ltmp6, $4  }
0xe6: {  	[spmem:s1] =	stream.indirect.scatter.add.f32 [tilespmem:s29], [sflag:$0x5], $0x80, s12, s26, $0xb8;
	[tilespmem:$0x1CC00] =	vst v63  }
0xe7: {  	_ =	swait.ge [sflag:s20], $0x4000  }
0xe8: {  	[sflag:s20] =	ssyncset.done $0x0  }
0xe9: {  	[sflag:s20] =	ssyncadd.s32 $0xFFFFC000  }
0xea: {  	[tilespmem:s29], [sflag:$0x2] =	stream.indirect.gather [hbm4b:s4+s26], $0x80, s26, s26, $0xb8;
	[tilespmem:$0x1CC00] =	vst v63  }
.Ltmp7:
0xeb: {  	_ = 	snop;
	(pc) =	sbr.rel .LBB2_6-.Ltmp7, $4  }
0xec: {  	s21 =	sadd.s32 s16, s18  }
0xed: {  	[tilespmem:s22], [sflag:$0x4] =	stream.linear.gather [hbm4b:s21+s2], $0x400, $0x38;
	[tilespmem:$0x1CC00] =	vst v63  }
0xee: {  	s31 =	sadd.s32 s16, s17;
	s16 =	sadd.s32 $0x100, s16;
	s19 =	sadd.s32 $0x800, s19  }
0xef: {  	[tilespmem:s23], [sflag:$0x4] =	stream.linear.gather [hbm4b:s31+s2], $0x400, $0x38;
	[tilespmem:$0x1CC00] =	vst v63  }
.LBB2_9:
0xf0: {  	_ =	sfence.sel $0x180000  }
0xf1: {  	[bflag:$0x0] =	sbarrier.arrive $0xFFFF  }
0xf2: {  	_ =	strace $0x9000004D  }
0xf3: {  	[bflag:$0x2] =	sbarrier.arrive $0xFFFF  }
0xf4: {  	s0 =	rddreg [dreg:$0x2]  }
0xf5: {  	s0 =	sadd.s32 @!p1 $0x100000, s0  }
0xf6: {  	[sflag:s0] =	ssyncadd.tile.s32 @!p1 $0x1;
	_ =	shalt  }
.Lfunc_end2:
_tile_overlayer_lowered:
.L_overlay_start_2:
0xf7: {  	(tag) =	ssettag $0x2  }
0xf8: {  	s0 =	rddreg [dreg:$0x0];
	s2 =	stileid.u32  }
0xf9: {  	s1 =	rddreg [dreg:$0x1];
	p0 =	sne.s32 s2, $0x0  }
0xfa: {  	s3 =	rddreg [dreg:$0x2];
	[bflag:$0x3] =	sbarrier.arrive $0xFFFF;
	s2 =	simm.s32 @!p0 $0x1C05  }
0xfb: {  	[timem:s3], [sflag:s2] =	dma.local @!p0 [hbm:s0], s1  }
0xfc: {  	s0 =	simm.s32 @!p0 $0x5  }
0xfd: {  	_ =	swait.ge @!p0 [sflag:s0], s1  }
0xfe: {  	s1 =	ssub.s32 @!p0 $0x0, s1;
	[sflag:s0] =	ssyncset.done @!p0 $0x0  }
0xff: {  	[sflag:s0] =	ssyncadd.s32 @!p0 s1  }
0x100: {  	[bflag:$0x3] =	sbarrier.arrive $0xFFFF  }
0x101: {  	_ =	shalt  }

// kernel: kernel.8.cloned.1.call-start
scs
__scs_entry_jumppad:
0x0: {  	(pc) =	sbr.rel $0x88, $3  }
0x1: {  	(tag) =	ssettag $0x0;
	lr =	simm.s32 $0x1  }
0x2: {  	[smem:$0x3F8E] =	sst lr;
	_ =	strace $0xD0000000  }
0x3: {  	_ = 	snop  }
0x4: {  	_ = 	snop  }
0x5: {  	_ = 	snop  }
0x6: {  	_ = 	snop  }
0x7: {  	_ = 	snop  }
__scs_overlays_trampoline_lowered:
0x8: {  	[smem:$0x3F9D] =	sst s0  }
0x9: {  	[smem:$0x3F9E] =	sst s1  }
0xa: {  	[smem:$0x3F9F] =	sst s2  }
0xb: {  	[smem:$0x3FA0] =	sst s3  }
0xc: {  	[smem:$0x3FA1] =	sst s4  }
0xd: {  	[smem:$0x3FA2] =	sst s5  }
0xe: {  	[smem:$0x3FA3] =	sst s6  }
0xf: {  	[smem:$0x3FA4] =	sst s7  }
0x10: {  	[smem:$0x3FA5] =	sst s8  }
0x11: {  	[smem:$0x3FA6] =	sst s9;
	s0 =	simm.s32 @!p0 $0x0  }
0x12: {  	s1 =	sld [smem:$0x3F8C];
	s0 =	simm.s32 @p0 $0x1  }
0x13: {  	[smem:$0x3FA7] =	sst s0;
	s0 =	simm.s32 @!p1 $0x0  }
0x14: {  	s2 =	sld [smem:$0x3F8B];
	s0 =	simm.s32 @p1 $0x1  }
0x15: {  	[smem:$0x3FA8] =	sst s0;
	s0 =	simm.s32 @!p2 $0x0  }
0x16: {  	s3 =	sld [smem:$0x3FDB];
	s0 =	simm.s32 @p2 $0x1  }
0x17: {  	s4 =	simm.s32 $0x1BF5;
	[smem:$0x3FAA] =	sst s0  }
0x18: {  	s0 =	sld [smem:$0x3F8D];
	_ =	swait.ge [sflag:s4], $0x0  }
0x19: {  	s7 =	sld [smem:$0x3F8E]  }
0x1a: {  	s8 =	sadd.s32 $0xFFFFE003, lr  }
0x1b: {  	s9 =	sadd.s32 $0xFFFFFEF7, lr;
	s5 =	simm.s32 $0xFFFFFFFF;
	p2 =	slt.u32 s8, $0xFFFFF086  }
0x1c: {  	p1 =	slt.u32 s9, $0xF7A;
	s5 =	simm.s32 @!p2 $0x0  }
0x1d: {  	s5 =	simm.s32 @p1 $0x1;
	p0 =	seq.s32 s7, s2  }
0x1e: {  	s7 =	smul.u32 @!p0 $0xF7A, s2;
	p2 =	seq.s32 @!p0 s5, $0x0  }
0x1f: {  	s9 =	smul.u32 $0xF7A, s1;
	s8 =	simm.s32 @!p0 $0x1BF5;
	p2 =	por !p2, p0  }
0x20: {  	[sflag:s8] =	ssyncset.s32 @!p0 $0xFFFFF086;
	s6 =	sadd.s32 @!p0 s3, s7;
	s7 =	simm.s32 @!p0 $0x108  }
0x21: {  	s3 =	sadd.s32 s3, s9;
	s6 =	sadd.s32 @!p0 $0x88, s6;
	s7 =	simm.s32 @p2 $0x1082  }
0x22: {  	[simem:s7], [sflag:s8] =	dma.local @!p0 [hbm:s6], $0xF7A  }
0x23: {  	s9 =	sor.u32 $0xD0000000, s2;
	s6 =	simm.s32 $0x108;
	_ =	swait.ge @!p0 [sflag:s8], $0x0  }
0x24: {  	s3 =	sadd.s32 $0x88, s3;
	s6 =	simm.s32 @!p1 $0x1082;
	[sflag:s4] =	ssyncset.s32 $0xFFFFF086  }
0x25: {  	[simem:s6], [sflag:s4] =	dma.local [hbm:s3], $0xF7A  }
0x26: {  	[smem:$0x3F8E] =	sst s1;
	(tag) =	ssettag s2;
	_ =	strace s9  }
0x27: {  	s1 =	sld [smem:$0x3F9E]  }
0x28: {  	s2 =	sld [smem:$0x3F9F]  }
0x29: {  	s4 =	sld [smem:$0x3FA1]  }
0x2a: {  	p0 =	seq.s32 s5, $0x0;
	s5 =	sld [smem:$0x3FA2]  }
0x2b: {  	s6 =	sld [smem:$0x3FA3]  }
0x2c: {  	s7 =	sld [smem:$0x3FA4]  }
0x2d: {  	s3 =	simm.s32 $0x108;
	s8 =	sld [smem:$0x3FA5]  }
0x2e: {  	s3 =	simm.s32 @!p0 $0x1082;
	s9 =	sld [smem:$0x3FA6]  }
0x2f: {  	lr =	sadd.s32 s0, s3;
	s0 =	sld [smem:$0x3F9D]  }
0x30: {  	s3 =	sld [smem:$0x3FA0]  }
0x31: {  	[smem:$0x3FA9] =	sst s10  }
0x32: {  	s10 =	sld [smem:$0x3FA7];
	_ =	sdelay $0x3  }
0x33: {  	p0 =	seq.s32 s10, $0x1;
	s10 =	sld [smem:$0x3FA9];
	_ =	sdelay $0x3  }
0x34: {  	[smem:$0x3FA9] =	sst s10  }
0x35: {  	s10 =	sld [smem:$0x3FA8];
	_ =	sdelay $0x3  }
0x36: {  	p1 =	seq.s32 s10, $0x1;
	s10 =	sld [smem:$0x3FA9];
	_ =	sdelay $0x3  }
0x37: {  	[smem:$0x3FA9] =	sst s10  }
0x38: {  	s10 =	sld [smem:$0x3FAA]  }
0x39: {  	_ = 	snop;
	(pc) =	sbr.ind lr, $3  }
0x3a: {  	_ = 	snop  }
0x3b: {  	_ = 	snop  }
0x3c: {  	p2 =	seq.s32 s10, $0x1;
	s10 =	sld [smem:$0x3FA9]  }
0x3d: {  	_ =	shalt  }
0x3e: {  	_ =	shalt  }
0x3f: {  	_ =	shalt  }
0x40: {  	_ =	shalt  }
0x41: {  	_ =	shalt  }
0x42: {  	_ =	shalt  }
0x43: {  	_ =	shalt  }
0x44: {  	_ =	shalt  }
0x45: {  	_ =	shalt  }
0x46: {  	_ =	shalt  }
0x47: {  	_ =	shalt  }
0x48: {  	_ =	shalt  }
0x49: {  	_ =	shalt  }
0x4a: {  	_ =	shalt  }
0x4b: {  	_ =	shalt  }
0x4c: {  	_ =	shalt  }
0x4d: {  	_ =	shalt  }
0x4e: {  	_ =	shalt  }
0x4f: {  	_ =	shalt  }
0x50: {  	_ =	shalt  }
0x51: {  	_ =	shalt  }
0x52: {  	_ =	shalt  }
0x53: {  	_ =	shalt  }
0x54: {  	_ =	shalt  }
0x55: {  	_ =	shalt  }
0x56: {  	_ =	shalt  }
0x57: {  	_ =	shalt  }
0x58: {  	_ =	shalt  }
0x59: {  	_ =	shalt  }
0x5a: {  	_ =	shalt  }
0x5b: {  	_ =	shalt  }
0x5c: {  	_ =	shalt  }
0x5d: {  	_ =	shalt  }
0x5e: {  	_ =	shalt  }
0x5f: {  	_ =	shalt  }
0x60: {  	_ =	shalt  }
0x61: {  	_ =	shalt  }
0x62: {  	_ =	shalt  }
0x63: {  	_ =	shalt  }
0x64: {  	_ =	shalt  }
0x65: {  	_ =	shalt  }
0x66: {  	_ =	shalt  }
0x67: {  	_ =	shalt  }
0x68: {  	_ =	shalt  }
0x69: {  	_ =	shalt  }
0x6a: {  	_ =	shalt  }
0x6b: {  	_ =	shalt  }
0x6c: {  	_ =	shalt  }
0x6d: {  	_ =	shalt  }
0x6e: {  	_ =	shalt  }
0x6f: {  	_ =	shalt  }
0x70: {  	_ =	shalt  }
0x71: {  	_ =	shalt  }
0x72: {  	_ =	shalt  }
0x73: {  	_ =	shalt  }
0x74: {  	_ =	shalt  }
0x75: {  	_ =	shalt  }
0x76: {  	_ =	shalt  }
0x77: {  	_ =	shalt  }
0x78: {  	_ =	shalt  }
0x79: {  	_ =	shalt  }
0x7a: {  	_ =	shalt  }
0x7b: {  	_ =	shalt  }
0x7c: {  	_ =	shalt  }
0x7d: {  	_ =	shalt  }
0x7e: {  	_ =	shalt  }
0x7f: {  	_ =	shalt  }
0x80: {  	_ =	shalt  }
0x81: {  	_ =	shalt  }
0x82: {  	_ =	shalt  }
0x83: {  	_ =	shalt  }
0x84: {  	_ =	shalt  }
0x85: {  	_ =	shalt  }
0x86: {  	_ =	shalt  }
0x87: {  	_ =	shalt  }
.Lfunc_end0:
.L_simem_size_0:
called_computation_lowered:
.L_overlay_start_0:
0x88: {  	s2 =	sld [smem:$0x3FD9]  }
0x89: {  	s3 =	sld [smem:$0x3FFE];
	_ =	sdelay $0x1  }
0x8a: {  	s1 =	srdreg.scid  }
0x8b: {  	s0 =	sand.u32 $0x1, s1  }
0x8c: {  	s17 =	sshll.u32 s0, $0xA;
	s2 =	sadd.s32 s3, s2  }
0x8d: {  	s2 =	sadd.s32 s2, s17  }
0x8e: {  	[smem:$0x3FB5] =	sst s2  }
0x8f: {  	_ = 	snop  }
0x90: {  	s2 =	sld [smem:$0x3FC9];
	(tm) =	ssettm $0x1  }
0x91: {  	s18 =	sld [smem:$0x3FFB];
	_ =	sdelay $0x3  }
0x92: {  	_ =	strace s18  }
0x93: {  	s3 =	sld [smem:$0x3FFC];
	_ =	sdelay $0x3  }
0x94: {  	_ =	strace s3  }
0x95: {  	s3 =	sld [smem:$0x3FFD];
	_ =	sdelay $0x3  }
0x96: {  	_ =	strace s3  }
0x97: {  	_ =	strace $0x8FFFFFFF  }
0x98: {  	s19 =	sld [smem:$0x3FDB];
	_ =	sdelay $0x1  }
0x99: {  	s4 =	simm.s32 $_scs_section_size  }
0x9a: {  	s5 =	simm.s32 $_size__tile_overlayer_lowered;
	s6 =	simm.s32 $_tile_overlayer_lowered  }
0x9b: {  	s22 =	simm.s32 $0x1BFF;
	s21 =	sshll.u32 s6, $0x1;
	s3 =	sadd.s32 s4, s19  }
0x9c: {  	s7 =	simm.s32 $0x0;
	s20 =	sshll.u32 s5, $0x1;
	s5 =	sadd.s32 s21, s3  }
0x9d: {  	[timem:s7], [sflag:s22] =	dma.local [hbm:s5], s20  }
0x9e: {  	_ =	swait.ge [sflag:s22], s20  }
0x9f: {  	s4 =	ssub.s32 $0x0, s20;
	[sflag:s22] =	ssyncset.done $0x0  }
0xa0: {  	[sflag:s22] =	ssyncadd.s32 s4;
	_ =	sdelay $0x1  }
0xa1: {  	s23 =	simm.s32 $0x1B8B  }
0xa2: {  	_ =	swait.ge [sflag:s23], $0x1  }
0xa3: {  	[sflag:s23] =	ssyncset.done $0x0  }
0xa4: {  	s25 =	simm.s32 $0x1B8E;
	s24 =	sld [smem:$0x3FFE];
	[sflag:s23] =	ssyncadd.s32 $0xFFFFFFFF  }
0xa5: {  	s26 =	simm.s32 $execute0_lowered;
	[smem:$0x3FD2] =	sst s25  }
0xa6: {  	s5 =	sshll.u32 s26, $0x1;
	_ =	strace $0x80000046;
	[dreg:$0x1] =	wrdreg $0xFFFFFFFF  }
0xa7: {  	s28 =	simm.s32 $_size_execute0_lowered;
	s3 =	sadd.s32 s3, s5;
	[dreg:$0x0] =	wrdreg $0x0  }
0xa8: {  	s5 =	sshll.u32 s28, $0x1;
	[dreg:$0x2] =	wrdreg s3  }
0xa9: {  	[dreg:$0x3] =	wrdreg s5  }
0xaa: {  	[dreg:$0x4] =	wrdreg $0xC0  }
0xab: {  	_ =	task [dreg:s7], $0x5FFFF  }
0xac: {  	[dreg:$0x1] =	wrdreg $0xFFFFFFFF  }
0xad: {  	[dreg:$0x0] =	wrdreg $0x60  }
0xae: {  	[dreg:$0x2] =	wrdreg s2  }
0xaf: {  	[dreg:$0x3] =	wrdreg s24  }
0xb0: {  	[dreg:$0x4] =	wrdreg $0x90000  }
0xb1: {  	[dreg:$0x5] =	wrdreg $0x9  }
0xb2: {  	_ =	task.clear_ibuf [dreg:s7], $0x6FFFF;
	_ =	strace $0x90000046  }
0xb3: {  	s29 =	simm.s32 $0x9;
	_ =	strace $0x80000048  }
0xb4: {  	_ =	swait.ge [sflag:s29], $0x1  }
0xb5: {  	[sflag:s29] =	ssyncadd.s32 $0xFFFFFFFF  }
0xb6: {  	_ =	strace $0x90000048  }
0xb7: {  	_ =	sfence  }
0xb8: {  	s30 =	sld [smem:$0x0];
	_ =	sdelay $0x2  }
0xb9: {  	s31 =	sshll.u32 s1, $0xD;
	s1 =	sshrl.u32 s1, $0x2  }
0xba: {  	s3 =	sand.u32 $0x4000, s31;
	s1 =	sadd.s32 s1, s30  }
0xbb: {  	s0 =	sor.u32 s3, s0;
	s1 =	sshll.u32 s1, $0x11  }
0xbc: {  	s0 =	sor.u32 s1, s0  }
0xbd: {  	s0 =	sadd.s32 $0x8F2B, s0  }
0xbe: {  	[sflag:s0] =	ssyncadd.remote.s32 $0x1  }
0xbf: {  	_ =	sfence.sel $0xFFFF  }
0xc0: {  	[dreg:$0x0] =	wrdreg $0xFFFFFFFF;
	(pc) =	sbr.abs _section_cstart, $3  }
0xc1: {  	[dreg:$0x1] =	wrdreg $0xFFFFFFFF  }
0xc2: {  	_ =	task.clear_ibuf [dreg:s7], $0x2FFFF;
	_ =	strace $0x9FFFFFFF  }
0xc3: {  	(tm) =	ssettm $0x7FFFFFFF  }
tec
execute0_lowered:
.L_overlay_start_1:
0x0: {  	(tag) =	ssettag $0x1  }
0x1: {  	s1 =	rddreg [dreg:$0x0]  }
0x2: {  	s0 =	rddreg [dreg:$0x1]  }
0x3: {  	s2 =	rddreg [dreg:$0x2]  }
0x4: {  	s3 =	srdreg.scid;
	s12 =	stileid.u32;
	s9 =	simm.s32 $0x2800  }
0x5: {  	s22 =	simm.s32 $0x400;
	s28 =	simm.s32 $0x1000;
	s8 =	smul.u32 $0x13C00, s12  }
0x6: {  	s29 =	simm.s32 $0x5000;
	s30 =	simm.s32 $0x1;
	s10 =	smul.u32 $0x5000, s12  }
0x7: {  	s4 =	sand.u32 $0x1, s3;
	s3 =	simm.s32 $0x0;
	s31 =	smul.u32 $0x4E000, s12  }
0x8: {  	s5 =	sadd.s32 $0x3000, s0;
	s6 =	sadd.s32 $0xD000, s0;
	s17 =	smul.u32 $0x2700, s12  }
0x9: {  	s13 =	sadd.s32 $0x17000, s0;
	s19 =	smul.u32 $0x4F000, s12;
	s21 =	sadd.s32 $0x138000, s2  }
0xa: {  	p2 =	seq.s32 s12, $0x0;
	p1 =	sne.s32 s12, $0x0;
	s12 =	simm.s32 $0xF80  }
0xb: {  	s7 =	smul.u32 $0x13C000, s4;
	[smem:$0x7FF] =	sst s3;
	s24 =	ssub.s32 $0x2, s4  }
0xc: {  	p0 =	seq.s32 s4, $0x0;
	_ =	strace $0x80000047;
	s11 =	sshrl.u32 s24, $0x1  }
0xd: {  	s9 =	simm.s32 @!p0 $0x0;
	s16 =	sshrl.u32 s31, $0x2;
	[dreg:$0x4] =	wrdreg s13  }
0xe: {  	s20 =	sadd.s32 s13, s17;
	s23 =	sshrl.u32 s19, $0x2;
	p0 =	sne.s32 s4, $0x0  }
0xf: {  	s31 =	sshrl.u32 s21, $0x3;
	s13 =	simm.s32 $0x600;
	s4 =	simm.s32 $0x680  }
0x10: {  	s19 =	simm.s32 $0x0;
	s7 =	sadd.s32 s8, s7;
	s25 =	ssub.s32 s24, s11  }
0x11: {  	s26 =	sadd.s32 s10, s9;
	s18 =	sadd.s32 s16, s2;
	[dreg:$0xa] =	wrdreg s20  }
0x12: {  	s11 =	sadd.s32 s1, s17;
	s20 =	simm.s32 $0x5;
	[dreg:$0xf] =	wrdreg s31  }
0x13: {  	s8 =	simm.s32 $0xE00;
	s7 =	sshrl.u32 s7, $0x3;
	[dreg:$0x9] =	wrdreg s18  }
0x14: {  	s9 =	sshrl.u32 s26, $0x3;
	s10 =	sor.u32 $0x400, s26;
	[dreg:$0xb] =	wrdreg s11  }
0x15: {  	s24 =	sadd.s32 $0xC00, s26;
	s26 =	sadd.s32 $0x800, s26;
	s11 =	simm.s32 $0x780  }
0x16: {  	s0 =	sadd.s32 s7, s0;
	s14 =	sadd.s32 s5, s9;
	s9 =	sadd.s32 s6, s9  }
0x17: {  	s15 =	sshrl.u32 s10, $0x3;
	s7 =	smax.u32 s25, $0x1;
	[dreg:$0xe] =	wrdreg s26  }
0x18: {  	s25 =	sshrl.u32 s24, $0x3;
	s26 =	simm.s32 $0x80;
	[dreg:$0x5] =	wrdreg s14  }
0x19: {  	[dreg:$0x6] =	wrdreg s9;
	s10 =	sadd.s32 s5, s15;
	s9 =	sadd.s32 s6, s15  }
0x1a: {  	s0 =	sadd.s32 $0x3E200, s0;
	[dreg:$0xd] =	wrdreg s7;
	s17 =	sadd.s32 s25, s6  }
.Ltmp0:
0x1b: {  	s18 =	sadd.s32 s25, s5;
	[dreg:$0x7] =	wrdreg s10;
	(pc) =	sbr.rel .LBB2_1-.Ltmp0, $4  }
0x1c: {  	s15 =	simm.s32 $0x4;
	s7 =	simm.s32 $0xD00;
	[dreg:$0x8] =	wrdreg s9  }
0x1d: {  	s14 =	simm.s32 $0xD80;
	[dreg:$0xc] =	wrdreg s0;
	s0 =	sadd.s32 s23, s2  }
0x1e: {  	s23 =	simm.s32 $0xC00;
	s9 =	simm.s32 $0x700;
	s0 =	sshrl.u32 s0, $0x3  }
0x1f: {  	s10 =	simm.s32 $0xE80;
	[dreg:$0x10] =	wrdreg s0;
	s0 =	simm.s32 $0x2  }
.LBB2_8:
0x20: {  	[bflag:$0x0] =	sbarrier.arrive $0xFFFF  }
0x21: {  	s16 =	rddreg [dreg:$0x12]  }
0x22: {  	s19 =	rddreg [dreg:$0xc]  }
0x23: {  	s21 =	rddreg [dreg:$0x10];
	s16 =	sor.u32 $0x1C05, s16  }
0x24: {  	[hbm:s19], [sflag:s16] =	dma.local [spmem:s21], $0x2780  }
0x25: {  	_ =	swait.ge [sflag:s20], $0x2780  }
0x26: {  	s25 =	rddreg [dreg:$0x11]  }
0x27: {  	s31 =	rddreg [dreg:$0xd];
	s19 =	sadd.s32 $0x1, s25  }
0x28: {  	p3 =	sne.s32 s19, s31  }
.Ltmp1:
0x29: {  	_ = 	snop;
	(pc) =	sbr.rel @!p3 .LBB2_9-.Ltmp1, $3  }
0x2a: {  	_ =	sdelay $0x1  }
0x2b: {  	[sflag:s20] =	ssyncset.done $0x0  }
0x2c: {  	[sflag:s20] =	ssyncadd.s32 $0xFFFFD880  }
.LBB2_1:
0x2d: {  	[dreg:$0x11] =	wrdreg s19  }
0x2e: {  	s16 =	rddreg [dreg:$0x5]  }
0x2f: {  	[tilespmem:s3], [sflag:$0x5] =	stream.linear.gather [hbm4b:s16+s3], $0x400, $0x38;
	[tilespmem:$0x1CC00] =	vst v63  }
0x30: {  	_ =	swait.ge [sflag:s20], $0x400  }
0x31: {  	[sflag:s20] =	ssyncset.done $0x0  }
0x32: {  	s31 =	simm.s32 $0x800;
	s25 =	rddreg [dreg:$0x6];
	[sflag:s20] =	ssyncadd.s32 $0xFFFFFC00  }
0x33: {  	[tilespmem:s31], [sflag:$0x5] =	stream.linear.gather [hbm4b:s25+s3], $0x400, $0x38;
	[tilespmem:$0x1CC00] =	vst v63  }
0x34: {  	_ =	swait.ge [sflag:s20], $0x400  }
0x35: {  	[sflag:s20] =	ssyncset.done $0x0  }
0x36: {  	s21 =	rddreg [dreg:$0x7];
	[sflag:s20] =	ssyncadd.s32 $0xFFFFFC00  }
0x37: {  	[tilespmem:s22], [sflag:$0x4] =	stream.linear.gather [hbm4b:s21+s3], $0x400, $0x38;
	[tilespmem:$0x1CC00] =	vst v63  }
0x38: {  	s24 =	rddreg [dreg:$0x8]  }
0x39: {  	[tilespmem:s23], [sflag:$0x4] =	stream.linear.gather [hbm4b:s24+s3], $0x400, $0x38;
	[tilespmem:$0x1CC00] =	vst v63  }
.Ltmp2:
0x3a: {  	s25 =	stileid.u32;
	(pc) =	sbr.rel @p0 .LBB2_3-.Ltmp2, $4  }
0x3b: {  	s31 =	rddreg [dreg:$0x9];
	s21 =	sshll.u32 s25, $0x6  }
0x3c: {  	[tilespmem:s28], [sflag:$0x1] =	stream.indirect.gather [hbm4b:s1+s26], $0x80, s3, s26, $0xb8;
	[tilespmem:$0x1CC00] =	vst v63  }
0x3d: {  	s19 =	sshrl.u32 s31, $0x3;
	s16 =	sor.u32 $0x1C05, s21;
	[dreg:$0x12] =	wrdreg s21  }
0x3e: {  	[tilespmem:s29], [sflag:$0x2] =	stream.indirect.gather [hbm4b:s1+s26], $0x80, s26, s26, $0xb8;
	[tilespmem:$0x1CC00] =	vst v63  }
0x3f: {  	s16 =	sor.u32 $0x1C05, s21;
	s31 =	rddreg [dreg:$0xb]  }
0x40: {  	[spmem:s19], [sflag:s16] =	dma.local [hbm:s31], $0x2700  }
.Ltmp3:
0x41: {  	_ = 	snop;
	(pc) =	sbr.rel @!p2 .LBB2_5-.Ltmp3, $4  }
.Ltmp4:
0x42: {  	_ = 	snop;
	(pc) =	sbr.rel @p2 .LBB2_4-.Ltmp4, $4  }
0x43: {  	_ =	swait.ge [sflag:s20], $0x2700  }
0x44: {  	[sflag:s20] =	ssyncset.done $0x0  }
0x45: {  	s19 =	smov.u32 s1;
	[sflag:s20] =	ssyncadd.s32 $0xFFFFD900  }
0x46: {  	_ = 	snop  }
.LBB2_3:
.Ltmp5:
0x47: {  	s21 =	rddreg [dreg:$0xa];
	(pc) =	sbr.rel @p1 .LBB2_5-.Ltmp5, $4  }
0x48: {  	[spmem:s19], [sflag:s16] =	dma.local [hbm:s21], $0x2700  }
0x49: {  	_ =	swait.ge [sflag:s20], $0x2700  }
0x4a: {  	[sflag:s20] =	ssyncset.done $0x0  }
0x4b: {  	s19 =	rddreg [dreg:$0x4];
	[sflag:s20] =	ssyncadd.s32 $0xFFFFD900  }
.LBB2_4:
0x4c: {  	s19 =	sadd.s32 $0x27000, s19;
	s21 =	rddreg [dreg:$0xf]  }
0x4d: {  	[spmem:s21], [sflag:s16] =	dma.local [hbm:s19], $0x100  }
0x4e: {  	_ =	swait.ge [sflag:s20], $0x100  }
0x4f: {  	[sflag:s20] =	ssyncset.done $0x0  }
0x50: {  	[sflag:s20] =	ssyncadd.s32 $0xFFFFFF00  }
.LBB2_5:
0x51: {  	[bflag:$0x0] =	sbarrier.arrive $0xFFFF  }
0x52: {  	s16 =	simm.s32 $0x0;
	s19 =	rddreg [dreg:$0xe]  }
.LBB2_6:
0x53: {  	_ =	swait.ge [sflag:s30], $0x4000  }
0x54: {  	[sflag:s30] =	ssyncset.done $0x0  }
0x55: {  	s21 =	simm.s32 $0x800;
	[sflag:s30] =	ssyncadd.s32 $0xFFFFC000  }
0x56: {  	[spmem:s2] =	stream.indirect.scatter.add.f32 [tilespmem:s28], [sflag:$0x5], $0x80, s21, s26, $0xb8;
	[tilespmem:$0x1CC00] =	vst v63  }
0x57: {  	_ =	swait.ge [sflag:s20], $0x4000  }
0x58: {  	[sflag:s20] =	ssyncset.done $0x0  }
0x59: {  	s24 =	simm.s32 $0x100;
	[sflag:s20] =	ssyncadd.s32 $0xFFFFC000  }
0x5a: {  	[tilespmem:s28], [sflag:$0x1] =	stream.indirect.gather [hbm4b:s1+s26], $0x80, s24, s26, $0xb8;
	[tilespmem:$0x1CC00] =	vst v63  }
0x5b: {  	_ =	swait.ge [sflag:s0], $0x4000  }
0x5c: {  	[sflag:s0] =	ssyncset.done $0x0  }
0x5d: {  	s25 =	simm.s32 $0x880;
	[sflag:s0] =	ssyncadd.s32 $0xFFFFC000  }
0x5e: {  	[spmem:s2] =	stream.indirect.scatter.add.f32 [tilespmem:s29], [sflag:$0x5], $0x80, s25, s26, $0xb8;
	[tilespmem:$0x1CC00] =	vst v63  }
0x5f: {  	_ =	swait.ge [sflag:s20], $0x4000  }
0x60: {  	[sflag:s20] =	ssyncset.done $0x0  }
0x61: {  	s31 =	simm.s32 $0x180;
	[sflag:s20] =	ssyncadd.s32 $0xFFFFC000  }
0x62: {  	[tilespmem:s29], [sflag:$0x2] =	stream.indirect.gather [hbm4b:s1+s26], $0x80, s31, s26, $0xb8;
	[tilespmem:$0x1CC00] =	vst v63  }
0x63: {  	_ =	swait.ge [sflag:s30], $0x4000  }
0x64: {  	[sflag:s30] =	ssyncset.done $0x0  }
0x65: {  	s24 =	simm.s32 $0x900;
	[sflag:s30] =	ssyncadd.s32 $0xFFFFC000  }
0x66: {  	[spmem:s2] =	stream.indirect.scatter.add.f32 [tilespmem:s28], [sflag:$0x5], $0x80, s24, s26, $0xb8;
	[tilespmem:$0x1CC00] =	vst v63  }
0x67: {  	_ =	swait.ge [sflag:s20], $0x4000  }
0x68: {  	[sflag:s20] =	ssyncset.done $0x0  }
0x69: {  	s25 =	simm.s32 $0x200;
	[sflag:s20] =	ssyncadd.s32 $0xFFFFC000  }
0x6a: {  	[tilespmem:s28], [sflag:$0x1] =	stream.indirect.gather [hbm4b:s1+s26], $0x80, s25, s26, $0xb8;
	[tilespmem:$0x1CC00] =	vst v63  }
0x6b: {  	_ =	swait.ge [sflag:s0], $0x4000  }
0x6c: {  	[sflag:s0] =	ssyncset.done $0x0  }
0x6d: {  	s31 =	simm.s32 $0x980;
	[sflag:s0] =	ssyncadd.s32 $0xFFFFC000  }
0x6e: {  	[spmem:s2] =	stream.indirect.scatter.add.f32 [tilespmem:s29], [sflag:$0x5], $0x80, s31, s26, $0xb8;
	[tilespmem:$0x1CC00] =	vst v63  }
0x6f: {  	_ =	swait.ge [sflag:s20], $0x4000  }
0x70: {  	[sflag:s20] =	ssyncset.done $0x0  }
0x71: {  	s24 =	simm.s32 $0x280;
	[sflag:s20] =	ssyncadd.s32 $0xFFFFC000  }
0x72: {  	[tilespmem:s29], [sflag:$0x2] =	stream.indirect.gather [hbm4b:s1+s26], $0x80, s24, s26, $0xb8;
	[tilespmem:$0x1CC00] =	vst v63  }
0x73: {  	_ =	swait.ge [sflag:s30], $0x4000  }
0x74: {  	[sflag:s30] =	ssyncset.done $0x0  }
0x75: {  	s25 =	simm.s32 $0xA00;
	[sflag:s30] =	ssyncadd.s32 $0xFFFFC000  }
0x76: {  	[spmem:s2] =	stream.indirect.scatter.add.f32 [tilespmem:s28], [sflag:$0x5], $0x80, s25, s26, $0xb8;
	[tilespmem:$0x1CC00] =	vst v63  }
0x77: {  	_ =	swait.ge [sflag:s20], $0x4000  }
0x78: {  	[sflag:s20] =	ssyncset.done $0x0  }
0x79: {  	s31 =	simm.s32 $0x300;
	[sflag:s20] =	ssyncadd.s32 $0xFFFFC000  }
0x7a: {  	[tilespmem:s28], [sflag:$0x1] =	stream.indirect.gather [hbm4b:s1+s26], $0x80, s31, s26, $0xb8;
	[tilespmem:$0x1CC00] =	vst v63  }
0x7b: {  	_ =	swait.ge [sflag:s0], $0x4000  }
0x7c: {  	[sflag:s0] =	ssyncset.done $0x0  }
0x7d: {  	s24 =	simm.s32 $0xA80;
	[sflag:s0] =	ssyncadd.s32 $0xFFFFC000  }
0x7e: {  	[spmem:s2] =	stream.indirect.scatter.add.f32 [tilespmem:s29], [sflag:$0x5], $0x80, s24, s26, $0xb8;
	[tilespmem:$0x1CC00] =	vst v63  }
0x7f: {  	_ =	swait.ge [sflag:s20], $0x4000  }
0x80: {  	[sflag:s20] =	ssyncset.done $0x0  }
0x81: {  	s25 =	simm.s32 $0x380;
	[sflag:s20] =	ssyncadd.s32 $0xFFFFC000  }
0x82: {  	[tilespmem:s29], [sflag:$0x2] =	stream.indirect.gather [hbm4b:s1+s26], $0x80, s25, s26, $0xb8;
	[tilespmem:$0x1CC00] =	vst v63  }
0x83: {  	_ =	swait.ge [sflag:s15], $0x400  }
0x84: {  	[sflag:s15] =	ssyncset.done $0x0  }
0x85: {  	[sflag:s15] =	ssyncadd.s32 $0xFFFFFC00  }
0x86: {  	_ =	swait.ge [sflag:s15], $0x400  }
0x87: {  	[sflag:s15] =	ssyncset.done $0x0  }
0x88: {  	[sflag:s15] =	ssyncadd.s32 $0xFFFFFC00  }
0x89: {  	_ =	swait.ge [sflag:s30], $0x4000  }
0x8a: {  	[sflag:s30] =	ssyncset.done $0x0  }
0x8b: {  	s31 =	simm.s32 $0xB00;
	[sflag:s30] =	ssyncadd.s32 $0xFFFFC000  }
0x8c: {  	[spmem:s2] =	stream.indirect.scatter.add.f32 [tilespmem:s28], [sflag:$0x5], $0x80, s31, s26, $0xb8;
	[tilespmem:$0x1CC00] =	vst v63  }
0x8d: {  	_ =	swait.ge [sflag:s20], $0x4000  }
0x8e: {  	[sflag:s20] =	ssyncset.done $0x0  }
0x8f: {  	[sflag:s20] =	ssyncadd.s32 $0xFFFFC000  }
0x90: {  	[tilespmem:s28], [sflag:$0x1] =	stream.indirect.gather [hbm4b:s1+s26], $0x80, s22, s26, $0xb8;
	[tilespmem:$0x1CC00] =	vst v63  }
0x91: {  	_ =	swait.ge [sflag:s0], $0x4000  }
0x92: {  	[sflag:s0] =	ssyncset.done $0x0  }
0x93: {  	s24 =	simm.s32 $0xB80;
	[sflag:s0] =	ssyncadd.s32 $0xFFFFC000  }
0x94: {  	[spmem:s2] =	stream.indirect.scatter.add.f32 [tilespmem:s29], [sflag:$0x5], $0x80, s24, s26, $0xb8;
	[tilespmem:$0x1CC00] =	vst v63  }
0x95: {  	_ =	swait.ge [sflag:s20], $0x4000  }
0x96: {  	p3 =	seq.s32 s16, $0x400;
	[sflag:s20] =	ssyncset.done $0x0  }
0x97: {  	s21 =	sshrl.u32 @!p3 s19, $0x3;
	s25 =	simm.s32 $0x480;
	[sflag:s20] =	ssyncadd.s32 $0xFFFFC000  }
0x98: {  	[tilespmem:s29], [sflag:$0x2] =	stream.indirect.gather [hbm4b:s1+s26], $0x80, s25, s26, $0xb8;
	[tilespmem:$0x1CC00] =	vst v63  }
0x99: {  	s31 =	sadd.s32 @!p3 s5, s21;
	s25 =	simm.s32 @!p3 $0x0  }
0x9a: {  	[tilespmem:s25], [sflag:$0x3] =	stream.linear.gather @!p3 [hbm4b:s31+s25], $0x400, $0x38;
	[tilespmem:$0x1CC00] =	vst v63  }
0x9b: {  	s21 =	sadd.s32 @!p3 s6, s21;
	s31 =	simm.s32 @!p3 $0x800  }
0x9c: {  	[tilespmem:s31], [sflag:$0x3] =	stream.linear.gather @!p3 [hbm4b:s21+s25], $0x400, $0x38;
	[tilespmem:$0x1CC00] =	vst v63  }
0x9d: {  	_ =	swait.ge [sflag:s30], $0x4000  }
0x9e: {  	[sflag:s30] =	ssyncset.done $0x0  }
0x9f: {  	[sflag:s30] =	ssyncadd.s32 $0xFFFFC000  }
0xa0: {  	[spmem:s2] =	stream.indirect.scatter.add.f32 [tilespmem:s28], [sflag:$0x5], $0x80, s23, s26, $0xb8;
	[tilespmem:$0x1CC00] =	vst v63  }
0xa1: {  	_ =	swait.ge [sflag:s20], $0x4000  }
0xa2: {  	[sflag:s20] =	ssyncset.done $0x0  }
0xa3: {  	s31 =	simm.s32 $0x500;
	[sflag:s20] =	ssyncadd.s32 $0xFFFFC000  }
0xa4: {  	[tilespmem:s28], [sflag:$0x1] =	stream.indirect.gather [hbm4b:s1+s26], $0x80, s31, s26, $0xb8;
	[tilespmem:$0x1CC00] =	vst v63  }
0xa5: {  	_ =	swait.ge [sflag:s0], $0x4000  }
0xa6: {  	[sflag:s0] =	ssyncset.done $0x0  }
0xa7: {  	s24 =	simm.s32 $0xC80;
	[sflag:s0] =	ssyncadd.s32 $0xFFFFC000  }
0xa8: {  	[spmem:s2] =	stream.indirect.scatter.add.f32 [tilespmem:s29], [sflag:$0x5], $0x80, s24, s26, $0xb8;
	[tilespmem:$0x1CC00] =	vst v63  }
0xa9: {  	_ =	swait.ge [sflag:s20], $0x4000  }
0xaa: {  	[sflag:s20] =	ssyncset.done $0x0  }
0xab: {  	s31 =	simm.s32 $0x580;
	[sflag:s20] =	ssyncadd.s32 $0xFFFFC000  }
0xac: {  	[tilespmem:s29], [sflag:$0x2] =	stream.indirect.gather [hbm4b:s1+s26], $0x80, s31, s26, $0xb8;
	[tilespmem:$0x1CC00] =	vst v63  }
0xad: {  	_ =	swait.ge [sflag:s30], $0x4000  }
0xae: {  	[sflag:s30] =	ssyncset.done $0x0  }
0xaf: {  	[sflag:s30] =	ssyncadd.s32 $0xFFFFC000  }
0xb0: {  	[spmem:s2] =	stream.indirect.scatter.add.f32 [tilespmem:s28], [sflag:$0x5], $0x80, s7, s26, $0xb8;
	[tilespmem:$0x1CC00] =	vst v63  }
0xb1: {  	_ =	swait.ge [sflag:s20], $0x4000  }
0xb2: {  	[sflag:s20] =	ssyncset.done $0x0  }
0xb3: {  	[sflag:s20] =	ssyncadd.s32 $0xFFFFC000  }
0xb4: {  	[tilespmem:s28], [sflag:$0x1] =	stream.indirect.gather [hbm4b:s1+s26], $0x80, s13, s26, $0xb8;
	[tilespmem:$0x1CC00] =	vst v63  }
0xb5: {  	_ =	swait.ge [sflag:s0], $0x4000  }
0xb6: {  	[sflag:s0] =	ssyncset.done $0x0  }
0xb7: {  	[sflag:s0] =	ssyncadd.s32 $0xFFFFC000  }
0xb8: {  	[spmem:s2] =	stream.indirect.scatter.add.f32 [tilespmem:s29], [sflag:$0x5], $0x80, s14, s26, $0xb8;
	[tilespmem:$0x1CC00] =	vst v63  }
0xb9: {  	_ =	swait.ge [sflag:s20], $0x4000  }
0xba: {  	[sflag:s20] =	ssyncset.done $0x0  }
0xbb: {  	[sflag:s20] =	ssyncadd.s32 $0xFFFFC000  }
0xbc: {  	[tilespmem:s29], [sflag:$0x2] =	stream.indirect.gather [hbm4b:s1+s26], $0x80, s4, s26, $0xb8;
	[tilespmem:$0x1CC00] =	vst v63  }
0xbd: {  	_ =	swait.ge [sflag:s30], $0x4000  }
0xbe: {  	[sflag:s30] =	ssyncset.done $0x0  }
0xbf: {  	[sflag:s30] =	ssyncadd.s32 $0xFFFFC000  }
0xc0: {  	[spmem:s2] =	stream.indirect.scatter.add.f32 [tilespmem:s28], [sflag:$0x5], $0x80, s8, s26, $0xb8;
	[tilespmem:$0x1CC00] =	vst v63  }
0xc1: {  	_ =	swait.ge [sflag:s20], $0x4000  }
0xc2: {  	[sflag:s20] =	ssyncset.done $0x0  }
0xc3: {  	[sflag:s20] =	ssyncadd.s32 $0xFFFFC000  }
0xc4: {  	[tilespmem:s28], [sflag:$0x1] =	stream.indirect.gather [hbm4b:s1+s26], $0x80, s9, s26, $0xb8;
	[tilespmem:$0x1CC00] =	vst v63  }
0xc5: {  	_ =	swait.ge [sflag:s0], $0x4000  }
0xc6: {  	[sflag:s0] =	ssyncset.done $0x0  }
0xc7: {  	[sflag:s0] =	ssyncadd.s32 $0xFFFFC000  }
0xc8: {  	[spmem:s2] =	stream.indirect.scatter.add.f32 [tilespmem:s29], [sflag:$0x5], $0x80, s10, s26, $0xb8;
	[tilespmem:$0x1CC00] =	vst v63  }
0xc9: {  	_ =	swait.ge [sflag:s20], $0x4000  }
0xca: {  	[sflag:s20] =	ssyncset.done $0x0  }
0xcb: {  	s21 =	simm.s32 @p3 $0x1;
	[sflag:s20] =	ssyncadd.s32 $0xFFFFC000  }
0xcc: {  	[tilespmem:s29], [sflag:$0x2] =	stream.indirect.gather [hbm4b:s1+s26], $0x80, s11, s26, $0xb8;
	[tilespmem:$0x1CC00] =	vst v63  }
0xcd: {  	_ =	swait.ge @p3 [sflag:s21], $0x4000  }
0xce: {  	s24 =	simm.s32 @p3 $0x1000;
	[sflag:s21] =	ssyncset.done @p3 $0x0  }
0xcf: {  	s31 =	simm.s32 @p3 $0xF00;
	[sflag:s21] =	ssyncadd.s32 @p3 $0xFFFFC000;
	s21 =	simm.s32 @p3 $0x80  }
0xd0: {  	[spmem:s2] =	stream.indirect.scatter.add.f32 @p3 [tilespmem:s24], [sflag:$0x5], $0x80, s31, s21, $0xb8;
	[tilespmem:$0x1CC00] =	vst v63  }
0xd1: {  	s21 =	simm.s32 @p3 $0x5  }
0xd2: {  	_ =	swait.ge @p3 [sflag:s21], $0x4000  }
0xd3: {  	[sflag:s21] =	ssyncset.done @p3 $0x0  }
0xd4: {  	[sflag:s21] =	ssyncadd.s32 @p3 $0xFFFFC000;
	s21 =	simm.s32 @!p3 $0x3  }
0xd5: {  	_ =	swait.ge @!p3 [sflag:s21], $0x400  }
0xd6: {  	[sflag:s21] =	ssyncset.done @!p3 $0x0  }
0xd7: {  	[sflag:s21] =	ssyncadd.s32 @!p3 $0xFFFFFC00  }
0xd8: {  	_ =	swait.ge @!p3 [sflag:s21], $0x400  }
0xd9: {  	[sflag:s21] =	ssyncset.done @!p3 $0x0  }
0xda: {  	[sflag:s21] =	ssyncadd.s32 @!p3 $0xFFFFFC00;
	s21 =	simm.s32 @!p3 $0x1  }
0xdb: {  	_ =	swait.ge @!p3 [sflag:s21], $0x4000  }
0xdc: {  	s24 =	simm.s32 @!p3 $0xF00;
	[sflag:s21] =	ssyncset.done @!p3 $0x0  }
0xdd: {  	s31 =	simm.s32 @!p3 $0x1000;
	[sflag:s21] =	ssyncadd.s32 @!p3 $0xFFFFC000;
	s21 =	simm.s32 @!p3 $0x80  }
0xde: {  	[spmem:s2] =	stream.indirect.scatter.add.f32 @!p3 [tilespmem:s31], [sflag:$0x5], $0x80, s24, s21, $0xb8;
	[tilespmem:$0x1CC00] =	vst v63  }
0xdf: {  	s24 =	simm.s32 @!p3 $0x5  }
0xe0: {  	_ =	swait.ge @!p3 [sflag:s24], $0x4000  }
0xe1: {  	[sflag:s24] =	ssyncset.done @!p3 $0x0  }
0xe2: {  	[sflag:s24] =	ssyncadd.s32 @!p3 $0xFFFFC000  }
0xe3: {  	[tilespmem:s31], [sflag:$0x1] =	stream.indirect.gather @!p3 [hbm4b:s1+s21], $0x80, s25, s21, $0xb8;
	[tilespmem:$0x1CC00] =	vst v63  }
0xe4: {  	_ =	swait.ge [sflag:s0], $0x4000  }
0xe5: {  	[sflag:s0] =	ssyncset.done $0x0  }
.Ltmp6:
0xe6: {  	[sflag:s0] =	ssyncadd.s32 $0xFFFFC000;
	(pc) =	sbr.rel @p3 .LBB2_8-.Ltmp6, $4  }
0xe7: {  	[spmem:s2] =	stream.indirect.scatter.add.f32 [tilespmem:s29], [sflag:$0x5], $0x80, s12, s26, $0xb8;
	[tilespmem:$0x1CC00] =	vst v63  }
0xe8: {  	_ =	swait.ge [sflag:s20], $0x4000  }
0xe9: {  	[sflag:s20] =	ssyncset.done $0x0  }
0xea: {  	[sflag:s20] =	ssyncadd.s32 $0xFFFFC000  }
0xeb: {  	[tilespmem:s29], [sflag:$0x2] =	stream.indirect.gather [hbm4b:s1+s26], $0x80, s26, s26, $0xb8;
	[tilespmem:$0x1CC00] =	vst v63  }
.Ltmp7:
0xec: {  	_ = 	snop;
	(pc) =	sbr.rel .LBB2_6-.Ltmp7, $4  }
0xed: {  	s21 =	sadd.s32 s16, s18  }
0xee: {  	[tilespmem:s22], [sflag:$0x4] =	stream.linear.gather [hbm4b:s21+s3], $0x400, $0x38;
	[tilespmem:$0x1CC00] =	vst v63  }
0xef: {  	s31 =	sadd.s32 s16, s17;
	s16 =	sadd.s32 $0x100, s16;
	s19 =	sadd.s32 $0x800, s19  }
0xf0: {  	[tilespmem:s23], [sflag:$0x4] =	stream.linear.gather [hbm4b:s31+s3], $0x400, $0x38;
	[tilespmem:$0x1CC00] =	vst v63  }
.LBB2_9:
0xf1: {  	_ =	sfence.sel $0x180000  }
0xf2: {  	[bflag:$0x0] =	sbarrier.arrive $0xFFFF  }
0xf3: {  	_ =	strace $0x90000047  }
0xf4: {  	[bflag:$0x2] =	sbarrier.arrive $0xFFFF  }
0xf5: {  	s0 =	rddreg [dreg:$0x3]  }
0xf6: {  	s0 =	sadd.s32 @!p1 $0x100000, s0  }
0xf7: {  	[sflag:s0] =	ssyncadd.tile.s32 @!p1 $0x1;
	_ =	shalt  }
.Lfunc_end2:
_tile_overlayer_lowered:
.L_overlay_start_2:
0xf8: {  	(tag) =	ssettag $0x2  }
0xf9: {  	s0 =	rddreg [dreg:$0x0];
	s2 =	stileid.u32  }
0xfa: {  	s1 =	rddreg [dreg:$0x1];
	p0 =	sne.s32 s2, $0x0  }
0xfb: {  	s3 =	rddreg [dreg:$0x2];
	[bflag:$0x3] =	sbarrier.arrive $0xFFFF;
	s2 =	simm.s32 @!p0 $0x1C05  }
0xfc: {  	[timem:s3], [sflag:s2] =	dma.local @!p0 [hbm:s0], s1  }
0xfd: {  	s0 =	simm.s32 @!p0 $0x5  }
0xfe: {  	_ =	swait.ge @!p0 [sflag:s0], s1  }
0xff: {  	s1 =	ssub.s32 @!p0 $0x0, s1;
	[sflag:s0] =	ssyncset.done @!p0 $0x0  }
0x100: {  	[sflag:s0] =	ssyncadd.s32 @!p0 s1  }
0x101: {  	[bflag:$0x3] =	sbarrier.arrive $0xFFFF  }
0x102: {  	_ =	shalt  }

</sc_bundles>
